<compile_context>
chip_gen: v7x
topology: tpu7x:2x2x1
jax: 0.10.2.dev20260603
libtpu: 0.0.44.dev20260713+nightly
codegen_flags: <defaults>
</compile_context>

<pallas_src>
import functools

import jax
import jax.numpy as jnp
from jax import lax
from jax.experimental import pallas as pl
from jax.experimental.pallas import tpu as pltpu
from jax.experimental.pallas import tpu_sc as plsc

_N = 10000
_NP = 10240
_E = 320000
_CH = 128
_NT = 16
_BE = 64
_CHB = 32
_NCH = 10
_NB = _NCH * _CHB
_EPT = _NB * _BE
_EPAD = _NT * _EPT
_RPT = _NP // _NT
_ND = 4


def _sc_body(x_hbm, gei_hbm, sei_hbm, w_hbm, xs_hbm, y_hbm,
             ga, sa, wa, deg_v, r0, r1, r2, r3,
             deg_sh, y_sh, sem_g, sem_s):
    c = lax.axis_index("c")
    s = lax.axis_index("s")
    tid = c * _NT + s
    rows = (r0, r1, r2, r3)

    def _z16(i, _):
        deg_v[pl.ds(i * 16, 16)] = jnp.zeros((16,), jnp.float32)
        return 0
    lax.fori_loop(0, _RPT // 16, _z16, 0)
    pltpu.sync_copy(deg_v, deg_sh.at[pl.ds(s * _RPT, _RPT)])
    pltpu.sync_copy(deg_v, deg_sh.at[pl.ds(_NP + s * _RPT, _RPT)])
    plsc.subcore_barrier()

    def _zc(i, _):
        r0[i // 8, pl.ds((i % 8) * 16, 16)] = jnp.zeros((16,), jnp.float32)
        return 0
    lax.fori_loop(0, _BE * 8, _zc, 0)
    for j in range(_RPT // _BE):
        pltpu.async_copy(r0, y_sh.at[pl.ds(s * _RPT + j * _BE, _BE)], sem_g)

    def _deg_chunk(k, _):
        pltpu.sync_copy(gei_hbm.at[tid, pl.ds(k * _CHB, _CHB)], ga)
        pltpu.sync_copy(w_hbm.at[s, pl.ds(k * _CHB, _CHB)], wa)

        def _fire(g, _2):
            pltpu.async_copy(wa.at[g], deg_sh.at[ga.at[g]], sem_s, add=True)
            return 0
        lax.fori_loop(0, _CHB, _fire, 0)

        def _drain(g, _2):
            pltpu.make_async_copy(wa.at[g], deg_sh.at[ga.at[g]], sem_s).wait()
            return 0
        lax.fori_loop(0, _CHB, _drain, 0)
        return 0
    lax.fori_loop(0, _NCH, _deg_chunk, 0)
    for j in range(_RPT // _BE):
        pltpu.make_async_copy(
            r0, y_sh.at[pl.ds(s * _RPT + j * _BE, _BE)], sem_g).wait()
    plsc.subcore_barrier()

    pltpu.sync_copy(deg_sh.at[pl.ds(c * _NP + s * _RPT, _RPT)], deg_v)

    def _chunk(j, _):
        rr = s * _RPT + j * _BE
        pltpu.sync_copy(x_hbm.at[pl.ds(rr, _BE)], r0)

        def _grp(gi, _2):
            dvec = deg_v[pl.ds(j * _BE + gi * 16, 16)]
            inv16 = jnp.where(dvec == 0.0, jnp.zeros_like(dvec), 1.0 / dvec)
            for l in range(16):
                r = gi * 16 + l
                inv = inv16[l]
                for u in range(8):
                    r0[r, pl.ds(u * 16, 16)] = r0[r, pl.ds(u * 16, 16)] * inv
            return 0
        lax.fori_loop(0, _BE // 16, _grp, 0)
        pltpu.sync_copy(r0, xs_hbm.at[pl.ds(c * _NP + rr, _BE)])
        return 0
    lax.fori_loop(0, _RPT // _BE, _chunk, 0)

    plsc.subcore_barrier()

    def _row_chunk(k, _):
        pltpu.sync_copy(gei_hbm.at[tid, pl.ds(k * _CHB, _CHB)], ga)
        pltpu.sync_copy(sei_hbm.at[tid, pl.ds(k * _CHB, _CHB)], sa)
        for b in range(_ND - 1):
            pltpu.async_copy(xs_hbm.at[ga.at[b]], rows[b], sem_g)
        for i in range(_CHB):
            if i + _ND - 1 < _CHB:
                pltpu.async_copy(xs_hbm.at[ga.at[i + _ND - 1]],
                                 rows[(i + _ND - 1) % _ND], sem_g)
            pltpu.make_async_copy(
                xs_hbm.at[ga.at[i]], rows[i % _ND], sem_g).wait()
            pltpu.sync_copy(rows[i % _ND], y_sh.at[sa.at[i]], add=True)
        return 0
    lax.fori_loop(0, _NCH, _row_chunk, 0)
    plsc.subcore_barrier()

    pltpu.sync_copy(y_sh.at[pl.ds(s * _RPT, _RPT)],
                    y_hbm.at[pl.ds(c * _NP + s * _RPT, _RPT)])


_sc_diffuse = functools.partial(
    pl.kernel,
    out_type=(
        jax.ShapeDtypeStruct((2 * _NP, _CH), jnp.float32),
        jax.ShapeDtypeStruct((2 * _NP, _CH), jnp.float32),
    ),
    mesh=plsc.VectorSubcoreMesh(core_axis_name="c", subcore_axis_name="s"),
    scratch_types=[
        pltpu.VMEM((_CHB, _BE), jnp.int32),
        pltpu.VMEM((_CHB, _BE), jnp.int32),
        pltpu.VMEM((_CHB, _BE), jnp.float32),
        pltpu.VMEM((_RPT,), jnp.float32),
        pltpu.VMEM((_BE, _CH), jnp.float32),
        pltpu.VMEM((_BE, _CH), jnp.float32),
        pltpu.VMEM((_BE, _CH), jnp.float32),
        pltpu.VMEM((_BE, _CH), jnp.float32),
        pltpu.VMEM_SHARED((2 * _NP,), jnp.float32),
        pltpu.VMEM_SHARED((_NP, _CH), jnp.float32),
        pltpu.SemaphoreType.DMA,
        pltpu.SemaphoreType.DMA,
    ],
)(_sc_body)


def _tc_body(x_ref, yo_ref, yi_ref, a_ref, b_ref, c_ref, bias_ref, o_ref):
    g = jnp.dot(x_ref[...], a_ref[...], preferred_element_type=jnp.float32)
    g += jnp.dot(yo_ref[...], b_ref[...], preferred_element_type=jnp.float32)
    g += jnp.dot(yi_ref[...], c_ref[...], preferred_element_type=jnp.float32)
    g += bias_ref[...]
    z = jax.nn.sigmoid(g[:, :_CH])
    ht = jnp.tanh(g[:, _CH:])
    o_ref[...] = (1.0 - z) * ht


def _tc_gates(x, yo, yi, a, b, c, bias):
    mb = 1024
    grid = (_NP // mb,)
    row_spec = pl.BlockSpec((mb, _CH), lambda i: (i, 0))
    w_spec = pl.BlockSpec((_CH, 2 * _CH), lambda i: (0, 0))
    return pl.pallas_call(
        _tc_body,
        grid=grid,
        in_specs=[row_spec, row_spec, row_spec, w_spec, w_spec, w_spec,
                  pl.BlockSpec((1, 2 * _CH), lambda i: (0, 0))],
        out_specs=row_spec,
        out_shape=jax.ShapeDtypeStruct((_NP, _CH), jnp.float32),
    )(x, yo, yi, a, b, c, bias)


def kernel(X, edge_index, edge_weight, W_z, b_z, W_r, b_r, W_h, b_h):
    del W_r, b_r
    ch = X.shape[1]

    x_p = jnp.concatenate([X, jnp.zeros((_NP - _N, ch), X.dtype)], axis=0)
    epad = _EPAD - _E
    src = edge_index[0].astype(jnp.int32)
    dst = edge_index[1].astype(jnp.int32)
    pad_idx = jnp.full((epad,), _N, jnp.int32)
    src_p = jnp.concatenate([src, pad_idx])
    dst_p = jnp.concatenate([dst, pad_idx])
    gei = jnp.concatenate([src_p, dst_p + _NP]).reshape(2 * _NT, _NB, _BE)
    sei = jnp.concatenate([dst_p, src_p]).reshape(2 * _NT, _NB, _BE)
    w_p = jnp.concatenate(
        [edge_weight.astype(jnp.float32), jnp.zeros((epad,), jnp.float32)]
    ).reshape(_NT, _NB, _BE)

    _, y = _sc_diffuse(x_p, gei, sei, w_p)
    yo = y[:_NP]
    yi = y[_NP:]

    a = jnp.concatenate([W_z[0, 0, :ch] + W_z[1, 0, :ch],
                         W_h[0, 0, :ch] + W_h[1, 0, :ch]], axis=1)
    b = jnp.concatenate([W_z[0, 1, :ch], W_h[0, 1, :ch]], axis=1)
    c = jnp.concatenate([W_z[1, 1, :ch], W_h[1, 1, :ch]], axis=1)
    bias = jnp.concatenate([b_z, b_h])[None, :]

    out = _tc_gates(x_p, yo, yi, a, b, c, bias)
    return out[:_N]

# --- scband reference (transcript-rebuilt; emitter-appended) ---
"""Pipeline reference for scband-dcrnn-21715354649731 (READ-ONLY COPY).

The authoritative reference and input builder live on the scoring server;
editing this copy changes nothing except your own understanding.
"""

import jax, jax.numpy as jnp
import numpy as np

N = 10000
E = 320000
IN_CH = 128
OUT_CH = 128
K = 2


def setup_inputs(seed: int = 0):
    key = jax.random.key(seed)
    ks = jax.random.split(key, 10)
    X = jax.random.normal(ks[0], (N, IN_CH), dtype=jnp.float32)
    edge_index = jax.random.randint(ks[1], (2, E), 0, N)
    edge_weight = jax.random.uniform(ks[2], (E,), dtype=jnp.float32)
    cin = IN_CH + OUT_CH
    W_z = jax.random.normal(ks[3], (2, K, cin, OUT_CH), dtype=jnp.float32) * 0.05
    b_z = jnp.zeros((OUT_CH,), dtype=jnp.float32)
    W_r = jax.random.normal(ks[4], (2, K, cin, OUT_CH), dtype=jnp.float32) * 0.05
    b_r = jnp.zeros((OUT_CH,), dtype=jnp.float32)
    W_h = jax.random.normal(ks[5], (2, K, cin, OUT_CH), dtype=jnp.float32) * 0.05
    b_h = jnp.zeros((OUT_CH,), dtype=jnp.float32)
    return {"X": X, "edge_index": edge_index, "edge_weight": edge_weight,
            "W_z": W_z, "b_z": b_z, "W_r": W_r, "b_r": b_r, "W_h": W_h, "b_h": b_h}


def _dconv(Xc, src, dst, norm_out, norm_in, W, b):
    # Diffusion convolution: forward (out-degree normalized) and backward
    # (in-degree normalized, reversed edges) random-walk diffusion, K hops.
    Tx_0 = Xc
    H = Tx_0 @ W[0, 0] + Tx_0 @ W[1, 0]
    Kk = W.shape[1]
    if Kk > 1:
        Tx_1_o = jnp.zeros_like(Xc).at[dst].add(norm_out[:, None] * Xc[src])
        Tx_1_i = jnp.zeros_like(Xc).at[src].add(norm_in[:, None] * Xc[dst])
        H = H + Tx_1_o @ W[0, 1] + Tx_1_i @ W[1, 1]
        Tx_0_o = Tx_0
        Tx_0_i = Tx_0
        for k in range(2, Kk):
            Tx_2_o = jnp.zeros_like(Xc).at[dst].add(norm_out[:, None] * Tx_1_o[src])
            Tx_2_o = 2.0 * Tx_2_o - Tx_0_o
            Tx_2_i = jnp.zeros_like(Xc).at[src].add(norm_in[:, None] * Tx_1_i[dst])
            Tx_2_i = 2.0 * Tx_2_i - Tx_0_i
            H = H + Tx_2_o @ W[0, k] + Tx_2_i @ W[1, k]
            Tx_0_o, Tx_1_o = Tx_1_o, Tx_2_o
            Tx_0_i, Tx_1_i = Tx_1_i, Tx_2_i
    return H + b


def reference(X, edge_index, edge_weight, W_z, b_z, W_r, b_r, W_h, b_h):
    n = X.shape[0]
    src = edge_index[0]
    dst = edge_index[1]
    deg_out = jnp.zeros((n,), dtype=X.dtype).at[src].add(edge_weight)
    deg_in = jnp.zeros((n,), dtype=X.dtype).at[dst].add(edge_weight)
    norm_out = (1.0 / deg_out)[src]
    norm_in = (1.0 / deg_in)[dst]
    H = jnp.zeros((n, OUT_CH), dtype=X.dtype)  # hidden state defaults to zeros
    Z = jax.nn.sigmoid(_dconv(jnp.concatenate([X, H], axis=-1), src, dst, norm_out, norm_in, W_z, b_z))
    R = jax.nn.sigmoid(_dconv(jnp.concatenate([X, H], axis=-1), src, dst, norm_out, norm_in, W_r, b_r))
    H_tilde = jnp.tanh(_dconv(jnp.concatenate([X, H * R], axis=-1), src, dst, norm_out, norm_in, W_h, b_h))
    H_new = Z * H + (1.0 - Z) * H_tilde
    return H_new

if __name__ == "__main__":
    import jax
    _d = setup_inputs()
    print(jax.jit(kernel)(*tuple(_d.values())))

</pallas_src>

<mosaic_0001>
#map = affine_map<(d0, d1) -> (0, 0)>
#map1 = affine_map<(d0, d1) -> (0, 0, 0)>
module attributes {stable_mosaic.version = 14 : i64} {
  func.func @_sc_body(%arg0: i32, %arg1: i32, %arg2: memref<10240x128xf32, #tpu.memory_space<hbm>>, %arg3: memref<32x320x64xi32, #tpu.memory_space<hbm>>, %arg4: memref<32x320x64xi32, #tpu.memory_space<hbm>>, %arg5: memref<16x320x64xf32, #tpu.memory_space<hbm>>, %arg6: memref<20480x128xf32, #tpu.memory_space<hbm>>, %arg7: memref<20480x128xf32, #tpu.memory_space<hbm>>, %arg8: memref<32x64xi32, #tpu.memory_space<vmem>>, %arg9: memref<32x64xi32, #tpu.memory_space<vmem>>, %arg10: memref<32x64xf32, #tpu.memory_space<vmem>>, %arg11: memref<640xf32, #tpu.memory_space<vmem>>, %arg12: memref<64x128xf32, #tpu.memory_space<vmem>>, %arg13: memref<64x128xf32, #tpu.memory_space<vmem>>, %arg14: memref<64x128xf32, #tpu.memory_space<vmem>>, %arg15: memref<64x128xf32, #tpu.memory_space<vmem>>, %arg16: memref<20480xf32, #tpu.memory_space<vmem_shared>>, %arg17: memref<10240x128xf32, #tpu.memory_space<vmem_shared>>, %arg18: memref<!tpu.dma_semaphore, #tpu.memory_space<semaphore_mem>>, %arg19: memref<!tpu.dma_semaphore, #tpu.memory_space<semaphore_mem>>) attributes {dimension_semantics = [#tpu.dimension_semantics<core_parallel>, #tpu.dimension_semantics<subcore_parallel>], iteration_bounds = array<i64: 2, 16>, scalar_prefetch = 0 : i64, scratch_operands = 12 : i64, tpu.core_type = #tpu.core_type<sc_vector_subcore>, window_params = [{transform_indices = #map}, {transform_indices = #map1}, {transform_indices = #map1}, {transform_indices = #map1}, {transform_indices = #map}, {transform_indices = #map}]} {
    %mul3A = arith.constant 16 : i32
    %mul3A_0 = arith.muli %arg0, %mul3A : i32
    %add3A = arith.addi %mul3A_0, %arg1 : i32
    %scan3A = arith.constant 0 : i32
    %scan3A_1 = arith.constant 0 : i32
    %scan3A_2 = arith.constant 40 : i32
    %scan3A_3 = arith.addi %scan3A_1, %scan3A_2 : i32
    %scan3A_4 = arith.constant 1 : i32
    %scan3A_5 = scf.for %scan3A_214 = %scan3A_1 to %scan3A_3 step %scan3A_4 iter_args(%scan3A_215 = %scan3A) -> (i32)  : i32 {
      %broadcast_in_dim3A = arith.constant 0.000000e+00 : f32
      %broadcast_in_dim3A_216 = vector.broadcast %broadcast_in_dim3A : f32 to vector<16xf32>
      %mul3A_217 = arith.constant 16 : i32
      %mul3A_218 = arith.muli %scan3A_214, %mul3A_217 : i32
      %swap3A = arith.index_cast %mul3A_218 : i32 to index
      %swap3A_219 = tpu.vector_load %arg11[%swap3A] {strides = array<i32>} : memref<640xf32, #tpu.memory_space<vmem>>, vector<16xf32>,
      %swap3A_220 = vector.shape_cast %swap3A_219 : vector<16xf32> to vector<16xf32>
      %swap3A_221 = vector.shape_cast %broadcast_in_dim3A_216 : vector<16xf32> to vector<16xf32>
      tpu.vector_store %arg11[%swap3A], %swap3A_221 {strides = array<i32>} : memref<640xf32, #tpu.memory_space<vmem>>, vector<16xf32>,
      %scan3A_222 = arith.constant 0 : i32
      scf.yield %scan3A_222 : i32
    }
    %scan3A_6 = arith.constant 40 : i32
    %mul3A_7 = arith.constant 640 : i32
    %mul3A_8 = arith.muli %arg1, %mul3A_7 : i32
    "tpu.region"() ({
      %run_scoped3A = tpu.sem_alloc : memref<!tpu.dma_semaphore, #tpu.memory_space<semaphore_mem>>
      %dma_start3A_214 = tpu.memref_slice %arg16[%mul3A_8] : memref<20480xf32, #tpu.memory_space<vmem_shared>> -> memref<640xf32, #tpu.memory_space<vmem_shared>>
      %dma_start3A_215 = tpu.memref_slice %arg16[%mul3A_8] : memref<20480xf32, #tpu.memory_space<vmem_shared>> -> memref<640xf32, #tpu.memory_space<vmem_shared>>
      tpu.enqueue_dma source(%arg11 : memref<640xf32, #tpu.memory_space<vmem>>) target(%dma_start3A_215 : memref<640xf32, #tpu.memory_space<vmem_shared>>) target_semaphore(%run_scoped3A : memref<!tpu.dma_semaphore, #tpu.memory_space<semaphore_mem>>)
      %dma_wait3A_216 = tpu.memref_slice %arg16[%mul3A_8] : memref<20480xf32, #tpu.memory_space<vmem_shared>> -> memref<640xf32, #tpu.memory_space<vmem_shared>>
      %dma_wait3A_217 = tpu.memref_slice %arg16[%mul3A_8] : memref<20480xf32, #tpu.memory_space<vmem_shared>> -> memref<640xf32, #tpu.memory_space<vmem_shared>>
      tpu.wait_dma2 semaphore(%run_scoped3A : memref<!tpu.dma_semaphore, #tpu.memory_space<semaphore_mem>>) src(%arg11 : memref<640xf32, #tpu.memory_space<vmem>>) dst(%dma_wait3A_217 : memref<640xf32, #tpu.memory_space<vmem_shared>>)
      tpu.yield
    }) : () -> ()
    %mul3A_9 = arith.constant 640 : i32
    %mul3A_10 = arith.muli %arg1, %mul3A_9 : i32
    %add3A_11 = arith.constant 10240 : i32
    %add3A_12 = arith.addi %add3A_11, %mul3A_10 : i32
    "tpu.region"() ({
      %run_scoped3A = tpu.sem_alloc : memref<!tpu.dma_semaphore, #tpu.memory_space<semaphore_mem>>
      %dma_start3A_214 = tpu.memref_slice %arg16[%add3A_12] : memref<20480xf32, #tpu.memory_space<vmem_shared>> -> memref<640xf32, #tpu.memory_space<vmem_shared>>
      %dma_start3A_215 = tpu.memref_slice %arg16[%add3A_12] : memref<20480xf32, #tpu.memory_space<vmem_shared>> -> memref<640xf32, #tpu.memory_space<vmem_shared>>
      tpu.enqueue_dma source(%arg11 : memref<640xf32, #tpu.memory_space<vmem>>) target(%dma_start3A_215 : memref<640xf32, #tpu.memory_space<vmem_shared>>) target_semaphore(%run_scoped3A : memref<!tpu.dma_semaphore, #tpu.memory_space<semaphore_mem>>)
      %dma_wait3A_216 = tpu.memref_slice %arg16[%add3A_12] : memref<20480xf32, #tpu.memory_space<vmem_shared>> -> memref<640xf32, #tpu.memory_space<vmem_shared>>
      %dma_wait3A_217 = tpu.memref_slice %arg16[%add3A_12] : memref<20480xf32, #tpu.memory_space<vmem_shared>> -> memref<640xf32, #tpu.memory_space<vmem_shared>>
      tpu.wait_dma2 semaphore(%run_scoped3A : memref<!tpu.dma_semaphore, #tpu.memory_space<semaphore_mem>>) src(%arg11 : memref<640xf32, #tpu.memory_space<vmem>>) dst(%dma_wait3A_217 : memref<640xf32, #tpu.memory_space<vmem_shared>>)
      tpu.yield
    }) : () -> ()
    %barrier3A = arith.constant 0 : index
    tpu.barrier barrier_id(%barrier3A)
    %scan3A_13 = arith.constant 0 : i32
    %scan3A_14 = arith.constant 0 : i32
    %scan3A_15 = arith.constant 512 : i32
    %scan3A_16 = arith.addi %scan3A_14, %scan3A_15 : i32
    %scan3A_17 = arith.constant 1 : i32
    %scan3A_18 = scf.for %scan3A_214 = %scan3A_14 to %scan3A_16 step %scan3A_17 iter_args(%scan3A_215 = %scan3A_13) -> (i32)  : i32 {
      %broadcast_in_dim3A = arith.constant 0.000000e+00 : f32
      %broadcast_in_dim3A_216 = vector.broadcast %broadcast_in_dim3A : f32 to vector<16xf32>
      %jit3A = arith.constant 8 : i32
      %div3A = arith.divsi %scan3A_214, %jit3A : i32
      %sign3A = arith.constant 0 : i32
      %sign3A_217 = arith.cmpi sgt, %scan3A_214, %sign3A : i32
      %sign3A_218 = arith.extui %sign3A_217 : i1 to i32
      %sign3A_219 = arith.constant 0 : i32
      %sign3A_220 = arith.cmpi slt, %scan3A_214, %sign3A_219 : i32
      %sign3A_221 = arith.extui %sign3A_220 : i1 to i32
      %sign3A_222 = arith.subi %sign3A_218, %sign3A_221 : i32
      %sign3A_223 = arith.constant 0 : i32
      %sign3A_224 = arith.cmpi sgt, %jit3A, %sign3A_223 : i32
      %sign3A_225 = arith.extui %sign3A_224 : i1 to i32
      %sign3A_226 = arith.constant 0 : i32
      %sign3A_227 = arith.cmpi slt, %jit3A, %sign3A_226 : i32
      %sign3A_228 = arith.extui %sign3A_227 : i1 to i32
      %sign3A_229 = arith.subi %sign3A_225, %sign3A_228 : i32
      %ne3A = arith.cmpi ne, %sign3A_222, %sign3A_229 : i32
      %rem3A = arith.remsi %scan3A_214, %jit3A : i32
      %ne3A_230 = arith.constant 0 : i32
      %ne3A_231 = arith.cmpi ne, %rem3A, %ne3A_230 : i32
      %and3A = arith.andi %ne3A, %ne3A_231 : i1
      %sub3A = arith.constant 1 : i32
      %sub3A_232 = arith.subi %div3A, %sub3A : i32
      %select_n3A = arith.select %and3A, %sub3A_232, %div3A : i32
      %jit3A_233 = arith.constant 8 : i32
      %eq3A = arith.constant 0 : i32
      %eq3A_234 = arith.cmpi eq, %jit3A_233, %eq3A : i32
      %jit3A_235 = arith.constant 1 : i32
      %select_n3A_236 = arith.select %eq3A_234, %jit3A_235, %jit3A_233 : i32
      %rem3A_237 = arith.remsi %scan3A_214, %select_n3A_236 : i32
      %ne3A_238 = arith.constant 0 : i32
      %ne3A_239 = arith.cmpi ne, %rem3A_237, %ne3A_238 : i32
      %lt3A = arith.constant 0 : i32
      %lt3A_240 = arith.cmpi slt, %rem3A_237, %lt3A : i32
      %lt3A_241 = arith.constant 0 : i32
      %lt3A_242 = arith.cmpi slt, %select_n3A_236, %lt3A_241 : i32
      %ne3A_243 = arith.xori %lt3A_240, %lt3A_242 : i1
      %and3A_244 = arith.andi %ne3A_243, %ne3A_239 : i1
      %add3A_245 = arith.addi %rem3A_237, %select_n3A_236 : i32
      %select_n3A_246 = arith.select %and3A_244, %add3A_245, %rem3A_237 : i32
      %mul3A_247 = arith.constant 16 : i32
      %mul3A_248 = arith.muli %select_n3A_246, %mul3A_247 : i32
      %swap3A = arith.index_cast %select_n3A : i32 to index
      %swap3A_249 = arith.index_cast %mul3A_248 : i32 to index
      %swap3A_250 = tpu.vector_load %arg12[%swap3A, %swap3A_249] {strides = array<i32>} : memref<64x128xf32, #tpu.memory_space<vmem>>, vector<1x16xf32>,
      %swap3A_251 = vector.shape_cast %swap3A_250 : vector<1x16xf32> to vector<16xf32>
      %swap3A_252 = vector.shape_cast %broadcast_in_dim3A_216 : vector<16xf32> to vector<1x16xf32>
      tpu.vector_store %arg12[%swap3A, %swap3A_249], %swap3A_252 {strides = array<i32>} : memref<64x128xf32, #tpu.memory_space<vmem>>, vector<1x16xf32>,
      %scan3A_253 = arith.constant 0 : i32
      scf.yield %scan3A_253 : i32
    }
    %scan3A_19 = arith.constant 512 : i32
    %mul3A_20 = arith.constant 640 : i32
    %mul3A_21 = arith.muli %arg1, %mul3A_20 : i32
    %add3A_22 = arith.constant 0 : i32
    %add3A_23 = arith.addi %mul3A_21, %add3A_22 : i32
    %dma_start3A = arith.constant 0 : i32
    %dma_start3A_24 = tpu.memref_slice %arg17[%add3A_23, %dma_start3A] : memref<10240x128xf32, #tpu.memory_space<vmem_shared>> -> memref<64x128xf32, #tpu.memory_space<vmem_shared>>
    %dma_start3A_25 = arith.constant 0 : i32
    %dma_start3A_26 = tpu.memref_slice %arg17[%add3A_23, %dma_start3A_25] : memref<10240x128xf32, #tpu.memory_space<vmem_shared>> -> memref<64x128xf32, #tpu.memory_space<vmem_shared>>
    tpu.enqueue_dma source(%arg12 : memref<64x128xf32, #tpu.memory_space<vmem>>) target(%dma_start3A_26 : memref<64x128xf32, #tpu.memory_space<vmem_shared>>) target_semaphore(%arg18 : memref<!tpu.dma_semaphore, #tpu.memory_space<semaphore_mem>>)
    %mul3A_27 = arith.constant 640 : i32
    %mul3A_28 = arith.muli %arg1, %mul3A_27 : i32
    %add3A_29 = arith.constant 64 : i32
    %add3A_30 = arith.addi %mul3A_28, %add3A_29 : i32
    %dma_start3A_31 = arith.constant 0 : i32
    %dma_start3A_32 = tpu.memref_slice %arg17[%add3A_30, %dma_start3A_31] : memref<10240x128xf32, #tpu.memory_space<vmem_shared>> -> memref<64x128xf32, #tpu.memory_space<vmem_shared>>
    %dma_start3A_33 = arith.constant 0 : i32
    %dma_start3A_34 = tpu.memref_slice %arg17[%add3A_30, %dma_start3A_33] : memref<10240x128xf32, #tpu.memory_space<vmem_shared>> -> memref<64x128xf32, #tpu.memory_space<vmem_shared>>
    tpu.enqueue_dma source(%arg12 : memref<64x128xf32, #tpu.memory_space<vmem>>) target(%dma_start3A_34 : memref<64x128xf32, #tpu.memory_space<vmem_shared>>) target_semaphore(%arg18 : memref<!tpu.dma_semaphore, #tpu.memory_space<semaphore_mem>>)
    %mul3A_35 = arith.constant 640 : i32
    %mul3A_36 = arith.muli %arg1, %mul3A_35 : i32
    %add3A_37 = arith.constant 128 : i32
    %add3A_38 = arith.addi %mul3A_36, %add3A_37 : i32
    %dma_start3A_39 = arith.constant 0 : i32
    %dma_start3A_40 = tpu.memref_slice %arg17[%add3A_38, %dma_start3A_39] : memref<10240x128xf32, #tpu.memory_space<vmem_shared>> -> memref<64x128xf32, #tpu.memory_space<vmem_shared>>
    %dma_start3A_41 = arith.constant 0 : i32
    %dma_start3A_42 = tpu.memref_slice %arg17[%add3A_38, %dma_start3A_41] : memref<10240x128xf32, #tpu.memory_space<vmem_shared>> -> memref<64x128xf32, #tpu.memory_space<vmem_shared>>
    tpu.enqueue_dma source(%arg12 : memref<64x128xf32, #tpu.memory_space<vmem>>) target(%dma_start3A_42 : memref<64x128xf32, #tpu.memory_space<vmem_shared>>) target_semaphore(%arg18 : memref<!tpu.dma_semaphore, #tpu.memory_space<semaphore_mem>>)
    %mul3A_43 = arith.constant 640 : i32
    %mul3A_44 = arith.muli %arg1, %mul3A_43 : i32
    %add3A_45 = arith.constant 192 : i32
    %add3A_46 = arith.addi %mul3A_44, %add3A_45 : i32
    %dma_start3A_47 = arith.constant 0 : i32
    %dma_start3A_48 = tpu.memref_slice %arg17[%add3A_46, %dma_start3A_47] : memref<10240x128xf32, #tpu.memory_space<vmem_shared>> -> memref<64x128xf32, #tpu.memory_space<vmem_shared>>
    %dma_start3A_49 = arith.constant 0 : i32
    %dma_start3A_50 = tpu.memref_slice %arg17[%add3A_46, %dma_start3A_49] : memref<10240x128xf32, #tpu.memory_space<vmem_shared>> -> memref<64x128xf32, #tpu.memory_space<vmem_shared>>
    tpu.enqueue_dma source(%arg12 : memref<64x128xf32, #tpu.memory_space<vmem>>) target(%dma_start3A_50 : memref<64x128xf32, #tpu.memory_space<vmem_shared>>) target_semaphore(%arg18 : memref<!tpu.dma_semaphore, #tpu.memory_space<semaphore_mem>>)
    %mul3A_51 = arith.constant 640 : i32
    %mul3A_52 = arith.muli %arg1, %mul3A_51 : i32
    %add3A_53 = arith.constant 256 : i32
    %add3A_54 = arith.addi %mul3A_52, %add3A_53 : i32
    %dma_start3A_55 = arith.constant 0 : i32
    %dma_start3A_56 = tpu.memref_slice %arg17[%add3A_54, %dma_start3A_55] : memref<10240x128xf32, #tpu.memory_space<vmem_shared>> -> memref<64x128xf32, #tpu.memory_space<vmem_shared>>
    %dma_start3A_57 = arith.constant 0 : i32
    %dma_start3A_58 = tpu.memref_slice %arg17[%add3A_54, %dma_start3A_57] : memref<10240x128xf32, #tpu.memory_space<vmem_shared>> -> memref<64x128xf32, #tpu.memory_space<vmem_shared>>
    tpu.enqueue_dma source(%arg12 : memref<64x128xf32, #tpu.memory_space<vmem>>) target(%dma_start3A_58 : memref<64x128xf32, #tpu.memory_space<vmem_shared>>) target_semaphore(%arg18 : memref<!tpu.dma_semaphore, #tpu.memory_space<semaphore_mem>>)
    %mul3A_59 = arith.constant 640 : i32
    %mul3A_60 = arith.muli %arg1, %mul3A_59 : i32
    %add3A_61 = arith.constant 320 : i32
    %add3A_62 = arith.addi %mul3A_60, %add3A_61 : i32
    %dma_start3A_63 = arith.constant 0 : i32
    %dma_start3A_64 = tpu.memref_slice %arg17[%add3A_62, %dma_start3A_63] : memref<10240x128xf32, #tpu.memory_space<vmem_shared>> -> memref<64x128xf32, #tpu.memory_space<vmem_shared>>
    %dma_start3A_65 = arith.constant 0 : i32
    %dma_start3A_66 = tpu.memref_slice %arg17[%add3A_62, %dma_start3A_65] : memref<10240x128xf32, #tpu.memory_space<vmem_shared>> -> memref<64x128xf32, #tpu.memory_space<vmem_shared>>
    tpu.enqueue_dma source(%arg12 : memref<64x128xf32, #tpu.memory_space<vmem>>) target(%dma_start3A_66 : memref<64x128xf32, #tpu.memory_space<vmem_shared>>) target_semaphore(%arg18 : memref<!tpu.dma_semaphore, #tpu.memory_space<semaphore_mem>>)
    %mul3A_67 = arith.constant 640 : i32
    %mul3A_68 = arith.muli %arg1, %mul3A_67 : i32
    %add3A_69 = arith.constant 384 : i32
    %add3A_70 = arith.addi %mul3A_68, %add3A_69 : i32
    %dma_start3A_71 = arith.constant 0 : i32
    %dma_start3A_72 = tpu.memref_slice %arg17[%add3A_70, %dma_start3A_71] : memref<10240x128xf32, #tpu.memory_space<vmem_shared>> -> memref<64x128xf32, #tpu.memory_space<vmem_shared>>
    %dma_start3A_73 = arith.constant 0 : i32
    %dma_start3A_74 = tpu.memref_slice %arg17[%add3A_70, %dma_start3A_73] : memref<10240x128xf32, #tpu.memory_space<vmem_shared>> -> memref<64x128xf32, #tpu.memory_space<vmem_shared>>
    tpu.enqueue_dma source(%arg12 : memref<64x128xf32, #tpu.memory_space<vmem>>) target(%dma_start3A_74 : memref<64x128xf32, #tpu.memory_space<vmem_shared>>) target_semaphore(%arg18 : memref<!tpu.dma_semaphore, #tpu.memory_space<semaphore_mem>>)
    %mul3A_75 = arith.constant 640 : i32
    %mul3A_76 = arith.muli %arg1, %mul3A_75 : i32
    %add3A_77 = arith.constant 448 : i32
    %add3A_78 = arith.addi %mul3A_76, %add3A_77 : i32
    %dma_start3A_79 = arith.constant 0 : i32
    %dma_start3A_80 = tpu.memref_slice %arg17[%add3A_78, %dma_start3A_79] : memref<10240x128xf32, #tpu.memory_space<vmem_shared>> -> memref<64x128xf32, #tpu.memory_space<vmem_shared>>
    %dma_start3A_81 = arith.constant 0 : i32
    %dma_start3A_82 = tpu.memref_slice %arg17[%add3A_78, %dma_start3A_81] : memref<10240x128xf32, #tpu.memory_space<vmem_shared>> -> memref<64x128xf32, #tpu.memory_space<vmem_shared>>
    tpu.enqueue_dma source(%arg12 : memref<64x128xf32, #tpu.memory_space<vmem>>) target(%dma_start3A_82 : memref<64x128xf32, #tpu.memory_space<vmem_shared>>) target_semaphore(%arg18 : memref<!tpu.dma_semaphore, #tpu.memory_space<semaphore_mem>>)
    %mul3A_83 = arith.constant 640 : i32
    %mul3A_84 = arith.muli %arg1, %mul3A_83 : i32
    %add3A_85 = arith.constant 512 : i32
    %add3A_86 = arith.addi %mul3A_84, %add3A_85 : i32
    %dma_start3A_87 = arith.constant 0 : i32
    %dma_start3A_88 = tpu.memref_slice %arg17[%add3A_86, %dma_start3A_87] : memref<10240x128xf32, #tpu.memory_space<vmem_shared>> -> memref<64x128xf32, #tpu.memory_space<vmem_shared>>
    %dma_start3A_89 = arith.constant 0 : i32
    %dma_start3A_90 = tpu.memref_slice %arg17[%add3A_86, %dma_start3A_89] : memref<10240x128xf32, #tpu.memory_space<vmem_shared>> -> memref<64x128xf32, #tpu.memory_space<vmem_shared>>
    tpu.enqueue_dma source(%arg12 : memref<64x128xf32, #tpu.memory_space<vmem>>) target(%dma_start3A_90 : memref<64x128xf32, #tpu.memory_space<vmem_shared>>) target_semaphore(%arg18 : memref<!tpu.dma_semaphore, #tpu.memory_space<semaphore_mem>>)
    %mul3A_91 = arith.constant 640 : i32
    %mul3A_92 = arith.muli %arg1, %mul3A_91 : i32
    %add3A_93 = arith.constant 576 : i32
    %add3A_94 = arith.addi %mul3A_92, %add3A_93 : i32
    %dma_start3A_95 = arith.constant 0 : i32
    %dma_start3A_96 = tpu.memref_slice %arg17[%add3A_94, %dma_start3A_95] : memref<10240x128xf32, #tpu.memory_space<vmem_shared>> -> memref<64x128xf32, #tpu.memory_space<vmem_shared>>
    %dma_start3A_97 = arith.constant 0 : i32
    %dma_start3A_98 = tpu.memref_slice %arg17[%add3A_94, %dma_start3A_97] : memref<10240x128xf32, #tpu.memory_space<vmem_shared>> -> memref<64x128xf32, #tpu.memory_space<vmem_shared>>
    tpu.enqueue_dma source(%arg12 : memref<64x128xf32, #tpu.memory_space<vmem>>) target(%dma_start3A_98 : memref<64x128xf32, #tpu.memory_space<vmem_shared>>) target_semaphore(%arg18 : memref<!tpu.dma_semaphore, #tpu.memory_space<semaphore_mem>>)
    %scan3A_99 = arith.constant 0 : i32
    %scan3A_100 = arith.constant 0 : i32
    %scan3A_101 = arith.constant 10 : i32
    %scan3A_102 = arith.addi %scan3A_100, %scan3A_101 : i32
    %scan3A_103 = arith.constant 1 : i32
    %scan3A_104 = scf.for %scan3A_214 = %scan3A_100 to %scan3A_102 step %scan3A_103 iter_args(%scan3A_215 = %scan3A_99) -> (i32)  : i32 {
      %mul3A_216 = arith.constant 32 : i32
      %mul3A_217 = arith.muli %scan3A_214, %mul3A_216 : i32
      "tpu.region"() ({
        %run_scoped3A = tpu.sem_alloc : memref<!tpu.dma_semaphore, #tpu.memory_space<semaphore_mem>>
        %dma_start3A_235 = arith.constant 0 : i32
        %dma_start3A_236 = tpu.memref_slice %arg3[%add3A, %mul3A_217, %dma_start3A_235] : memref<32x320x64xi32, #tpu.memory_space<hbm>> -> memref<1x32x64xi32, #tpu.memory_space<hbm>>
        %dma_start3A_237 = tpu.memref_squeeze %dma_start3A_236 : memref<1x32x64xi32, #tpu.memory_space<hbm>> -> memref<32x64xi32, #tpu.memory_space<hbm>>
        %dma_start3A_238 = arith.constant 0 : i32
        %dma_start3A_239 = tpu.memref_slice %arg3[%add3A, %mul3A_217, %dma_start3A_238] : memref<32x320x64xi32, #tpu.memory_space<hbm>> -> memref<1x32x64xi32, #tpu.memory_space<hbm>>
        %dma_start3A_240 = tpu.memref_squeeze %dma_start3A_239 : memref<1x32x64xi32, #tpu.memory_space<hbm>> -> memref<32x64xi32, #tpu.memory_space<hbm>>
        tpu.enqueue_dma source(%dma_start3A_240 : memref<32x64xi32, #tpu.memory_space<hbm>>) target(%arg8 : memref<32x64xi32, #tpu.memory_space<vmem>>) target_semaphore(%run_scoped3A : memref<!tpu.dma_semaphore, #tpu.memory_space<semaphore_mem>>)
        %dma_wait3A_241 = arith.constant 0 : i32
        %dma_wait3A_242 = tpu.memref_slice %arg3[%add3A, %mul3A_217, %dma_wait3A_241] : memref<32x320x64xi32, #tpu.memory_space<hbm>> -> memref<1x32x64xi32, #tpu.memory_space<hbm>>
        %dma_wait3A_243 = tpu.memref_squeeze %dma_wait3A_242 : memref<1x32x64xi32, #tpu.memory_space<hbm>> -> memref<32x64xi32, #tpu.memory_space<hbm>>
        %dma_wait3A_244 = arith.constant 0 : i32
        %dma_wait3A_245 = tpu.memref_slice %arg3[%add3A, %mul3A_217, %dma_wait3A_244] : memref<32x320x64xi32, #tpu.memory_space<hbm>> -> memref<1x32x64xi32, #tpu.memory_space<hbm>>
        %dma_wait3A_246 = tpu.memref_squeeze %dma_wait3A_245 : memref<1x32x64xi32, #tpu.memory_space<hbm>> -> memref<32x64xi32, #tpu.memory_space<hbm>>
        tpu.wait_dma2 semaphore(%run_scoped3A : memref<!tpu.dma_semaphore, #tpu.memory_space<semaphore_mem>>) src(%dma_wait3A_246 : memref<32x64xi32, #tpu.memory_space<hbm>>) dst(%arg8 : memref<32x64xi32, #tpu.memory_space<vmem>>)
        tpu.yield
      }) : () -> ()
      %mul3A_218 = arith.constant 32 : i32
      %mul3A_219 = arith.muli %scan3A_214, %mul3A_218 : i32
      "tpu.region"() ({
        %run_scoped3A = tpu.sem_alloc : memref<!tpu.dma_semaphore, #tpu.memory_space<semaphore_mem>>
        %dma_start3A_235 = arith.constant 0 : i32
        %dma_start3A_236 = tpu.memref_slice %arg5[%arg1, %mul3A_219, %dma_start3A_235] : memref<16x320x64xf32, #tpu.memory_space<hbm>> -> memref<1x32x64xf32, #tpu.memory_space<hbm>>
        %dma_start3A_237 = tpu.memref_squeeze %dma_start3A_236 : memref<1x32x64xf32, #tpu.memory_space<hbm>> -> memref<32x64xf32, #tpu.memory_space<hbm>>
        %dma_start3A_238 = arith.constant 0 : i32
        %dma_start3A_239 = tpu.memref_slice %arg5[%arg1, %mul3A_219, %dma_start3A_238] : memref<16x320x64xf32, #tpu.memory_space<hbm>> -> memref<1x32x64xf32, #tpu.memory_space<hbm>>
        %dma_start3A_240 = tpu.memref_squeeze %dma_start3A_239 : memref<1x32x64xf32, #tpu.memory_space<hbm>> -> memref<32x64xf32, #tpu.memory_space<hbm>>
        tpu.enqueue_dma source(%dma_start3A_240 : memref<32x64xf32, #tpu.memory_space<hbm>>) target(%arg10 : memref<32x64xf32, #tpu.memory_space<vmem>>) target_semaphore(%run_scoped3A : memref<!tpu.dma_semaphore, #tpu.memory_space<semaphore_mem>>)
        %dma_wait3A_241 = arith.constant 0 : i32
        %dma_wait3A_242 = tpu.memref_slice %arg5[%arg1, %mul3A_219, %dma_wait3A_241] : memref<16x320x64xf32, #tpu.memory_space<hbm>> -> memref<1x32x64xf32, #tpu.memory_space<hbm>>
        %dma_wait3A_243 = tpu.memref_squeeze %dma_wait3A_242 : memref<1x32x64xf32, #tpu.memory_space<hbm>> -> memref<32x64xf32, #tpu.memory_space<hbm>>
        %dma_wait3A_244 = arith.constant 0 : i32
        %dma_wait3A_245 = tpu.memref_slice %arg5[%arg1, %mul3A_219, %dma_wait3A_244] : memref<16x320x64xf32, #tpu.memory_space<hbm>> -> memref<1x32x64xf32, #tpu.memory_space<hbm>>
        %dma_wait3A_246 = tpu.memref_squeeze %dma_wait3A_245 : memref<1x32x64xf32, #tpu.memory_space<hbm>> -> memref<32x64xf32, #tpu.memory_space<hbm>>
        tpu.wait_dma2 semaphore(%run_scoped3A : memref<!tpu.dma_semaphore, #tpu.memory_space<semaphore_mem>>) src(%dma_wait3A_246 : memref<32x64xf32, #tpu.memory_space<hbm>>) dst(%arg10 : memref<32x64xf32, #tpu.memory_space<vmem>>)
        tpu.yield
      }) : () -> ()
      %scan3A_220 = arith.constant 0 : i32
      %scan3A_221 = arith.constant 0 : i32
      %scan3A_222 = arith.constant 32 : i32
      %scan3A_223 = arith.addi %scan3A_221, %scan3A_222 : i32
      %scan3A_224 = arith.constant 1 : i32
      %scan3A_225 = scf.for %scan3A_235 = %scan3A_221 to %scan3A_223 step %scan3A_224 iter_args(%scan3A_236 = %scan3A_220) -> (i32)  : i32 {
        %dma_start3A_237 = arith.constant 0 : i32
        %dma_start3A_238 = tpu.memref_slice %arg10[%scan3A_235, %dma_start3A_237] : memref<32x64xf32, #tpu.memory_space<vmem>> -> memref<1x64xf32, #tpu.memory_space<vmem>>
        %dma_start3A_239 = tpu.memref_squeeze %dma_start3A_238 : memref<1x64xf32, #tpu.memory_space<vmem>> -> memref<64xf32, #tpu.memory_space<vmem>>
        %dma_start3A_240 = arith.constant 0 : i32
        %dma_start3A_241 = tpu.memref_slice %arg8[%scan3A_235, %dma_start3A_240] : memref<32x64xi32, #tpu.memory_space<vmem>> -> memref<1x64xi32, #tpu.memory_space<vmem>>
        %dma_start3A_242 = tpu.memref_squeeze %dma_start3A_241 : memref<1x64xi32, #tpu.memory_space<vmem>> -> memref<64xi32, #tpu.memory_space<vmem>>
        %dma_start3A_243 = arith.constant 0 : i32
        %dma_start3A_244 = tpu.memref_slice %arg16[%dma_start3A_243] : memref<20480xf32, #tpu.memory_space<vmem_shared>> -> memref<20480xf32, #tpu.memory_space<vmem_shared>>
        tpu.enqueue_indirect_dma source(%dma_start3A_239 : memref<64xf32, #tpu.memory_space<vmem>>) target(%dma_start3A_244 : memref<20480xf32, #tpu.memory_space<vmem_shared>>) offsets(%dma_start3A_242 : memref<64xi32, #tpu.memory_space<vmem>>) semaphore(%arg19 : memref<!tpu.dma_semaphore, #tpu.memory_space<semaphore_mem>>) {add = true}
        %scan3A_245 = arith.constant 0 : i32
        scf.yield %scan3A_245 : i32
      }
      %scan3A_226 = arith.constant 32 : i32
      %scan3A_227 = arith.constant 0 : i32
      %scan3A_228 = arith.constant 0 : i32
      %scan3A_229 = arith.constant 32 : i32
      %scan3A_230 = arith.addi %scan3A_228, %scan3A_229 : i32
      %scan3A_231 = arith.constant 1 : i32
      %scan3A_232 = scf.for %scan3A_235 = %scan3A_228 to %scan3A_230 step %scan3A_231 iter_args(%scan3A_236 = %scan3A_227) -> (i32)  : i32 {
        %dma_wait3A_237 = arith.constant 0 : i32
        %dma_wait3A_238 = tpu.memref_slice %arg10[%scan3A_235, %dma_wait3A_237] : memref<32x64xf32, #tpu.memory_space<vmem>> -> memref<1x64xf32, #tpu.memory_space<vmem>>
        %dma_wait3A_239 = tpu.memref_squeeze %dma_wait3A_238 : memref<1x64xf32, #tpu.memory_space<vmem>> -> memref<64xf32, #tpu.memory_space<vmem>>
        %dma_wait3A_240 = arith.constant 0 : i32
        %dma_wait3A_241 = tpu.memref_slice %arg8[%scan3A_235, %dma_wait3A_240] : memref<32x64xi32, #tpu.memory_space<vmem>> -> memref<1x64xi32, #tpu.memory_space<vmem>>
        %dma_wait3A_242 = tpu.memref_squeeze %dma_wait3A_241 : memref<1x64xi32, #tpu.memory_space<vmem>> -> memref<64xi32, #tpu.memory_space<vmem>>
        %dma_wait3A_243 = arith.constant 0 : i32
        %dma_wait3A_244 = tpu.memref_slice %arg16[%dma_wait3A_243] : memref<20480xf32, #tpu.memory_space<vmem_shared>> -> memref<20480xf32, #tpu.memory_space<vmem_shared>>
        tpu.wait_indirect_dma semaphore(%arg19 : memref<!tpu.dma_semaphore, #tpu.memory_space<semaphore_mem>>) src(%dma_wait3A_239 : memref<64xf32, #tpu.memory_space<vmem>>) dst(%dma_wait3A_244 : memref<20480xf32, #tpu.memory_space<vmem_shared>>)
        %scan3A_245 = arith.constant 0 : i32
        scf.yield %scan3A_245 : i32
      }
      %scan3A_233 = arith.constant 32 : i32
      %scan3A_234 = arith.constant 0 : i32
      scf.yield %scan3A_234 : i32
    }
    %scan3A_105 = arith.constant 10 : i32
    %mul3A_106 = arith.constant 640 : i32
    %mul3A_107 = arith.muli %arg1, %mul3A_106 : i32
    %add3A_108 = arith.constant 0 : i32
    %add3A_109 = arith.addi %mul3A_107, %add3A_108 : i32
    %dma_wait3A = arith.constant 0 : i32
    %dma_wait3A_110 = tpu.memref_slice %arg17[%add3A_109, %dma_wait3A] : memref<10240x128xf32, #tpu.memory_space<vmem_shared>> -> memref<64x128xf32, #tpu.memory_space<vmem_shared>>
    %dma_wait3A_111 = arith.constant 0 : i32
    %dma_wait3A_112 = tpu.memref_slice %arg17[%add3A_109, %dma_wait3A_111] : memref<10240x128xf32, #tpu.memory_space<vmem_shared>> -> memref<64x128xf32, #tpu.memory_space<vmem_shared>>
    tpu.wait_dma2 semaphore(%arg18 : memref<!tpu.dma_semaphore, #tpu.memory_space<semaphore_mem>>) src(%arg12 : memref<64x128xf32, #tpu.memory_space<vmem>>) dst(%dma_wait3A_112 : memref<64x128xf32, #tpu.memory_space<vmem_shared>>)
    %mul3A_113 = arith.constant 640 : i32
    %mul3A_114 = arith.muli %arg1, %mul3A_113 : i32
    %add3A_115 = arith.constant 64 : i32
    %add3A_116 = arith.addi %mul3A_114, %add3A_115 : i32
    %dma_wait3A_117 = arith.constant 0 : i32
    %dma_wait3A_118 = tpu.memref_slice %arg17[%add3A_116, %dma_wait3A_117] : memref<10240x128xf32, #tpu.memory_space<vmem_shared>> -> memref<64x128xf32, #tpu.memory_space<vmem_shared>>
    %dma_wait3A_119 = arith.constant 0 : i32
    %dma_wait3A_120 = tpu.memref_slice %arg17[%add3A_116, %dma_wait3A_119] : memref<10240x128xf32, #tpu.memory_space<vmem_shared>> -> memref<64x128xf32, #tpu.memory_space<vmem_shared>>
    tpu.wait_dma2 semaphore(%arg18 : memref<!tpu.dma_semaphore, #tpu.memory_space<semaphore_mem>>) src(%arg12 : memref<64x128xf32, #tpu.memory_space<vmem>>) dst(%dma_wait3A_120 : memref<64x128xf32, #tpu.memory_space<vmem_shared>>)
    %mul3A_121 = arith.constant 640 : i32
    %mul3A_122 = arith.muli %arg1, %mul3A_121 : i32
    %add3A_123 = arith.constant 128 : i32
    %add3A_124 = arith.addi %mul3A_122, %add3A_123 : i32
    %dma_wait3A_125 = arith.constant 0 : i32
    %dma_wait3A_126 = tpu.memref_slice %arg17[%add3A_124, %dma_wait3A_125] : memref<10240x128xf32, #tpu.memory_space<vmem_shared>> -> memref<64x128xf32, #tpu.memory_space<vmem_shared>>
    %dma_wait3A_127 = arith.constant 0 : i32
    %dma_wait3A_128 = tpu.memref_slice %arg17[%add3A_124, %dma_wait3A_127] : memref<10240x128xf32, #tpu.memory_space<vmem_shared>> -> memref<64x128xf32, #tpu.memory_space<vmem_shared>>
    tpu.wait_dma2 semaphore(%arg18 : memref<!tpu.dma_semaphore, #tpu.memory_space<semaphore_mem>>) src(%arg12 : memref<64x128xf32, #tpu.memory_space<vmem>>) dst(%dma_wait3A_128 : memref<64x128xf32, #tpu.memory_space<vmem_shared>>)
    %mul3A_129 = arith.constant 640 : i32
    %mul3A_130 = arith.muli %arg1, %mul3A_129 : i32
    %add3A_131 = arith.constant 192 : i32
    %add3A_132 = arith.addi %mul3A_130, %add3A_131 : i32
    %dma_wait3A_133 = arith.constant 0 : i32
    %dma_wait3A_134 = tpu.memref_slice %arg17[%add3A_132, %dma_wait3A_133] : memref<10240x128xf32, #tpu.memory_space<vmem_shared>> -> memref<64x128xf32, #tpu.memory_space<vmem_shared>>
    %dma_wait3A_135 = arith.constant 0 : i32
    %dma_wait3A_136 = tpu.memref_slice %arg17[%add3A_132, %dma_wait3A_135] : memref<10240x128xf32, #tpu.memory_space<vmem_shared>> -> memref<64x128xf32, #tpu.memory_space<vmem_shared>>
    tpu.wait_dma2 semaphore(%arg18 : memref<!tpu.dma_semaphore, #tpu.memory_space<semaphore_mem>>) src(%arg12 : memref<64x128xf32, #tpu.memory_space<vmem>>) dst(%dma_wait3A_136 : memref<64x128xf32, #tpu.memory_space<vmem_shared>>)
    %mul3A_137 = arith.constant 640 : i32
    %mul3A_138 = arith.muli %arg1, %mul3A_137 : i32
    %add3A_139 = arith.constant 256 : i32
    %add3A_140 = arith.addi %mul3A_138, %add3A_139 : i32
    %dma_wait3A_141 = arith.constant 0 : i32
    %dma_wait3A_142 = tpu.memref_slice %arg17[%add3A_140, %dma_wait3A_141] : memref<10240x128xf32, #tpu.memory_space<vmem_shared>> -> memref<64x128xf32, #tpu.memory_space<vmem_shared>>
    %dma_wait3A_143 = arith.constant 0 : i32
    %dma_wait3A_144 = tpu.memref_slice %arg17[%add3A_140, %dma_wait3A_143] : memref<10240x128xf32, #tpu.memory_space<vmem_shared>> -> memref<64x128xf32, #tpu.memory_space<vmem_shared>>
    tpu.wait_dma2 semaphore(%arg18 : memref<!tpu.dma_semaphore, #tpu.memory_space<semaphore_mem>>) src(%arg12 : memref<64x128xf32, #tpu.memory_space<vmem>>) dst(%dma_wait3A_144 : memref<64x128xf32, #tpu.memory_space<vmem_shared>>)
    %mul3A_145 = arith.constant 640 : i32
    %mul3A_146 = arith.muli %arg1, %mul3A_145 : i32
    %add3A_147 = arith.constant 320 : i32
    %add3A_148 = arith.addi %mul3A_146, %add3A_147 : i32
    %dma_wait3A_149 = arith.constant 0 : i32
    %dma_wait3A_150 = tpu.memref_slice %arg17[%add3A_148, %dma_wait3A_149] : memref<10240x128xf32, #tpu.memory_space<vmem_shared>> -> memref<64x128xf32, #tpu.memory_space<vmem_shared>>
    %dma_wait3A_151 = arith.constant 0 : i32
    %dma_wait3A_152 = tpu.memref_slice %arg17[%add3A_148, %dma_wait3A_151] : memref<10240x128xf32, #tpu.memory_space<vmem_shared>> -> memref<64x128xf32, #tpu.memory_space<vmem_shared>>
    tpu.wait_dma2 semaphore(%arg18 : memref<!tpu.dma_semaphore, #tpu.memory_space<semaphore_mem>>) src(%arg12 : memref<64x128xf32, #tpu.memory_space<vmem>>) dst(%dma_wait3A_152 : memref<64x128xf32, #tpu.memory_space<vmem_shared>>)
    %mul3A_153 = arith.constant 640 : i32
    %mul3A_154 = arith.muli %arg1, %mul3A_153 : i32
    %add3A_155 = arith.constant 384 : i32
    %add3A_156 = arith.addi %mul3A_154, %add3A_155 : i32
    %dma_wait3A_157 = arith.constant 0 : i32
    %dma_wait3A_158 = tpu.memref_slice %arg17[%add3A_156, %dma_wait3A_157] : memref<10240x128xf32, #tpu.memory_space<vmem_shared>> -> memref<64x128xf32, #tpu.memory_space<vmem_shared>>
    %dma_wait3A_159 = arith.constant 0 : i32
    %dma_wait3A_160 = tpu.memref_slice %arg17[%add3A_156, %dma_wait3A_159] : memref<10240x128xf32, #tpu.memory_space<vmem_shared>> -> memref<64x128xf32, #tpu.memory_space<vmem_shared>>
    tpu.wait_dma2 semaphore(%arg18 : memref<!tpu.dma_semaphore, #tpu.memory_space<semaphore_mem>>) src(%arg12 : memref<64x128xf32, #tpu.memory_space<vmem>>) dst(%dma_wait3A_160 : memref<64x128xf32, #tpu.memory_space<vmem_shared>>)
    %mul3A_161 = arith.constant 640 : i32
    %mul3A_162 = arith.muli %arg1, %mul3A_161 : i32
    %add3A_163 = arith.constant 448 : i32
    %add3A_164 = arith.addi %mul3A_162, %add3A_163 : i32
    %dma_wait3A_165 = arith.constant 0 : i32
    %dma_wait3A_166 = tpu.memref_slice %arg17[%add3A_164, %dma_wait3A_165] : memref<10240x128xf32, #tpu.memory_space<vmem_shared>> -> memref<64x128xf32, #tpu.memory_space<vmem_shared>>
    %dma_wait3A_167 = arith.constant 0 : i32
    %dma_wait3A_168 = tpu.memref_slice %arg17[%add3A_164, %dma_wait3A_167] : memref<10240x128xf32, #tpu.memory_space<vmem_shared>> -> memref<64x128xf32, #tpu.memory_space<vmem_shared>>
    tpu.wait_dma2 semaphore(%arg18 : memref<!tpu.dma_semaphore, #tpu.memory_space<semaphore_mem>>) src(%arg12 : memref<64x128xf32, #tpu.memory_space<vmem>>) dst(%dma_wait3A_168 : memref<64x128xf32, #tpu.memory_space<vmem_shared>>)
    %mul3A_169 = arith.constant 640 : i32
    %mul3A_170 = arith.muli %arg1, %mul3A_169 : i32
    %add3A_171 = arith.constant 512 : i32
    %add3A_172 = arith.addi %mul3A_170, %add3A_171 : i32
    %dma_wait3A_173 = arith.constant 0 : i32
    %dma_wait3A_174 = tpu.memref_slice %arg17[%add3A_172, %dma_wait3A_173] : memref<10240x128xf32, #tpu.memory_space<vmem_shared>> -> memref<64x128xf32, #tpu.memory_space<vmem_shared>>
    %dma_wait3A_175 = arith.constant 0 : i32
    %dma_wait3A_176 = tpu.memref_slice %arg17[%add3A_172, %dma_wait3A_175] : memref<10240x128xf32, #tpu.memory_space<vmem_shared>> -> memref<64x128xf32, #tpu.memory_space<vmem_shared>>
    tpu.wait_dma2 semaphore(%arg18 : memref<!tpu.dma_semaphore, #tpu.memory_space<semaphore_mem>>) src(%arg12 : memref<64x128xf32, #tpu.memory_space<vmem>>) dst(%dma_wait3A_176 : memref<64x128xf32, #tpu.memory_space<vmem_shared>>)
    %mul3A_177 = arith.constant 640 : i32
    %mul3A_178 = arith.muli %arg1, %mul3A_177 : i32
    %add3A_179 = arith.constant 576 : i32
    %add3A_180 = arith.addi %mul3A_178, %add3A_179 : i32
    %dma_wait3A_181 = arith.constant 0 : i32
    %dma_wait3A_182 = tpu.memref_slice %arg17[%add3A_180, %dma_wait3A_181] : memref<10240x128xf32, #tpu.memory_space<vmem_shared>> -> memref<64x128xf32, #tpu.memory_space<vmem_shared>>
    %dma_wait3A_183 = arith.constant 0 : i32
    %dma_wait3A_184 = tpu.memref_slice %arg17[%add3A_180, %dma_wait3A_183] : memref<10240x128xf32, #tpu.memory_space<vmem_shared>> -> memref<64x128xf32, #tpu.memory_space<vmem_shared>>
    tpu.wait_dma2 semaphore(%arg18 : memref<!tpu.dma_semaphore, #tpu.memory_space<semaphore_mem>>) src(%arg12 : memref<64x128xf32, #tpu.memory_space<vmem>>) dst(%dma_wait3A_184 : memref<64x128xf32, #tpu.memory_space<vmem_shared>>)
    %barrier3A_185 = arith.constant 0 : index
    tpu.barrier barrier_id(%barrier3A_185)
    %mul3A_186 = arith.constant 10240 : i32
    %mul3A_187 = arith.muli %arg0, %mul3A_186 : i32
    %mul3A_188 = arith.constant 640 : i32
    %mul3A_189 = arith.muli %arg1, %mul3A_188 : i32
    %add3A_190 = arith.addi %mul3A_187, %mul3A_189 : i32
    "tpu.region"() ({
      %run_scoped3A = tpu.sem_alloc : memref<!tpu.dma_semaphore, #tpu.memory_space<semaphore_mem>>
      %dma_start3A_214 = tpu.memref_slice %arg16[%add3A_190] : memref<20480xf32, #tpu.memory_space<vmem_shared>> -> memref<640xf32, #tpu.memory_space<vmem_shared>>
      %dma_start3A_215 = tpu.memref_slice %arg16[%add3A_190] : memref<20480xf32, #tpu.memory_space<vmem_shared>> -> memref<640xf32, #tpu.memory_space<vmem_shared>>
      tpu.enqueue_dma source(%dma_start3A_215 : memref<640xf32, #tpu.memory_space<vmem_shared>>) target(%arg11 : memref<640xf32, #tpu.memory_space<vmem>>) target_semaphore(%run_scoped3A : memref<!tpu.dma_semaphore, #tpu.memory_space<semaphore_mem>>)
      %dma_wait3A_216 = tpu.memref_slice %arg16[%add3A_190] : memref<20480xf32, #tpu.memory_space<vmem_shared>> -> memref<640xf32, #tpu.memory_space<vmem_shared>>
      %dma_wait3A_217 = tpu.memref_slice %arg16[%add3A_190] : memref<20480xf32, #tpu.memory_space<vmem_shared>> -> memref<640xf32, #tpu.memory_space<vmem_shared>>
      tpu.wait_dma2 semaphore(%run_scoped3A : memref<!tpu.dma_semaphore, #tpu.memory_space<semaphore_mem>>) src(%dma_wait3A_217 : memref<640xf32, #tpu.memory_space<vmem_shared>>) dst(%arg11 : memref<640xf32, #tpu.memory_space<vmem>>)
      tpu.yield
    }) : () -> ()
    %scan3A_191 = arith.constant 0 : i32
    %scan3A_192 = arith.constant 0 : i32
    %scan3A_193 = arith.constant 10 : i32
    %scan3A_194 = arith.addi %scan3A_192, %scan3A_193 : i32
    %scan3A_195 = arith.constant 1 : i32
    %scan3A_196 = scf.for %scan3A_214 = %scan3A_192 to %scan3A_194 step %scan3A_195 iter_args(%scan3A_215 = %scan3A_191) -> (i32)  : i32 {
      %mul3A_216 = arith.constant 640 : i32
      %mul3A_217 = arith.muli %arg1, %mul3A_216 : i32
      %mul3A_218 = arith.constant 64 : i32
      %mul3A_219 = arith.muli %scan3A_214, %mul3A_218 : i32
      %add3A_220 = arith.addi %mul3A_217, %mul3A_219 : i32
      "tpu.region"() ({
        %run_scoped3A = tpu.sem_alloc : memref<!tpu.dma_semaphore, #tpu.memory_space<semaphore_mem>>
        %dma_start3A_232 = arith.constant 0 : i32
        %dma_start3A_233 = tpu.memref_slice %arg2[%add3A_220, %dma_start3A_232] : memref<10240x128xf32, #tpu.memory_space<hbm>> -> memref<64x128xf32, #tpu.memory_space<hbm>>
        %dma_start3A_234 = arith.constant 0 : i32
        %dma_start3A_235 = tpu.memref_slice %arg2[%add3A_220, %dma_start3A_234] : memref<10240x128xf32, #tpu.memory_space<hbm>> -> memref<64x128xf32, #tpu.memory_space<hbm>>
        tpu.enqueue_dma source(%dma_start3A_235 : memref<64x128xf32, #tpu.memory_space<hbm>>) target(%arg12 : memref<64x128xf32, #tpu.memory_space<vmem>>) target_semaphore(%run_scoped3A : memref<!tpu.dma_semaphore, #tpu.memory_space<semaphore_mem>>)
        %dma_wait3A_236 = arith.constant 0 : i32
        %dma_wait3A_237 = tpu.memref_slice %arg2[%add3A_220, %dma_wait3A_236] : memref<10240x128xf32, #tpu.memory_space<hbm>> -> memref<64x128xf32, #tpu.memory_space<hbm>>
        %dma_wait3A_238 = arith.constant 0 : i32
        %dma_wait3A_239 = tpu.memref_slice %arg2[%add3A_220, %dma_wait3A_238] : memref<10240x128xf32, #tpu.memory_space<hbm>> -> memref<64x128xf32, #tpu.memory_space<hbm>>
        tpu.wait_dma2 semaphore(%run_scoped3A : memref<!tpu.dma_semaphore, #tpu.memory_space<semaphore_mem>>) src(%dma_wait3A_239 : memref<64x128xf32, #tpu.memory_space<hbm>>) dst(%arg12 : memref<64x128xf32, #tpu.memory_space<vmem>>)
        tpu.yield
      }) : () -> ()
      %scan3A_221 = arith.constant 0 : i32
      %scan3A_222 = arith.constant 0 : i32
      %scan3A_223 = arith.constant 4 : i32
      %scan3A_224 = arith.addi %scan3A_222, %scan3A_223 : i32
      %scan3A_225 = arith.constant 1 : i32
      %scan3A_226 = scf.for %scan3A_232 = %scan3A_222 to %scan3A_224 step %scan3A_225 iter_args(%scan3A_233 = %scan3A_221) -> (i32)  : i32 {
        %mul3A_234 = arith.constant 64 : i32
        %mul3A_235 = arith.muli %scan3A_214, %mul3A_234 : i32
        %mul3A_236 = arith.constant 16 : i32
        %mul3A_237 = arith.muli %scan3A_232, %mul3A_236 : i32
        %add3A_238 = arith.addi %mul3A_235, %mul3A_237 : i32
        %get3A = arith.index_cast %add3A_238 : i32 to index
        %get3A_239 = tpu.vector_load %arg11[%get3A] {strides = array<i32>} : memref<640xf32, #tpu.memory_space<vmem>>, vector<16xf32>,
        %get3A_240 = vector.shape_cast %get3A_239 : vector<16xf32> to vector<16xf32>
        %eq3A = arith.constant 0.000000e+00 : f32
        %eq3A_241 = vector.broadcast %eq3A : f32 to vector<16xf32>
        %eq3A_242 = arith.cmpf oeq, %get3A_240, %eq3A_241 : vector<16xf32>
        %broadcast_in_dim3A = arith.constant 0.000000e+00 : f32
        %broadcast_in_dim3A_243 = vector.broadcast %broadcast_in_dim3A : f32 to vector<16xf32>
        %div3A = arith.constant 1.000000e+00 : f32
        %div3A_244 = vector.broadcast %div3A : f32 to vector<16xf32>
        %div3A_245 = arith.divf %div3A_244, %get3A_240 : vector<16xf32>
        %select_n3A = arith.select %eq3A_242, %broadcast_in_dim3A_243, %div3A_245 : vector<16xi1>, vector<16xf32>
        %mul3A_246 = arith.constant 16 : i32
        %mul3A_247 = arith.muli %scan3A_232, %mul3A_246 : i32
        %add3A_248 = arith.constant 0 : i32
        %add3A_249 = arith.addi %mul3A_247, %add3A_248 : i32
        %slice3A = vector.extract_strided_slice %select_n3A {offsets = [0], sizes = [1], strides = [1]} : vector<16xf32> to vector<1xf32>
        %squeeze3A = vector.extract %slice3A[0] : f32 from vector<1xf32>
        %get3A_250 = arith.index_cast %add3A_249 : i32 to index
        %get3A_251 = arith.constant 0 : index
        %get3A_252 = tpu.vector_load %arg12[%get3A_250, %get3A_251] {strides = array<i32>} : memref<64x128xf32, #tpu.memory_space<vmem>>, vector<1x16xf32>,
        %get3A_253 = vector.shape_cast %get3A_252 : vector<1x16xf32> to vector<16xf32>
        %mul3A_254 = vector.broadcast %squeeze3A : f32 to vector<16xf32>
        %mul3A_255 = arith.mulf %get3A_253, %mul3A_254 : vector<16xf32>
        %swap3A = arith.index_cast %add3A_249 : i32 to index
        %swap3A_256 = arith.constant 0 : index
        %swap3A_257 = tpu.vector_load %arg12[%swap3A, %swap3A_256] {strides = array<i32>} : memref<64x128xf32, #tpu.memory_space<vmem>>, vector<1x16xf32>,
        %swap3A_258 = vector.shape_cast %swap3A_257 : vector<1x16xf32> to vector<16xf32>
        %swap3A_259 = vector.shape_cast %mul3A_255 : vector<16xf32> to vector<1x16xf32>
        tpu.vector_store %arg12[%swap3A, %swap3A_256], %swap3A_259 {strides = array<i32>} : memref<64x128xf32, #tpu.memory_space<vmem>>, vector<1x16xf32>,
        %get3A_260 = arith.index_cast %add3A_249 : i32 to index
        %get3A_261 = arith.constant 16 : index
        %get3A_262 = tpu.vector_load %arg12[%get3A_260, %get3A_261] {strides = array<i32>} : memref<64x128xf32, #tpu.memory_space<vmem>>, vector<1x16xf32>,
        %get3A_263 = vector.shape_cast %get3A_262 : vector<1x16xf32> to vector<16xf32>
        %mul3A_264 = vector.broadcast %squeeze3A : f32 to vector<16xf32>
        %mul3A_265 = arith.mulf %get3A_263, %mul3A_264 : vector<16xf32>
        %swap3A_266 = arith.index_cast %add3A_249 : i32 to index
        %swap3A_267 = arith.constant 16 : index
        %swap3A_268 = tpu.vector_load %arg12[%swap3A_266, %swap3A_267] {strides = array<i32>} : memref<64x128xf32, #tpu.memory_space<vmem>>, vector<1x16xf32>,
        %swap3A_269 = vector.shape_cast %swap3A_268 : vector<1x16xf32> to vector<16xf32>
        %swap3A_270 = vector.shape_cast %mul3A_265 : vector<16xf32> to vector<1x16xf32>
        tpu.vector_store %arg12[%swap3A_266, %swap3A_267], %swap3A_270 {strides = array<i32>} : memref<64x128xf32, #tpu.memory_space<vmem>>, vector<1x16xf32>,
        %get3A_271 = arith.index_cast %add3A_249 : i32 to index
        %get3A_272 = arith.constant 32 : index
        %get3A_273 = tpu.vector_load %arg12[%get3A_271, %get3A_272] {strides = array<i32>} : memref<64x128xf32, #tpu.memory_space<vmem>>, vector<1x16xf32>,
        %get3A_274 = vector.shape_cast %get3A_273 : vector<1x16xf32> to vector<16xf32>
        %mul3A_275 = vector.broadcast %squeeze3A : f32 to vector<16xf32>
        %mul3A_276 = arith.mulf %get3A_274, %mul3A_275 : vector<16xf32>
        %swap3A_277 = arith.index_cast %add3A_249 : i32 to index
        %swap3A_278 = arith.constant 32 : index
        %swap3A_279 = tpu.vector_load %arg12[%swap3A_277, %swap3A_278] {strides = array<i32>} : memref<64x128xf32, #tpu.memory_space<vmem>>, vector<1x16xf32>,
        %swap3A_280 = vector.shape_cast %swap3A_279 : vector<1x16xf32> to vector<16xf32>
        %swap3A_281 = vector.shape_cast %mul3A_276 : vector<16xf32> to vector<1x16xf32>
        tpu.vector_store %arg12[%swap3A_277, %swap3A_278], %swap3A_281 {strides = array<i32>} : memref<64x128xf32, #tpu.memory_space<vmem>>, vector<1x16xf32>,
        %get3A_282 = arith.index_cast %add3A_249 : i32 to index
        %get3A_283 = arith.constant 48 : index
        %get3A_284 = tpu.vector_load %arg12[%get3A_282, %get3A_283] {strides = array<i32>} : memref<64x128xf32, #tpu.memory_space<vmem>>, vector<1x16xf32>,
        %get3A_285 = vector.shape_cast %get3A_284 : vector<1x16xf32> to vector<16xf32>
        %mul3A_286 = vector.broadcast %squeeze3A : f32 to vector<16xf32>
        %mul3A_287 = arith.mulf %get3A_285, %mul3A_286 : vector<16xf32>
        %swap3A_288 = arith.index_cast %add3A_249 : i32 to index
        %swap3A_289 = arith.constant 48 : index
        %swap3A_290 = tpu.vector_load %arg12[%swap3A_288, %swap3A_289] {strides = array<i32>} : memref<64x128xf32, #tpu.memory_space<vmem>>, vector<1x16xf32>,
        %swap3A_291 = vector.shape_cast %swap3A_290 : vector<1x16xf32> to vector<16xf32>
        %swap3A_292 = vector.shape_cast %mul3A_287 : vector<16xf32> to vector<1x16xf32>
        tpu.vector_store %arg12[%swap3A_288, %swap3A_289], %swap3A_292 {strides = array<i32>} : memref<64x128xf32, #tpu.memory_space<vmem>>, vector<1x16xf32>,
        %get3A_293 = arith.index_cast %add3A_249 : i32 to index
        %get3A_294 = arith.constant 64 : index
        %get3A_295 = tpu.vector_load %arg12[%get3A_293, %get3A_294] {strides = array<i32>} : memref<64x128xf32, #tpu.memory_space<vmem>>, vector<1x16xf32>,
        %get3A_296 = vector.shape_cast %get3A_295 : vector<1x16xf32> to vector<16xf32>
        %mul3A_297 = vector.broadcast %squeeze3A : f32 to vector<16xf32>
        %mul3A_298 = arith.mulf %get3A_296, %mul3A_297 : vector<16xf32>
        %swap3A_299 = arith.index_cast %add3A_249 : i32 to index
        %swap3A_300 = arith.constant 64 : index
        %swap3A_301 = tpu.vector_load %arg12[%swap3A_299, %swap3A_300] {strides = array<i32>} : memref<64x128xf32, #tpu.memory_space<vmem>>, vector<1x16xf32>,
        %swap3A_302 = vector.shape_cast %swap3A_301 : vector<1x16xf32> to vector<16xf32>
        %swap3A_303 = vector.shape_cast %mul3A_298 : vector<16xf32> to vector<1x16xf32>
        tpu.vector_store %arg12[%swap3A_299, %swap3A_300], %swap3A_303 {strides = array<i32>} : memref<64x128xf32, #tpu.memory_space<vmem>>, vector<1x16xf32>,
        %get3A_304 = arith.index_cast %add3A_249 : i32 to index
        %get3A_305 = arith.constant 80 : index
        %get3A_306 = tpu.vector_load %arg12[%get3A_304, %get3A_305] {strides = array<i32>} : memref<64x128xf32, #tpu.memory_space<vmem>>, vector<1x16xf32>,
        %get3A_307 = vector.shape_cast %get3A_306 : vector<1x16xf32> to vector<16xf32>
        %mul3A_308 = vector.broadcast %squeeze3A : f32 to vector<16xf32>
        %mul3A_309 = arith.mulf %get3A_307, %mul3A_308 : vector<16xf32>
        %swap3A_310 = arith.index_cast %add3A_249 : i32 to index
        %swap3A_311 = arith.constant 80 : index
        %swap3A_312 = tpu.vector_load %arg12[%swap3A_310, %swap3A_311] {strides = array<i32>} : memref<64x128xf32, #tpu.memory_space<vmem>>, vector<1x16xf32>,
        %swap3A_313 = vector.shape_cast %swap3A_312 : vector<1x16xf32> to vector<16xf32>
        %swap3A_314 = vector.shape_cast %mul3A_309 : vector<16xf32> to vector<1x16xf32>
        tpu.vector_store %arg12[%swap3A_310, %swap3A_311], %swap3A_314 {strides = array<i32>} : memref<64x128xf32, #tpu.memory_space<vmem>>, vector<1x16xf32>,
        %get3A_315 = arith.index_cast %add3A_249 : i32 to index
        %get3A_316 = arith.constant 96 : index
        %get3A_317 = tpu.vector_load %arg12[%get3A_315, %get3A_316] {strides = array<i32>} : memref<64x128xf32, #tpu.memory_space<vmem>>, vector<1x16xf32>,
        %get3A_318 = vector.shape_cast %get3A_317 : vector<1x16xf32> to vector<16xf32>
        %mul3A_319 = vector.broadcast %squeeze3A : f32 to vector<16xf32>
        %mul3A_320 = arith.mulf %get3A_318, %mul3A_319 : vector<16xf32>
        %swap3A_321 = arith.index_cast %add3A_249 : i32 to index
        %swap3A_322 = arith.constant 96 : index
        %swap3A_323 = tpu.vector_load %arg12[%swap3A_321, %swap3A_322] {strides = array<i32>} : memref<64x128xf32, #tpu.memory_space<vmem>>, vector<1x16xf32>,
        %swap3A_324 = vector.shape_cast %swap3A_323 : vector<1x16xf32> to vector<16xf32>
        %swap3A_325 = vector.shape_cast %mul3A_320 : vector<16xf32> to vector<1x16xf32>
        tpu.vector_store %arg12[%swap3A_321, %swap3A_322], %swap3A_325 {strides = array<i32>} : memref<64x128xf32, #tpu.memory_space<vmem>>, vector<1x16xf32>,
        %get3A_326 = arith.index_cast %add3A_249 : i32 to index
        %get3A_327 = arith.constant 112 : index
        %get3A_328 = tpu.vector_load %arg12[%get3A_326, %get3A_327] {strides = array<i32>} : memref<64x128xf32, #tpu.memory_space<vmem>>, vector<1x16xf32>,
        %get3A_329 = vector.shape_cast %get3A_328 : vector<1x16xf32> to vector<16xf32>
        %mul3A_330 = vector.broadcast %squeeze3A : f32 to vector<16xf32>
        %mul3A_331 = arith.mulf %get3A_329, %mul3A_330 : vector<16xf32>
        %swap3A_332 = arith.index_cast %add3A_249 : i32 to index
        %swap3A_333 = arith.constant 112 : index
        %swap3A_334 = tpu.vector_load %arg12[%swap3A_332, %swap3A_333] {strides = array<i32>} : memref<64x128xf32, #tpu.memory_space<vmem>>, vector<1x16xf32>,
        %swap3A_335 = vector.shape_cast %swap3A_334 : vector<1x16xf32> to vector<16xf32>
        %swap3A_336 = vector.shape_cast %mul3A_331 : vector<16xf32> to vector<1x16xf32>
        tpu.vector_store %arg12[%swap3A_332, %swap3A_333], %swap3A_336 {strides = array<i32>} : memref<64x128xf32, #tpu.memory_space<vmem>>, vector<1x16xf32>,
        %mul3A_337 = arith.constant 16 : i32
        %mul3A_338 = arith.muli %scan3A_232, %mul3A_337 : i32
        %add3A_339 = arith.constant 1 : i32
        %add3A_340 = arith.addi %mul3A_338, %add3A_339 : i32
        %slice3A_341 = vector.extract_strided_slice %select_n3A {offsets = [1], sizes = [1], strides = [1]} : vector<16xf32> to vector<1xf32>
        %squeeze3A_342 = vector.extract %slice3A_341[0] : f32 from vector<1xf32>
        %get3A_343 = arith.index_cast %add3A_340 : i32 to index
        %get3A_344 = arith.constant 0 : index
        %get3A_345 = tpu.vector_load %arg12[%get3A_343, %get3A_344] {strides = array<i32>} : memref<64x128xf32, #tpu.memory_space<vmem>>, vector<1x16xf32>,
        %get3A_346 = vector.shape_cast %get3A_345 : vector<1x16xf32> to vector<16xf32>
        %mul3A_347 = vector.broadcast %squeeze3A_342 : f32 to vector<16xf32>
        %mul3A_348 = arith.mulf %get3A_346, %mul3A_347 : vector<16xf32>
        %swap3A_349 = arith.index_cast %add3A_340 : i32 to index
        %swap3A_350 = arith.constant 0 : index
        %swap3A_351 = tpu.vector_load %arg12[%swap3A_349, %swap3A_350] {strides = array<i32>} : memref<64x128xf32, #tpu.memory_space<vmem>>, vector<1x16xf32>,
        %swap3A_352 = vector.shape_cast %swap3A_351 : vector<1x16xf32> to vector<16xf32>
        %swap3A_353 = vector.shape_cast %mul3A_348 : vector<16xf32> to vector<1x16xf32>
        tpu.vector_store %arg12[%swap3A_349, %swap3A_350], %swap3A_353 {strides = array<i32>} : memref<64x128xf32, #tpu.memory_space<vmem>>, vector<1x16xf32>,
        %get3A_354 = arith.index_cast %add3A_340 : i32 to index
        %get3A_355 = arith.constant 16 : index
        %get3A_356 = tpu.vector_load %arg12[%get3A_354, %get3A_355] {strides = array<i32>} : memref<64x128xf32, #tpu.memory_space<vmem>>, vector<1x16xf32>,
        %get3A_357 = vector.shape_cast %get3A_356 : vector<1x16xf32> to vector<16xf32>
        %mul3A_358 = vector.broadcast %squeeze3A_342 : f32 to vector<16xf32>
        %mul3A_359 = arith.mulf %get3A_357, %mul3A_358 : vector<16xf32>
        %swap3A_360 = arith.index_cast %add3A_340 : i32 to index
        %swap3A_361 = arith.constant 16 : index
        %swap3A_362 = tpu.vector_load %arg12[%swap3A_360, %swap3A_361] {strides = array<i32>} : memref<64x128xf32, #tpu.memory_space<vmem>>, vector<1x16xf32>,
        %swap3A_363 = vector.shape_cast %swap3A_362 : vector<1x16xf32> to vector<16xf32>
        %swap3A_364 = vector.shape_cast %mul3A_359 : vector<16xf32> to vector<1x16xf32>
        tpu.vector_store %arg12[%swap3A_360, %swap3A_361], %swap3A_364 {strides = array<i32>} : memref<64x128xf32, #tpu.memory_space<vmem>>, vector<1x16xf32>,
        %get3A_365 = arith.index_cast %add3A_340 : i32 to index
        %get3A_366 = arith.constant 32 : index
        %get3A_367 = tpu.vector_load %arg12[%get3A_365, %get3A_366] {strides = array<i32>} : memref<64x128xf32, #tpu.memory_space<vmem>>, vector<1x16xf32>,
        %get3A_368 = vector.shape_cast %get3A_367 : vector<1x16xf32> to vector<16xf32>
        %mul3A_369 = vector.broadcast %squeeze3A_342 : f32 to vector<16xf32>
        %mul3A_370 = arith.mulf %get3A_368, %mul3A_369 : vector<16xf32>
        %swap3A_371 = arith.index_cast %add3A_340 : i32 to index
        %swap3A_372 = arith.constant 32 : index
        %swap3A_373 = tpu.vector_load %arg12[%swap3A_371, %swap3A_372] {strides = array<i32>} : memref<64x128xf32, #tpu.memory_space<vmem>>, vector<1x16xf32>,
        %swap3A_374 = vector.shape_cast %swap3A_373 : vector<1x16xf32> to vector<16xf32>
        %swap3A_375 = vector.shape_cast %mul3A_370 : vector<16xf32> to vector<1x16xf32>
        tpu.vector_store %arg12[%swap3A_371, %swap3A_372], %swap3A_375 {strides = array<i32>} : memref<64x128xf32, #tpu.memory_space<vmem>>, vector<1x16xf32>,
        %get3A_376 = arith.index_cast %add3A_340 : i32 to index
        %get3A_377 = arith.constant 48 : index
        %get3A_378 = tpu.vector_load %arg12[%get3A_376, %get3A_377] {strides = array<i32>} : memref<64x128xf32, #tpu.memory_space<vmem>>, vector<1x16xf32>,
        %get3A_379 = vector.shape_cast %get3A_378 : vector<1x16xf32> to vector<16xf32>
        %mul3A_380 = vector.broadcast %squeeze3A_342 : f32 to vector<16xf32>
        %mul3A_381 = arith.mulf %get3A_379, %mul3A_380 : vector<16xf32>
        %swap3A_382 = arith.index_cast %add3A_340 : i32 to index
        %swap3A_383 = arith.constant 48 : index
        %swap3A_384 = tpu.vector_load %arg12[%swap3A_382, %swap3A_383] {strides = array<i32>} : memref<64x128xf32, #tpu.memory_space<vmem>>, vector<1x16xf32>,
        %swap3A_385 = vector.shape_cast %swap3A_384 : vector<1x16xf32> to vector<16xf32>
        %swap3A_386 = vector.shape_cast %mul3A_381 : vector<16xf32> to vector<1x16xf32>
        tpu.vector_store %arg12[%swap3A_382, %swap3A_383], %swap3A_386 {strides = array<i32>} : memref<64x128xf32, #tpu.memory_space<vmem>>, vector<1x16xf32>,
        %get3A_387 = arith.index_cast %add3A_340 : i32 to index
        %get3A_388 = arith.constant 64 : index
        %get3A_389 = tpu.vector_load %arg12[%get3A_387, %get3A_388] {strides = array<i32>} : memref<64x128xf32, #tpu.memory_space<vmem>>, vector<1x16xf32>,
        %get3A_390 = vector.shape_cast %get3A_389 : vector<1x16xf32> to vector<16xf32>
        %mul3A_391 = vector.broadcast %squeeze3A_342 : f32 to vector<16xf32>
        %mul3A_392 = arith.mulf %get3A_390, %mul3A_391 : vector<16xf32>
        %swap3A_393 = arith.index_cast %add3A_340 : i32 to index
        %swap3A_394 = arith.constant 64 : index
        %swap3A_395 = tpu.vector_load %arg12[%swap3A_393, %swap3A_394] {strides = array<i32>} : memref<64x128xf32, #tpu.memory_space<vmem>>, vector<1x16xf32>,
        %swap3A_396 = vector.shape_cast %swap3A_395 : vector<1x16xf32> to vector<16xf32>
        %swap3A_397 = vector.shape_cast %mul3A_392 : vector<16xf32> to vector<1x16xf32>
        tpu.vector_store %arg12[%swap3A_393, %swap3A_394], %swap3A_397 {strides = array<i32>} : memref<64x128xf32, #tpu.memory_space<vmem>>, vector<1x16xf32>,
        %get3A_398 = arith.index_cast %add3A_340 : i32 to index
        %get3A_399 = arith.constant 80 : index
        %get3A_400 = tpu.vector_load %arg12[%get3A_398, %get3A_399] {strides = array<i32>} : memref<64x128xf32, #tpu.memory_space<vmem>>, vector<1x16xf32>,
        %get3A_401 = vector.shape_cast %get3A_400 : vector<1x16xf32> to vector<16xf32>
        %mul3A_402 = vector.broadcast %squeeze3A_342 : f32 to vector<16xf32>
        %mul3A_403 = arith.mulf %get3A_401, %mul3A_402 : vector<16xf32>
        %swap3A_404 = arith.index_cast %add3A_340 : i32 to index
        %swap3A_405 = arith.constant 80 : index
        %swap3A_406 = tpu.vector_load %arg12[%swap3A_404, %swap3A_405] {strides = array<i32>} : memref<64x128xf32, #tpu.memory_space<vmem>>, vector<1x16xf32>,
        %swap3A_407 = vector.shape_cast %swap3A_406 : vector<1x16xf32> to vector<16xf32>
        %swap3A_408 = vector.shape_cast %mul3A_403 : vector<16xf32> to vector<1x16xf32>
        tpu.vector_store %arg12[%swap3A_404, %swap3A_405], %swap3A_408 {strides = array<i32>} : memref<64x128xf32, #tpu.memory_space<vmem>>, vector<1x16xf32>,
        %get3A_409 = arith.index_cast %add3A_340 : i32 to index
        %get3A_410 = arith.constant 96 : index
        %get3A_411 = tpu.vector_load %arg12[%get3A_409, %get3A_410] {strides = array<i32>} : memref<64x128xf32, #tpu.memory_space<vmem>>, vector<1x16xf32>,
        %get3A_412 = vector.shape_cast %get3A_411 : vector<1x16xf32> to vector<16xf32>
        %mul3A_413 = vector.broadcast %squeeze3A_342 : f32 to vector<16xf32>
        %mul3A_414 = arith.mulf %get3A_412, %mul3A_413 : vector<16xf32>
        %swap3A_415 = arith.index_cast %add3A_340 : i32 to index
        %swap3A_416 = arith.constant 96 : index
        %swap3A_417 = tpu.vector_load %arg12[%swap3A_415, %swap3A_416] {strides = array<i32>} : memref<64x128xf32, #tpu.memory_space<vmem>>, vector<1x16xf32>,
        %swap3A_418 = vector.shape_cast %swap3A_417 : vector<1x16xf32> to vector<16xf32>
        %swap3A_419 = vector.shape_cast %mul3A_414 : vector<16xf32> to vector<1x16xf32>
        tpu.vector_store %arg12[%swap3A_415, %swap3A_416], %swap3A_419 {strides = array<i32>} : memref<64x128xf32, #tpu.memory_space<vmem>>, vector<1x16xf32>,
        %get3A_420 = arith.index_cast %add3A_340 : i32 to index
        %get3A_421 = arith.constant 112 : index
        %get3A_422 = tpu.vector_load %arg12[%get3A_420, %get3A_421] {strides = array<i32>} : memref<64x128xf32, #tpu.memory_space<vmem>>, vector<1x16xf32>,
        %get3A_423 = vector.shape_cast %get3A_422 : vector<1x16xf32> to vector<16xf32>
        %mul3A_424 = vector.broadcast %squeeze3A_342 : f32 to vector<16xf32>
        %mul3A_425 = arith.mulf %get3A_423, %mul3A_424 : vector<16xf32>
        %swap3A_426 = arith.index_cast %add3A_340 : i32 to index
        %swap3A_427 = arith.constant 112 : index
        %swap3A_428 = tpu.vector_load %arg12[%swap3A_426, %swap3A_427] {strides = array<i32>} : memref<64x128xf32, #tpu.memory_space<vmem>>, vector<1x16xf32>,
        %swap3A_429 = vector.shape_cast %swap3A_428 : vector<1x16xf32> to vector<16xf32>
        %swap3A_430 = vector.shape_cast %mul3A_425 : vector<16xf32> to vector<1x16xf32>
        tpu.vector_store %arg12[%swap3A_426, %swap3A_427], %swap3A_430 {strides = array<i32>} : memref<64x128xf32, #tpu.memory_space<vmem>>, vector<1x16xf32>,
        %mul3A_431 = arith.constant 16 : i32
        %mul3A_432 = arith.muli %scan3A_232, %mul3A_431 : i32
        %add3A_433 = arith.constant 2 : i32
        %add3A_434 = arith.addi %mul3A_432, %add3A_433 : i32
        %slice3A_435 = vector.extract_strided_slice %select_n3A {offsets = [2], sizes = [1], strides = [1]} : vector<16xf32> to vector<1xf32>
        %squeeze3A_436 = vector.extract %slice3A_435[0] : f32 from vector<1xf32>
        %get3A_437 = arith.index_cast %add3A_434 : i32 to index
        %get3A_438 = arith.constant 0 : index
        %get3A_439 = tpu.vector_load %arg12[%get3A_437, %get3A_438] {strides = array<i32>} : memref<64x128xf32, #tpu.memory_space<vmem>>, vector<1x16xf32>,
        %get3A_440 = vector.shape_cast %get3A_439 : vector<1x16xf32> to vector<16xf32>
        %mul3A_441 = vector.broadcast %squeeze3A_436 : f32 to vector<16xf32>
        %mul3A_442 = arith.mulf %get3A_440, %mul3A_441 : vector<16xf32>
        %swap3A_443 = arith.index_cast %add3A_434 : i32 to index
        %swap3A_444 = arith.constant 0 : index
        %swap3A_445 = tpu.vector_load %arg12[%swap3A_443, %swap3A_444] {strides = array<i32>} : memref<64x128xf32, #tpu.memory_space<vmem>>, vector<1x16xf32>,
        %swap3A_446 = vector.shape_cast %swap3A_445 : vector<1x16xf32> to vector<16xf32>
        %swap3A_447 = vector.shape_cast %mul3A_442 : vector<16xf32> to vector<1x16xf32>
        tpu.vector_store %arg12[%swap3A_443, %swap3A_444], %swap3A_447 {strides = array<i32>} : memref<64x128xf32, #tpu.memory_space<vmem>>, vector<1x16xf32>,
        %get3A_448 = arith.index_cast %add3A_434 : i32 to index
        %get3A_449 = arith.constant 16 : index
        %get3A_450 = tpu.vector_load %arg12[%get3A_448, %get3A_449] {strides = array<i32>} : memref<64x128xf32, #tpu.memory_space<vmem>>, vector<1x16xf32>,
        %get3A_451 = vector.shape_cast %get3A_450 : vector<1x16xf32> to vector<16xf32>
        %mul3A_452 = vector.broadcast %squeeze3A_436 : f32 to vector<16xf32>
        %mul3A_453 = arith.mulf %get3A_451, %mul3A_452 : vector<16xf32>
        %swap3A_454 = arith.index_cast %add3A_434 : i32 to index
        %swap3A_455 = arith.constant 16 : index
        %swap3A_456 = tpu.vector_load %arg12[%swap3A_454, %swap3A_455] {strides = array<i32>} : memref<64x128xf32, #tpu.memory_space<vmem>>, vector<1x16xf32>,
        %swap3A_457 = vector.shape_cast %swap3A_456 : vector<1x16xf32> to vector<16xf32>
        %swap3A_458 = vector.shape_cast %mul3A_453 : vector<16xf32> to vector<1x16xf32>
        tpu.vector_store %arg12[%swap3A_454, %swap3A_455], %swap3A_458 {strides = array<i32>} : memref<64x128xf32, #tpu.memory_space<vmem>>, vector<1x16xf32>,
        %get3A_459 = arith.index_cast %add3A_434 : i32 to index
        %get3A_460 = arith.constant 32 : index
        %get3A_461 = tpu.vector_load %arg12[%get3A_459, %get3A_460] {strides = array<i32>} : memref<64x128xf32, #tpu.memory_space<vmem>>, vector<1x16xf32>,
        %get3A_462 = vector.shape_cast %get3A_461 : vector<1x16xf32> to vector<16xf32>
        %mul3A_463 = vector.broadcast %squeeze3A_436 : f32 to vector<16xf32>
        %mul3A_464 = arith.mulf %get3A_462, %mul3A_463 : vector<16xf32>
        %swap3A_465 = arith.index_cast %add3A_434 : i32 to index
        %swap3A_466 = arith.constant 32 : index
        %swap3A_467 = tpu.vector_load %arg12[%swap3A_465, %swap3A_466] {strides = array<i32>} : memref<64x128xf32, #tpu.memory_space<vmem>>, vector<1x16xf32>,
        %swap3A_468 = vector.shape_cast %swap3A_467 : vector<1x16xf32> to vector<16xf32>
        %swap3A_469 = vector.shape_cast %mul3A_464 : vector<16xf32> to vector<1x16xf32>
        tpu.vector_store %arg12[%swap3A_465, %swap3A_466], %swap3A_469 {strides = array<i32>} : memref<64x128xf32, #tpu.memory_space<vmem>>, vector<1x16xf32>,
        %get3A_470 = arith.index_cast %add3A_434 : i32 to index
        %get3A_471 = arith.constant 48 : index
        %get3A_472 = tpu.vector_load %arg12[%get3A_470, %get3A_471] {strides = array<i32>} : memref<64x128xf32, #tpu.memory_space<vmem>>, vector<1x16xf32>,
        %get3A_473 = vector.shape_cast %get3A_472 : vector<1x16xf32> to vector<16xf32>
        %mul3A_474 = vector.broadcast %squeeze3A_436 : f32 to vector<16xf32>
        %mul3A_475 = arith.mulf %get3A_473, %mul3A_474 : vector<16xf32>
        %swap3A_476 = arith.index_cast %add3A_434 : i32 to index
        %swap3A_477 = arith.constant 48 : index
        %swap3A_478 = tpu.vector_load %arg12[%swap3A_476, %swap3A_477] {strides = array<i32>} : memref<64x128xf32, #tpu.memory_space<vmem>>, vector<1x16xf32>,
        %swap3A_479 = vector.shape_cast %swap3A_478 : vector<1x16xf32> to vector<16xf32>
        %swap3A_480 = vector.shape_cast %mul3A_475 : vector<16xf32> to vector<1x16xf32>
        tpu.vector_store %arg12[%swap3A_476, %swap3A_477], %swap3A_480 {strides = array<i32>} : memref<64x128xf32, #tpu.memory_space<vmem>>, vector<1x16xf32>,
        %get3A_481 = arith.index_cast %add3A_434 : i32 to index
        %get3A_482 = arith.constant 64 : index
        %get3A_483 = tpu.vector_load %arg12[%get3A_481, %get3A_482] {strides = array<i32>} : memref<64x128xf32, #tpu.memory_space<vmem>>, vector<1x16xf32>,
        %get3A_484 = vector.shape_cast %get3A_483 : vector<1x16xf32> to vector<16xf32>
        %mul3A_485 = vector.broadcast %squeeze3A_436 : f32 to vector<16xf32>
        %mul3A_486 = arith.mulf %get3A_484, %mul3A_485 : vector<16xf32>
        %swap3A_487 = arith.index_cast %add3A_434 : i32 to index
        %swap3A_488 = arith.constant 64 : index
        %swap3A_489 = tpu.vector_load %arg12[%swap3A_487, %swap3A_488] {strides = array<i32>} : memref<64x128xf32, #tpu.memory_space<vmem>>, vector<1x16xf32>,
        %swap3A_490 = vector.shape_cast %swap3A_489 : vector<1x16xf32> to vector<16xf32>
        %swap3A_491 = vector.shape_cast %mul3A_486 : vector<16xf32> to vector<1x16xf32>
        tpu.vector_store %arg12[%swap3A_487, %swap3A_488], %swap3A_491 {strides = array<i32>} : memref<64x128xf32, #tpu.memory_space<vmem>>, vector<1x16xf32>,
        %get3A_492 = arith.index_cast %add3A_434 : i32 to index
        %get3A_493 = arith.constant 80 : index
        %get3A_494 = tpu.vector_load %arg12[%get3A_492, %get3A_493] {strides = array<i32>} : memref<64x128xf32, #tpu.memory_space<vmem>>, vector<1x16xf32>,
        %get3A_495 = vector.shape_cast %get3A_494 : vector<1x16xf32> to vector<16xf32>
        %mul3A_496 = vector.broadcast %squeeze3A_436 : f32 to vector<16xf32>
        %mul3A_497 = arith.mulf %get3A_495, %mul3A_496 : vector<16xf32>
        %swap3A_498 = arith.index_cast %add3A_434 : i32 to index
        %swap3A_499 = arith.constant 80 : index
        %swap3A_500 = tpu.vector_load %arg12[%swap3A_498, %swap3A_499] {strides = array<i32>} : memref<64x128xf32, #tpu.memory_space<vmem>>, vector<1x16xf32>,
        %swap3A_501 = vector.shape_cast %swap3A_500 : vector<1x16xf32> to vector<16xf32>
        %swap3A_502 = vector.shape_cast %mul3A_497 : vector<16xf32> to vector<1x16xf32>
        tpu.vector_store %arg12[%swap3A_498, %swap3A_499], %swap3A_502 {strides = array<i32>} : memref<64x128xf32, #tpu.memory_space<vmem>>, vector<1x16xf32>,
        %get3A_503 = arith.index_cast %add3A_434 : i32 to index
        %get3A_504 = arith.constant 96 : index
        %get3A_505 = tpu.vector_load %arg12[%get3A_503, %get3A_504] {strides = array<i32>} : memref<64x128xf32, #tpu.memory_space<vmem>>, vector<1x16xf32>,
        %get3A_506 = vector.shape_cast %get3A_505 : vector<1x16xf32> to vector<16xf32>
        %mul3A_507 = vector.broadcast %squeeze3A_436 : f32 to vector<16xf32>
        %mul3A_508 = arith.mulf %get3A_506, %mul3A_507 : vector<16xf32>
        %swap3A_509 = arith.index_cast %add3A_434 : i32 to index
        %swap3A_510 = arith.constant 96 : index
        %swap3A_511 = tpu.vector_load %arg12[%swap3A_509, %swap3A_510] {strides = array<i32>} : memref<64x128xf32, #tpu.memory_space<vmem>>, vector<1x16xf32>,
        %swap3A_512 = vector.shape_cast %swap3A_511 : vector<1x16xf32> to vector<16xf32>
        %swap3A_513 = vector.shape_cast %mul3A_508 : vector<16xf32> to vector<1x16xf32>
        tpu.vector_store %arg12[%swap3A_509, %swap3A_510], %swap3A_513 {strides = array<i32>} : memref<64x128xf32, #tpu.memory_space<vmem>>, vector<1x16xf32>,
        %get3A_514 = arith.index_cast %add3A_434 : i32 to index
        %get3A_515 = arith.constant 112 : index
        %get3A_516 = tpu.vector_load %arg12[%get3A_514, %get3A_515] {strides = array<i32>} : memref<64x128xf32, #tpu.memory_space<vmem>>, vector<1x16xf32>,
        %get3A_517 = vector.shape_cast %get3A_516 : vector<1x16xf32> to vector<16xf32>
        %mul3A_518 = vector.broadcast %squeeze3A_436 : f32 to vector<16xf32>
        %mul3A_519 = arith.mulf %get3A_517, %mul3A_518 : vector<16xf32>
        %swap3A_520 = arith.index_cast %add3A_434 : i32 to index
        %swap3A_521 = arith.constant 112 : index
        %swap3A_522 = tpu.vector_load %arg12[%swap3A_520, %swap3A_521] {strides = array<i32>} : memref<64x128xf32, #tpu.memory_space<vmem>>, vector<1x16xf32>,
        %swap3A_523 = vector.shape_cast %swap3A_522 : vector<1x16xf32> to vector<16xf32>
        %swap3A_524 = vector.shape_cast %mul3A_519 : vector<16xf32> to vector<1x16xf32>
        tpu.vector_store %arg12[%swap3A_520, %swap3A_521], %swap3A_524 {strides = array<i32>} : memref<64x128xf32, #tpu.memory_space<vmem>>, vector<1x16xf32>,
        %mul3A_525 = arith.constant 16 : i32
        %mul3A_526 = arith.muli %scan3A_232, %mul3A_525 : i32
        %add3A_527 = arith.constant 3 : i32
        %add3A_528 = arith.addi %mul3A_526, %add3A_527 : i32
        %slice3A_529 = vector.extract_strided_slice %select_n3A {offsets = [3], sizes = [1], strides = [1]} : vector<16xf32> to vector<1xf32>
        %squeeze3A_530 = vector.extract %slice3A_529[0] : f32 from vector<1xf32>
        %get3A_531 = arith.index_cast %add3A_528 : i32 to index
        %get3A_532 = arith.constant 0 : index
        %get3A_533 = tpu.vector_load %arg12[%get3A_531, %get3A_532] {strides = array<i32>} : memref<64x128xf32, #tpu.memory_space<vmem>>, vector<1x16xf32>,
        %get3A_534 = vector.shape_cast %get3A_533 : vector<1x16xf32> to vector<16xf32>
        %mul3A_535 = vector.broadcast %squeeze3A_530 : f32 to vector<16xf32>
        %mul3A_536 = arith.mulf %get3A_534, %mul3A_535 : vector<16xf32>
        %swap3A_537 = arith.index_cast %add3A_528 : i32 to index
        %swap3A_538 = arith.constant 0 : index
        %swap3A_539 = tpu.vector_load %arg12[%swap3A_537, %swap3A_538] {strides = array<i32>} : memref<64x128xf32, #tpu.memory_space<vmem>>, vector<1x16xf32>,
        %swap3A_540 = vector.shape_cast %swap3A_539 : vector<1x16xf32> to vector<16xf32>
        %swap3A_541 = vector.shape_cast %mul3A_536 : vector<16xf32> to vector<1x16xf32>
        tpu.vector_store %arg12[%swap3A_537, %swap3A_538], %swap3A_541 {strides = array<i32>} : memref<64x128xf32, #tpu.memory_space<vmem>>, vector<1x16xf32>,
        %get3A_542 = arith.index_cast %add3A_528 : i32 to index
        %get3A_543 = arith.constant 16 : index
        %get3A_544 = tpu.vector_load %arg12[%get3A_542, %get3A_543] {strides = array<i32>} : memref<64x128xf32, #tpu.memory_space<vmem>>, vector<1x16xf32>,
        %get3A_545 = vector.shape_cast %get3A_544 : vector<1x16xf32> to vector<16xf32>
        %mul3A_546 = vector.broadcast %squeeze3A_530 : f32 to vector<16xf32>
        %mul3A_547 = arith.mulf %get3A_545, %mul3A_546 : vector<16xf32>
        %swap3A_548 = arith.index_cast %add3A_528 : i32 to index
        %swap3A_549 = arith.constant 16 : index
        %swap3A_550 = tpu.vector_load %arg12[%swap3A_548, %swap3A_549] {strides = array<i32>} : memref<64x128xf32, #tpu.memory_space<vmem>>, vector<1x16xf32>,
        %swap3A_551 = vector.shape_cast %swap3A_550 : vector<1x16xf32> to vector<16xf32>
        %swap3A_552 = vector.shape_cast %mul3A_547 : vector<16xf32> to vector<1x16xf32>
        tpu.vector_store %arg12[%swap3A_548, %swap3A_549], %swap3A_552 {strides = array<i32>} : memref<64x128xf32, #tpu.memory_space<vmem>>, vector<1x16xf32>,
        %get3A_553 = arith.index_cast %add3A_528 : i32 to index
        %get3A_554 = arith.constant 32 : index
        %get3A_555 = tpu.vector_load %arg12[%get3A_553, %get3A_554] {strides = array<i32>} : memref<64x128xf32, #tpu.memory_space<vmem>>, vector<1x16xf32>,
        %get3A_556 = vector.shape_cast %get3A_555 : vector<1x16xf32> to vector<16xf32>
        %mul3A_557 = vector.broadcast %squeeze3A_530 : f32 to vector<16xf32>
        %mul3A_558 = arith.mulf %get3A_556, %mul3A_557 : vector<16xf32>
        %swap3A_559 = arith.index_cast %add3A_528 : i32 to index
        %swap3A_560 = arith.constant 32 : index
        %swap3A_561 = tpu.vector_load %arg12[%swap3A_559, %swap3A_560] {strides = array<i32>} : memref<64x128xf32, #tpu.memory_space<vmem>>, vector<1x16xf32>,
        %swap3A_562 = vector.shape_cast %swap3A_561 : vector<1x16xf32> to vector<16xf32>
        %swap3A_563 = vector.shape_cast %mul3A_558 : vector<16xf32> to vector<1x16xf32>
        tpu.vector_store %arg12[%swap3A_559, %swap3A_560], %swap3A_563 {strides = array<i32>} : memref<64x128xf32, #tpu.memory_space<vmem>>, vector<1x16xf32>,
        %get3A_564 = arith.index_cast %add3A_528 : i32 to index
        %get3A_565 = arith.constant 48 : index
        %get3A_566 = tpu.vector_load %arg12[%get3A_564, %get3A_565] {strides = array<i32>} : memref<64x128xf32, #tpu.memory_space<vmem>>, vector<1x16xf32>,
        %get3A_567 = vector.shape_cast %get3A_566 : vector<1x16xf32> to vector<16xf32>
        %mul3A_568 = vector.broadcast %squeeze3A_530 : f32 to vector<16xf32>
        %mul3A_569 = arith.mulf %get3A_567, %mul3A_568 : vector<16xf32>
        %swap3A_570 = arith.index_cast %add3A_528 : i32 to index
        %swap3A_571 = arith.constant 48 : index
        %swap3A_572 = tpu.vector_load %arg12[%swap3A_570, %swap3A_571] {strides = array<i32>} : memref<64x128xf32, #tpu.memory_space<vmem>>, vector<1x16xf32>,
        %swap3A_573 = vector.shape_cast %swap3A_572 : vector<1x16xf32> to vector<16xf32>
        %swap3A_574 = vector.shape_cast %mul3A_569 : vector<16xf32> to vector<1x16xf32>
        tpu.vector_store %arg12[%swap3A_570, %swap3A_571], %swap3A_574 {strides = array<i32>} : memref<64x128xf32, #tpu.memory_space<vmem>>, vector<1x16xf32>,
        %get3A_575 = arith.index_cast %add3A_528 : i32 to index
        %get3A_576 = arith.constant 64 : index
        %get3A_577 = tpu.vector_load %arg12[%get3A_575, %get3A_576] {strides = array<i32>} : memref<64x128xf32, #tpu.memory_space<vmem>>, vector<1x16xf32>,
        %get3A_578 = vector.shape_cast %get3A_577 : vector<1x16xf32> to vector<16xf32>
        %mul3A_579 = vector.broadcast %squeeze3A_530 : f32 to vector<16xf32>
        %mul3A_580 = arith.mulf %get3A_578, %mul3A_579 : vector<16xf32>
        %swap3A_581 = arith.index_cast %add3A_528 : i32 to index
        %swap3A_582 = arith.constant 64 : index
        %swap3A_583 = tpu.vector_load %arg12[%swap3A_581, %swap3A_582] {strides = array<i32>} : memref<64x128xf32, #tpu.memory_space<vmem>>, vector<1x16xf32>,
        %swap3A_584 = vector.shape_cast %swap3A_583 : vector<1x16xf32> to vector<16xf32>
        %swap3A_585 = vector.shape_cast %mul3A_580 : vector<16xf32> to vector<1x16xf32>
        tpu.vector_store %arg12[%swap3A_581, %swap3A_582], %swap3A_585 {strides = array<i32>} : memref<64x128xf32, #tpu.memory_space<vmem>>, vector<1x16xf32>,
        %get3A_586 = arith.index_cast %add3A_528 : i32 to index
        %get3A_587 = arith.constant 80 : index
        %get3A_588 = tpu.vector_load %arg12[%get3A_586, %get3A_587] {strides = array<i32>} : memref<64x128xf32, #tpu.memory_space<vmem>>, vector<1x16xf32>,
        %get3A_589 = vector.shape_cast %get3A_588 : vector<1x16xf32> to vector<16xf32>
        %mul3A_590 = vector.broadcast %squeeze3A_530 : f32 to vector<16xf32>
        %mul3A_591 = arith.mulf %get3A_589, %mul3A_590 : vector<16xf32>
        %swap3A_592 = arith.index_cast %add3A_528 : i32 to index
        %swap3A_593 = arith.constant 80 : index
        %swap3A_594 = tpu.vector_load %arg12[%swap3A_592, %swap3A_593] {strides = array<i32>} : memref<64x128xf32, #tpu.memory_space<vmem>>, vector<1x16xf32>,
        %swap3A_595 = vector.shape_cast %swap3A_594 : vector<1x16xf32> to vector<16xf32>
        %swap3A_596 = vector.shape_cast %mul3A_591 : vector<16xf32> to vector<1x16xf32>
        tpu.vector_store %arg12[%swap3A_592, %swap3A_593], %swap3A_596 {strides = array<i32>} : memref<64x128xf32, #tpu.memory_space<vmem>>, vector<1x16xf32>,
        %get3A_597 = arith.index_cast %add3A_528 : i32 to index
        %get3A_598 = arith.constant 96 : index
        %get3A_599 = tpu.vector_load %arg12[%get3A_597, %get3A_598] {strides = array<i32>} : memref<64x128xf32, #tpu.memory_space<vmem>>, vector<1x16xf32>,
        %get3A_600 = vector.shape_cast %get3A_599 : vector<1x16xf32> to vector<16xf32>
        %mul3A_601 = vector.broadcast %squeeze3A_530 : f32 to vector<16xf32>
        %mul3A_602 = arith.mulf %get3A_600, %mul3A_601 : vector<16xf32>
        %swap3A_603 = arith.index_cast %add3A_528 : i32 to index
        %swap3A_604 = arith.constant 96 : index
        %swap3A_605 = tpu.vector_load %arg12[%swap3A_603, %swap3A_604] {strides = array<i32>} : memref<64x128xf32, #tpu.memory_space<vmem>>, vector<1x16xf32>,
        %swap3A_606 = vector.shape_cast %swap3A_605 : vector<1x16xf32> to vector<16xf32>
        %swap3A_607 = vector.shape_cast %mul3A_602 : vector<16xf32> to vector<1x16xf32>
        tpu.vector_store %arg12[%swap3A_603, %swap3A_604], %swap3A_607 {strides = array<i32>} : memref<64x128xf32, #tpu.memory_space<vmem>>, vector<1x16xf32>,
        %get3A_608 = arith.index_cast %add3A_528 : i32 to index
        %get3A_609 = arith.constant 112 : index
        %get3A_610 = tpu.vector_load %arg12[%get3A_608, %get3A_609] {strides = array<i32>} : memref<64x128xf32, #tpu.memory_space<vmem>>, vector<1x16xf32>,
        %get3A_611 = vector.shape_cast %get3A_610 : vector<1x16xf32> to vector<16xf32>
        %mul3A_612 = vector.broadcast %squeeze3A_530 : f32 to vector<16xf32>
        %mul3A_613 = arith.mulf %get3A_611, %mul3A_612 : vector<16xf32>
        %swap3A_614 = arith.index_cast %add3A_528 : i32 to index
        %swap3A_615 = arith.constant 112 : index
        %swap3A_616 = tpu.vector_load %arg12[%swap3A_614, %swap3A_615] {strides = array<i32>} : memref<64x128xf32, #tpu.memory_space<vmem>>, vector<1x16xf32>,
        %swap3A_617 = vector.shape_cast %swap3A_616 : vector<1x16xf32> to vector<16xf32>
        %swap3A_618 = vector.shape_cast %mul3A_613 : vector<16xf32> to vector<1x16xf32>
        tpu.vector_store %arg12[%swap3A_614, %swap3A_615], %swap3A_618 {strides = array<i32>} : memref<64x128xf32, #tpu.memory_space<vmem>>, vector<1x16xf32>,
        %mul3A_619 = arith.constant 16 : i32
        %mul3A_620 = arith.muli %scan3A_232, %mul3A_619 : i32
        %add3A_621 = arith.constant 4 : i32
        %add3A_622 = arith.addi %mul3A_620, %add3A_621 : i32
        %slice3A_623 = vector.extract_strided_slice %select_n3A {offsets = [4], sizes = [1], strides = [1]} : vector<16xf32> to vector<1xf32>
        %squeeze3A_624 = vector.extract %slice3A_623[0] : f32 from vector<1xf32>
        %get3A_625 = arith.index_cast %add3A_622 : i32 to index
        %get3A_626 = arith.constant 0 : index
        %get3A_627 = tpu.vector_load %arg12[%get3A_625, %get3A_626] {strides = array<i32>} : memref<64x128xf32, #tpu.memory_space<vmem>>, vector<1x16xf32>,
        %get3A_628 = vector.shape_cast %get3A_627 : vector<1x16xf32> to vector<16xf32>
        %mul3A_629 = vector.broadcast %squeeze3A_624 : f32 to vector<16xf32>
        %mul3A_630 = arith.mulf %get3A_628, %mul3A_629 : vector<16xf32>
        %swap3A_631 = arith.index_cast %add3A_622 : i32 to index
        %swap3A_632 = arith.constant 0 : index
        %swap3A_633 = tpu.vector_load %arg12[%swap3A_631, %swap3A_632] {strides = array<i32>} : memref<64x128xf32, #tpu.memory_space<vmem>>, vector<1x16xf32>,
        %swap3A_634 = vector.shape_cast %swap3A_633 : vector<1x16xf32> to vector<16xf32>
        %swap3A_635 = vector.shape_cast %mul3A_630 : vector<16xf32> to vector<1x16xf32>
        tpu.vector_store %arg12[%swap3A_631, %swap3A_632], %swap3A_635 {strides = array<i32>} : memref<64x128xf32, #tpu.memory_space<vmem>>, vector<1x16xf32>,
        %get3A_636 = arith.index_cast %add3A_622 : i32 to index
        %get3A_637 = arith.constant 16 : index
        %get3A_638 = tpu.vector_load %arg12[%get3A_636, %get3A_637] {strides = array<i32>} : memref<64x128xf32, #tpu.memory_space<vmem>>, vector<1x16xf32>,
        %get3A_639 = vector.shape_cast %get3A_638 : vector<1x16xf32> to vector<16xf32>
        %mul3A_640 = vector.broadcast %squeeze3A_624 : f32 to vector<16xf32>
        %mul3A_641 = arith.mulf %get3A_639, %mul3A_640 : vector<16xf32>
        %swap3A_642 = arith.index_cast %add3A_622 : i32 to index
        %swap3A_643 = arith.constant 16 : index
        %swap3A_644 = tpu.vector_load %arg12[%swap3A_642, %swap3A_643] {strides = array<i32>} : memref<64x128xf32, #tpu.memory_space<vmem>>, vector<1x16xf32>,
        %swap3A_645 = vector.shape_cast %swap3A_644 : vector<1x16xf32> to vector<16xf32>
        %swap3A_646 = vector.shape_cast %mul3A_641 : vector<16xf32> to vector<1x16xf32>
        tpu.vector_store %arg12[%swap3A_642, %swap3A_643], %swap3A_646 {strides = array<i32>} : memref<64x128xf32, #tpu.memory_space<vmem>>, vector<1x16xf32>,
        %get3A_647 = arith.index_cast %add3A_622 : i32 to index
        %get3A_648 = arith.constant 32 : index
        %get3A_649 = tpu.vector_load %arg12[%get3A_647, %get3A_648] {strides = array<i32>} : memref<64x128xf32, #tpu.memory_space<vmem>>, vector<1x16xf32>,
        %get3A_650 = vector.shape_cast %get3A_649 : vector<1x16xf32> to vector<16xf32>
        %mul3A_651 = vector.broadcast %squeeze3A_624 : f32 to vector<16xf32>
        %mul3A_652 = arith.mulf %get3A_650, %mul3A_651 : vector<16xf32>
        %swap3A_653 = arith.index_cast %add3A_622 : i32 to index
        %swap3A_654 = arith.constant 32 : index
        %swap3A_655 = tpu.vector_load %arg12[%swap3A_653, %swap3A_654] {strides = array<i32>} : memref<64x128xf32, #tpu.memory_space<vmem>>, vector<1x16xf32>,
        %swap3A_656 = vector.shape_cast %swap3A_655 : vector<1x16xf32> to vector<16xf32>
        %swap3A_657 = vector.shape_cast %mul3A_652 : vector<16xf32> to vector<1x16xf32>
        tpu.vector_store %arg12[%swap3A_653, %swap3A_654], %swap3A_657 {strides = array<i32>} : memref<64x128xf32, #tpu.memory_space<vmem>>, vector<1x16xf32>,
        %get3A_658 = arith.index_cast %add3A_622 : i32 to index
        %get3A_659 = arith.constant 48 : index
        %get3A_660 = tpu.vector_load %arg12[%get3A_658, %get3A_659] {strides = array<i32>} : memref<64x128xf32, #tpu.memory_space<vmem>>, vector<1x16xf32>,
        %get3A_661 = vector.shape_cast %get3A_660 : vector<1x16xf32> to vector<16xf32>
        %mul3A_662 = vector.broadcast %squeeze3A_624 : f32 to vector<16xf32>
        %mul3A_663 = arith.mulf %get3A_661, %mul3A_662 : vector<16xf32>
        %swap3A_664 = arith.index_cast %add3A_622 : i32 to index
        %swap3A_665 = arith.constant 48 : index
        %swap3A_666 = tpu.vector_load %arg12[%swap3A_664, %swap3A_665] {strides = array<i32>} : memref<64x128xf32, #tpu.memory_space<vmem>>, vector<1x16xf32>,
        %swap3A_667 = vector.shape_cast %swap3A_666 : vector<1x16xf32> to vector<16xf32>
        %swap3A_668 = vector.shape_cast %mul3A_663 : vector<16xf32> to vector<1x16xf32>
        tpu.vector_store %arg12[%swap3A_664, %swap3A_665], %swap3A_668 {strides = array<i32>} : memref<64x128xf32, #tpu.memory_space<vmem>>, vector<1x16xf32>,
        %get3A_669 = arith.index_cast %add3A_622 : i32 to index
        %get3A_670 = arith.constant 64 : index
        %get3A_671 = tpu.vector_load %arg12[%get3A_669, %get3A_670] {strides = array<i32>} : memref<64x128xf32, #tpu.memory_space<vmem>>, vector<1x16xf32>,
        %get3A_672 = vector.shape_cast %get3A_671 : vector<1x16xf32> to vector<16xf32>
        %mul3A_673 = vector.broadcast %squeeze3A_624 : f32 to vector<16xf32>
        %mul3A_674 = arith.mulf %get3A_672, %mul3A_673 : vector<16xf32>
        %swap3A_675 = arith.index_cast %add3A_622 : i32 to index
        %swap3A_676 = arith.constant 64 : index
        %swap3A_677 = tpu.vector_load %arg12[%swap3A_675, %swap3A_676] {strides = array<i32>} : memref<64x128xf32, #tpu.memory_space<vmem>>, vector<1x16xf32>,
        %swap3A_678 = vector.shape_cast %swap3A_677 : vector<1x16xf32> to vector<16xf32>
        %swap3A_679 = vector.shape_cast %mul3A_674 : vector<16xf32> to vector<1x16xf32>
        tpu.vector_store %arg12[%swap3A_675, %swap3A_676], %swap3A_679 {strides = array<i32>} : memref<64x128xf32, #tpu.memory_space<vmem>>, vector<1x16xf32>,
        %get3A_680 = arith.index_cast %add3A_622 : i32 to index
        %get3A_681 = arith.constant 80 : index
        %get3A_682 = tpu.vector_load %arg12[%get3A_680, %get3A_681] {strides = array<i32>} : memref<64x128xf32, #tpu.memory_space<vmem>>, vector<1x16xf32>,
        %get3A_683 = vector.shape_cast %get3A_682 : vector<1x16xf32> to vector<16xf32>
        %mul3A_684 = vector.broadcast %squeeze3A_624 : f32 to vector<16xf32>
        %mul3A_685 = arith.mulf %get3A_683, %mul3A_684 : vector<16xf32>
        %swap3A_686 = arith.index_cast %add3A_622 : i32 to index
        %swap3A_687 = arith.constant 80 : index
        %swap3A_688 = tpu.vector_load %arg12[%swap3A_686, %swap3A_687] {strides = array<i32>} : memref<64x128xf32, #tpu.memory_space<vmem>>, vector<1x16xf32>,
        %swap3A_689 = vector.shape_cast %swap3A_688 : vector<1x16xf32> to vector<16xf32>
        %swap3A_690 = vector.shape_cast %mul3A_685 : vector<16xf32> to vector<1x16xf32>
        tpu.vector_store %arg12[%swap3A_686, %swap3A_687], %swap3A_690 {strides = array<i32>} : memref<64x128xf32, #tpu.memory_space<vmem>>, vector<1x16xf32>,
        %get3A_691 = arith.index_cast %add3A_622 : i32 to index
        %get3A_692 = arith.constant 96 : index
        %get3A_693 = tpu.vector_load %arg12[%get3A_691, %get3A_692] {strides = array<i32>} : memref<64x128xf32, #tpu.memory_space<vmem>>, vector<1x16xf32>,
        %get3A_694 = vector.shape_cast %get3A_693 : vector<1x16xf32> to vector<16xf32>
        %mul3A_695 = vector.broadcast %squeeze3A_624 : f32 to vector<16xf32>
        %mul3A_696 = arith.mulf %get3A_694, %mul3A_695 : vector<16xf32>
        %swap3A_697 = arith.index_cast %add3A_622 : i32 to index
        %swap3A_698 = arith.constant 96 : index
        %swap3A_699 = tpu.vector_load %arg12[%swap3A_697, %swap3A_698] {strides = array<i32>} : memref<64x128xf32, #tpu.memory_space<vmem>>, vector<1x16xf32>,
        %swap3A_700 = vector.shape_cast %swap3A_699 : vector<1x16xf32> to vector<16xf32>
        %swap3A_701 = vector.shape_cast %mul3A_696 : vector<16xf32> to vector<1x16xf32>
        tpu.vector_store %arg12[%swap3A_697, %swap3A_698], %swap3A_701 {strides = array<i32>} : memref<64x128xf32, #tpu.memory_space<vmem>>, vector<1x16xf32>,
        %get3A_702 = arith.index_cast %add3A_622 : i32 to index
        %get3A_703 = arith.constant 112 : index
        %get3A_704 = tpu.vector_load %arg12[%get3A_702, %get3A_703] {strides = array<i32>} : memref<64x128xf32, #tpu.memory_space<vmem>>, vector<1x16xf32>,
        %get3A_705 = vector.shape_cast %get3A_704 : vector<1x16xf32> to vector<16xf32>
        %mul3A_706 = vector.broadcast %squeeze3A_624 : f32 to vector<16xf32>
        %mul3A_707 = arith.mulf %get3A_705, %mul3A_706 : vector<16xf32>
        %swap3A_708 = arith.index_cast %add3A_622 : i32 to index
        %swap3A_709 = arith.constant 112 : index
        %swap3A_710 = tpu.vector_load %arg12[%swap3A_708, %swap3A_709] {strides = array<i32>} : memref<64x128xf32, #tpu.memory_space<vmem>>, vector<1x16xf32>,
        %swap3A_711 = vector.shape_cast %swap3A_710 : vector<1x16xf32> to vector<16xf32>
        %swap3A_712 = vector.shape_cast %mul3A_707 : vector<16xf32> to vector<1x16xf32>
        tpu.vector_store %arg12[%swap3A_708, %swap3A_709], %swap3A_712 {strides = array<i32>} : memref<64x128xf32, #tpu.memory_space<vmem>>, vector<1x16xf32>,
        %mul3A_713 = arith.constant 16 : i32
        %mul3A_714 = arith.muli %scan3A_232, %mul3A_713 : i32
        %add3A_715 = arith.constant 5 : i32
        %add3A_716 = arith.addi %mul3A_714, %add3A_715 : i32
        %slice3A_717 = vector.extract_strided_slice %select_n3A {offsets = [5], sizes = [1], strides = [1]} : vector<16xf32> to vector<1xf32>
        %squeeze3A_718 = vector.extract %slice3A_717[0] : f32 from vector<1xf32>
        %get3A_719 = arith.index_cast %add3A_716 : i32 to index
        %get3A_720 = arith.constant 0 : index
        %get3A_721 = tpu.vector_load %arg12[%get3A_719, %get3A_720] {strides = array<i32>} : memref<64x128xf32, #tpu.memory_space<vmem>>, vector<1x16xf32>,
        %get3A_722 = vector.shape_cast %get3A_721 : vector<1x16xf32> to vector<16xf32>
        %mul3A_723 = vector.broadcast %squeeze3A_718 : f32 to vector<16xf32>
        %mul3A_724 = arith.mulf %get3A_722, %mul3A_723 : vector<16xf32>
        %swap3A_725 = arith.index_cast %add3A_716 : i32 to index
        %swap3A_726 = arith.constant 0 : index
        %swap3A_727 = tpu.vector_load %arg12[%swap3A_725, %swap3A_726] {strides = array<i32>} : memref<64x128xf32, #tpu.memory_space<vmem>>, vector<1x16xf32>,
        %swap3A_728 = vector.shape_cast %swap3A_727 : vector<1x16xf32> to vector<16xf32>
        %swap3A_729 = vector.shape_cast %mul3A_724 : vector<16xf32> to vector<1x16xf32>
        tpu.vector_store %arg12[%swap3A_725, %swap3A_726], %swap3A_729 {strides = array<i32>} : memref<64x128xf32, #tpu.memory_space<vmem>>, vector<1x16xf32>,
        %get3A_730 = arith.index_cast %add3A_716 : i32 to index
        %get3A_731 = arith.constant 16 : index
        %get3A_732 = tpu.vector_load %arg12[%get3A_730, %get3A_731] {strides = array<i32>} : memref<64x128xf32, #tpu.memory_space<vmem>>, vector<1x16xf32>,
        %get3A_733 = vector.shape_cast %get3A_732 : vector<1x16xf32> to vector<16xf32>
        %mul3A_734 = vector.broadcast %squeeze3A_718 : f32 to vector<16xf32>
        %mul3A_735 = arith.mulf %get3A_733, %mul3A_734 : vector<16xf32>
        %swap3A_736 = arith.index_cast %add3A_716 : i32 to index
        %swap3A_737 = arith.constant 16 : index
        %swap3A_738 = tpu.vector_load %arg12[%swap3A_736, %swap3A_737] {strides = array<i32>} : memref<64x128xf32, #tpu.memory_space<vmem>>, vector<1x16xf32>,
        %swap3A_739 = vector.shape_cast %swap3A_738 : vector<1x16xf32> to vector<16xf32>
        %swap3A_740 = vector.shape_cast %mul3A_735 : vector<16xf32> to vector<1x16xf32>
        tpu.vector_store %arg12[%swap3A_736, %swap3A_737], %swap3A_740 {strides = array<i32>} : memref<64x128xf32, #tpu.memory_space<vmem>>, vector<1x16xf32>,
        %get3A_741 = arith.index_cast %add3A_716 : i32 to index
        %get3A_742 = arith.constant 32 : index
        %get3A_743 = tpu.vector_load %arg12[%get3A_741, %get3A_742] {strides = array<i32>} : memref<64x128xf32, #tpu.memory_space<vmem>>, vector<1x16xf32>,
        %get3A_744 = vector.shape_cast %get3A_743 : vector<1x16xf32> to vector<16xf32>
        %mul3A_745 = vector.broadcast %squeeze3A_718 : f32 to vector<16xf32>
        %mul3A_746 = arith.mulf %get3A_744, %mul3A_745 : vector<16xf32>
        %swap3A_747 = arith.index_cast %add3A_716 : i32 to index
        %swap3A_748 = arith.constant 32 : index
        %swap3A_749 = tpu.vector_load %arg12[%swap3A_747, %swap3A_748] {strides = array<i32>} : memref<64x128xf32, #tpu.memory_space<vmem>>, vector<1x16xf32>,
        %swap3A_750 = vector.shape_cast %swap3A_749 : vector<1x16xf32> to vector<16xf32>
        %swap3A_751 = vector.shape_cast %mul3A_746 : vector<16xf32> to vector<1x16xf32>
        tpu.vector_store %arg12[%swap3A_747, %swap3A_748], %swap3A_751 {strides = array<i32>} : memref<64x128xf32, #tpu.memory_space<vmem>>, vector<1x16xf32>,
        %get3A_752 = arith.index_cast %add3A_716 : i32 to index
        %get3A_753 = arith.constant 48 : index
        %get3A_754 = tpu.vector_load %arg12[%get3A_752, %get3A_753] {strides = array<i32>} : memref<64x128xf32, #tpu.memory_space<vmem>>, vector<1x16xf32>,
        %get3A_755 = vector.shape_cast %get3A_754 : vector<1x16xf32> to vector<16xf32>
        %mul3A_756 = vector.broadcast %squeeze3A_718 : f32 to vector<16xf32>
        %mul3A_757 = arith.mulf %get3A_755, %mul3A_756 : vector<16xf32>
        %swap3A_758 = arith.index_cast %add3A_716 : i32 to index
        %swap3A_759 = arith.constant 48 : index
        %swap3A_760 = tpu.vector_load %arg12[%swap3A_758, %swap3A_759] {strides = array<i32>} : memref<64x128xf32, #tpu.memory_space<vmem>>, vector<1x16xf32>,
        %swap3A_761 = vector.shape_cast %swap3A_760 : vector<1x16xf32> to vector<16xf32>
        %swap3A_762 = vector.shape_cast %mul3A_757 : vector<16xf32> to vector<1x16xf32>
        tpu.vector_store %arg12[%swap3A_758, %swap3A_759], %swap3A_762 {strides = array<i32>} : memref<64x128xf32, #tpu.memory_space<vmem>>, vector<1x16xf32>,
        %get3A_763 = arith.index_cast %add3A_716 : i32 to index
        %get3A_764 = arith.constant 64 : index
        %get3A_765 = tpu.vector_load %arg12[%get3A_763, %get3A_764] {strides = array<i32>} : memref<64x128xf32, #tpu.memory_space<vmem>>, vector<1x16xf32>,
        %get3A_766 = vector.shape_cast %get3A_765 : vector<1x16xf32> to vector<16xf32>
        %mul3A_767 = vector.broadcast %squeeze3A_718 : f32 to vector<16xf32>
        %mul3A_768 = arith.mulf %get3A_766, %mul3A_767 : vector<16xf32>
        %swap3A_769 = arith.index_cast %add3A_716 : i32 to index
        %swap3A_770 = arith.constant 64 : index
        %swap3A_771 = tpu.vector_load %arg12[%swap3A_769, %swap3A_770] {strides = array<i32>} : memref<64x128xf32, #tpu.memory_space<vmem>>, vector<1x16xf32>,
        %swap3A_772 = vector.shape_cast %swap3A_771 : vector<1x16xf32> to vector<16xf32>
        %swap3A_773 = vector.shape_cast %mul3A_768 : vector<16xf32> to vector<1x16xf32>
        tpu.vector_store %arg12[%swap3A_769, %swap3A_770], %swap3A_773 {strides = array<i32>} : memref<64x128xf32, #tpu.memory_space<vmem>>, vector<1x16xf32>,
        %get3A_774 = arith.index_cast %add3A_716 : i32 to index
        %get3A_775 = arith.constant 80 : index
        %get3A_776 = tpu.vector_load %arg12[%get3A_774, %get3A_775] {strides = array<i32>} : memref<64x128xf32, #tpu.memory_space<vmem>>, vector<1x16xf32>,
        %get3A_777 = vector.shape_cast %get3A_776 : vector<1x16xf32> to vector<16xf32>
        %mul3A_778 = vector.broadcast %squeeze3A_718 : f32 to vector<16xf32>
        %mul3A_779 = arith.mulf %get3A_777, %mul3A_778 : vector<16xf32>
        %swap3A_780 = arith.index_cast %add3A_716 : i32 to index
        %swap3A_781 = arith.constant 80 : index
        %swap3A_782 = tpu.vector_load %arg12[%swap3A_780, %swap3A_781] {strides = array<i32>} : memref<64x128xf32, #tpu.memory_space<vmem>>, vector<1x16xf32>,
        %swap3A_783 = vector.shape_cast %swap3A_782 : vector<1x16xf32> to vector<16xf32>
        %swap3A_784 = vector.shape_cast %mul3A_779 : vector<16xf32> to vector<1x16xf32>
        tpu.vector_store %arg12[%swap3A_780, %swap3A_781], %swap3A_784 {strides = array<i32>} : memref<64x128xf32, #tpu.memory_space<vmem>>, vector<1x16xf32>,
        %get3A_785 = arith.index_cast %add3A_716 : i32 to index
        %get3A_786 = arith.constant 96 : index
        %get3A_787 = tpu.vector_load %arg12[%get3A_785, %get3A_786] {strides = array<i32>} : memref<64x128xf32, #tpu.memory_space<vmem>>, vector<1x16xf32>,
        %get3A_788 = vector.shape_cast %get3A_787 : vector<1x16xf32> to vector<16xf32>
        %mul3A_789 = vector.broadcast %squeeze3A_718 : f32 to vector<16xf32>
        %mul3A_790 = arith.mulf %get3A_788, %mul3A_789 : vector<16xf32>
        %swap3A_791 = arith.index_cast %add3A_716 : i32 to index
        %swap3A_792 = arith.constant 96 : index
        %swap3A_793 = tpu.vector_load %arg12[%swap3A_791, %swap3A_792] {strides = array<i32>} : memref<64x128xf32, #tpu.memory_space<vmem>>, vector<1x16xf32>,
        %swap3A_794 = vector.shape_cast %swap3A_793 : vector<1x16xf32> to vector<16xf32>
        %swap3A_795 = vector.shape_cast %mul3A_790 : vector<16xf32> to vector<1x16xf32>
        tpu.vector_store %arg12[%swap3A_791, %swap3A_792], %swap3A_795 {strides = array<i32>} : memref<64x128xf32, #tpu.memory_space<vmem>>, vector<1x16xf32>,
        %get3A_796 = arith.index_cast %add3A_716 : i32 to index
        %get3A_797 = arith.constant 112 : index
        %get3A_798 = tpu.vector_load %arg12[%get3A_796, %get3A_797] {strides = array<i32>} : memref<64x128xf32, #tpu.memory_space<vmem>>, vector<1x16xf32>,
        %get3A_799 = vector.shape_cast %get3A_798 : vector<1x16xf32> to vector<16xf32>
        %mul3A_800 = vector.broadcast %squeeze3A_718 : f32 to vector<16xf32>
        %mul3A_801 = arith.mulf %get3A_799, %mul3A_800 : vector<16xf32>
        %swap3A_802 = arith.index_cast %add3A_716 : i32 to index
        %swap3A_803 = arith.constant 112 : index
        %swap3A_804 = tpu.vector_load %arg12[%swap3A_802, %swap3A_803] {strides = array<i32>} : memref<64x128xf32, #tpu.memory_space<vmem>>, vector<1x16xf32>,
        %swap3A_805 = vector.shape_cast %swap3A_804 : vector<1x16xf32> to vector<16xf32>
        %swap3A_806 = vector.shape_cast %mul3A_801 : vector<16xf32> to vector<1x16xf32>
        tpu.vector_store %arg12[%swap3A_802, %swap3A_803], %swap3A_806 {strides = array<i32>} : memref<64x128xf32, #tpu.memory_space<vmem>>, vector<1x16xf32>,
        %mul3A_807 = arith.constant 16 : i32
        %mul3A_808 = arith.muli %scan3A_232, %mul3A_807 : i32
        %add3A_809 = arith.constant 6 : i32
        %add3A_810 = arith.addi %mul3A_808, %add3A_809 : i32
        %slice3A_811 = vector.extract_strided_slice %select_n3A {offsets = [6], sizes = [1], strides = [1]} : vector<16xf32> to vector<1xf32>
        %squeeze3A_812 = vector.extract %slice3A_811[0] : f32 from vector<1xf32>
        %get3A_813 = arith.index_cast %add3A_810 : i32 to index
        %get3A_814 = arith.constant 0 : index
        %get3A_815 = tpu.vector_load %arg12[%get3A_813, %get3A_814] {strides = array<i32>} : memref<64x128xf32, #tpu.memory_space<vmem>>, vector<1x16xf32>,
        %get3A_816 = vector.shape_cast %get3A_815 : vector<1x16xf32> to vector<16xf32>
        %mul3A_817 = vector.broadcast %squeeze3A_812 : f32 to vector<16xf32>
        %mul3A_818 = arith.mulf %get3A_816, %mul3A_817 : vector<16xf32>
        %swap3A_819 = arith.index_cast %add3A_810 : i32 to index
        %swap3A_820 = arith.constant 0 : index
        %swap3A_821 = tpu.vector_load %arg12[%swap3A_819, %swap3A_820] {strides = array<i32>} : memref<64x128xf32, #tpu.memory_space<vmem>>, vector<1x16xf32>,
        %swap3A_822 = vector.shape_cast %swap3A_821 : vector<1x16xf32> to vector<16xf32>
        %swap3A_823 = vector.shape_cast %mul3A_818 : vector<16xf32> to vector<1x16xf32>
        tpu.vector_store %arg12[%swap3A_819, %swap3A_820], %swap3A_823 {strides = array<i32>} : memref<64x128xf32, #tpu.memory_space<vmem>>, vector<1x16xf32>,
        %get3A_824 = arith.index_cast %add3A_810 : i32 to index
        %get3A_825 = arith.constant 16 : index
        %get3A_826 = tpu.vector_load %arg12[%get3A_824, %get3A_825] {strides = array<i32>} : memref<64x128xf32, #tpu.memory_space<vmem>>, vector<1x16xf32>,
        %get3A_827 = vector.shape_cast %get3A_826 : vector<1x16xf32> to vector<16xf32>
        %mul3A_828 = vector.broadcast %squeeze3A_812 : f32 to vector<16xf32>
        %mul3A_829 = arith.mulf %get3A_827, %mul3A_828 : vector<16xf32>
        %swap3A_830 = arith.index_cast %add3A_810 : i32 to index
        %swap3A_831 = arith.constant 16 : index
        %swap3A_832 = tpu.vector_load %arg12[%swap3A_830, %swap3A_831] {strides = array<i32>} : memref<64x128xf32, #tpu.memory_space<vmem>>, vector<1x16xf32>,
        %swap3A_833 = vector.shape_cast %swap3A_832 : vector<1x16xf32> to vector<16xf32>
        %swap3A_834 = vector.shape_cast %mul3A_829 : vector<16xf32> to vector<1x16xf32>
        tpu.vector_store %arg12[%swap3A_830, %swap3A_831], %swap3A_834 {strides = array<i32>} : memref<64x128xf32, #tpu.memory_space<vmem>>, vector<1x16xf32>,
        %get3A_835 = arith.index_cast %add3A_810 : i32 to index
        %get3A_836 = arith.constant 32 : index
        %get3A_837 = tpu.vector_load %arg12[%get3A_835, %get3A_836] {strides = array<i32>} : memref<64x128xf32, #tpu.memory_space<vmem>>, vector<1x16xf32>,
        %get3A_838 = vector.shape_cast %get3A_837 : vector<1x16xf32> to vector<16xf32>
        %mul3A_839 = vector.broadcast %squeeze3A_812 : f32 to vector<16xf32>
        %mul3A_840 = arith.mulf %get3A_838, %mul3A_839 : vector<16xf32>
        %swap3A_841 = arith.index_cast %add3A_810 : i32 to index
        %swap3A_842 = arith.constant 32 : index
        %swap3A_843 = tpu.vector_load %arg12[%swap3A_841, %swap3A_842] {strides = array<i32>} : memref<64x128xf32, #tpu.memory_space<vmem>>, vector<1x16xf32>,
        %swap3A_844 = vector.shape_cast %swap3A_843 : vector<1x16xf32> to vector<16xf32>
        %swap3A_845 = vector.shape_cast %mul3A_840 : vector<16xf32> to vector<1x16xf32>
        tpu.vector_store %arg12[%swap3A_841, %swap3A_842], %swap3A_845 {strides = array<i32>} : memref<64x128xf32, #tpu.memory_space<vmem>>, vector<1x16xf32>,
        %get3A_846 = arith.index_cast %add3A_810 : i32 to index
        %get3A_847 = arith.constant 48 : index
        %get3A_848 = tpu.vector_load %arg12[%get3A_846, %get3A_847] {strides = array<i32>} : memref<64x128xf32, #tpu.memory_space<vmem>>, vector<1x16xf32>,
        %get3A_849 = vector.shape_cast %get3A_848 : vector<1x16xf32> to vector<16xf32>
        %mul3A_850 = vector.broadcast %squeeze3A_812 : f32 to vector<16xf32>
        %mul3A_851 = arith.mulf %get3A_849, %mul3A_850 : vector<16xf32>
        %swap3A_852 = arith.index_cast %add3A_810 : i32 to index
        %swap3A_853 = arith.constant 48 : index
        %swap3A_854 = tpu.vector_load %arg12[%swap3A_852, %swap3A_853] {strides = array<i32>} : memref<64x128xf32, #tpu.memory_space<vmem>>, vector<1x16xf32>,
        %swap3A_855 = vector.shape_cast %swap3A_854 : vector<1x16xf32> to vector<16xf32>
        %swap3A_856 = vector.shape_cast %mul3A_851 : vector<16xf32> to vector<1x16xf32>
        tpu.vector_store %arg12[%swap3A_852, %swap3A_853], %swap3A_856 {strides = array<i32>} : memref<64x128xf32, #tpu.memory_space<vmem>>, vector<1x16xf32>,
        %get3A_857 = arith.index_cast %add3A_810 : i32 to index
        %get3A_858 = arith.constant 64 : index
        %get3A_859 = tpu.vector_load %arg12[%get3A_857, %get3A_858] {strides = array<i32>} : memref<64x128xf32, #tpu.memory_space<vmem>>, vector<1x16xf32>,
        %get3A_860 = vector.shape_cast %get3A_859 : vector<1x16xf32> to vector<16xf32>
        %mul3A_861 = vector.broadcast %squeeze3A_812 : f32 to vector<16xf32>
        %mul3A_862 = arith.mulf %get3A_860, %mul3A_861 : vector<16xf32>
        %swap3A_863 = arith.index_cast %add3A_810 : i32 to index
        %swap3A_864 = arith.constant 64 : index
        %swap3A_865 = tpu.vector_load %arg12[%swap3A_863, %swap3A_864] {strides = array<i32>} : memref<64x128xf32, #tpu.memory_space<vmem>>, vector<1x16xf32>,
        %swap3A_866 = vector.shape_cast %swap3A_865 : vector<1x16xf32> to vector<16xf32>
        %swap3A_867 = vector.shape_cast %mul3A_862 : vector<16xf32> to vector<1x16xf32>
        tpu.vector_store %arg12[%swap3A_863, %swap3A_864], %swap3A_867 {strides = array<i32>} : memref<64x128xf32, #tpu.memory_space<vmem>>, vector<1x16xf32>,
        %get3A_868 = arith.index_cast %add3A_810 : i32 to index
        %get3A_869 = arith.constant 80 : index
        %get3A_870 = tpu.vector_load %arg12[%get3A_868, %get3A_869] {strides = array<i32>} : memref<64x128xf32, #tpu.memory_space<vmem>>, vector<1x16xf32>,
        %get3A_871 = vector.shape_cast %get3A_870 : vector<1x16xf32> to vector<16xf32>
        %mul3A_872 = vector.broadcast %squeeze3A_812 : f32 to vector<16xf32>
        %mul3A_873 = arith.mulf %get3A_871, %mul3A_872 : vector<16xf32>
        %swap3A_874 = arith.index_cast %add3A_810 : i32 to index
        %swap3A_875 = arith.constant 80 : index
        %swap3A_876 = tpu.vector_load %arg12[%swap3A_874, %swap3A_875] {strides = array<i32>} : memref<64x128xf32, #tpu.memory_space<vmem>>, vector<1x16xf32>,
        %swap3A_877 = vector.shape_cast %swap3A_876 : vector<1x16xf32> to vector<16xf32>
        %swap3A_878 = vector.shape_cast %mul3A_873 : vector<16xf32> to vector<1x16xf32>
        tpu.vector_store %arg12[%swap3A_874, %swap3A_875], %swap3A_878 {strides = array<i32>} : memref<64x128xf32, #tpu.memory_space<vmem>>, vector<1x16xf32>,
        %get3A_879 = arith.index_cast %add3A_810 : i32 to index
        %get3A_880 = arith.constant 96 : index
        %get3A_881 = tpu.vector_load %arg12[%get3A_879, %get3A_880] {strides = array<i32>} : memref<64x128xf32, #tpu.memory_space<vmem>>, vector<1x16xf32>,
        %get3A_882 = vector.shape_cast %get3A_881 : vector<1x16xf32> to vector<16xf32>
        %mul3A_883 = vector.broadcast %squeeze3A_812 : f32 to vector<16xf32>
        %mul3A_884 = arith.mulf %get3A_882, %mul3A_883 : vector<16xf32>
        %swap3A_885 = arith.index_cast %add3A_810 : i32 to index
        %swap3A_886 = arith.constant 96 : index
        %swap3A_887 = tpu.vector_load %arg12[%swap3A_885, %swap3A_886] {strides = array<i32>} : memref<64x128xf32, #tpu.memory_space<vmem>>, vector<1x16xf32>,
        %swap3A_888 = vector.shape_cast %swap3A_887 : vector<1x16xf32> to vector<16xf32>
        %swap3A_889 = vector.shape_cast %mul3A_884 : vector<16xf32> to vector<1x16xf32>
        tpu.vector_store %arg12[%swap3A_885, %swap3A_886], %swap3A_889 {strides = array<i32>} : memref<64x128xf32, #tpu.memory_space<vmem>>, vector<1x16xf32>,
        %get3A_890 = arith.index_cast %add3A_810 : i32 to index
        %get3A_891 = arith.constant 112 : index
        %get3A_892 = tpu.vector_load %arg12[%get3A_890, %get3A_891] {strides = array<i32>} : memref<64x128xf32, #tpu.memory_space<vmem>>, vector<1x16xf32>,
        %get3A_893 = vector.shape_cast %get3A_892 : vector<1x16xf32> to vector<16xf32>
        %mul3A_894 = vector.broadcast %squeeze3A_812 : f32 to vector<16xf32>
        %mul3A_895 = arith.mulf %get3A_893, %mul3A_894 : vector<16xf32>
        %swap3A_896 = arith.index_cast %add3A_810 : i32 to index
        %swap3A_897 = arith.constant 112 : index
        %swap3A_898 = tpu.vector_load %arg12[%swap3A_896, %swap3A_897] {strides = array<i32>} : memref<64x128xf32, #tpu.memory_space<vmem>>, vector<1x16xf32>,
        %swap3A_899 = vector.shape_cast %swap3A_898 : vector<1x16xf32> to vector<16xf32>
        %swap3A_900 = vector.shape_cast %mul3A_895 : vector<16xf32> to vector<1x16xf32>
        tpu.vector_store %arg12[%swap3A_896, %swap3A_897], %swap3A_900 {strides = array<i32>} : memref<64x128xf32, #tpu.memory_space<vmem>>, vector<1x16xf32>,
        %mul3A_901 = arith.constant 16 : i32
        %mul3A_902 = arith.muli %scan3A_232, %mul3A_901 : i32
        %add3A_903 = arith.constant 7 : i32
        %add3A_904 = arith.addi %mul3A_902, %add3A_903 : i32
        %slice3A_905 = vector.extract_strided_slice %select_n3A {offsets = [7], sizes = [1], strides = [1]} : vector<16xf32> to vector<1xf32>
        %squeeze3A_906 = vector.extract %slice3A_905[0] : f32 from vector<1xf32>
        %get3A_907 = arith.index_cast %add3A_904 : i32 to index
        %get3A_908 = arith.constant 0 : index
        %get3A_909 = tpu.vector_load %arg12[%get3A_907, %get3A_908] {strides = array<i32>} : memref<64x128xf32, #tpu.memory_space<vmem>>, vector<1x16xf32>,
        %get3A_910 = vector.shape_cast %get3A_909 : vector<1x16xf32> to vector<16xf32>
        %mul3A_911 = vector.broadcast %squeeze3A_906 : f32 to vector<16xf32>
        %mul3A_912 = arith.mulf %get3A_910, %mul3A_911 : vector<16xf32>
        %swap3A_913 = arith.index_cast %add3A_904 : i32 to index
        %swap3A_914 = arith.constant 0 : index
        %swap3A_915 = tpu.vector_load %arg12[%swap3A_913, %swap3A_914] {strides = array<i32>} : memref<64x128xf32, #tpu.memory_space<vmem>>, vector<1x16xf32>,
        %swap3A_916 = vector.shape_cast %swap3A_915 : vector<1x16xf32> to vector<16xf32>
        %swap3A_917 = vector.shape_cast %mul3A_912 : vector<16xf32> to vector<1x16xf32>
        tpu.vector_store %arg12[%swap3A_913, %swap3A_914], %swap3A_917 {strides = array<i32>} : memref<64x128xf32, #tpu.memory_space<vmem>>, vector<1x16xf32>,
        %get3A_918 = arith.index_cast %add3A_904 : i32 to index
        %get3A_919 = arith.constant 16 : index
        %get3A_920 = tpu.vector_load %arg12[%get3A_918, %get3A_919] {strides = array<i32>} : memref<64x128xf32, #tpu.memory_space<vmem>>, vector<1x16xf32>,
        %get3A_921 = vector.shape_cast %get3A_920 : vector<1x16xf32> to vector<16xf32>
        %mul3A_922 = vector.broadcast %squeeze3A_906 : f32 to vector<16xf32>
        %mul3A_923 = arith.mulf %get3A_921, %mul3A_922 : vector<16xf32>
        %swap3A_924 = arith.index_cast %add3A_904 : i32 to index
        %swap3A_925 = arith.constant 16 : index
        %swap3A_926 = tpu.vector_load %arg12[%swap3A_924, %swap3A_925] {strides = array<i32>} : memref<64x128xf32, #tpu.memory_space<vmem>>, vector<1x16xf32>,
        %swap3A_927 = vector.shape_cast %swap3A_926 : vector<1x16xf32> to vector<16xf32>
        %swap3A_928 = vector.shape_cast %mul3A_923 : vector<16xf32> to vector<1x16xf32>
        tpu.vector_store %arg12[%swap3A_924, %swap3A_925], %swap3A_928 {strides = array<i32>} : memref<64x128xf32, #tpu.memory_space<vmem>>, vector<1x16xf32>,
        %get3A_929 = arith.index_cast %add3A_904 : i32 to index
        %get3A_930 = arith.constant 32 : index
        %get3A_931 = tpu.vector_load %arg12[%get3A_929, %get3A_930] {strides = array<i32>} : memref<64x128xf32, #tpu.memory_space<vmem>>, vector<1x16xf32>,
        %get3A_932 = vector.shape_cast %get3A_931 : vector<1x16xf32> to vector<16xf32>
        %mul3A_933 = vector.broadcast %squeeze3A_906 : f32 to vector<16xf32>
        %mul3A_934 = arith.mulf %get3A_932, %mul3A_933 : vector<16xf32>
        %swap3A_935 = arith.index_cast %add3A_904 : i32 to index
        %swap3A_936 = arith.constant 32 : index
        %swap3A_937 = tpu.vector_load %arg12[%swap3A_935, %swap3A_936] {strides = array<i32>} : memref<64x128xf32, #tpu.memory_space<vmem>>, vector<1x16xf32>,
        %swap3A_938 = vector.shape_cast %swap3A_937 : vector<1x16xf32> to vector<16xf32>
        %swap3A_939 = vector.shape_cast %mul3A_934 : vector<16xf32> to vector<1x16xf32>
        tpu.vector_store %arg12[%swap3A_935, %swap3A_936], %swap3A_939 {strides = array<i32>} : memref<64x128xf32, #tpu.memory_space<vmem>>, vector<1x16xf32>,
        %get3A_940 = arith.index_cast %add3A_904 : i32 to index
        %get3A_941 = arith.constant 48 : index
        %get3A_942 = tpu.vector_load %arg12[%get3A_940, %get3A_941] {strides = array<i32>} : memref<64x128xf32, #tpu.memory_space<vmem>>, vector<1x16xf32>,
        %get3A_943 = vector.shape_cast %get3A_942 : vector<1x16xf32> to vector<16xf32>
        %mul3A_944 = vector.broadcast %squeeze3A_906 : f32 to vector<16xf32>
        %mul3A_945 = arith.mulf %get3A_943, %mul3A_944 : vector<16xf32>
        %swap3A_946 = arith.index_cast %add3A_904 : i32 to index
        %swap3A_947 = arith.constant 48 : index
        %swap3A_948 = tpu.vector_load %arg12[%swap3A_946, %swap3A_947] {strides = array<i32>} : memref<64x128xf32, #tpu.memory_space<vmem>>, vector<1x16xf32>,
        %swap3A_949 = vector.shape_cast %swap3A_948 : vector<1x16xf32> to vector<16xf32>
        %swap3A_950 = vector.shape_cast %mul3A_945 : vector<16xf32> to vector<1x16xf32>
        tpu.vector_store %arg12[%swap3A_946, %swap3A_947], %swap3A_950 {strides = array<i32>} : memref<64x128xf32, #tpu.memory_space<vmem>>, vector<1x16xf32>,
        %get3A_951 = arith.index_cast %add3A_904 : i32 to index
        %get3A_952 = arith.constant 64 : index
        %get3A_953 = tpu.vector_load %arg12[%get3A_951, %get3A_952] {strides = array<i32>} : memref<64x128xf32, #tpu.memory_space<vmem>>, vector<1x16xf32>,
        %get3A_954 = vector.shape_cast %get3A_953 : vector<1x16xf32> to vector<16xf32>
        %mul3A_955 = vector.broadcast %squeeze3A_906 : f32 to vector<16xf32>
        %mul3A_956 = arith.mulf %get3A_954, %mul3A_955 : vector<16xf32>
        %swap3A_957 = arith.index_cast %add3A_904 : i32 to index
        %swap3A_958 = arith.constant 64 : index
        %swap3A_959 = tpu.vector_load %arg12[%swap3A_957, %swap3A_958] {strides = array<i32>} : memref<64x128xf32, #tpu.memory_space<vmem>>, vector<1x16xf32>,
        %swap3A_960 = vector.shape_cast %swap3A_959 : vector<1x16xf32> to vector<16xf32>
        %swap3A_961 = vector.shape_cast %mul3A_956 : vector<16xf32> to vector<1x16xf32>
        tpu.vector_store %arg12[%swap3A_957, %swap3A_958], %swap3A_961 {strides = array<i32>} : memref<64x128xf32, #tpu.memory_space<vmem>>, vector<1x16xf32>,
        %get3A_962 = arith.index_cast %add3A_904 : i32 to index
        %get3A_963 = arith.constant 80 : index
        %get3A_964 = tpu.vector_load %arg12[%get3A_962, %get3A_963] {strides = array<i32>} : memref<64x128xf32, #tpu.memory_space<vmem>>, vector<1x16xf32>,
        %get3A_965 = vector.shape_cast %get3A_964 : vector<1x16xf32> to vector<16xf32>
        %mul3A_966 = vector.broadcast %squeeze3A_906 : f32 to vector<16xf32>
        %mul3A_967 = arith.mulf %get3A_965, %mul3A_966 : vector<16xf32>
        %swap3A_968 = arith.index_cast %add3A_904 : i32 to index
        %swap3A_969 = arith.constant 80 : index
        %swap3A_970 = tpu.vector_load %arg12[%swap3A_968, %swap3A_969] {strides = array<i32>} : memref<64x128xf32, #tpu.memory_space<vmem>>, vector<1x16xf32>,
        %swap3A_971 = vector.shape_cast %swap3A_970 : vector<1x16xf32> to vector<16xf32>
        %swap3A_972 = vector.shape_cast %mul3A_967 : vector<16xf32> to vector<1x16xf32>
        tpu.vector_store %arg12[%swap3A_968, %swap3A_969], %swap3A_972 {strides = array<i32>} : memref<64x128xf32, #tpu.memory_space<vmem>>, vector<1x16xf32>,
        %get3A_973 = arith.index_cast %add3A_904 : i32 to index
        %get3A_974 = arith.constant 96 : index
        %get3A_975 = tpu.vector_load %arg12[%get3A_973, %get3A_974] {strides = array<i32>} : memref<64x128xf32, #tpu.memory_space<vmem>>, vector<1x16xf32>,
        %get3A_976 = vector.shape_cast %get3A_975 : vector<1x16xf32> to vector<16xf32>
        %mul3A_977 = vector.broadcast %squeeze3A_906 : f32 to vector<16xf32>
        %mul3A_978 = arith.mulf %get3A_976, %mul3A_977 : vector<16xf32>
        %swap3A_979 = arith.index_cast %add3A_904 : i32 to index
        %swap3A_980 = arith.constant 96 : index
        %swap3A_981 = tpu.vector_load %arg12[%swap3A_979, %swap3A_980] {strides = array<i32>} : memref<64x128xf32, #tpu.memory_space<vmem>>, vector<1x16xf32>,
        %swap3A_982 = vector.shape_cast %swap3A_981 : vector<1x16xf32> to vector<16xf32>
        %swap3A_983 = vector.shape_cast %mul3A_978 : vector<16xf32> to vector<1x16xf32>
        tpu.vector_store %arg12[%swap3A_979, %swap3A_980], %swap3A_983 {strides = array<i32>} : memref<64x128xf32, #tpu.memory_space<vmem>>, vector<1x16xf32>,
        %get3A_984 = arith.index_cast %add3A_904 : i32 to index
        %get3A_985 = arith.constant 112 : index
        %get3A_986 = tpu.vector_load %arg12[%get3A_984, %get3A_985] {strides = array<i32>} : memref<64x128xf32, #tpu.memory_space<vmem>>, vector<1x16xf32>,
        %get3A_987 = vector.shape_cast %get3A_986 : vector<1x16xf32> to vector<16xf32>
        %mul3A_988 = vector.broadcast %squeeze3A_906 : f32 to vector<16xf32>
        %mul3A_989 = arith.mulf %get3A_987, %mul3A_988 : vector<16xf32>
        %swap3A_990 = arith.index_cast %add3A_904 : i32 to index
        %swap3A_991 = arith.constant 112 : index
        %swap3A_992 = tpu.vector_load %arg12[%swap3A_990, %swap3A_991] {strides = array<i32>} : memref<64x128xf32, #tpu.memory_space<vmem>>, vector<1x16xf32>,
        %swap3A_993 = vector.shape_cast %swap3A_992 : vector<1x16xf32> to vector<16xf32>
        %swap3A_994 = vector.shape_cast %mul3A_989 : vector<16xf32> to vector<1x16xf32>
        tpu.vector_store %arg12[%swap3A_990, %swap3A_991], %swap3A_994 {strides = array<i32>} : memref<64x128xf32, #tpu.memory_space<vmem>>, vector<1x16xf32>,
        %mul3A_995 = arith.constant 16 : i32
        %mul3A_996 = arith.muli %scan3A_232, %mul3A_995 : i32
        %add3A_997 = arith.constant 8 : i32
        %add3A_998 = arith.addi %mul3A_996, %add3A_997 : i32
        %slice3A_999 = vector.extract_strided_slice %select_n3A {offsets = [8], sizes = [1], strides = [1]} : vector<16xf32> to vector<1xf32>
        %squeeze3A_1000 = vector.extract %slice3A_999[0] : f32 from vector<1xf32>
        %get3A_1001 = arith.index_cast %add3A_998 : i32 to index
        %get3A_1002 = arith.constant 0 : index
        %get3A_1003 = tpu.vector_load %arg12[%get3A_1001, %get3A_1002] {strides = array<i32>} : memref<64x128xf32, #tpu.memory_space<vmem>>, vector<1x16xf32>,
        %get3A_1004 = vector.shape_cast %get3A_1003 : vector<1x16xf32> to vector<16xf32>
        %mul3A_1005 = vector.broadcast %squeeze3A_1000 : f32 to vector<16xf32>
        %mul3A_1006 = arith.mulf %get3A_1004, %mul3A_1005 : vector<16xf32>
        %swap3A_1007 = arith.index_cast %add3A_998 : i32 to index
        %swap3A_1008 = arith.constant 0 : index
        %swap3A_1009 = tpu.vector_load %arg12[%swap3A_1007, %swap3A_1008] {strides = array<i32>} : memref<64x128xf32, #tpu.memory_space<vmem>>, vector<1x16xf32>,
        %swap3A_1010 = vector.shape_cast %swap3A_1009 : vector<1x16xf32> to vector<16xf32>
        %swap3A_1011 = vector.shape_cast %mul3A_1006 : vector<16xf32> to vector<1x16xf32>
        tpu.vector_store %arg12[%swap3A_1007, %swap3A_1008], %swap3A_1011 {strides = array<i32>} : memref<64x128xf32, #tpu.memory_space<vmem>>, vector<1x16xf32>,
        %get3A_1012 = arith.index_cast %add3A_998 : i32 to index
        %get3A_1013 = arith.constant 16 : index
        %get3A_1014 = tpu.vector_load %arg12[%get3A_1012, %get3A_1013] {strides = array<i32>} : memref<64x128xf32, #tpu.memory_space<vmem>>, vector<1x16xf32>,
        %get3A_1015 = vector.shape_cast %get3A_1014 : vector<1x16xf32> to vector<16xf32>
        %mul3A_1016 = vector.broadcast %squeeze3A_1000 : f32 to vector<16xf32>
        %mul3A_1017 = arith.mulf %get3A_1015, %mul3A_1016 : vector<16xf32>
        %swap3A_1018 = arith.index_cast %add3A_998 : i32 to index
        %swap3A_1019 = arith.constant 16 : index
        %swap3A_1020 = tpu.vector_load %arg12[%swap3A_1018, %swap3A_1019] {strides = array<i32>} : memref<64x128xf32, #tpu.memory_space<vmem>>, vector<1x16xf32>,
        %swap3A_1021 = vector.shape_cast %swap3A_1020 : vector<1x16xf32> to vector<16xf32>
        %swap3A_1022 = vector.shape_cast %mul3A_1017 : vector<16xf32> to vector<1x16xf32>
        tpu.vector_store %arg12[%swap3A_1018, %swap3A_1019], %swap3A_1022 {strides = array<i32>} : memref<64x128xf32, #tpu.memory_space<vmem>>, vector<1x16xf32>,
        %get3A_1023 = arith.index_cast %add3A_998 : i32 to index
        %get3A_1024 = arith.constant 32 : index
        %get3A_1025 = tpu.vector_load %arg12[%get3A_1023, %get3A_1024] {strides = array<i32>} : memref<64x128xf32, #tpu.memory_space<vmem>>, vector<1x16xf32>,
        %get3A_1026 = vector.shape_cast %get3A_1025 : vector<1x16xf32> to vector<16xf32>
        %mul3A_1027 = vector.broadcast %squeeze3A_1000 : f32 to vector<16xf32>
        %mul3A_1028 = arith.mulf %get3A_1026, %mul3A_1027 : vector<16xf32>
        %swap3A_1029 = arith.index_cast %add3A_998 : i32 to index
        %swap3A_1030 = arith.constant 32 : index
        %swap3A_1031 = tpu.vector_load %arg12[%swap3A_1029, %swap3A_1030] {strides = array<i32>} : memref<64x128xf32, #tpu.memory_space<vmem>>, vector<1x16xf32>,
        %swap3A_1032 = vector.shape_cast %swap3A_1031 : vector<1x16xf32> to vector<16xf32>
        %swap3A_1033 = vector.shape_cast %mul3A_1028 : vector<16xf32> to vector<1x16xf32>
        tpu.vector_store %arg12[%swap3A_1029, %swap3A_1030], %swap3A_1033 {strides = array<i32>} : memref<64x128xf32, #tpu.memory_space<vmem>>, vector<1x16xf32>,
        %get3A_1034 = arith.index_cast %add3A_998 : i32 to index
        %get3A_1035 = arith.constant 48 : index
        %get3A_1036 = tpu.vector_load %arg12[%get3A_1034, %get3A_1035] {strides = array<i32>} : memref<64x128xf32, #tpu.memory_space<vmem>>, vector<1x16xf32>,
        %get3A_1037 = vector.shape_cast %get3A_1036 : vector<1x16xf32> to vector<16xf32>
        %mul3A_1038 = vector.broadcast %squeeze3A_1000 : f32 to vector<16xf32>
        %mul3A_1039 = arith.mulf %get3A_1037, %mul3A_1038 : vector<16xf32>
        %swap3A_1040 = arith.index_cast %add3A_998 : i32 to index
        %swap3A_1041 = arith.constant 48 : index
        %swap3A_1042 = tpu.vector_load %arg12[%swap3A_1040, %swap3A_1041] {strides = array<i32>} : memref<64x128xf32, #tpu.memory_space<vmem>>, vector<1x16xf32>,
        %swap3A_1043 = vector.shape_cast %swap3A_1042 : vector<1x16xf32> to vector<16xf32>
        %swap3A_1044 = vector.shape_cast %mul3A_1039 : vector<16xf32> to vector<1x16xf32>
        tpu.vector_store %arg12[%swap3A_1040, %swap3A_1041], %swap3A_1044 {strides = array<i32>} : memref<64x128xf32, #tpu.memory_space<vmem>>, vector<1x16xf32>,
        %get3A_1045 = arith.index_cast %add3A_998 : i32 to index
        %get3A_1046 = arith.constant 64 : index
        %get3A_1047 = tpu.vector_load %arg12[%get3A_1045, %get3A_1046] {strides = array<i32>} : memref<64x128xf32, #tpu.memory_space<vmem>>, vector<1x16xf32>,
        %get3A_1048 = vector.shape_cast %get3A_1047 : vector<1x16xf32> to vector<16xf32>
        %mul3A_1049 = vector.broadcast %squeeze3A_1000 : f32 to vector<16xf32>
        %mul3A_1050 = arith.mulf %get3A_1048, %mul3A_1049 : vector<16xf32>
        %swap3A_1051 = arith.index_cast %add3A_998 : i32 to index
        %swap3A_1052 = arith.constant 64 : index
        %swap3A_1053 = tpu.vector_load %arg12[%swap3A_1051, %swap3A_1052] {strides = array<i32>} : memref<64x128xf32, #tpu.memory_space<vmem>>, vector<1x16xf32>,
        %swap3A_1054 = vector.shape_cast %swap3A_1053 : vector<1x16xf32> to vector<16xf32>
        %swap3A_1055 = vector.shape_cast %mul3A_1050 : vector<16xf32> to vector<1x16xf32>
        tpu.vector_store %arg12[%swap3A_1051, %swap3A_1052], %swap3A_1055 {strides = array<i32>} : memref<64x128xf32, #tpu.memory_space<vmem>>, vector<1x16xf32>,
        %get3A_1056 = arith.index_cast %add3A_998 : i32 to index
        %get3A_1057 = arith.constant 80 : index
        %get3A_1058 = tpu.vector_load %arg12[%get3A_1056, %get3A_1057] {strides = array<i32>} : memref<64x128xf32, #tpu.memory_space<vmem>>, vector<1x16xf32>,
        %get3A_1059 = vector.shape_cast %get3A_1058 : vector<1x16xf32> to vector<16xf32>
        %mul3A_1060 = vector.broadcast %squeeze3A_1000 : f32 to vector<16xf32>
        %mul3A_1061 = arith.mulf %get3A_1059, %mul3A_1060 : vector<16xf32>
        %swap3A_1062 = arith.index_cast %add3A_998 : i32 to index
        %swap3A_1063 = arith.constant 80 : index
        %swap3A_1064 = tpu.vector_load %arg12[%swap3A_1062, %swap3A_1063] {strides = array<i32>} : memref<64x128xf32, #tpu.memory_space<vmem>>, vector<1x16xf32>,
        %swap3A_1065 = vector.shape_cast %swap3A_1064 : vector<1x16xf32> to vector<16xf32>
        %swap3A_1066 = vector.shape_cast %mul3A_1061 : vector<16xf32> to vector<1x16xf32>
        tpu.vector_store %arg12[%swap3A_1062, %swap3A_1063], %swap3A_1066 {strides = array<i32>} : memref<64x128xf32, #tpu.memory_space<vmem>>, vector<1x16xf32>,
        %get3A_1067 = arith.index_cast %add3A_998 : i32 to index
        %get3A_1068 = arith.constant 96 : index
        %get3A_1069 = tpu.vector_load %arg12[%get3A_1067, %get3A_1068] {strides = array<i32>} : memref<64x128xf32, #tpu.memory_space<vmem>>, vector<1x16xf32>,
        %get3A_1070 = vector.shape_cast %get3A_1069 : vector<1x16xf32> to vector<16xf32>
        %mul3A_1071 = vector.broadcast %squeeze3A_1000 : f32 to vector<16xf32>
        %mul3A_1072 = arith.mulf %get3A_1070, %mul3A_1071 : vector<16xf32>
        %swap3A_1073 = arith.index_cast %add3A_998 : i32 to index
        %swap3A_1074 = arith.constant 96 : index
        %swap3A_1075 = tpu.vector_load %arg12[%swap3A_1073, %swap3A_1074] {strides = array<i32>} : memref<64x128xf32, #tpu.memory_space<vmem>>, vector<1x16xf32>,
        %swap3A_1076 = vector.shape_cast %swap3A_1075 : vector<1x16xf32> to vector<16xf32>
        %swap3A_1077 = vector.shape_cast %mul3A_1072 : vector<16xf32> to vector<1x16xf32>
        tpu.vector_store %arg12[%swap3A_1073, %swap3A_1074], %swap3A_1077 {strides = array<i32>} : memref<64x128xf32, #tpu.memory_space<vmem>>, vector<1x16xf32>,
        %get3A_1078 = arith.index_cast %add3A_998 : i32 to index
        %get3A_1079 = arith.constant 112 : index
        %get3A_1080 = tpu.vector_load %arg12[%get3A_1078, %get3A_1079] {strides = array<i32>} : memref<64x128xf32, #tpu.memory_space<vmem>>, vector<1x16xf32>,
        %get3A_1081 = vector.shape_cast %get3A_1080 : vector<1x16xf32> to vector<16xf32>
        %mul3A_1082 = vector.broadcast %squeeze3A_1000 : f32 to vector<16xf32>
        %mul3A_1083 = arith.mulf %get3A_1081, %mul3A_1082 : vector<16xf32>
        %swap3A_1084 = arith.index_cast %add3A_998 : i32 to index
        %swap3A_1085 = arith.constant 112 : index
        %swap3A_1086 = tpu.vector_load %arg12[%swap3A_1084, %swap3A_1085] {strides = array<i32>} : memref<64x128xf32, #tpu.memory_space<vmem>>, vector<1x16xf32>,
        %swap3A_1087 = vector.shape_cast %swap3A_1086 : vector<1x16xf32> to vector<16xf32>
        %swap3A_1088 = vector.shape_cast %mul3A_1083 : vector<16xf32> to vector<1x16xf32>
        tpu.vector_store %arg12[%swap3A_1084, %swap3A_1085], %swap3A_1088 {strides = array<i32>} : memref<64x128xf32, #tpu.memory_space<vmem>>, vector<1x16xf32>,
        %mul3A_1089 = arith.constant 16 : i32
        %mul3A_1090 = arith.muli %scan3A_232, %mul3A_1089 : i32
        %add3A_1091 = arith.constant 9 : i32
        %add3A_1092 = arith.addi %mul3A_1090, %add3A_1091 : i32
        %slice3A_1093 = vector.extract_strided_slice %select_n3A {offsets = [9], sizes = [1], strides = [1]} : vector<16xf32> to vector<1xf32>
        %squeeze3A_1094 = vector.extract %slice3A_1093[0] : f32 from vector<1xf32>
        %get3A_1095 = arith.index_cast %add3A_1092 : i32 to index
        %get3A_1096 = arith.constant 0 : index
        %get3A_1097 = tpu.vector_load %arg12[%get3A_1095, %get3A_1096] {strides = array<i32>} : memref<64x128xf32, #tpu.memory_space<vmem>>, vector<1x16xf32>,
        %get3A_1098 = vector.shape_cast %get3A_1097 : vector<1x16xf32> to vector<16xf32>
        %mul3A_1099 = vector.broadcast %squeeze3A_1094 : f32 to vector<16xf32>
        %mul3A_1100 = arith.mulf %get3A_1098, %mul3A_1099 : vector<16xf32>
        %swap3A_1101 = arith.index_cast %add3A_1092 : i32 to index
        %swap3A_1102 = arith.constant 0 : index
        %swap3A_1103 = tpu.vector_load %arg12[%swap3A_1101, %swap3A_1102] {strides = array<i32>} : memref<64x128xf32, #tpu.memory_space<vmem>>, vector<1x16xf32>,
        %swap3A_1104 = vector.shape_cast %swap3A_1103 : vector<1x16xf32> to vector<16xf32>
        %swap3A_1105 = vector.shape_cast %mul3A_1100 : vector<16xf32> to vector<1x16xf32>
        tpu.vector_store %arg12[%swap3A_1101, %swap3A_1102], %swap3A_1105 {strides = array<i32>} : memref<64x128xf32, #tpu.memory_space<vmem>>, vector<1x16xf32>,
        %get3A_1106 = arith.index_cast %add3A_1092 : i32 to index
        %get3A_1107 = arith.constant 16 : index
        %get3A_1108 = tpu.vector_load %arg12[%get3A_1106, %get3A_1107] {strides = array<i32>} : memref<64x128xf32, #tpu.memory_space<vmem>>, vector<1x16xf32>,
        %get3A_1109 = vector.shape_cast %get3A_1108 : vector<1x16xf32> to vector<16xf32>
        %mul3A_1110 = vector.broadcast %squeeze3A_1094 : f32 to vector<16xf32>
        %mul3A_1111 = arith.mulf %get3A_1109, %mul3A_1110 : vector<16xf32>
        %swap3A_1112 = arith.index_cast %add3A_1092 : i32 to index
        %swap3A_1113 = arith.constant 16 : index
        %swap3A_1114 = tpu.vector_load %arg12[%swap3A_1112, %swap3A_1113] {strides = array<i32>} : memref<64x128xf32, #tpu.memory_space<vmem>>, vector<1x16xf32>,
        %swap3A_1115 = vector.shape_cast %swap3A_1114 : vector<1x16xf32> to vector<16xf32>
        %swap3A_1116 = vector.shape_cast %mul3A_1111 : vector<16xf32> to vector<1x16xf32>
        tpu.vector_store %arg12[%swap3A_1112, %swap3A_1113], %swap3A_1116 {strides = array<i32>} : memref<64x128xf32, #tpu.memory_space<vmem>>, vector<1x16xf32>,
        %get3A_1117 = arith.index_cast %add3A_1092 : i32 to index
        %get3A_1118 = arith.constant 32 : index
        %get3A_1119 = tpu.vector_load %arg12[%get3A_1117, %get3A_1118] {strides = array<i32>} : memref<64x128xf32, #tpu.memory_space<vmem>>, vector<1x16xf32>,
        %get3A_1120 = vector.shape_cast %get3A_1119 : vector<1x16xf32> to vector<16xf32>
        %mul3A_1121 = vector.broadcast %squeeze3A_1094 : f32 to vector<16xf32>
        %mul3A_1122 = arith.mulf %get3A_1120, %mul3A_1121 : vector<16xf32>
        %swap3A_1123 = arith.index_cast %add3A_1092 : i32 to index
        %swap3A_1124 = arith.constant 32 : index
        %swap3A_1125 = tpu.vector_load %arg12[%swap3A_1123, %swap3A_1124] {strides = array<i32>} : memref<64x128xf32, #tpu.memory_space<vmem>>, vector<1x16xf32>,
        %swap3A_1126 = vector.shape_cast %swap3A_1125 : vector<1x16xf32> to vector<16xf32>
        %swap3A_1127 = vector.shape_cast %mul3A_1122 : vector<16xf32> to vector<1x16xf32>
        tpu.vector_store %arg12[%swap3A_1123, %swap3A_1124], %swap3A_1127 {strides = array<i32>} : memref<64x128xf32, #tpu.memory_space<vmem>>, vector<1x16xf32>,
        %get3A_1128 = arith.index_cast %add3A_1092 : i32 to index
        %get3A_1129 = arith.constant 48 : index
        %get3A_1130 = tpu.vector_load %arg12[%get3A_1128, %get3A_1129] {strides = array<i32>} : memref<64x128xf32, #tpu.memory_space<vmem>>, vector<1x16xf32>,
        %get3A_1131 = vector.shape_cast %get3A_1130 : vector<1x16xf32> to vector<16xf32>
        %mul3A_1132 = vector.broadcast %squeeze3A_1094 : f32 to vector<16xf32>
        %mul3A_1133 = arith.mulf %get3A_1131, %mul3A_1132 : vector<16xf32>
        %swap3A_1134 = arith.index_cast %add3A_1092 : i32 to index
        %swap3A_1135 = arith.constant 48 : index
        %swap3A_1136 = tpu.vector_load %arg12[%swap3A_1134, %swap3A_1135] {strides = array<i32>} : memref<64x128xf32, #tpu.memory_space<vmem>>, vector<1x16xf32>,
        %swap3A_1137 = vector.shape_cast %swap3A_1136 : vector<1x16xf32> to vector<16xf32>
        %swap3A_1138 = vector.shape_cast %mul3A_1133 : vector<16xf32> to vector<1x16xf32>
        tpu.vector_store %arg12[%swap3A_1134, %swap3A_1135], %swap3A_1138 {strides = array<i32>} : memref<64x128xf32, #tpu.memory_space<vmem>>, vector<1x16xf32>,
        %get3A_1139 = arith.index_cast %add3A_1092 : i32 to index
        %get3A_1140 = arith.constant 64 : index
        %get3A_1141 = tpu.vector_load %arg12[%get3A_1139, %get3A_1140] {strides = array<i32>} : memref<64x128xf32, #tpu.memory_space<vmem>>, vector<1x16xf32>,
        %get3A_1142 = vector.shape_cast %get3A_1141 : vector<1x16xf32> to vector<16xf32>
        %mul3A_1143 = vector.broadcast %squeeze3A_1094 : f32 to vector<16xf32>
        %mul3A_1144 = arith.mulf %get3A_1142, %mul3A_1143 : vector<16xf32>
        %swap3A_1145 = arith.index_cast %add3A_1092 : i32 to index
        %swap3A_1146 = arith.constant 64 : index
        %swap3A_1147 = tpu.vector_load %arg12[%swap3A_1145, %swap3A_1146] {strides = array<i32>} : memref<64x128xf32, #tpu.memory_space<vmem>>, vector<1x16xf32>,
        %swap3A_1148 = vector.shape_cast %swap3A_1147 : vector<1x16xf32> to vector<16xf32>
        %swap3A_1149 = vector.shape_cast %mul3A_1144 : vector<16xf32> to vector<1x16xf32>
        tpu.vector_store %arg12[%swap3A_1145, %swap3A_1146], %swap3A_1149 {strides = array<i32>} : memref<64x128xf32, #tpu.memory_space<vmem>>, vector<1x16xf32>,
        %get3A_1150 = arith.index_cast %add3A_1092 : i32 to index
        %get3A_1151 = arith.constant 80 : index
        %get3A_1152 = tpu.vector_load %arg12[%get3A_1150, %get3A_1151] {strides = array<i32>} : memref<64x128xf32, #tpu.memory_space<vmem>>, vector<1x16xf32>,
        %get3A_1153 = vector.shape_cast %get3A_1152 : vector<1x16xf32> to vector<16xf32>
        %mul3A_1154 = vector.broadcast %squeeze3A_1094 : f32 to vector<16xf32>
        %mul3A_1155 = arith.mulf %get3A_1153, %mul3A_1154 : vector<16xf32>
        %swap3A_1156 = arith.index_cast %add3A_1092 : i32 to index
        %swap3A_1157 = arith.constant 80 : index
        %swap3A_1158 = tpu.vector_load %arg12[%swap3A_1156, %swap3A_1157] {strides = array<i32>} : memref<64x128xf32, #tpu.memory_space<vmem>>, vector<1x16xf32>,
        %swap3A_1159 = vector.shape_cast %swap3A_1158 : vector<1x16xf32> to vector<16xf32>
        %swap3A_1160 = vector.shape_cast %mul3A_1155 : vector<16xf32> to vector<1x16xf32>
        tpu.vector_store %arg12[%swap3A_1156, %swap3A_1157], %swap3A_1160 {strides = array<i32>} : memref<64x128xf32, #tpu.memory_space<vmem>>, vector<1x16xf32>,
        %get3A_1161 = arith.index_cast %add3A_1092 : i32 to index
        %get3A_1162 = arith.constant 96 : index
        %get3A_1163 = tpu.vector_load %arg12[%get3A_1161, %get3A_1162] {strides = array<i32>} : memref<64x128xf32, #tpu.memory_space<vmem>>, vector<1x16xf32>,
        %get3A_1164 = vector.shape_cast %get3A_1163 : vector<1x16xf32> to vector<16xf32>
        %mul3A_1165 = vector.broadcast %squeeze3A_1094 : f32 to vector<16xf32>
        %mul3A_1166 = arith.mulf %get3A_1164, %mul3A_1165 : vector<16xf32>
        %swap3A_1167 = arith.index_cast %add3A_1092 : i32 to index
        %swap3A_1168 = arith.constant 96 : index
        %swap3A_1169 = tpu.vector_load %arg12[%swap3A_1167, %swap3A_1168] {strides = array<i32>} : memref<64x128xf32, #tpu.memory_space<vmem>>, vector<1x16xf32>,
        %swap3A_1170 = vector.shape_cast %swap3A_1169 : vector<1x16xf32> to vector<16xf32>
        %swap3A_1171 = vector.shape_cast %mul3A_1166 : vector<16xf32> to vector<1x16xf32>
        tpu.vector_store %arg12[%swap3A_1167, %swap3A_1168], %swap3A_1171 {strides = array<i32>} : memref<64x128xf32, #tpu.memory_space<vmem>>, vector<1x16xf32>,
        %get3A_1172 = arith.index_cast %add3A_1092 : i32 to index
        %get3A_1173 = arith.constant 112 : index
        %get3A_1174 = tpu.vector_load %arg12[%get3A_1172, %get3A_1173] {strides = array<i32>} : memref<64x128xf32, #tpu.memory_space<vmem>>, vector<1x16xf32>,
        %get3A_1175 = vector.shape_cast %get3A_1174 : vector<1x16xf32> to vector<16xf32>
        %mul3A_1176 = vector.broadcast %squeeze3A_1094 : f32 to vector<16xf32>
        %mul3A_1177 = arith.mulf %get3A_1175, %mul3A_1176 : vector<16xf32>
        %swap3A_1178 = arith.index_cast %add3A_1092 : i32 to index
        %swap3A_1179 = arith.constant 112 : index
        %swap3A_1180 = tpu.vector_load %arg12[%swap3A_1178, %swap3A_1179] {strides = array<i32>} : memref<64x128xf32, #tpu.memory_space<vmem>>, vector<1x16xf32>,
        %swap3A_1181 = vector.shape_cast %swap3A_1180 : vector<1x16xf32> to vector<16xf32>
        %swap3A_1182 = vector.shape_cast %mul3A_1177 : vector<16xf32> to vector<1x16xf32>
        tpu.vector_store %arg12[%swap3A_1178, %swap3A_1179], %swap3A_1182 {strides = array<i32>} : memref<64x128xf32, #tpu.memory_space<vmem>>, vector<1x16xf32>,
        %mul3A_1183 = arith.constant 16 : i32
        %mul3A_1184 = arith.muli %scan3A_232, %mul3A_1183 : i32
        %add3A_1185 = arith.constant 10 : i32
        %add3A_1186 = arith.addi %mul3A_1184, %add3A_1185 : i32
        %slice3A_1187 = vector.extract_strided_slice %select_n3A {offsets = [10], sizes = [1], strides = [1]} : vector<16xf32> to vector<1xf32>
        %squeeze3A_1188 = vector.extract %slice3A_1187[0] : f32 from vector<1xf32>
        %get3A_1189 = arith.index_cast %add3A_1186 : i32 to index
        %get3A_1190 = arith.constant 0 : index
        %get3A_1191 = tpu.vector_load %arg12[%get3A_1189, %get3A_1190] {strides = array<i32>} : memref<64x128xf32, #tpu.memory_space<vmem>>, vector<1x16xf32>,
        %get3A_1192 = vector.shape_cast %get3A_1191 : vector<1x16xf32> to vector<16xf32>
        %mul3A_1193 = vector.broadcast %squeeze3A_1188 : f32 to vector<16xf32>
        %mul3A_1194 = arith.mulf %get3A_1192, %mul3A_1193 : vector<16xf32>
        %swap3A_1195 = arith.index_cast %add3A_1186 : i32 to index
        %swap3A_1196 = arith.constant 0 : index
        %swap3A_1197 = tpu.vector_load %arg12[%swap3A_1195, %swap3A_1196] {strides = array<i32>} : memref<64x128xf32, #tpu.memory_space<vmem>>, vector<1x16xf32>,
        %swap3A_1198 = vector.shape_cast %swap3A_1197 : vector<1x16xf32> to vector<16xf32>
        %swap3A_1199 = vector.shape_cast %mul3A_1194 : vector<16xf32> to vector<1x16xf32>
        tpu.vector_store %arg12[%swap3A_1195, %swap3A_1196], %swap3A_1199 {strides = array<i32>} : memref<64x128xf32, #tpu.memory_space<vmem>>, vector<1x16xf32>,
        %get3A_1200 = arith.index_cast %add3A_1186 : i32 to index
        %get3A_1201 = arith.constant 16 : index
        %get3A_1202 = tpu.vector_load %arg12[%get3A_1200, %get3A_1201] {strides = array<i32>} : memref<64x128xf32, #tpu.memory_space<vmem>>, vector<1x16xf32>,
        %get3A_1203 = vector.shape_cast %get3A_1202 : vector<1x16xf32> to vector<16xf32>
        %mul3A_1204 = vector.broadcast %squeeze3A_1188 : f32 to vector<16xf32>
        %mul3A_1205 = arith.mulf %get3A_1203, %mul3A_1204 : vector<16xf32>
        %swap3A_1206 = arith.index_cast %add3A_1186 : i32 to index
        %swap3A_1207 = arith.constant 16 : index
        %swap3A_1208 = tpu.vector_load %arg12[%swap3A_1206, %swap3A_1207] {strides = array<i32>} : memref<64x128xf32, #tpu.memory_space<vmem>>, vector<1x16xf32>,
        %swap3A_1209 = vector.shape_cast %swap3A_1208 : vector<1x16xf32> to vector<16xf32>
        %swap3A_1210 = vector.shape_cast %mul3A_1205 : vector<16xf32> to vector<1x16xf32>
        tpu.vector_store %arg12[%swap3A_1206, %swap3A_1207], %swap3A_1210 {strides = array<i32>} : memref<64x128xf32, #tpu.memory_space<vmem>>, vector<1x16xf32>,
        %get3A_1211 = arith.index_cast %add3A_1186 : i32 to index
        %get3A_1212 = arith.constant 32 : index
        %get3A_1213 = tpu.vector_load %arg12[%get3A_1211, %get3A_1212] {strides = array<i32>} : memref<64x128xf32, #tpu.memory_space<vmem>>, vector<1x16xf32>,
        %get3A_1214 = vector.shape_cast %get3A_1213 : vector<1x16xf32> to vector<16xf32>
        %mul3A_1215 = vector.broadcast %squeeze3A_1188 : f32 to vector<16xf32>
        %mul3A_1216 = arith.mulf %get3A_1214, %mul3A_1215 : vector<16xf32>
        %swap3A_1217 = arith.index_cast %add3A_1186 : i32 to index
        %swap3A_1218 = arith.constant 32 : index
        %swap3A_1219 = tpu.vector_load %arg12[%swap3A_1217, %swap3A_1218] {strides = array<i32>} : memref<64x128xf32, #tpu.memory_space<vmem>>, vector<1x16xf32>,
        %swap3A_1220 = vector.shape_cast %swap3A_1219 : vector<1x16xf32> to vector<16xf32>
        %swap3A_1221 = vector.shape_cast %mul3A_1216 : vector<16xf32> to vector<1x16xf32>
        tpu.vector_store %arg12[%swap3A_1217, %swap3A_1218], %swap3A_1221 {strides = array<i32>} : memref<64x128xf32, #tpu.memory_space<vmem>>, vector<1x16xf32>,
        %get3A_1222 = arith.index_cast %add3A_1186 : i32 to index
        %get3A_1223 = arith.constant 48 : index
        %get3A_1224 = tpu.vector_load %arg12[%get3A_1222, %get3A_1223] {strides = array<i32>} : memref<64x128xf32, #tpu.memory_space<vmem>>, vector<1x16xf32>,
        %get3A_1225 = vector.shape_cast %get3A_1224 : vector<1x16xf32> to vector<16xf32>
        %mul3A_1226 = vector.broadcast %squeeze3A_1188 : f32 to vector<16xf32>
        %mul3A_1227 = arith.mulf %get3A_1225, %mul3A_1226 : vector<16xf32>
        %swap3A_1228 = arith.index_cast %add3A_1186 : i32 to index
        %swap3A_1229 = arith.constant 48 : index
        %swap3A_1230 = tpu.vector_load %arg12[%swap3A_1228, %swap3A_1229] {strides = array<i32>} : memref<64x128xf32, #tpu.memory_space<vmem>>, vector<1x16xf32>,
        %swap3A_1231 = vector.shape_cast %swap3A_1230 : vector<1x16xf32> to vector<16xf32>
        %swap3A_1232 = vector.shape_cast %mul3A_1227 : vector<16xf32> to vector<1x16xf32>
        tpu.vector_store %arg12[%swap3A_1228, %swap3A_1229], %swap3A_1232 {strides = array<i32>} : memref<64x128xf32, #tpu.memory_space<vmem>>, vector<1x16xf32>,
        %get3A_1233 = arith.index_cast %add3A_1186 : i32 to index
        %get3A_1234 = arith.constant 64 : index
        %get3A_1235 = tpu.vector_load %arg12[%get3A_1233, %get3A_1234] {strides = array<i32>} : memref<64x128xf32, #tpu.memory_space<vmem>>, vector<1x16xf32>,
        %get3A_1236 = vector.shape_cast %get3A_1235 : vector<1x16xf32> to vector<16xf32>
        %mul3A_1237 = vector.broadcast %squeeze3A_1188 : f32 to vector<16xf32>
        %mul3A_1238 = arith.mulf %get3A_1236, %mul3A_1237 : vector<16xf32>
        %swap3A_1239 = arith.index_cast %add3A_1186 : i32 to index
        %swap3A_1240 = arith.constant 64 : index
        %swap3A_1241 = tpu.vector_load %arg12[%swap3A_1239, %swap3A_1240] {strides = array<i32>} : memref<64x128xf32, #tpu.memory_space<vmem>>, vector<1x16xf32>,
        %swap3A_1242 = vector.shape_cast %swap3A_1241 : vector<1x16xf32> to vector<16xf32>
        %swap3A_1243 = vector.shape_cast %mul3A_1238 : vector<16xf32> to vector<1x16xf32>
        tpu.vector_store %arg12[%swap3A_1239, %swap3A_1240], %swap3A_1243 {strides = array<i32>} : memref<64x128xf32, #tpu.memory_space<vmem>>, vector<1x16xf32>,
        %get3A_1244 = arith.index_cast %add3A_1186 : i32 to index
        %get3A_1245 = arith.constant 80 : index
        %get3A_1246 = tpu.vector_load %arg12[%get3A_1244, %get3A_1245] {strides = array<i32>} : memref<64x128xf32, #tpu.memory_space<vmem>>, vector<1x16xf32>,
        %get3A_1247 = vector.shape_cast %get3A_1246 : vector<1x16xf32> to vector<16xf32>
        %mul3A_1248 = vector.broadcast %squeeze3A_1188 : f32 to vector<16xf32>
        %mul3A_1249 = arith.mulf %get3A_1247, %mul3A_1248 : vector<16xf32>
        %swap3A_1250 = arith.index_cast %add3A_1186 : i32 to index
        %swap3A_1251 = arith.constant 80 : index
        %swap3A_1252 = tpu.vector_load %arg12[%swap3A_1250, %swap3A_1251] {strides = array<i32>} : memref<64x128xf32, #tpu.memory_space<vmem>>, vector<1x16xf32>,
        %swap3A_1253 = vector.shape_cast %swap3A_1252 : vector<1x16xf32> to vector<16xf32>
        %swap3A_1254 = vector.shape_cast %mul3A_1249 : vector<16xf32> to vector<1x16xf32>
        tpu.vector_store %arg12[%swap3A_1250, %swap3A_1251], %swap3A_1254 {strides = array<i32>} : memref<64x128xf32, #tpu.memory_space<vmem>>, vector<1x16xf32>,
        %get3A_1255 = arith.index_cast %add3A_1186 : i32 to index
        %get3A_1256 = arith.constant 96 : index
        %get3A_1257 = tpu.vector_load %arg12[%get3A_1255, %get3A_1256] {strides = array<i32>} : memref<64x128xf32, #tpu.memory_space<vmem>>, vector<1x16xf32>,
        %get3A_1258 = vector.shape_cast %get3A_1257 : vector<1x16xf32> to vector<16xf32>
        %mul3A_1259 = vector.broadcast %squeeze3A_1188 : f32 to vector<16xf32>
        %mul3A_1260 = arith.mulf %get3A_1258, %mul3A_1259 : vector<16xf32>
        %swap3A_1261 = arith.index_cast %add3A_1186 : i32 to index
        %swap3A_1262 = arith.constant 96 : index
        %swap3A_1263 = tpu.vector_load %arg12[%swap3A_1261, %swap3A_1262] {strides = array<i32>} : memref<64x128xf32, #tpu.memory_space<vmem>>, vector<1x16xf32>,
        %swap3A_1264 = vector.shape_cast %swap3A_1263 : vector<1x16xf32> to vector<16xf32>
        %swap3A_1265 = vector.shape_cast %mul3A_1260 : vector<16xf32> to vector<1x16xf32>
        tpu.vector_store %arg12[%swap3A_1261, %swap3A_1262], %swap3A_1265 {strides = array<i32>} : memref<64x128xf32, #tpu.memory_space<vmem>>, vector<1x16xf32>,
        %get3A_1266 = arith.index_cast %add3A_1186 : i32 to index
        %get3A_1267 = arith.constant 112 : index
        %get3A_1268 = tpu.vector_load %arg12[%get3A_1266, %get3A_1267] {strides = array<i32>} : memref<64x128xf32, #tpu.memory_space<vmem>>, vector<1x16xf32>,
        %get3A_1269 = vector.shape_cast %get3A_1268 : vector<1x16xf32> to vector<16xf32>
        %mul3A_1270 = vector.broadcast %squeeze3A_1188 : f32 to vector<16xf32>
        %mul3A_1271 = arith.mulf %get3A_1269, %mul3A_1270 : vector<16xf32>
        %swap3A_1272 = arith.index_cast %add3A_1186 : i32 to index
        %swap3A_1273 = arith.constant 112 : index
        %swap3A_1274 = tpu.vector_load %arg12[%swap3A_1272, %swap3A_1273] {strides = array<i32>} : memref<64x128xf32, #tpu.memory_space<vmem>>, vector<1x16xf32>,
        %swap3A_1275 = vector.shape_cast %swap3A_1274 : vector<1x16xf32> to vector<16xf32>
        %swap3A_1276 = vector.shape_cast %mul3A_1271 : vector<16xf32> to vector<1x16xf32>
        tpu.vector_store %arg12[%swap3A_1272, %swap3A_1273], %swap3A_1276 {strides = array<i32>} : memref<64x128xf32, #tpu.memory_space<vmem>>, vector<1x16xf32>,
        %mul3A_1277 = arith.constant 16 : i32
        %mul3A_1278 = arith.muli %scan3A_232, %mul3A_1277 : i32
        %add3A_1279 = arith.constant 11 : i32
        %add3A_1280 = arith.addi %mul3A_1278, %add3A_1279 : i32
        %slice3A_1281 = vector.extract_strided_slice %select_n3A {offsets = [11], sizes = [1], strides = [1]} : vector<16xf32> to vector<1xf32>
        %squeeze3A_1282 = vector.extract %slice3A_1281[0] : f32 from vector<1xf32>
        %get3A_1283 = arith.index_cast %add3A_1280 : i32 to index
        %get3A_1284 = arith.constant 0 : index
        %get3A_1285 = tpu.vector_load %arg12[%get3A_1283, %get3A_1284] {strides = array<i32>} : memref<64x128xf32, #tpu.memory_space<vmem>>, vector<1x16xf32>,
        %get3A_1286 = vector.shape_cast %get3A_1285 : vector<1x16xf32> to vector<16xf32>
        %mul3A_1287 = vector.broadcast %squeeze3A_1282 : f32 to vector<16xf32>
        %mul3A_1288 = arith.mulf %get3A_1286, %mul3A_1287 : vector<16xf32>
        %swap3A_1289 = arith.index_cast %add3A_1280 : i32 to index
        %swap3A_1290 = arith.constant 0 : index
        %swap3A_1291 = tpu.vector_load %arg12[%swap3A_1289, %swap3A_1290] {strides = array<i32>} : memref<64x128xf32, #tpu.memory_space<vmem>>, vector<1x16xf32>,
        %swap3A_1292 = vector.shape_cast %swap3A_1291 : vector<1x16xf32> to vector<16xf32>
        %swap3A_1293 = vector.shape_cast %mul3A_1288 : vector<16xf32> to vector<1x16xf32>
        tpu.vector_store %arg12[%swap3A_1289, %swap3A_1290], %swap3A_1293 {strides = array<i32>} : memref<64x128xf32, #tpu.memory_space<vmem>>, vector<1x16xf32>,
        %get3A_1294 = arith.index_cast %add3A_1280 : i32 to index
        %get3A_1295 = arith.constant 16 : index
        %get3A_1296 = tpu.vector_load %arg12[%get3A_1294, %get3A_1295] {strides = array<i32>} : memref<64x128xf32, #tpu.memory_space<vmem>>, vector<1x16xf32>,
        %get3A_1297 = vector.shape_cast %get3A_1296 : vector<1x16xf32> to vector<16xf32>
        %mul3A_1298 = vector.broadcast %squeeze3A_1282 : f32 to vector<16xf32>
        %mul3A_1299 = arith.mulf %get3A_1297, %mul3A_1298 : vector<16xf32>
        %swap3A_1300 = arith.index_cast %add3A_1280 : i32 to index
        %swap3A_1301 = arith.constant 16 : index
        %swap3A_1302 = tpu.vector_load %arg12[%swap3A_1300, %swap3A_1301] {strides = array<i32>} : memref<64x128xf32, #tpu.memory_space<vmem>>, vector<1x16xf32>,
        %swap3A_1303 = vector.shape_cast %swap3A_1302 : vector<1x16xf32> to vector<16xf32>
        %swap3A_1304 = vector.shape_cast %mul3A_1299 : vector<16xf32> to vector<1x16xf32>
        tpu.vector_store %arg12[%swap3A_1300, %swap3A_1301], %swap3A_1304 {strides = array<i32>} : memref<64x128xf32, #tpu.memory_space<vmem>>, vector<1x16xf32>,
        %get3A_1305 = arith.index_cast %add3A_1280 : i32 to index
        %get3A_1306 = arith.constant 32 : index
        %get3A_1307 = tpu.vector_load %arg12[%get3A_1305, %get3A_1306] {strides = array<i32>} : memref<64x128xf32, #tpu.memory_space<vmem>>, vector<1x16xf32>,
        %get3A_1308 = vector.shape_cast %get3A_1307 : vector<1x16xf32> to vector<16xf32>
        %mul3A_1309 = vector.broadcast %squeeze3A_1282 : f32 to vector<16xf32>
        %mul3A_1310 = arith.mulf %get3A_1308, %mul3A_1309 : vector<16xf32>
        %swap3A_1311 = arith.index_cast %add3A_1280 : i32 to index
        %swap3A_1312 = arith.constant 32 : index
        %swap3A_1313 = tpu.vector_load %arg12[%swap3A_1311, %swap3A_1312] {strides = array<i32>} : memref<64x128xf32, #tpu.memory_space<vmem>>, vector<1x16xf32>,
        %swap3A_1314 = vector.shape_cast %swap3A_1313 : vector<1x16xf32> to vector<16xf32>
        %swap3A_1315 = vector.shape_cast %mul3A_1310 : vector<16xf32> to vector<1x16xf32>
        tpu.vector_store %arg12[%swap3A_1311, %swap3A_1312], %swap3A_1315 {strides = array<i32>} : memref<64x128xf32, #tpu.memory_space<vmem>>, vector<1x16xf32>,
        %get3A_1316 = arith.index_cast %add3A_1280 : i32 to index
        %get3A_1317 = arith.constant 48 : index
        %get3A_1318 = tpu.vector_load %arg12[%get3A_1316, %get3A_1317] {strides = array<i32>} : memref<64x128xf32, #tpu.memory_space<vmem>>, vector<1x16xf32>,
        %get3A_1319 = vector.shape_cast %get3A_1318 : vector<1x16xf32> to vector<16xf32>
        %mul3A_1320 = vector.broadcast %squeeze3A_1282 : f32 to vector<16xf32>
        %mul3A_1321 = arith.mulf %get3A_1319, %mul3A_1320 : vector<16xf32>
        %swap3A_1322 = arith.index_cast %add3A_1280 : i32 to index
        %swap3A_1323 = arith.constant 48 : index
        %swap3A_1324 = tpu.vector_load %arg12[%swap3A_1322, %swap3A_1323] {strides = array<i32>} : memref<64x128xf32, #tpu.memory_space<vmem>>, vector<1x16xf32>,
        %swap3A_1325 = vector.shape_cast %swap3A_1324 : vector<1x16xf32> to vector<16xf32>
        %swap3A_1326 = vector.shape_cast %mul3A_1321 : vector<16xf32> to vector<1x16xf32>
        tpu.vector_store %arg12[%swap3A_1322, %swap3A_1323], %swap3A_1326 {strides = array<i32>} : memref<64x128xf32, #tpu.memory_space<vmem>>, vector<1x16xf32>,
        %get3A_1327 = arith.index_cast %add3A_1280 : i32 to index
        %get3A_1328 = arith.constant 64 : index
        %get3A_1329 = tpu.vector_load %arg12[%get3A_1327, %get3A_1328] {strides = array<i32>} : memref<64x128xf32, #tpu.memory_space<vmem>>, vector<1x16xf32>,
        %get3A_1330 = vector.shape_cast %get3A_1329 : vector<1x16xf32> to vector<16xf32>
        %mul3A_1331 = vector.broadcast %squeeze3A_1282 : f32 to vector<16xf32>
        %mul3A_1332 = arith.mulf %get3A_1330, %mul3A_1331 : vector<16xf32>
        %swap3A_1333 = arith.index_cast %add3A_1280 : i32 to index
        %swap3A_1334 = arith.constant 64 : index
        %swap3A_1335 = tpu.vector_load %arg12[%swap3A_1333, %swap3A_1334] {strides = array<i32>} : memref<64x128xf32, #tpu.memory_space<vmem>>, vector<1x16xf32>,
        %swap3A_1336 = vector.shape_cast %swap3A_1335 : vector<1x16xf32> to vector<16xf32>
        %swap3A_1337 = vector.shape_cast %mul3A_1332 : vector<16xf32> to vector<1x16xf32>
        tpu.vector_store %arg12[%swap3A_1333, %swap3A_1334], %swap3A_1337 {strides = array<i32>} : memref<64x128xf32, #tpu.memory_space<vmem>>, vector<1x16xf32>,
        %get3A_1338 = arith.index_cast %add3A_1280 : i32 to index
        %get3A_1339 = arith.constant 80 : index
        %get3A_1340 = tpu.vector_load %arg12[%get3A_1338, %get3A_1339] {strides = array<i32>} : memref<64x128xf32, #tpu.memory_space<vmem>>, vector<1x16xf32>,
        %get3A_1341 = vector.shape_cast %get3A_1340 : vector<1x16xf32> to vector<16xf32>
        %mul3A_1342 = vector.broadcast %squeeze3A_1282 : f32 to vector<16xf32>
        %mul3A_1343 = arith.mulf %get3A_1341, %mul3A_1342 : vector<16xf32>
        %swap3A_1344 = arith.index_cast %add3A_1280 : i32 to index
        %swap3A_1345 = arith.constant 80 : index
        %swap3A_1346 = tpu.vector_load %arg12[%swap3A_1344, %swap3A_1345] {strides = array<i32>} : memref<64x128xf32, #tpu.memory_space<vmem>>, vector<1x16xf32>,
        %swap3A_1347 = vector.shape_cast %swap3A_1346 : vector<1x16xf32> to vector<16xf32>
        %swap3A_1348 = vector.shape_cast %mul3A_1343 : vector<16xf32> to vector<1x16xf32>
        tpu.vector_store %arg12[%swap3A_1344, %swap3A_1345], %swap3A_1348 {strides = array<i32>} : memref<64x128xf32, #tpu.memory_space<vmem>>, vector<1x16xf32>,
        %get3A_1349 = arith.index_cast %add3A_1280 : i32 to index
        %get3A_1350 = arith.constant 96 : index
        %get3A_1351 = tpu.vector_load %arg12[%get3A_1349, %get3A_1350] {strides = array<i32>} : memref<64x128xf32, #tpu.memory_space<vmem>>, vector<1x16xf32>,
        %get3A_1352 = vector.shape_cast %get3A_1351 : vector<1x16xf32> to vector<16xf32>
        %mul3A_1353 = vector.broadcast %squeeze3A_1282 : f32 to vector<16xf32>
        %mul3A_1354 = arith.mulf %get3A_1352, %mul3A_1353 : vector<16xf32>
        %swap3A_1355 = arith.index_cast %add3A_1280 : i32 to index
        %swap3A_1356 = arith.constant 96 : index
        %swap3A_1357 = tpu.vector_load %arg12[%swap3A_1355, %swap3A_1356] {strides = array<i32>} : memref<64x128xf32, #tpu.memory_space<vmem>>, vector<1x16xf32>,
        %swap3A_1358 = vector.shape_cast %swap3A_1357 : vector<1x16xf32> to vector<16xf32>
        %swap3A_1359 = vector.shape_cast %mul3A_1354 : vector<16xf32> to vector<1x16xf32>
        tpu.vector_store %arg12[%swap3A_1355, %swap3A_1356], %swap3A_1359 {strides = array<i32>} : memref<64x128xf32, #tpu.memory_space<vmem>>, vector<1x16xf32>,
        %get3A_1360 = arith.index_cast %add3A_1280 : i32 to index
        %get3A_1361 = arith.constant 112 : index
        %get3A_1362 = tpu.vector_load %arg12[%get3A_1360, %get3A_1361] {strides = array<i32>} : memref<64x128xf32, #tpu.memory_space<vmem>>, vector<1x16xf32>,
        %get3A_1363 = vector.shape_cast %get3A_1362 : vector<1x16xf32> to vector<16xf32>
        %mul3A_1364 = vector.broadcast %squeeze3A_1282 : f32 to vector<16xf32>
        %mul3A_1365 = arith.mulf %get3A_1363, %mul3A_1364 : vector<16xf32>
        %swap3A_1366 = arith.index_cast %add3A_1280 : i32 to index
        %swap3A_1367 = arith.constant 112 : index
        %swap3A_1368 = tpu.vector_load %arg12[%swap3A_1366, %swap3A_1367] {strides = array<i32>} : memref<64x128xf32, #tpu.memory_space<vmem>>, vector<1x16xf32>,
        %swap3A_1369 = vector.shape_cast %swap3A_1368 : vector<1x16xf32> to vector<16xf32>
        %swap3A_1370 = vector.shape_cast %mul3A_1365 : vector<16xf32> to vector<1x16xf32>
        tpu.vector_store %arg12[%swap3A_1366, %swap3A_1367], %swap3A_1370 {strides = array<i32>} : memref<64x128xf32, #tpu.memory_space<vmem>>, vector<1x16xf32>,
        %mul3A_1371 = arith.constant 16 : i32
        %mul3A_1372 = arith.muli %scan3A_232, %mul3A_1371 : i32
        %add3A_1373 = arith.constant 12 : i32
        %add3A_1374 = arith.addi %mul3A_1372, %add3A_1373 : i32
        %slice3A_1375 = vector.extract_strided_slice %select_n3A {offsets = [12], sizes = [1], strides = [1]} : vector<16xf32> to vector<1xf32>
        %squeeze3A_1376 = vector.extract %slice3A_1375[0] : f32 from vector<1xf32>
        %get3A_1377 = arith.index_cast %add3A_1374 : i32 to index
        %get3A_1378 = arith.constant 0 : index
        %get3A_1379 = tpu.vector_load %arg12[%get3A_1377, %get3A_1378] {strides = array<i32>} : memref<64x128xf32, #tpu.memory_space<vmem>>, vector<1x16xf32>,
        %get3A_1380 = vector.shape_cast %get3A_1379 : vector<1x16xf32> to vector<16xf32>
        %mul3A_1381 = vector.broadcast %squeeze3A_1376 : f32 to vector<16xf32>
        %mul3A_1382 = arith.mulf %get3A_1380, %mul3A_1381 : vector<16xf32>
        %swap3A_1383 = arith.index_cast %add3A_1374 : i32 to index
        %swap3A_1384 = arith.constant 0 : index
        %swap3A_1385 = tpu.vector_load %arg12[%swap3A_1383, %swap3A_1384] {strides = array<i32>} : memref<64x128xf32, #tpu.memory_space<vmem>>, vector<1x16xf32>,
        %swap3A_1386 = vector.shape_cast %swap3A_1385 : vector<1x16xf32> to vector<16xf32>
        %swap3A_1387 = vector.shape_cast %mul3A_1382 : vector<16xf32> to vector<1x16xf32>
        tpu.vector_store %arg12[%swap3A_1383, %swap3A_1384], %swap3A_1387 {strides = array<i32>} : memref<64x128xf32, #tpu.memory_space<vmem>>, vector<1x16xf32>,
        %get3A_1388 = arith.index_cast %add3A_1374 : i32 to index
        %get3A_1389 = arith.constant 16 : index
        %get3A_1390 = tpu.vector_load %arg12[%get3A_1388, %get3A_1389] {strides = array<i32>} : memref<64x128xf32, #tpu.memory_space<vmem>>, vector<1x16xf32>,
        %get3A_1391 = vector.shape_cast %get3A_1390 : vector<1x16xf32> to vector<16xf32>
        %mul3A_1392 = vector.broadcast %squeeze3A_1376 : f32 to vector<16xf32>
        %mul3A_1393 = arith.mulf %get3A_1391, %mul3A_1392 : vector<16xf32>
        %swap3A_1394 = arith.index_cast %add3A_1374 : i32 to index
        %swap3A_1395 = arith.constant 16 : index
        %swap3A_1396 = tpu.vector_load %arg12[%swap3A_1394, %swap3A_1395] {strides = array<i32>} : memref<64x128xf32, #tpu.memory_space<vmem>>, vector<1x16xf32>,
        %swap3A_1397 = vector.shape_cast %swap3A_1396 : vector<1x16xf32> to vector<16xf32>
        %swap3A_1398 = vector.shape_cast %mul3A_1393 : vector<16xf32> to vector<1x16xf32>
        tpu.vector_store %arg12[%swap3A_1394, %swap3A_1395], %swap3A_1398 {strides = array<i32>} : memref<64x128xf32, #tpu.memory_space<vmem>>, vector<1x16xf32>,
        %get3A_1399 = arith.index_cast %add3A_1374 : i32 to index
        %get3A_1400 = arith.constant 32 : index
        %get3A_1401 = tpu.vector_load %arg12[%get3A_1399, %get3A_1400] {strides = array<i32>} : memref<64x128xf32, #tpu.memory_space<vmem>>, vector<1x16xf32>,
        %get3A_1402 = vector.shape_cast %get3A_1401 : vector<1x16xf32> to vector<16xf32>
        %mul3A_1403 = vector.broadcast %squeeze3A_1376 : f32 to vector<16xf32>
        %mul3A_1404 = arith.mulf %get3A_1402, %mul3A_1403 : vector<16xf32>
        %swap3A_1405 = arith.index_cast %add3A_1374 : i32 to index
        %swap3A_1406 = arith.constant 32 : index
        %swap3A_1407 = tpu.vector_load %arg12[%swap3A_1405, %swap3A_1406] {strides = array<i32>} : memref<64x128xf32, #tpu.memory_space<vmem>>, vector<1x16xf32>,
        %swap3A_1408 = vector.shape_cast %swap3A_1407 : vector<1x16xf32> to vector<16xf32>
        %swap3A_1409 = vector.shape_cast %mul3A_1404 : vector<16xf32> to vector<1x16xf32>
        tpu.vector_store %arg12[%swap3A_1405, %swap3A_1406], %swap3A_1409 {strides = array<i32>} : memref<64x128xf32, #tpu.memory_space<vmem>>, vector<1x16xf32>,
        %get3A_1410 = arith.index_cast %add3A_1374 : i32 to index
        %get3A_1411 = arith.constant 48 : index
        %get3A_1412 = tpu.vector_load %arg12[%get3A_1410, %get3A_1411] {strides = array<i32>} : memref<64x128xf32, #tpu.memory_space<vmem>>, vector<1x16xf32>,
        %get3A_1413 = vector.shape_cast %get3A_1412 : vector<1x16xf32> to vector<16xf32>
        %mul3A_1414 = vector.broadcast %squeeze3A_1376 : f32 to vector<16xf32>
        %mul3A_1415 = arith.mulf %get3A_1413, %mul3A_1414 : vector<16xf32>
        %swap3A_1416 = arith.index_cast %add3A_1374 : i32 to index
        %swap3A_1417 = arith.constant 48 : index
        %swap3A_1418 = tpu.vector_load %arg12[%swap3A_1416, %swap3A_1417] {strides = array<i32>} : memref<64x128xf32, #tpu.memory_space<vmem>>, vector<1x16xf32>,
        %swap3A_1419 = vector.shape_cast %swap3A_1418 : vector<1x16xf32> to vector<16xf32>
        %swap3A_1420 = vector.shape_cast %mul3A_1415 : vector<16xf32> to vector<1x16xf32>
        tpu.vector_store %arg12[%swap3A_1416, %swap3A_1417], %swap3A_1420 {strides = array<i32>} : memref<64x128xf32, #tpu.memory_space<vmem>>, vector<1x16xf32>,
        %get3A_1421 = arith.index_cast %add3A_1374 : i32 to index
        %get3A_1422 = arith.constant 64 : index
        %get3A_1423 = tpu.vector_load %arg12[%get3A_1421, %get3A_1422] {strides = array<i32>} : memref<64x128xf32, #tpu.memory_space<vmem>>, vector<1x16xf32>,
        %get3A_1424 = vector.shape_cast %get3A_1423 : vector<1x16xf32> to vector<16xf32>
        %mul3A_1425 = vector.broadcast %squeeze3A_1376 : f32 to vector<16xf32>
        %mul3A_1426 = arith.mulf %get3A_1424, %mul3A_1425 : vector<16xf32>
        %swap3A_1427 = arith.index_cast %add3A_1374 : i32 to index
        %swap3A_1428 = arith.constant 64 : index
        %swap3A_1429 = tpu.vector_load %arg12[%swap3A_1427, %swap3A_1428] {strides = array<i32>} : memref<64x128xf32, #tpu.memory_space<vmem>>, vector<1x16xf32>,
        %swap3A_1430 = vector.shape_cast %swap3A_1429 : vector<1x16xf32> to vector<16xf32>
        %swap3A_1431 = vector.shape_cast %mul3A_1426 : vector<16xf32> to vector<1x16xf32>
        tpu.vector_store %arg12[%swap3A_1427, %swap3A_1428], %swap3A_1431 {strides = array<i32>} : memref<64x128xf32, #tpu.memory_space<vmem>>, vector<1x16xf32>,
        %get3A_1432 = arith.index_cast %add3A_1374 : i32 to index
        %get3A_1433 = arith.constant 80 : index
        %get3A_1434 = tpu.vector_load %arg12[%get3A_1432, %get3A_1433] {strides = array<i32>} : memref<64x128xf32, #tpu.memory_space<vmem>>, vector<1x16xf32>,
        %get3A_1435 = vector.shape_cast %get3A_1434 : vector<1x16xf32> to vector<16xf32>
        %mul3A_1436 = vector.broadcast %squeeze3A_1376 : f32 to vector<16xf32>
        %mul3A_1437 = arith.mulf %get3A_1435, %mul3A_1436 : vector<16xf32>
        %swap3A_1438 = arith.index_cast %add3A_1374 : i32 to index
        %swap3A_1439 = arith.constant 80 : index
        %swap3A_1440 = tpu.vector_load %arg12[%swap3A_1438, %swap3A_1439] {strides = array<i32>} : memref<64x128xf32, #tpu.memory_space<vmem>>, vector<1x16xf32>,
        %swap3A_1441 = vector.shape_cast %swap3A_1440 : vector<1x16xf32> to vector<16xf32>
        %swap3A_1442 = vector.shape_cast %mul3A_1437 : vector<16xf32> to vector<1x16xf32>
        tpu.vector_store %arg12[%swap3A_1438, %swap3A_1439], %swap3A_1442 {strides = array<i32>} : memref<64x128xf32, #tpu.memory_space<vmem>>, vector<1x16xf32>,
        %get3A_1443 = arith.index_cast %add3A_1374 : i32 to index
        %get3A_1444 = arith.constant 96 : index
        %get3A_1445 = tpu.vector_load %arg12[%get3A_1443, %get3A_1444] {strides = array<i32>} : memref<64x128xf32, #tpu.memory_space<vmem>>, vector<1x16xf32>,
        %get3A_1446 = vector.shape_cast %get3A_1445 : vector<1x16xf32> to vector<16xf32>
        %mul3A_1447 = vector.broadcast %squeeze3A_1376 : f32 to vector<16xf32>
        %mul3A_1448 = arith.mulf %get3A_1446, %mul3A_1447 : vector<16xf32>
        %swap3A_1449 = arith.index_cast %add3A_1374 : i32 to index
        %swap3A_1450 = arith.constant 96 : index
        %swap3A_1451 = tpu.vector_load %arg12[%swap3A_1449, %swap3A_1450] {strides = array<i32>} : memref<64x128xf32, #tpu.memory_space<vmem>>, vector<1x16xf32>,
        %swap3A_1452 = vector.shape_cast %swap3A_1451 : vector<1x16xf32> to vector<16xf32>
        %swap3A_1453 = vector.shape_cast %mul3A_1448 : vector<16xf32> to vector<1x16xf32>
        tpu.vector_store %arg12[%swap3A_1449, %swap3A_1450], %swap3A_1453 {strides = array<i32>} : memref<64x128xf32, #tpu.memory_space<vmem>>, vector<1x16xf32>,
        %get3A_1454 = arith.index_cast %add3A_1374 : i32 to index
        %get3A_1455 = arith.constant 112 : index
        %get3A_1456 = tpu.vector_load %arg12[%get3A_1454, %get3A_1455] {strides = array<i32>} : memref<64x128xf32, #tpu.memory_space<vmem>>, vector<1x16xf32>,
        %get3A_1457 = vector.shape_cast %get3A_1456 : vector<1x16xf32> to vector<16xf32>
        %mul3A_1458 = vector.broadcast %squeeze3A_1376 : f32 to vector<16xf32>
        %mul3A_1459 = arith.mulf %get3A_1457, %mul3A_1458 : vector<16xf32>
        %swap3A_1460 = arith.index_cast %add3A_1374 : i32 to index
        %swap3A_1461 = arith.constant 112 : index
        %swap3A_1462 = tpu.vector_load %arg12[%swap3A_1460, %swap3A_1461] {strides = array<i32>} : memref<64x128xf32, #tpu.memory_space<vmem>>, vector<1x16xf32>,
        %swap3A_1463 = vector.shape_cast %swap3A_1462 : vector<1x16xf32> to vector<16xf32>
        %swap3A_1464 = vector.shape_cast %mul3A_1459 : vector<16xf32> to vector<1x16xf32>
        tpu.vector_store %arg12[%swap3A_1460, %swap3A_1461], %swap3A_1464 {strides = array<i32>} : memref<64x128xf32, #tpu.memory_space<vmem>>, vector<1x16xf32>,
        %mul3A_1465 = arith.constant 16 : i32
        %mul3A_1466 = arith.muli %scan3A_232, %mul3A_1465 : i32
        %add3A_1467 = arith.constant 13 : i32
        %add3A_1468 = arith.addi %mul3A_1466, %add3A_1467 : i32
        %slice3A_1469 = vector.extract_strided_slice %select_n3A {offsets = [13], sizes = [1], strides = [1]} : vector<16xf32> to vector<1xf32>
        %squeeze3A_1470 = vector.extract %slice3A_1469[0] : f32 from vector<1xf32>
        %get3A_1471 = arith.index_cast %add3A_1468 : i32 to index
        %get3A_1472 = arith.constant 0 : index
        %get3A_1473 = tpu.vector_load %arg12[%get3A_1471, %get3A_1472] {strides = array<i32>} : memref<64x128xf32, #tpu.memory_space<vmem>>, vector<1x16xf32>,
        %get3A_1474 = vector.shape_cast %get3A_1473 : vector<1x16xf32> to vector<16xf32>
        %mul3A_1475 = vector.broadcast %squeeze3A_1470 : f32 to vector<16xf32>
        %mul3A_1476 = arith.mulf %get3A_1474, %mul3A_1475 : vector<16xf32>
        %swap3A_1477 = arith.index_cast %add3A_1468 : i32 to index
        %swap3A_1478 = arith.constant 0 : index
        %swap3A_1479 = tpu.vector_load %arg12[%swap3A_1477, %swap3A_1478] {strides = array<i32>} : memref<64x128xf32, #tpu.memory_space<vmem>>, vector<1x16xf32>,
        %swap3A_1480 = vector.shape_cast %swap3A_1479 : vector<1x16xf32> to vector<16xf32>
        %swap3A_1481 = vector.shape_cast %mul3A_1476 : vector<16xf32> to vector<1x16xf32>
        tpu.vector_store %arg12[%swap3A_1477, %swap3A_1478], %swap3A_1481 {strides = array<i32>} : memref<64x128xf32, #tpu.memory_space<vmem>>, vector<1x16xf32>,
        %get3A_1482 = arith.index_cast %add3A_1468 : i32 to index
        %get3A_1483 = arith.constant 16 : index
        %get3A_1484 = tpu.vector_load %arg12[%get3A_1482, %get3A_1483] {strides = array<i32>} : memref<64x128xf32, #tpu.memory_space<vmem>>, vector<1x16xf32>,
        %get3A_1485 = vector.shape_cast %get3A_1484 : vector<1x16xf32> to vector<16xf32>
        %mul3A_1486 = vector.broadcast %squeeze3A_1470 : f32 to vector<16xf32>
        %mul3A_1487 = arith.mulf %get3A_1485, %mul3A_1486 : vector<16xf32>
        %swap3A_1488 = arith.index_cast %add3A_1468 : i32 to index
        %swap3A_1489 = arith.constant 16 : index
        %swap3A_1490 = tpu.vector_load %arg12[%swap3A_1488, %swap3A_1489] {strides = array<i32>} : memref<64x128xf32, #tpu.memory_space<vmem>>, vector<1x16xf32>,
        %swap3A_1491 = vector.shape_cast %swap3A_1490 : vector<1x16xf32> to vector<16xf32>
        %swap3A_1492 = vector.shape_cast %mul3A_1487 : vector<16xf32> to vector<1x16xf32>
        tpu.vector_store %arg12[%swap3A_1488, %swap3A_1489], %swap3A_1492 {strides = array<i32>} : memref<64x128xf32, #tpu.memory_space<vmem>>, vector<1x16xf32>,
        %get3A_1493 = arith.index_cast %add3A_1468 : i32 to index
        %get3A_1494 = arith.constant 32 : index
        %get3A_1495 = tpu.vector_load %arg12[%get3A_1493, %get3A_1494] {strides = array<i32>} : memref<64x128xf32, #tpu.memory_space<vmem>>, vector<1x16xf32>,
        %get3A_1496 = vector.shape_cast %get3A_1495 : vector<1x16xf32> to vector<16xf32>
        %mul3A_1497 = vector.broadcast %squeeze3A_1470 : f32 to vector<16xf32>
        %mul3A_1498 = arith.mulf %get3A_1496, %mul3A_1497 : vector<16xf32>
        %swap3A_1499 = arith.index_cast %add3A_1468 : i32 to index
        %swap3A_1500 = arith.constant 32 : index
        %swap3A_1501 = tpu.vector_load %arg12[%swap3A_1499, %swap3A_1500] {strides = array<i32>} : memref<64x128xf32, #tpu.memory_space<vmem>>, vector<1x16xf32>,
        %swap3A_1502 = vector.shape_cast %swap3A_1501 : vector<1x16xf32> to vector<16xf32>
        %swap3A_1503 = vector.shape_cast %mul3A_1498 : vector<16xf32> to vector<1x16xf32>
        tpu.vector_store %arg12[%swap3A_1499, %swap3A_1500], %swap3A_1503 {strides = array<i32>} : memref<64x128xf32, #tpu.memory_space<vmem>>, vector<1x16xf32>,
        %get3A_1504 = arith.index_cast %add3A_1468 : i32 to index
        %get3A_1505 = arith.constant 48 : index
        %get3A_1506 = tpu.vector_load %arg12[%get3A_1504, %get3A_1505] {strides = array<i32>} : memref<64x128xf32, #tpu.memory_space<vmem>>, vector<1x16xf32>,
        %get3A_1507 = vector.shape_cast %get3A_1506 : vector<1x16xf32> to vector<16xf32>
        %mul3A_1508 = vector.broadcast %squeeze3A_1470 : f32 to vector<16xf32>
        %mul3A_1509 = arith.mulf %get3A_1507, %mul3A_1508 : vector<16xf32>
        %swap3A_1510 = arith.index_cast %add3A_1468 : i32 to index
        %swap3A_1511 = arith.constant 48 : index
        %swap3A_1512 = tpu.vector_load %arg12[%swap3A_1510, %swap3A_1511] {strides = array<i32>} : memref<64x128xf32, #tpu.memory_space<vmem>>, vector<1x16xf32>,
        %swap3A_1513 = vector.shape_cast %swap3A_1512 : vector<1x16xf32> to vector<16xf32>
        %swap3A_1514 = vector.shape_cast %mul3A_1509 : vector<16xf32> to vector<1x16xf32>
        tpu.vector_store %arg12[%swap3A_1510, %swap3A_1511], %swap3A_1514 {strides = array<i32>} : memref<64x128xf32, #tpu.memory_space<vmem>>, vector<1x16xf32>,
        %get3A_1515 = arith.index_cast %add3A_1468 : i32 to index
        %get3A_1516 = arith.constant 64 : index
        %get3A_1517 = tpu.vector_load %arg12[%get3A_1515, %get3A_1516] {strides = array<i32>} : memref<64x128xf32, #tpu.memory_space<vmem>>, vector<1x16xf32>,
        %get3A_1518 = vector.shape_cast %get3A_1517 : vector<1x16xf32> to vector<16xf32>
        %mul3A_1519 = vector.broadcast %squeeze3A_1470 : f32 to vector<16xf32>
        %mul3A_1520 = arith.mulf %get3A_1518, %mul3A_1519 : vector<16xf32>
        %swap3A_1521 = arith.index_cast %add3A_1468 : i32 to index
        %swap3A_1522 = arith.constant 64 : index
        %swap3A_1523 = tpu.vector_load %arg12[%swap3A_1521, %swap3A_1522] {strides = array<i32>} : memref<64x128xf32, #tpu.memory_space<vmem>>, vector<1x16xf32>,
        %swap3A_1524 = vector.shape_cast %swap3A_1523 : vector<1x16xf32> to vector<16xf32>
        %swap3A_1525 = vector.shape_cast %mul3A_1520 : vector<16xf32> to vector<1x16xf32>
        tpu.vector_store %arg12[%swap3A_1521, %swap3A_1522], %swap3A_1525 {strides = array<i32>} : memref<64x128xf32, #tpu.memory_space<vmem>>, vector<1x16xf32>,
        %get3A_1526 = arith.index_cast %add3A_1468 : i32 to index
        %get3A_1527 = arith.constant 80 : index
        %get3A_1528 = tpu.vector_load %arg12[%get3A_1526, %get3A_1527] {strides = array<i32>} : memref<64x128xf32, #tpu.memory_space<vmem>>, vector<1x16xf32>,
        %get3A_1529 = vector.shape_cast %get3A_1528 : vector<1x16xf32> to vector<16xf32>
        %mul3A_1530 = vector.broadcast %squeeze3A_1470 : f32 to vector<16xf32>
        %mul3A_1531 = arith.mulf %get3A_1529, %mul3A_1530 : vector<16xf32>
        %swap3A_1532 = arith.index_cast %add3A_1468 : i32 to index
        %swap3A_1533 = arith.constant 80 : index
        %swap3A_1534 = tpu.vector_load %arg12[%swap3A_1532, %swap3A_1533] {strides = array<i32>} : memref<64x128xf32, #tpu.memory_space<vmem>>, vector<1x16xf32>,
        %swap3A_1535 = vector.shape_cast %swap3A_1534 : vector<1x16xf32> to vector<16xf32>
        %swap3A_1536 = vector.shape_cast %mul3A_1531 : vector<16xf32> to vector<1x16xf32>
        tpu.vector_store %arg12[%swap3A_1532, %swap3A_1533], %swap3A_1536 {strides = array<i32>} : memref<64x128xf32, #tpu.memory_space<vmem>>, vector<1x16xf32>,
        %get3A_1537 = arith.index_cast %add3A_1468 : i32 to index
        %get3A_1538 = arith.constant 96 : index
        %get3A_1539 = tpu.vector_load %arg12[%get3A_1537, %get3A_1538] {strides = array<i32>} : memref<64x128xf32, #tpu.memory_space<vmem>>, vector<1x16xf32>,
        %get3A_1540 = vector.shape_cast %get3A_1539 : vector<1x16xf32> to vector<16xf32>
        %mul3A_1541 = vector.broadcast %squeeze3A_1470 : f32 to vector<16xf32>
        %mul3A_1542 = arith.mulf %get3A_1540, %mul3A_1541 : vector<16xf32>
        %swap3A_1543 = arith.index_cast %add3A_1468 : i32 to index
        %swap3A_1544 = arith.constant 96 : index
        %swap3A_1545 = tpu.vector_load %arg12[%swap3A_1543, %swap3A_1544] {strides = array<i32>} : memref<64x128xf32, #tpu.memory_space<vmem>>, vector<1x16xf32>,
        %swap3A_1546 = vector.shape_cast %swap3A_1545 : vector<1x16xf32> to vector<16xf32>
        %swap3A_1547 = vector.shape_cast %mul3A_1542 : vector<16xf32> to vector<1x16xf32>
        tpu.vector_store %arg12[%swap3A_1543, %swap3A_1544], %swap3A_1547 {strides = array<i32>} : memref<64x128xf32, #tpu.memory_space<vmem>>, vector<1x16xf32>,
        %get3A_1548 = arith.index_cast %add3A_1468 : i32 to index
        %get3A_1549 = arith.constant 112 : index
        %get3A_1550 = tpu.vector_load %arg12[%get3A_1548, %get3A_1549] {strides = array<i32>} : memref<64x128xf32, #tpu.memory_space<vmem>>, vector<1x16xf32>,
        %get3A_1551 = vector.shape_cast %get3A_1550 : vector<1x16xf32> to vector<16xf32>
        %mul3A_1552 = vector.broadcast %squeeze3A_1470 : f32 to vector<16xf32>
        %mul3A_1553 = arith.mulf %get3A_1551, %mul3A_1552 : vector<16xf32>
        %swap3A_1554 = arith.index_cast %add3A_1468 : i32 to index
        %swap3A_1555 = arith.constant 112 : index
        %swap3A_1556 = tpu.vector_load %arg12[%swap3A_1554, %swap3A_1555] {strides = array<i32>} : memref<64x128xf32, #tpu.memory_space<vmem>>, vector<1x16xf32>,
        %swap3A_1557 = vector.shape_cast %swap3A_1556 : vector<1x16xf32> to vector<16xf32>
        %swap3A_1558 = vector.shape_cast %mul3A_1553 : vector<16xf32> to vector<1x16xf32>
        tpu.vector_store %arg12[%swap3A_1554, %swap3A_1555], %swap3A_1558 {strides = array<i32>} : memref<64x128xf32, #tpu.memory_space<vmem>>, vector<1x16xf32>,
        %mul3A_1559 = arith.constant 16 : i32
        %mul3A_1560 = arith.muli %scan3A_232, %mul3A_1559 : i32
        %add3A_1561 = arith.constant 14 : i32
        %add3A_1562 = arith.addi %mul3A_1560, %add3A_1561 : i32
        %slice3A_1563 = vector.extract_strided_slice %select_n3A {offsets = [14], sizes = [1], strides = [1]} : vector<16xf32> to vector<1xf32>
        %squeeze3A_1564 = vector.extract %slice3A_1563[0] : f32 from vector<1xf32>
        %get3A_1565 = arith.index_cast %add3A_1562 : i32 to index
        %get3A_1566 = arith.constant 0 : index
        %get3A_1567 = tpu.vector_load %arg12[%get3A_1565, %get3A_1566] {strides = array<i32>} : memref<64x128xf32, #tpu.memory_space<vmem>>, vector<1x16xf32>,
        %get3A_1568 = vector.shape_cast %get3A_1567 : vector<1x16xf32> to vector<16xf32>
        %mul3A_1569 = vector.broadcast %squeeze3A_1564 : f32 to vector<16xf32>
        %mul3A_1570 = arith.mulf %get3A_1568, %mul3A_1569 : vector<16xf32>
        %swap3A_1571 = arith.index_cast %add3A_1562 : i32 to index
        %swap3A_1572 = arith.constant 0 : index
        %swap3A_1573 = tpu.vector_load %arg12[%swap3A_1571, %swap3A_1572] {strides = array<i32>} : memref<64x128xf32, #tpu.memory_space<vmem>>, vector<1x16xf32>,
        %swap3A_1574 = vector.shape_cast %swap3A_1573 : vector<1x16xf32> to vector<16xf32>
        %swap3A_1575 = vector.shape_cast %mul3A_1570 : vector<16xf32> to vector<1x16xf32>
        tpu.vector_store %arg12[%swap3A_1571, %swap3A_1572], %swap3A_1575 {strides = array<i32>} : memref<64x128xf32, #tpu.memory_space<vmem>>, vector<1x16xf32>,
        %get3A_1576 = arith.index_cast %add3A_1562 : i32 to index
        %get3A_1577 = arith.constant 16 : index
        %get3A_1578 = tpu.vector_load %arg12[%get3A_1576, %get3A_1577] {strides = array<i32>} : memref<64x128xf32, #tpu.memory_space<vmem>>, vector<1x16xf32>,
        %get3A_1579 = vector.shape_cast %get3A_1578 : vector<1x16xf32> to vector<16xf32>
        %mul3A_1580 = vector.broadcast %squeeze3A_1564 : f32 to vector<16xf32>
        %mul3A_1581 = arith.mulf %get3A_1579, %mul3A_1580 : vector<16xf32>
        %swap3A_1582 = arith.index_cast %add3A_1562 : i32 to index
        %swap3A_1583 = arith.constant 16 : index
        %swap3A_1584 = tpu.vector_load %arg12[%swap3A_1582, %swap3A_1583] {strides = array<i32>} : memref<64x128xf32, #tpu.memory_space<vmem>>, vector<1x16xf32>,
        %swap3A_1585 = vector.shape_cast %swap3A_1584 : vector<1x16xf32> to vector<16xf32>
        %swap3A_1586 = vector.shape_cast %mul3A_1581 : vector<16xf32> to vector<1x16xf32>
        tpu.vector_store %arg12[%swap3A_1582, %swap3A_1583], %swap3A_1586 {strides = array<i32>} : memref<64x128xf32, #tpu.memory_space<vmem>>, vector<1x16xf32>,
        %get3A_1587 = arith.index_cast %add3A_1562 : i32 to index
        %get3A_1588 = arith.constant 32 : index
        %get3A_1589 = tpu.vector_load %arg12[%get3A_1587, %get3A_1588] {strides = array<i32>} : memref<64x128xf32, #tpu.memory_space<vmem>>, vector<1x16xf32>,
        %get3A_1590 = vector.shape_cast %get3A_1589 : vector<1x16xf32> to vector<16xf32>
        %mul3A_1591 = vector.broadcast %squeeze3A_1564 : f32 to vector<16xf32>
        %mul3A_1592 = arith.mulf %get3A_1590, %mul3A_1591 : vector<16xf32>
        %swap3A_1593 = arith.index_cast %add3A_1562 : i32 to index
        %swap3A_1594 = arith.constant 32 : index
        %swap3A_1595 = tpu.vector_load %arg12[%swap3A_1593, %swap3A_1594] {strides = array<i32>} : memref<64x128xf32, #tpu.memory_space<vmem>>, vector<1x16xf32>,
        %swap3A_1596 = vector.shape_cast %swap3A_1595 : vector<1x16xf32> to vector<16xf32>
        %swap3A_1597 = vector.shape_cast %mul3A_1592 : vector<16xf32> to vector<1x16xf32>
        tpu.vector_store %arg12[%swap3A_1593, %swap3A_1594], %swap3A_1597 {strides = array<i32>} : memref<64x128xf32, #tpu.memory_space<vmem>>, vector<1x16xf32>,
        %get3A_1598 = arith.index_cast %add3A_1562 : i32 to index
        %get3A_1599 = arith.constant 48 : index
        %get3A_1600 = tpu.vector_load %arg12[%get3A_1598, %get3A_1599] {strides = array<i32>} : memref<64x128xf32, #tpu.memory_space<vmem>>, vector<1x16xf32>,
        %get3A_1601 = vector.shape_cast %get3A_1600 : vector<1x16xf32> to vector<16xf32>
        %mul3A_1602 = vector.broadcast %squeeze3A_1564 : f32 to vector<16xf32>
        %mul3A_1603 = arith.mulf %get3A_1601, %mul3A_1602 : vector<16xf32>
        %swap3A_1604 = arith.index_cast %add3A_1562 : i32 to index
        %swap3A_1605 = arith.constant 48 : index
        %swap3A_1606 = tpu.vector_load %arg12[%swap3A_1604, %swap3A_1605] {strides = array<i32>} : memref<64x128xf32, #tpu.memory_space<vmem>>, vector<1x16xf32>,
        %swap3A_1607 = vector.shape_cast %swap3A_1606 : vector<1x16xf32> to vector<16xf32>
        %swap3A_1608 = vector.shape_cast %mul3A_1603 : vector<16xf32> to vector<1x16xf32>
        tpu.vector_store %arg12[%swap3A_1604, %swap3A_1605], %swap3A_1608 {strides = array<i32>} : memref<64x128xf32, #tpu.memory_space<vmem>>, vector<1x16xf32>,
        %get3A_1609 = arith.index_cast %add3A_1562 : i32 to index
        %get3A_1610 = arith.constant 64 : index
        %get3A_1611 = tpu.vector_load %arg12[%get3A_1609, %get3A_1610] {strides = array<i32>} : memref<64x128xf32, #tpu.memory_space<vmem>>, vector<1x16xf32>,
        %get3A_1612 = vector.shape_cast %get3A_1611 : vector<1x16xf32> to vector<16xf32>
        %mul3A_1613 = vector.broadcast %squeeze3A_1564 : f32 to vector<16xf32>
        %mul3A_1614 = arith.mulf %get3A_1612, %mul3A_1613 : vector<16xf32>
        %swap3A_1615 = arith.index_cast %add3A_1562 : i32 to index
        %swap3A_1616 = arith.constant 64 : index
        %swap3A_1617 = tpu.vector_load %arg12[%swap3A_1615, %swap3A_1616] {strides = array<i32>} : memref<64x128xf32, #tpu.memory_space<vmem>>, vector<1x16xf32>,
        %swap3A_1618 = vector.shape_cast %swap3A_1617 : vector<1x16xf32> to vector<16xf32>
        %swap3A_1619 = vector.shape_cast %mul3A_1614 : vector<16xf32> to vector<1x16xf32>
        tpu.vector_store %arg12[%swap3A_1615, %swap3A_1616], %swap3A_1619 {strides = array<i32>} : memref<64x128xf32, #tpu.memory_space<vmem>>, vector<1x16xf32>,
        %get3A_1620 = arith.index_cast %add3A_1562 : i32 to index
        %get3A_1621 = arith.constant 80 : index
        %get3A_1622 = tpu.vector_load %arg12[%get3A_1620, %get3A_1621] {strides = array<i32>} : memref<64x128xf32, #tpu.memory_space<vmem>>, vector<1x16xf32>,
        %get3A_1623 = vector.shape_cast %get3A_1622 : vector<1x16xf32> to vector<16xf32>
        %mul3A_1624 = vector.broadcast %squeeze3A_1564 : f32 to vector<16xf32>
        %mul3A_1625 = arith.mulf %get3A_1623, %mul3A_1624 : vector<16xf32>
        %swap3A_1626 = arith.index_cast %add3A_1562 : i32 to index
        %swap3A_1627 = arith.constant 80 : index
        %swap3A_1628 = tpu.vector_load %arg12[%swap3A_1626, %swap3A_1627] {strides = array<i32>} : memref<64x128xf32, #tpu.memory_space<vmem>>, vector<1x16xf32>,
        %swap3A_1629 = vector.shape_cast %swap3A_1628 : vector<1x16xf32> to vector<16xf32>
        %swap3A_1630 = vector.shape_cast %mul3A_1625 : vector<16xf32> to vector<1x16xf32>
        tpu.vector_store %arg12[%swap3A_1626, %swap3A_1627], %swap3A_1630 {strides = array<i32>} : memref<64x128xf32, #tpu.memory_space<vmem>>, vector<1x16xf32>,
        %get3A_1631 = arith.index_cast %add3A_1562 : i32 to index
        %get3A_1632 = arith.constant 96 : index
        %get3A_1633 = tpu.vector_load %arg12[%get3A_1631, %get3A_1632] {strides = array<i32>} : memref<64x128xf32, #tpu.memory_space<vmem>>, vector<1x16xf32>,
        %get3A_1634 = vector.shape_cast %get3A_1633 : vector<1x16xf32> to vector<16xf32>
        %mul3A_1635 = vector.broadcast %squeeze3A_1564 : f32 to vector<16xf32>
        %mul3A_1636 = arith.mulf %get3A_1634, %mul3A_1635 : vector<16xf32>
        %swap3A_1637 = arith.index_cast %add3A_1562 : i32 to index
        %swap3A_1638 = arith.constant 96 : index
        %swap3A_1639 = tpu.vector_load %arg12[%swap3A_1637, %swap3A_1638] {strides = array<i32>} : memref<64x128xf32, #tpu.memory_space<vmem>>, vector<1x16xf32>,
        %swap3A_1640 = vector.shape_cast %swap3A_1639 : vector<1x16xf32> to vector<16xf32>
        %swap3A_1641 = vector.shape_cast %mul3A_1636 : vector<16xf32> to vector<1x16xf32>
        tpu.vector_store %arg12[%swap3A_1637, %swap3A_1638], %swap3A_1641 {strides = array<i32>} : memref<64x128xf32, #tpu.memory_space<vmem>>, vector<1x16xf32>,
        %get3A_1642 = arith.index_cast %add3A_1562 : i32 to index
        %get3A_1643 = arith.constant 112 : index
        %get3A_1644 = tpu.vector_load %arg12[%get3A_1642, %get3A_1643] {strides = array<i32>} : memref<64x128xf32, #tpu.memory_space<vmem>>, vector<1x16xf32>,
        %get3A_1645 = vector.shape_cast %get3A_1644 : vector<1x16xf32> to vector<16xf32>
        %mul3A_1646 = vector.broadcast %squeeze3A_1564 : f32 to vector<16xf32>
        %mul3A_1647 = arith.mulf %get3A_1645, %mul3A_1646 : vector<16xf32>
        %swap3A_1648 = arith.index_cast %add3A_1562 : i32 to index
        %swap3A_1649 = arith.constant 112 : index
        %swap3A_1650 = tpu.vector_load %arg12[%swap3A_1648, %swap3A_1649] {strides = array<i32>} : memref<64x128xf32, #tpu.memory_space<vmem>>, vector<1x16xf32>,
        %swap3A_1651 = vector.shape_cast %swap3A_1650 : vector<1x16xf32> to vector<16xf32>
        %swap3A_1652 = vector.shape_cast %mul3A_1647 : vector<16xf32> to vector<1x16xf32>
        tpu.vector_store %arg12[%swap3A_1648, %swap3A_1649], %swap3A_1652 {strides = array<i32>} : memref<64x128xf32, #tpu.memory_space<vmem>>, vector<1x16xf32>,
        %mul3A_1653 = arith.constant 16 : i32
        %mul3A_1654 = arith.muli %scan3A_232, %mul3A_1653 : i32
        %add3A_1655 = arith.constant 15 : i32
        %add3A_1656 = arith.addi %mul3A_1654, %add3A_1655 : i32
        %slice3A_1657 = vector.extract_strided_slice %select_n3A {offsets = [15], sizes = [1], strides = [1]} : vector<16xf32> to vector<1xf32>
        %squeeze3A_1658 = vector.extract %slice3A_1657[0] : f32 from vector<1xf32>
        %get3A_1659 = arith.index_cast %add3A_1656 : i32 to index
        %get3A_1660 = arith.constant 0 : index
        %get3A_1661 = tpu.vector_load %arg12[%get3A_1659, %get3A_1660] {strides = array<i32>} : memref<64x128xf32, #tpu.memory_space<vmem>>, vector<1x16xf32>,
        %get3A_1662 = vector.shape_cast %get3A_1661 : vector<1x16xf32> to vector<16xf32>
        %mul3A_1663 = vector.broadcast %squeeze3A_1658 : f32 to vector<16xf32>
        %mul3A_1664 = arith.mulf %get3A_1662, %mul3A_1663 : vector<16xf32>
        %swap3A_1665 = arith.index_cast %add3A_1656 : i32 to index
        %swap3A_1666 = arith.constant 0 : index
        %swap3A_1667 = tpu.vector_load %arg12[%swap3A_1665, %swap3A_1666] {strides = array<i32>} : memref<64x128xf32, #tpu.memory_space<vmem>>, vector<1x16xf32>,
        %swap3A_1668 = vector.shape_cast %swap3A_1667 : vector<1x16xf32> to vector<16xf32>
        %swap3A_1669 = vector.shape_cast %mul3A_1664 : vector<16xf32> to vector<1x16xf32>
        tpu.vector_store %arg12[%swap3A_1665, %swap3A_1666], %swap3A_1669 {strides = array<i32>} : memref<64x128xf32, #tpu.memory_space<vmem>>, vector<1x16xf32>,
        %get3A_1670 = arith.index_cast %add3A_1656 : i32 to index
        %get3A_1671 = arith.constant 16 : index
        %get3A_1672 = tpu.vector_load %arg12[%get3A_1670, %get3A_1671] {strides = array<i32>} : memref<64x128xf32, #tpu.memory_space<vmem>>, vector<1x16xf32>,
        %get3A_1673 = vector.shape_cast %get3A_1672 : vector<1x16xf32> to vector<16xf32>
        %mul3A_1674 = vector.broadcast %squeeze3A_1658 : f32 to vector<16xf32>
        %mul3A_1675 = arith.mulf %get3A_1673, %mul3A_1674 : vector<16xf32>
        %swap3A_1676 = arith.index_cast %add3A_1656 : i32 to index
        %swap3A_1677 = arith.constant 16 : index
        %swap3A_1678 = tpu.vector_load %arg12[%swap3A_1676, %swap3A_1677] {strides = array<i32>} : memref<64x128xf32, #tpu.memory_space<vmem>>, vector<1x16xf32>,
        %swap3A_1679 = vector.shape_cast %swap3A_1678 : vector<1x16xf32> to vector<16xf32>
        %swap3A_1680 = vector.shape_cast %mul3A_1675 : vector<16xf32> to vector<1x16xf32>
        tpu.vector_store %arg12[%swap3A_1676, %swap3A_1677], %swap3A_1680 {strides = array<i32>} : memref<64x128xf32, #tpu.memory_space<vmem>>, vector<1x16xf32>,
        %get3A_1681 = arith.index_cast %add3A_1656 : i32 to index
        %get3A_1682 = arith.constant 32 : index
        %get3A_1683 = tpu.vector_load %arg12[%get3A_1681, %get3A_1682] {strides = array<i32>} : memref<64x128xf32, #tpu.memory_space<vmem>>, vector<1x16xf32>,
        %get3A_1684 = vector.shape_cast %get3A_1683 : vector<1x16xf32> to vector<16xf32>
        %mul3A_1685 = vector.broadcast %squeeze3A_1658 : f32 to vector<16xf32>
        %mul3A_1686 = arith.mulf %get3A_1684, %mul3A_1685 : vector<16xf32>
        %swap3A_1687 = arith.index_cast %add3A_1656 : i32 to index
        %swap3A_1688 = arith.constant 32 : index
        %swap3A_1689 = tpu.vector_load %arg12[%swap3A_1687, %swap3A_1688] {strides = array<i32>} : memref<64x128xf32, #tpu.memory_space<vmem>>, vector<1x16xf32>,
        %swap3A_1690 = vector.shape_cast %swap3A_1689 : vector<1x16xf32> to vector<16xf32>
        %swap3A_1691 = vector.shape_cast %mul3A_1686 : vector<16xf32> to vector<1x16xf32>
        tpu.vector_store %arg12[%swap3A_1687, %swap3A_1688], %swap3A_1691 {strides = array<i32>} : memref<64x128xf32, #tpu.memory_space<vmem>>, vector<1x16xf32>,
        %get3A_1692 = arith.index_cast %add3A_1656 : i32 to index
        %get3A_1693 = arith.constant 48 : index
        %get3A_1694 = tpu.vector_load %arg12[%get3A_1692, %get3A_1693] {strides = array<i32>} : memref<64x128xf32, #tpu.memory_space<vmem>>, vector<1x16xf32>,
        %get3A_1695 = vector.shape_cast %get3A_1694 : vector<1x16xf32> to vector<16xf32>
        %mul3A_1696 = vector.broadcast %squeeze3A_1658 : f32 to vector<16xf32>
        %mul3A_1697 = arith.mulf %get3A_1695, %mul3A_1696 : vector<16xf32>
        %swap3A_1698 = arith.index_cast %add3A_1656 : i32 to index
        %swap3A_1699 = arith.constant 48 : index
        %swap3A_1700 = tpu.vector_load %arg12[%swap3A_1698, %swap3A_1699] {strides = array<i32>} : memref<64x128xf32, #tpu.memory_space<vmem>>, vector<1x16xf32>,
        %swap3A_1701 = vector.shape_cast %swap3A_1700 : vector<1x16xf32> to vector<16xf32>
        %swap3A_1702 = vector.shape_cast %mul3A_1697 : vector<16xf32> to vector<1x16xf32>
        tpu.vector_store %arg12[%swap3A_1698, %swap3A_1699], %swap3A_1702 {strides = array<i32>} : memref<64x128xf32, #tpu.memory_space<vmem>>, vector<1x16xf32>,
        %get3A_1703 = arith.index_cast %add3A_1656 : i32 to index
        %get3A_1704 = arith.constant 64 : index
        %get3A_1705 = tpu.vector_load %arg12[%get3A_1703, %get3A_1704] {strides = array<i32>} : memref<64x128xf32, #tpu.memory_space<vmem>>, vector<1x16xf32>,
        %get3A_1706 = vector.shape_cast %get3A_1705 : vector<1x16xf32> to vector<16xf32>
        %mul3A_1707 = vector.broadcast %squeeze3A_1658 : f32 to vector<16xf32>
        %mul3A_1708 = arith.mulf %get3A_1706, %mul3A_1707 : vector<16xf32>
        %swap3A_1709 = arith.index_cast %add3A_1656 : i32 to index
        %swap3A_1710 = arith.constant 64 : index
        %swap3A_1711 = tpu.vector_load %arg12[%swap3A_1709, %swap3A_1710] {strides = array<i32>} : memref<64x128xf32, #tpu.memory_space<vmem>>, vector<1x16xf32>,
        %swap3A_1712 = vector.shape_cast %swap3A_1711 : vector<1x16xf32> to vector<16xf32>
        %swap3A_1713 = vector.shape_cast %mul3A_1708 : vector<16xf32> to vector<1x16xf32>
        tpu.vector_store %arg12[%swap3A_1709, %swap3A_1710], %swap3A_1713 {strides = array<i32>} : memref<64x128xf32, #tpu.memory_space<vmem>>, vector<1x16xf32>,
        %get3A_1714 = arith.index_cast %add3A_1656 : i32 to index
        %get3A_1715 = arith.constant 80 : index
        %get3A_1716 = tpu.vector_load %arg12[%get3A_1714, %get3A_1715] {strides = array<i32>} : memref<64x128xf32, #tpu.memory_space<vmem>>, vector<1x16xf32>,
        %get3A_1717 = vector.shape_cast %get3A_1716 : vector<1x16xf32> to vector<16xf32>
        %mul3A_1718 = vector.broadcast %squeeze3A_1658 : f32 to vector<16xf32>
        %mul3A_1719 = arith.mulf %get3A_1717, %mul3A_1718 : vector<16xf32>
        %swap3A_1720 = arith.index_cast %add3A_1656 : i32 to index
        %swap3A_1721 = arith.constant 80 : index
        %swap3A_1722 = tpu.vector_load %arg12[%swap3A_1720, %swap3A_1721] {strides = array<i32>} : memref<64x128xf32, #tpu.memory_space<vmem>>, vector<1x16xf32>,
        %swap3A_1723 = vector.shape_cast %swap3A_1722 : vector<1x16xf32> to vector<16xf32>
        %swap3A_1724 = vector.shape_cast %mul3A_1719 : vector<16xf32> to vector<1x16xf32>
        tpu.vector_store %arg12[%swap3A_1720, %swap3A_1721], %swap3A_1724 {strides = array<i32>} : memref<64x128xf32, #tpu.memory_space<vmem>>, vector<1x16xf32>,
        %get3A_1725 = arith.index_cast %add3A_1656 : i32 to index
        %get3A_1726 = arith.constant 96 : index
        %get3A_1727 = tpu.vector_load %arg12[%get3A_1725, %get3A_1726] {strides = array<i32>} : memref<64x128xf32, #tpu.memory_space<vmem>>, vector<1x16xf32>,
        %get3A_1728 = vector.shape_cast %get3A_1727 : vector<1x16xf32> to vector<16xf32>
        %mul3A_1729 = vector.broadcast %squeeze3A_1658 : f32 to vector<16xf32>
        %mul3A_1730 = arith.mulf %get3A_1728, %mul3A_1729 : vector<16xf32>
        %swap3A_1731 = arith.index_cast %add3A_1656 : i32 to index
        %swap3A_1732 = arith.constant 96 : index
        %swap3A_1733 = tpu.vector_load %arg12[%swap3A_1731, %swap3A_1732] {strides = array<i32>} : memref<64x128xf32, #tpu.memory_space<vmem>>, vector<1x16xf32>,
        %swap3A_1734 = vector.shape_cast %swap3A_1733 : vector<1x16xf32> to vector<16xf32>
        %swap3A_1735 = vector.shape_cast %mul3A_1730 : vector<16xf32> to vector<1x16xf32>
        tpu.vector_store %arg12[%swap3A_1731, %swap3A_1732], %swap3A_1735 {strides = array<i32>} : memref<64x128xf32, #tpu.memory_space<vmem>>, vector<1x16xf32>,
        %get3A_1736 = arith.index_cast %add3A_1656 : i32 to index
        %get3A_1737 = arith.constant 112 : index
        %get3A_1738 = tpu.vector_load %arg12[%get3A_1736, %get3A_1737] {strides = array<i32>} : memref<64x128xf32, #tpu.memory_space<vmem>>, vector<1x16xf32>,
        %get3A_1739 = vector.shape_cast %get3A_1738 : vector<1x16xf32> to vector<16xf32>
        %mul3A_1740 = vector.broadcast %squeeze3A_1658 : f32 to vector<16xf32>
        %mul3A_1741 = arith.mulf %get3A_1739, %mul3A_1740 : vector<16xf32>
        %swap3A_1742 = arith.index_cast %add3A_1656 : i32 to index
        %swap3A_1743 = arith.constant 112 : index
        %swap3A_1744 = tpu.vector_load %arg12[%swap3A_1742, %swap3A_1743] {strides = array<i32>} : memref<64x128xf32, #tpu.memory_space<vmem>>, vector<1x16xf32>,
        %swap3A_1745 = vector.shape_cast %swap3A_1744 : vector<1x16xf32> to vector<16xf32>
        %swap3A_1746 = vector.shape_cast %mul3A_1741 : vector<16xf32> to vector<1x16xf32>
        tpu.vector_store %arg12[%swap3A_1742, %swap3A_1743], %swap3A_1746 {strides = array<i32>} : memref<64x128xf32, #tpu.memory_space<vmem>>, vector<1x16xf32>,
        %scan3A_1747 = arith.constant 0 : i32
        scf.yield %scan3A_1747 : i32
      }
      %scan3A_227 = arith.constant 4 : i32
      %mul3A_228 = arith.constant 10240 : i32
      %mul3A_229 = arith.muli %arg0, %mul3A_228 : i32
      %add3A_230 = arith.addi %mul3A_229, %add3A_220 : i32
      "tpu.region"() ({
        %run_scoped3A = tpu.sem_alloc : memref<!tpu.dma_semaphore, #tpu.memory_space<semaphore_mem>>
        %dma_start3A_232 = arith.constant 0 : i32
        %dma_start3A_233 = tpu.memref_slice %arg6[%add3A_230, %dma_start3A_232] : memref<20480x128xf32, #tpu.memory_space<hbm>> -> memref<64x128xf32, #tpu.memory_space<hbm>>
        %dma_start3A_234 = arith.constant 0 : i32
        %dma_start3A_235 = tpu.memref_slice %arg6[%add3A_230, %dma_start3A_234] : memref<20480x128xf32, #tpu.memory_space<hbm>> -> memref<64x128xf32, #tpu.memory_space<hbm>>
        tpu.enqueue_dma source(%arg12 : memref<64x128xf32, #tpu.memory_space<vmem>>) target(%dma_start3A_235 : memref<64x128xf32, #tpu.memory_space<hbm>>) target_semaphore(%run_scoped3A : memref<!tpu.dma_semaphore, #tpu.memory_space<semaphore_mem>>)
        %dma_wait3A_236 = arith.constant 0 : i32
        %dma_wait3A_237 = tpu.memref_slice %arg6[%add3A_230, %dma_wait3A_236] : memref<20480x128xf32, #tpu.memory_space<hbm>> -> memref<64x128xf32, #tpu.memory_space<hbm>>
        %dma_wait3A_238 = arith.constant 0 : i32
        %dma_wait3A_239 = tpu.memref_slice %arg6[%add3A_230, %dma_wait3A_238] : memref<20480x128xf32, #tpu.memory_space<hbm>> -> memref<64x128xf32, #tpu.memory_space<hbm>>
        tpu.wait_dma2 semaphore(%run_scoped3A : memref<!tpu.dma_semaphore, #tpu.memory_space<semaphore_mem>>) src(%arg12 : memref<64x128xf32, #tpu.memory_space<vmem>>) dst(%dma_wait3A_239 : memref<64x128xf32, #tpu.memory_space<hbm>>)
        tpu.yield
      }) : () -> ()
      %scan3A_231 = arith.constant 0 : i32
      scf.yield %scan3A_231 : i32
    }
    %scan3A_197 = arith.constant 10 : i32
    %barrier3A_198 = arith.constant 0 : index
    tpu.barrier barrier_id(%barrier3A_198)
    %scan3A_199 = arith.constant 0 : i32
    %scan3A_200 = arith.constant 0 : i32
    %scan3A_201 = arith.constant 10 : i32
    %scan3A_202 = arith.addi %scan3A_200, %scan3A_201 : i32
    %scan3A_203 = arith.constant 1 : i32
    %scan3A_204 = scf.for %scan3A_214 = %scan3A_200 to %scan3A_202 step %scan3A_203 iter_args(%scan3A_215 = %scan3A_199) -> (i32)  : i32 {
      %mul3A_216 = arith.constant 32 : i32
      %mul3A_217 = arith.muli %scan3A_214, %mul3A_216 : i32
      "tpu.region"() ({
        %run_scoped3A_700 = tpu.sem_alloc : memref<!tpu.dma_semaphore, #tpu.memory_space<semaphore_mem>>
        %dma_start3A_701 = arith.constant 0 : i32
        %dma_start3A_702 = tpu.memref_slice %arg3[%add3A, %mul3A_217, %dma_start3A_701] : memref<32x320x64xi32, #tpu.memory_space<hbm>> -> memref<1x32x64xi32, #tpu.memory_space<hbm>>
        %dma_start3A_703 = tpu.memref_squeeze %dma_start3A_702 : memref<1x32x64xi32, #tpu.memory_space<hbm>> -> memref<32x64xi32, #tpu.memory_space<hbm>>
        %dma_start3A_704 = arith.constant 0 : i32
        %dma_start3A_705 = tpu.memref_slice %arg3[%add3A, %mul3A_217, %dma_start3A_704] : memref<32x320x64xi32, #tpu.memory_space<hbm>> -> memref<1x32x64xi32, #tpu.memory_space<hbm>>
        %dma_start3A_706 = tpu.memref_squeeze %dma_start3A_705 : memref<1x32x64xi32, #tpu.memory_space<hbm>> -> memref<32x64xi32, #tpu.memory_space<hbm>>
        tpu.enqueue_dma source(%dma_start3A_706 : memref<32x64xi32, #tpu.memory_space<hbm>>) target(%arg8 : memref<32x64xi32, #tpu.memory_space<vmem>>) target_semaphore(%run_scoped3A_700 : memref<!tpu.dma_semaphore, #tpu.memory_space<semaphore_mem>>)
        %dma_wait3A_707 = arith.constant 0 : i32
        %dma_wait3A_708 = tpu.memref_slice %arg3[%add3A, %mul3A_217, %dma_wait3A_707] : memref<32x320x64xi32, #tpu.memory_space<hbm>> -> memref<1x32x64xi32, #tpu.memory_space<hbm>>
        %dma_wait3A_709 = tpu.memref_squeeze %dma_wait3A_708 : memref<1x32x64xi32, #tpu.memory_space<hbm>> -> memref<32x64xi32, #tpu.memory_space<hbm>>
        %dma_wait3A_710 = arith.constant 0 : i32
        %dma_wait3A_711 = tpu.memref_slice %arg3[%add3A, %mul3A_217, %dma_wait3A_710] : memref<32x320x64xi32, #tpu.memory_space<hbm>> -> memref<1x32x64xi32, #tpu.memory_space<hbm>>
        %dma_wait3A_712 = tpu.memref_squeeze %dma_wait3A_711 : memref<1x32x64xi32, #tpu.memory_space<hbm>> -> memref<32x64xi32, #tpu.memory_space<hbm>>
        tpu.wait_dma2 semaphore(%run_scoped3A_700 : memref<!tpu.dma_semaphore, #tpu.memory_space<semaphore_mem>>) src(%dma_wait3A_712 : memref<32x64xi32, #tpu.memory_space<hbm>>) dst(%arg8 : memref<32x64xi32, #tpu.memory_space<vmem>>)
        tpu.yield
      }) : () -> ()
      %mul3A_218 = arith.constant 32 : i32
      %mul3A_219 = arith.muli %scan3A_214, %mul3A_218 : i32
      "tpu.region"() ({
        %run_scoped3A_700 = tpu.sem_alloc : memref<!tpu.dma_semaphore, #tpu.memory_space<semaphore_mem>>
        %dma_start3A_701 = arith.constant 0 : i32
        %dma_start3A_702 = tpu.memref_slice %arg4[%add3A, %mul3A_219, %dma_start3A_701] : memref<32x320x64xi32, #tpu.memory_space<hbm>> -> memref<1x32x64xi32, #tpu.memory_space<hbm>>
        %dma_start3A_703 = tpu.memref_squeeze %dma_start3A_702 : memref<1x32x64xi32, #tpu.memory_space<hbm>> -> memref<32x64xi32, #tpu.memory_space<hbm>>
        %dma_start3A_704 = arith.constant 0 : i32
        %dma_start3A_705 = tpu.memref_slice %arg4[%add3A, %mul3A_219, %dma_start3A_704] : memref<32x320x64xi32, #tpu.memory_space<hbm>> -> memref<1x32x64xi32, #tpu.memory_space<hbm>>
        %dma_start3A_706 = tpu.memref_squeeze %dma_start3A_705 : memref<1x32x64xi32, #tpu.memory_space<hbm>> -> memref<32x64xi32, #tpu.memory_space<hbm>>
        tpu.enqueue_dma source(%dma_start3A_706 : memref<32x64xi32, #tpu.memory_space<hbm>>) target(%arg9 : memref<32x64xi32, #tpu.memory_space<vmem>>) target_semaphore(%run_scoped3A_700 : memref<!tpu.dma_semaphore, #tpu.memory_space<semaphore_mem>>)
        %dma_wait3A_707 = arith.constant 0 : i32
        %dma_wait3A_708 = tpu.memref_slice %arg4[%add3A, %mul3A_219, %dma_wait3A_707] : memref<32x320x64xi32, #tpu.memory_space<hbm>> -> memref<1x32x64xi32, #tpu.memory_space<hbm>>
        %dma_wait3A_709 = tpu.memref_squeeze %dma_wait3A_708 : memref<1x32x64xi32, #tpu.memory_space<hbm>> -> memref<32x64xi32, #tpu.memory_space<hbm>>
        %dma_wait3A_710 = arith.constant 0 : i32
        %dma_wait3A_711 = tpu.memref_slice %arg4[%add3A, %mul3A_219, %dma_wait3A_710] : memref<32x320x64xi32, #tpu.memory_space<hbm>> -> memref<1x32x64xi32, #tpu.memory_space<hbm>>
        %dma_wait3A_712 = tpu.memref_squeeze %dma_wait3A_711 : memref<1x32x64xi32, #tpu.memory_space<hbm>> -> memref<32x64xi32, #tpu.memory_space<hbm>>
        tpu.wait_dma2 semaphore(%run_scoped3A_700 : memref<!tpu.dma_semaphore, #tpu.memory_space<semaphore_mem>>) src(%dma_wait3A_712 : memref<32x64xi32, #tpu.memory_space<hbm>>) dst(%arg9 : memref<32x64xi32, #tpu.memory_space<vmem>>)
        tpu.yield
      }) : () -> ()
      %dma_start3A_220 = arith.constant 0 : i32
      %dma_start3A_221 = arith.constant 0 : i32
      %dma_start3A_222 = tpu.memref_slice %arg8[%dma_start3A_220, %dma_start3A_221] : memref<32x64xi32, #tpu.memory_space<vmem>> -> memref<1x64xi32, #tpu.memory_space<vmem>>
      %dma_start3A_223 = tpu.memref_squeeze %dma_start3A_222 : memref<1x64xi32, #tpu.memory_space<vmem>> -> memref<64xi32, #tpu.memory_space<vmem>>
      %dma_start3A_224 = arith.constant 0 : i32
      %dma_start3A_225 = arith.constant 0 : i32
      %dma_start3A_226 = tpu.memref_slice %arg6[%dma_start3A_224, %dma_start3A_225] : memref<20480x128xf32, #tpu.memory_space<hbm>> -> memref<20480x128xf32, #tpu.memory_space<hbm>>
      tpu.enqueue_indirect_dma source(%dma_start3A_226 : memref<20480x128xf32, #tpu.memory_space<hbm>>) target(%arg12 : memref<64x128xf32, #tpu.memory_space<vmem>>) offsets(%dma_start3A_223 : memref<64xi32, #tpu.memory_space<vmem>>) semaphore(%arg18 : memref<!tpu.dma_semaphore, #tpu.memory_space<semaphore_mem>>)
      %dma_start3A_227 = arith.constant 1 : i32
      %dma_start3A_228 = arith.constant 0 : i32
      %dma_start3A_229 = tpu.memref_slice %arg8[%dma_start3A_227, %dma_start3A_228] : memref<32x64xi32, #tpu.memory_space<vmem>> -> memref<1x64xi32, #tpu.memory_space<vmem>>
      %dma_start3A_230 = tpu.memref_squeeze %dma_start3A_229 : memref<1x64xi32, #tpu.memory_space<vmem>> -> memref<64xi32, #tpu.memory_space<vmem>>
      %dma_start3A_231 = arith.constant 0 : i32
      %dma_start3A_232 = arith.constant 0 : i32
      %dma_start3A_233 = tpu.memref_slice %arg6[%dma_start3A_231, %dma_start3A_232] : memref<20480x128xf32, #tpu.memory_space<hbm>> -> memref<20480x128xf32, #tpu.memory_space<hbm>>
      tpu.enqueue_indirect_dma source(%dma_start3A_233 : memref<20480x128xf32, #tpu.memory_space<hbm>>) target(%arg13 : memref<64x128xf32, #tpu.memory_space<vmem>>) offsets(%dma_start3A_230 : memref<64xi32, #tpu.memory_space<vmem>>) semaphore(%arg18 : memref<!tpu.dma_semaphore, #tpu.memory_space<semaphore_mem>>)
      %dma_start3A_234 = arith.constant 2 : i32
      %dma_start3A_235 = arith.constant 0 : i32
      %dma_start3A_236 = tpu.memref_slice %arg8[%dma_start3A_234, %dma_start3A_235] : memref<32x64xi32, #tpu.memory_space<vmem>> -> memref<1x64xi32, #tpu.memory_space<vmem>>
      %dma_start3A_237 = tpu.memref_squeeze %dma_start3A_236 : memref<1x64xi32, #tpu.memory_space<vmem>> -> memref<64xi32, #tpu.memory_space<vmem>>
      %dma_start3A_238 = arith.constant 0 : i32
      %dma_start3A_239 = arith.constant 0 : i32
      %dma_start3A_240 = tpu.memref_slice %arg6[%dma_start3A_238, %dma_start3A_239] : memref<20480x128xf32, #tpu.memory_space<hbm>> -> memref<20480x128xf32, #tpu.memory_space<hbm>>
      tpu.enqueue_indirect_dma source(%dma_start3A_240 : memref<20480x128xf32, #tpu.memory_space<hbm>>) target(%arg14 : memref<64x128xf32, #tpu.memory_space<vmem>>) offsets(%dma_start3A_237 : memref<64xi32, #tpu.memory_space<vmem>>) semaphore(%arg18 : memref<!tpu.dma_semaphore, #tpu.memory_space<semaphore_mem>>)
      %dma_start3A_241 = arith.constant 3 : i32
      %dma_start3A_242 = arith.constant 0 : i32
      %dma_start3A_243 = tpu.memref_slice %arg8[%dma_start3A_241, %dma_start3A_242] : memref<32x64xi32, #tpu.memory_space<vmem>> -> memref<1x64xi32, #tpu.memory_space<vmem>>
      %dma_start3A_244 = tpu.memref_squeeze %dma_start3A_243 : memref<1x64xi32, #tpu.memory_space<vmem>> -> memref<64xi32, #tpu.memory_space<vmem>>
      %dma_start3A_245 = arith.constant 0 : i32
      %dma_start3A_246 = arith.constant 0 : i32
      %dma_start3A_247 = tpu.memref_slice %arg6[%dma_start3A_245, %dma_start3A_246] : memref<20480x128xf32, #tpu.memory_space<hbm>> -> memref<20480x128xf32, #tpu.memory_space<hbm>>
      tpu.enqueue_indirect_dma source(%dma_start3A_247 : memref<20480x128xf32, #tpu.memory_space<hbm>>) target(%arg15 : memref<64x128xf32, #tpu.memory_space<vmem>>) offsets(%dma_start3A_244 : memref<64xi32, #tpu.memory_space<vmem>>) semaphore(%arg18 : memref<!tpu.dma_semaphore, #tpu.memory_space<semaphore_mem>>)
      %dma_wait3A_248 = arith.constant 0 : i32
      %dma_wait3A_249 = arith.constant 0 : i32
      %dma_wait3A_250 = tpu.memref_slice %arg8[%dma_wait3A_248, %dma_wait3A_249] : memref<32x64xi32, #tpu.memory_space<vmem>> -> memref<1x64xi32, #tpu.memory_space<vmem>>
      %dma_wait3A_251 = tpu.memref_squeeze %dma_wait3A_250 : memref<1x64xi32, #tpu.memory_space<vmem>> -> memref<64xi32, #tpu.memory_space<vmem>>
      %dma_wait3A_252 = arith.constant 0 : i32
      %dma_wait3A_253 = arith.constant 0 : i32
      %dma_wait3A_254 = tpu.memref_slice %arg6[%dma_wait3A_252, %dma_wait3A_253] : memref<20480x128xf32, #tpu.memory_space<hbm>> -> memref<20480x128xf32, #tpu.memory_space<hbm>>
      tpu.wait_indirect_dma semaphore(%arg18 : memref<!tpu.dma_semaphore, #tpu.memory_space<semaphore_mem>>) src(%dma_wait3A_254 : memref<20480x128xf32, #tpu.memory_space<hbm>>) dst(%arg12 : memref<64x128xf32, #tpu.memory_space<vmem>>)
      %run_scoped3A = arith.constant 0 : i32
      "tpu.region"() ({
        %run_scoped3A_700 = tpu.sem_alloc : memref<!tpu.dma_semaphore, #tpu.memory_space<semaphore_mem>>
        %dma_start3A_701 = arith.constant 0 : i32
        %dma_start3A_702 = tpu.memref_slice %arg9[%run_scoped3A, %dma_start3A_701] : memref<32x64xi32, #tpu.memory_space<vmem>> -> memref<1x64xi32, #tpu.memory_space<vmem>>
        %dma_start3A_703 = tpu.memref_squeeze %dma_start3A_702 : memref<1x64xi32, #tpu.memory_space<vmem>> -> memref<64xi32, #tpu.memory_space<vmem>>
        %dma_start3A_704 = arith.constant 0 : i32
        %dma_start3A_705 = arith.constant 0 : i32
        %dma_start3A_706 = tpu.memref_slice %arg17[%dma_start3A_704, %dma_start3A_705] : memref<10240x128xf32, #tpu.memory_space<vmem_shared>> -> memref<10240x128xf32, #tpu.memory_space<vmem_shared>>
        tpu.enqueue_indirect_dma source(%arg12 : memref<64x128xf32, #tpu.memory_space<vmem>>) target(%dma_start3A_706 : memref<10240x128xf32, #tpu.memory_space<vmem_shared>>) offsets(%dma_start3A_703 : memref<64xi32, #tpu.memory_space<vmem>>) semaphore(%run_scoped3A_700 : memref<!tpu.dma_semaphore, #tpu.memory_space<semaphore_mem>>) {add = true}
        %dma_wait3A_707 = arith.constant 0 : i32
        %dma_wait3A_708 = tpu.memref_slice %arg9[%run_scoped3A, %dma_wait3A_707] : memref<32x64xi32, #tpu.memory_space<vmem>> -> memref<1x64xi32, #tpu.memory_space<vmem>>
        %dma_wait3A_709 = tpu.memref_squeeze %dma_wait3A_708 : memref<1x64xi32, #tpu.memory_space<vmem>> -> memref<64xi32, #tpu.memory_space<vmem>>
        %dma_wait3A_710 = arith.constant 0 : i32
        %dma_wait3A_711 = arith.constant 0 : i32
        %dma_wait3A_712 = tpu.memref_slice %arg17[%dma_wait3A_710, %dma_wait3A_711] : memref<10240x128xf32, #tpu.memory_space<vmem_shared>> -> memref<10240x128xf32, #tpu.memory_space<vmem_shared>>
        tpu.wait_indirect_dma semaphore(%run_scoped3A_700 : memref<!tpu.dma_semaphore, #tpu.memory_space<semaphore_mem>>) src(%arg12 : memref<64x128xf32, #tpu.memory_space<vmem>>) dst(%dma_wait3A_712 : memref<10240x128xf32, #tpu.memory_space<vmem_shared>>)
        tpu.yield
      }) : () -> ()
      %dma_start3A_255 = arith.constant 4 : i32
      %dma_start3A_256 = arith.constant 0 : i32
      %dma_start3A_257 = tpu.memref_slice %arg8[%dma_start3A_255, %dma_start3A_256] : memref<32x64xi32, #tpu.memory_space<vmem>> -> memref<1x64xi32, #tpu.memory_space<vmem>>
      %dma_start3A_258 = tpu.memref_squeeze %dma_start3A_257 : memref<1x64xi32, #tpu.memory_space<vmem>> -> memref<64xi32, #tpu.memory_space<vmem>>
      %dma_start3A_259 = arith.constant 0 : i32
      %dma_start3A_260 = arith.constant 0 : i32
      %dma_start3A_261 = tpu.memref_slice %arg6[%dma_start3A_259, %dma_start3A_260] : memref<20480x128xf32, #tpu.memory_space<hbm>> -> memref<20480x128xf32, #tpu.memory_space<hbm>>
      tpu.enqueue_indirect_dma source(%dma_start3A_261 : memref<20480x128xf32, #tpu.memory_space<hbm>>) target(%arg12 : memref<64x128xf32, #tpu.memory_space<vmem>>) offsets(%dma_start3A_258 : memref<64xi32, #tpu.memory_space<vmem>>) semaphore(%arg18 : memref<!tpu.dma_semaphore, #tpu.memory_space<semaphore_mem>>)
      %dma_wait3A_262 = arith.constant 1 : i32
      %dma_wait3A_263 = arith.constant 0 : i32
      %dma_wait3A_264 = tpu.memref_slice %arg8[%dma_wait3A_262, %dma_wait3A_263] : memref<32x64xi32, #tpu.memory_space<vmem>> -> memref<1x64xi32, #tpu.memory_space<vmem>>
      %dma_wait3A_265 = tpu.memref_squeeze %dma_wait3A_264 : memref<1x64xi32, #tpu.memory_space<vmem>> -> memref<64xi32, #tpu.memory_space<vmem>>
      %dma_wait3A_266 = arith.constant 0 : i32
      %dma_wait3A_267 = arith.constant 0 : i32
      %dma_wait3A_268 = tpu.memref_slice %arg6[%dma_wait3A_266, %dma_wait3A_267] : memref<20480x128xf32, #tpu.memory_space<hbm>> -> memref<20480x128xf32, #tpu.memory_space<hbm>>
      tpu.wait_indirect_dma semaphore(%arg18 : memref<!tpu.dma_semaphore, #tpu.memory_space<semaphore_mem>>) src(%dma_wait3A_268 : memref<20480x128xf32, #tpu.memory_space<hbm>>) dst(%arg13 : memref<64x128xf32, #tpu.memory_space<vmem>>)
      %run_scoped3A_269 = arith.constant 1 : i32
      "tpu.region"() ({
        %run_scoped3A_700 = tpu.sem_alloc : memref<!tpu.dma_semaphore, #tpu.memory_space<semaphore_mem>>
        %dma_start3A_701 = arith.constant 0 : i32
        %dma_start3A_702 = tpu.memref_slice %arg9[%run_scoped3A_269, %dma_start3A_701] : memref<32x64xi32, #tpu.memory_space<vmem>> -> memref<1x64xi32, #tpu.memory_space<vmem>>
        %dma_start3A_703 = tpu.memref_squeeze %dma_start3A_702 : memref<1x64xi32, #tpu.memory_space<vmem>> -> memref<64xi32, #tpu.memory_space<vmem>>
        %dma_start3A_704 = arith.constant 0 : i32
        %dma_start3A_705 = arith.constant 0 : i32
        %dma_start3A_706 = tpu.memref_slice %arg17[%dma_start3A_704, %dma_start3A_705] : memref<10240x128xf32, #tpu.memory_space<vmem_shared>> -> memref<10240x128xf32, #tpu.memory_space<vmem_shared>>
        tpu.enqueue_indirect_dma source(%arg13 : memref<64x128xf32, #tpu.memory_space<vmem>>) target(%dma_start3A_706 : memref<10240x128xf32, #tpu.memory_space<vmem_shared>>) offsets(%dma_start3A_703 : memref<64xi32, #tpu.memory_space<vmem>>) semaphore(%run_scoped3A_700 : memref<!tpu.dma_semaphore, #tpu.memory_space<semaphore_mem>>) {add = true}
        %dma_wait3A_707 = arith.constant 0 : i32
        %dma_wait3A_708 = tpu.memref_slice %arg9[%run_scoped3A_269, %dma_wait3A_707] : memref<32x64xi32, #tpu.memory_space<vmem>> -> memref<1x64xi32, #tpu.memory_space<vmem>>
        %dma_wait3A_709 = tpu.memref_squeeze %dma_wait3A_708 : memref<1x64xi32, #tpu.memory_space<vmem>> -> memref<64xi32, #tpu.memory_space<vmem>>
        %dma_wait3A_710 = arith.constant 0 : i32
        %dma_wait3A_711 = arith.constant 0 : i32
        %dma_wait3A_712 = tpu.memref_slice %arg17[%dma_wait3A_710, %dma_wait3A_711] : memref<10240x128xf32, #tpu.memory_space<vmem_shared>> -> memref<10240x128xf32, #tpu.memory_space<vmem_shared>>
        tpu.wait_indirect_dma semaphore(%run_scoped3A_700 : memref<!tpu.dma_semaphore, #tpu.memory_space<semaphore_mem>>) src(%arg13 : memref<64x128xf32, #tpu.memory_space<vmem>>) dst(%dma_wait3A_712 : memref<10240x128xf32, #tpu.memory_space<vmem_shared>>)
        tpu.yield
      }) : () -> ()
      %dma_start3A_270 = arith.constant 5 : i32
      %dma_start3A_271 = arith.constant 0 : i32
      %dma_start3A_272 = tpu.memref_slice %arg8[%dma_start3A_270, %dma_start3A_271] : memref<32x64xi32, #tpu.memory_space<vmem>> -> memref<1x64xi32, #tpu.memory_space<vmem>>
      %dma_start3A_273 = tpu.memref_squeeze %dma_start3A_272 : memref<1x64xi32, #tpu.memory_space<vmem>> -> memref<64xi32, #tpu.memory_space<vmem>>
      %dma_start3A_274 = arith.constant 0 : i32
      %dma_start3A_275 = arith.constant 0 : i32
      %dma_start3A_276 = tpu.memref_slice %arg6[%dma_start3A_274, %dma_start3A_275] : memref<20480x128xf32, #tpu.memory_space<hbm>> -> memref<20480x128xf32, #tpu.memory_space<hbm>>
      tpu.enqueue_indirect_dma source(%dma_start3A_276 : memref<20480x128xf32, #tpu.memory_space<hbm>>) target(%arg13 : memref<64x128xf32, #tpu.memory_space<vmem>>) offsets(%dma_start3A_273 : memref<64xi32, #tpu.memory_space<vmem>>) semaphore(%arg18 : memref<!tpu.dma_semaphore, #tpu.memory_space<semaphore_mem>>)
      %dma_wait3A_277 = arith.constant 2 : i32
      %dma_wait3A_278 = arith.constant 0 : i32
      %dma_wait3A_279 = tpu.memref_slice %arg8[%dma_wait3A_277, %dma_wait3A_278] : memref<32x64xi32, #tpu.memory_space<vmem>> -> memref<1x64xi32, #tpu.memory_space<vmem>>
      %dma_wait3A_280 = tpu.memref_squeeze %dma_wait3A_279 : memref<1x64xi32, #tpu.memory_space<vmem>> -> memref<64xi32, #tpu.memory_space<vmem>>
      %dma_wait3A_281 = arith.constant 0 : i32
      %dma_wait3A_282 = arith.constant 0 : i32
      %dma_wait3A_283 = tpu.memref_slice %arg6[%dma_wait3A_281, %dma_wait3A_282] : memref<20480x128xf32, #tpu.memory_space<hbm>> -> memref<20480x128xf32, #tpu.memory_space<hbm>>
      tpu.wait_indirect_dma semaphore(%arg18 : memref<!tpu.dma_semaphore, #tpu.memory_space<semaphore_mem>>) src(%dma_wait3A_283 : memref<20480x128xf32, #tpu.memory_space<hbm>>) dst(%arg14 : memref<64x128xf32, #tpu.memory_space<vmem>>)
      %run_scoped3A_284 = arith.constant 2 : i32
      "tpu.region"() ({
        %run_scoped3A_700 = tpu.sem_alloc : memref<!tpu.dma_semaphore, #tpu.memory_space<semaphore_mem>>
        %dma_start3A_701 = arith.constant 0 : i32
        %dma_start3A_702 = tpu.memref_slice %arg9[%run_scoped3A_284, %dma_start3A_701] : memref<32x64xi32, #tpu.memory_space<vmem>> -> memref<1x64xi32, #tpu.memory_space<vmem>>
        %dma_start3A_703 = tpu.memref_squeeze %dma_start3A_702 : memref<1x64xi32, #tpu.memory_space<vmem>> -> memref<64xi32, #tpu.memory_space<vmem>>
        %dma_start3A_704 = arith.constant 0 : i32
        %dma_start3A_705 = arith.constant 0 : i32
        %dma_start3A_706 = tpu.memref_slice %arg17[%dma_start3A_704, %dma_start3A_705] : memref<10240x128xf32, #tpu.memory_space<vmem_shared>> -> memref<10240x128xf32, #tpu.memory_space<vmem_shared>>
        tpu.enqueue_indirect_dma source(%arg14 : memref<64x128xf32, #tpu.memory_space<vmem>>) target(%dma_start3A_706 : memref<10240x128xf32, #tpu.memory_space<vmem_shared>>) offsets(%dma_start3A_703 : memref<64xi32, #tpu.memory_space<vmem>>) semaphore(%run_scoped3A_700 : memref<!tpu.dma_semaphore, #tpu.memory_space<semaphore_mem>>) {add = true}
        %dma_wait3A_707 = arith.constant 0 : i32
        %dma_wait3A_708 = tpu.memref_slice %arg9[%run_scoped3A_284, %dma_wait3A_707] : memref<32x64xi32, #tpu.memory_space<vmem>> -> memref<1x64xi32, #tpu.memory_space<vmem>>
        %dma_wait3A_709 = tpu.memref_squeeze %dma_wait3A_708 : memref<1x64xi32, #tpu.memory_space<vmem>> -> memref<64xi32, #tpu.memory_space<vmem>>
        %dma_wait3A_710 = arith.constant 0 : i32
        %dma_wait3A_711 = arith.constant 0 : i32
        %dma_wait3A_712 = tpu.memref_slice %arg17[%dma_wait3A_710, %dma_wait3A_711] : memref<10240x128xf32, #tpu.memory_space<vmem_shared>> -> memref<10240x128xf32, #tpu.memory_space<vmem_shared>>
        tpu.wait_indirect_dma semaphore(%run_scoped3A_700 : memref<!tpu.dma_semaphore, #tpu.memory_space<semaphore_mem>>) src(%arg14 : memref<64x128xf32, #tpu.memory_space<vmem>>) dst(%dma_wait3A_712 : memref<10240x128xf32, #tpu.memory_space<vmem_shared>>)
        tpu.yield
      }) : () -> ()
      %dma_start3A_285 = arith.constant 6 : i32
      %dma_start3A_286 = arith.constant 0 : i32
      %dma_start3A_287 = tpu.memref_slice %arg8[%dma_start3A_285, %dma_start3A_286] : memref<32x64xi32, #tpu.memory_space<vmem>> -> memref<1x64xi32, #tpu.memory_space<vmem>>
      %dma_start3A_288 = tpu.memref_squeeze %dma_start3A_287 : memref<1x64xi32, #tpu.memory_space<vmem>> -> memref<64xi32, #tpu.memory_space<vmem>>
      %dma_start3A_289 = arith.constant 0 : i32
      %dma_start3A_290 = arith.constant 0 : i32
      %dma_start3A_291 = tpu.memref_slice %arg6[%dma_start3A_289, %dma_start3A_290] : memref<20480x128xf32, #tpu.memory_space<hbm>> -> memref<20480x128xf32, #tpu.memory_space<hbm>>
      tpu.enqueue_indirect_dma source(%dma_start3A_291 : memref<20480x128xf32, #tpu.memory_space<hbm>>) target(%arg14 : memref<64x128xf32, #tpu.memory_space<vmem>>) offsets(%dma_start3A_288 : memref<64xi32, #tpu.memory_space<vmem>>) semaphore(%arg18 : memref<!tpu.dma_semaphore, #tpu.memory_space<semaphore_mem>>)
      %dma_wait3A_292 = arith.constant 3 : i32
      %dma_wait3A_293 = arith.constant 0 : i32
      %dma_wait3A_294 = tpu.memref_slice %arg8[%dma_wait3A_292, %dma_wait3A_293] : memref<32x64xi32, #tpu.memory_space<vmem>> -> memref<1x64xi32, #tpu.memory_space<vmem>>
      %dma_wait3A_295 = tpu.memref_squeeze %dma_wait3A_294 : memref<1x64xi32, #tpu.memory_space<vmem>> -> memref<64xi32, #tpu.memory_space<vmem>>
      %dma_wait3A_296 = arith.constant 0 : i32
      %dma_wait3A_297 = arith.constant 0 : i32
      %dma_wait3A_298 = tpu.memref_slice %arg6[%dma_wait3A_296, %dma_wait3A_297] : memref<20480x128xf32, #tpu.memory_space<hbm>> -> memref<20480x128xf32, #tpu.memory_space<hbm>>
      tpu.wait_indirect_dma semaphore(%arg18 : memref<!tpu.dma_semaphore, #tpu.memory_space<semaphore_mem>>) src(%dma_wait3A_298 : memref<20480x128xf32, #tpu.memory_space<hbm>>) dst(%arg15 : memref<64x128xf32, #tpu.memory_space<vmem>>)
      %run_scoped3A_299 = arith.constant 3 : i32
      "tpu.region"() ({
        %run_scoped3A_700 = tpu.sem_alloc : memref<!tpu.dma_semaphore, #tpu.memory_space<semaphore_mem>>
        %dma_start3A_701 = arith.constant 0 : i32
        %dma_start3A_702 = tpu.memref_slice %arg9[%run_scoped3A_299, %dma_start3A_701] : memref<32x64xi32, #tpu.memory_space<vmem>> -> memref<1x64xi32, #tpu.memory_space<vmem>>
        %dma_start3A_703 = tpu.memref_squeeze %dma_start3A_702 : memref<1x64xi32, #tpu.memory_space<vmem>> -> memref<64xi32, #tpu.memory_space<vmem>>
        %dma_start3A_704 = arith.constant 0 : i32
        %dma_start3A_705 = arith.constant 0 : i32
        %dma_start3A_706 = tpu.memref_slice %arg17[%dma_start3A_704, %dma_start3A_705] : memref<10240x128xf32, #tpu.memory_space<vmem_shared>> -> memref<10240x128xf32, #tpu.memory_space<vmem_shared>>
        tpu.enqueue_indirect_dma source(%arg15 : memref<64x128xf32, #tpu.memory_space<vmem>>) target(%dma_start3A_706 : memref<10240x128xf32, #tpu.memory_space<vmem_shared>>) offsets(%dma_start3A_703 : memref<64xi32, #tpu.memory_space<vmem>>) semaphore(%run_scoped3A_700 : memref<!tpu.dma_semaphore, #tpu.memory_space<semaphore_mem>>) {add = true}
        %dma_wait3A_707 = arith.constant 0 : i32
        %dma_wait3A_708 = tpu.memref_slice %arg9[%run_scoped3A_299, %dma_wait3A_707] : memref<32x64xi32, #tpu.memory_space<vmem>> -> memref<1x64xi32, #tpu.memory_space<vmem>>
        %dma_wait3A_709 = tpu.memref_squeeze %dma_wait3A_708 : memref<1x64xi32, #tpu.memory_space<vmem>> -> memref<64xi32, #tpu.memory_space<vmem>>
        %dma_wait3A_710 = arith.constant 0 : i32
        %dma_wait3A_711 = arith.constant 0 : i32
        %dma_wait3A_712 = tpu.memref_slice %arg17[%dma_wait3A_710, %dma_wait3A_711] : memref<10240x128xf32, #tpu.memory_space<vmem_shared>> -> memref<10240x128xf32, #tpu.memory_space<vmem_shared>>
        tpu.wait_indirect_dma semaphore(%run_scoped3A_700 : memref<!tpu.dma_semaphore, #tpu.memory_space<semaphore_mem>>) src(%arg15 : memref<64x128xf32, #tpu.memory_space<vmem>>) dst(%dma_wait3A_712 : memref<10240x128xf32, #tpu.memory_space<vmem_shared>>)
        tpu.yield
      }) : () -> ()
      %dma_start3A_300 = arith.constant 7 : i32
      %dma_start3A_301 = arith.constant 0 : i32
      %dma_start3A_302 = tpu.memref_slice %arg8[%dma_start3A_300, %dma_start3A_301] : memref<32x64xi32, #tpu.memory_space<vmem>> -> memref<1x64xi32, #tpu.memory_space<vmem>>
      %dma_start3A_303 = tpu.memref_squeeze %dma_start3A_302 : memref<1x64xi32, #tpu.memory_space<vmem>> -> memref<64xi32, #tpu.memory_space<vmem>>
      %dma_start3A_304 = arith.constant 0 : i32
      %dma_start3A_305 = arith.constant 0 : i32
      %dma_start3A_306 = tpu.memref_slice %arg6[%dma_start3A_304, %dma_start3A_305] : memref<20480x128xf32, #tpu.memory_space<hbm>> -> memref<20480x128xf32, #tpu.memory_space<hbm>>
      tpu.enqueue_indirect_dma source(%dma_start3A_306 : memref<20480x128xf32, #tpu.memory_space<hbm>>) target(%arg15 : memref<64x128xf32, #tpu.memory_space<vmem>>) offsets(%dma_start3A_303 : memref<64xi32, #tpu.memory_space<vmem>>) semaphore(%arg18 : memref<!tpu.dma_semaphore, #tpu.memory_space<semaphore_mem>>)
      %dma_wait3A_307 = arith.constant 4 : i32
      %dma_wait3A_308 = arith.constant 0 : i32
      %dma_wait3A_309 = tpu.memref_slice %arg8[%dma_wait3A_307, %dma_wait3A_308] : memref<32x64xi32, #tpu.memory_space<vmem>> -> memref<1x64xi32, #tpu.memory_space<vmem>>
      %dma_wait3A_310 = tpu.memref_squeeze %dma_wait3A_309 : memref<1x64xi32, #tpu.memory_space<vmem>> -> memref<64xi32, #tpu.memory_space<vmem>>
      %dma_wait3A_311 = arith.constant 0 : i32
      %dma_wait3A_312 = arith.constant 0 : i32
      %dma_wait3A_313 = tpu.memref_slice %arg6[%dma_wait3A_311, %dma_wait3A_312] : memref<20480x128xf32, #tpu.memory_space<hbm>> -> memref<20480x128xf32, #tpu.memory_space<hbm>>
      tpu.wait_indirect_dma semaphore(%arg18 : memref<!tpu.dma_semaphore, #tpu.memory_space<semaphore_mem>>) src(%dma_wait3A_313 : memref<20480x128xf32, #tpu.memory_space<hbm>>) dst(%arg12 : memref<64x128xf32, #tpu.memory_space<vmem>>)
      %run_scoped3A_314 = arith.constant 4 : i32
      "tpu.region"() ({
        %run_scoped3A_700 = tpu.sem_alloc : memref<!tpu.dma_semaphore, #tpu.memory_space<semaphore_mem>>
        %dma_start3A_701 = arith.constant 0 : i32
        %dma_start3A_702 = tpu.memref_slice %arg9[%run_scoped3A_314, %dma_start3A_701] : memref<32x64xi32, #tpu.memory_space<vmem>> -> memref<1x64xi32, #tpu.memory_space<vmem>>
        %dma_start3A_703 = tpu.memref_squeeze %dma_start3A_702 : memref<1x64xi32, #tpu.memory_space<vmem>> -> memref<64xi32, #tpu.memory_space<vmem>>
        %dma_start3A_704 = arith.constant 0 : i32
        %dma_start3A_705 = arith.constant 0 : i32
        %dma_start3A_706 = tpu.memref_slice %arg17[%dma_start3A_704, %dma_start3A_705] : memref<10240x128xf32, #tpu.memory_space<vmem_shared>> -> memref<10240x128xf32, #tpu.memory_space<vmem_shared>>
        tpu.enqueue_indirect_dma source(%arg12 : memref<64x128xf32, #tpu.memory_space<vmem>>) target(%dma_start3A_706 : memref<10240x128xf32, #tpu.memory_space<vmem_shared>>) offsets(%dma_start3A_703 : memref<64xi32, #tpu.memory_space<vmem>>) semaphore(%run_scoped3A_700 : memref<!tpu.dma_semaphore, #tpu.memory_space<semaphore_mem>>) {add = true}
        %dma_wait3A_707 = arith.constant 0 : i32
        %dma_wait3A_708 = tpu.memref_slice %arg9[%run_scoped3A_314, %dma_wait3A_707] : memref<32x64xi32, #tpu.memory_space<vmem>> -> memref<1x64xi32, #tpu.memory_space<vmem>>
        %dma_wait3A_709 = tpu.memref_squeeze %dma_wait3A_708 : memref<1x64xi32, #tpu.memory_space<vmem>> -> memref<64xi32, #tpu.memory_space<vmem>>
        %dma_wait3A_710 = arith.constant 0 : i32
        %dma_wait3A_711 = arith.constant 0 : i32
        %dma_wait3A_712 = tpu.memref_slice %arg17[%dma_wait3A_710, %dma_wait3A_711] : memref<10240x128xf32, #tpu.memory_space<vmem_shared>> -> memref<10240x128xf32, #tpu.memory_space<vmem_shared>>
        tpu.wait_indirect_dma semaphore(%run_scoped3A_700 : memref<!tpu.dma_semaphore, #tpu.memory_space<semaphore_mem>>) src(%arg12 : memref<64x128xf32, #tpu.memory_space<vmem>>) dst(%dma_wait3A_712 : memref<10240x128xf32, #tpu.memory_space<vmem_shared>>)
        tpu.yield
      }) : () -> ()
      %dma_start3A_315 = arith.constant 8 : i32
      %dma_start3A_316 = arith.constant 0 : i32
      %dma_start3A_317 = tpu.memref_slice %arg8[%dma_start3A_315, %dma_start3A_316] : memref<32x64xi32, #tpu.memory_space<vmem>> -> memref<1x64xi32, #tpu.memory_space<vmem>>
      %dma_start3A_318 = tpu.memref_squeeze %dma_start3A_317 : memref<1x64xi32, #tpu.memory_space<vmem>> -> memref<64xi32, #tpu.memory_space<vmem>>
      %dma_start3A_319 = arith.constant 0 : i32
      %dma_start3A_320 = arith.constant 0 : i32
      %dma_start3A_321 = tpu.memref_slice %arg6[%dma_start3A_319, %dma_start3A_320] : memref<20480x128xf32, #tpu.memory_space<hbm>> -> memref<20480x128xf32, #tpu.memory_space<hbm>>
      tpu.enqueue_indirect_dma source(%dma_start3A_321 : memref<20480x128xf32, #tpu.memory_space<hbm>>) target(%arg12 : memref<64x128xf32, #tpu.memory_space<vmem>>) offsets(%dma_start3A_318 : memref<64xi32, #tpu.memory_space<vmem>>) semaphore(%arg18 : memref<!tpu.dma_semaphore, #tpu.memory_space<semaphore_mem>>)
      %dma_wait3A_322 = arith.constant 5 : i32
      %dma_wait3A_323 = arith.constant 0 : i32
      %dma_wait3A_324 = tpu.memref_slice %arg8[%dma_wait3A_322, %dma_wait3A_323] : memref<32x64xi32, #tpu.memory_space<vmem>> -> memref<1x64xi32, #tpu.memory_space<vmem>>
      %dma_wait3A_325 = tpu.memref_squeeze %dma_wait3A_324 : memref<1x64xi32, #tpu.memory_space<vmem>> -> memref<64xi32, #tpu.memory_space<vmem>>
      %dma_wait3A_326 = arith.constant 0 : i32
      %dma_wait3A_327 = arith.constant 0 : i32
      %dma_wait3A_328 = tpu.memref_slice %arg6[%dma_wait3A_326, %dma_wait3A_327] : memref<20480x128xf32, #tpu.memory_space<hbm>> -> memref<20480x128xf32, #tpu.memory_space<hbm>>
      tpu.wait_indirect_dma semaphore(%arg18 : memref<!tpu.dma_semaphore, #tpu.memory_space<semaphore_mem>>) src(%dma_wait3A_328 : memref<20480x128xf32, #tpu.memory_space<hbm>>) dst(%arg13 : memref<64x128xf32, #tpu.memory_space<vmem>>)
      %run_scoped3A_329 = arith.constant 5 : i32
      "tpu.region"() ({
        %run_scoped3A_700 = tpu.sem_alloc : memref<!tpu.dma_semaphore, #tpu.memory_space<semaphore_mem>>
        %dma_start3A_701 = arith.constant 0 : i32
        %dma_start3A_702 = tpu.memref_slice %arg9[%run_scoped3A_329, %dma_start3A_701] : memref<32x64xi32, #tpu.memory_space<vmem>> -> memref<1x64xi32, #tpu.memory_space<vmem>>
        %dma_start3A_703 = tpu.memref_squeeze %dma_start3A_702 : memref<1x64xi32, #tpu.memory_space<vmem>> -> memref<64xi32, #tpu.memory_space<vmem>>
        %dma_start3A_704 = arith.constant 0 : i32
        %dma_start3A_705 = arith.constant 0 : i32
        %dma_start3A_706 = tpu.memref_slice %arg17[%dma_start3A_704, %dma_start3A_705] : memref<10240x128xf32, #tpu.memory_space<vmem_shared>> -> memref<10240x128xf32, #tpu.memory_space<vmem_shared>>
        tpu.enqueue_indirect_dma source(%arg13 : memref<64x128xf32, #tpu.memory_space<vmem>>) target(%dma_start3A_706 : memref<10240x128xf32, #tpu.memory_space<vmem_shared>>) offsets(%dma_start3A_703 : memref<64xi32, #tpu.memory_space<vmem>>) semaphore(%run_scoped3A_700 : memref<!tpu.dma_semaphore, #tpu.memory_space<semaphore_mem>>) {add = true}
        %dma_wait3A_707 = arith.constant 0 : i32
        %dma_wait3A_708 = tpu.memref_slice %arg9[%run_scoped3A_329, %dma_wait3A_707] : memref<32x64xi32, #tpu.memory_space<vmem>> -> memref<1x64xi32, #tpu.memory_space<vmem>>
        %dma_wait3A_709 = tpu.memref_squeeze %dma_wait3A_708 : memref<1x64xi32, #tpu.memory_space<vmem>> -> memref<64xi32, #tpu.memory_space<vmem>>
        %dma_wait3A_710 = arith.constant 0 : i32
        %dma_wait3A_711 = arith.constant 0 : i32
        %dma_wait3A_712 = tpu.memref_slice %arg17[%dma_wait3A_710, %dma_wait3A_711] : memref<10240x128xf32, #tpu.memory_space<vmem_shared>> -> memref<10240x128xf32, #tpu.memory_space<vmem_shared>>
        tpu.wait_indirect_dma semaphore(%run_scoped3A_700 : memref<!tpu.dma_semaphore, #tpu.memory_space<semaphore_mem>>) src(%arg13 : memref<64x128xf32, #tpu.memory_space<vmem>>) dst(%dma_wait3A_712 : memref<10240x128xf32, #tpu.memory_space<vmem_shared>>)
        tpu.yield
      }) : () -> ()
      %dma_start3A_330 = arith.constant 9 : i32
      %dma_start3A_331 = arith.constant 0 : i32
      %dma_start3A_332 = tpu.memref_slice %arg8[%dma_start3A_330, %dma_start3A_331] : memref<32x64xi32, #tpu.memory_space<vmem>> -> memref<1x64xi32, #tpu.memory_space<vmem>>
      %dma_start3A_333 = tpu.memref_squeeze %dma_start3A_332 : memref<1x64xi32, #tpu.memory_space<vmem>> -> memref<64xi32, #tpu.memory_space<vmem>>
      %dma_start3A_334 = arith.constant 0 : i32
      %dma_start3A_335 = arith.constant 0 : i32
      %dma_start3A_336 = tpu.memref_slice %arg6[%dma_start3A_334, %dma_start3A_335] : memref<20480x128xf32, #tpu.memory_space<hbm>> -> memref<20480x128xf32, #tpu.memory_space<hbm>>
      tpu.enqueue_indirect_dma source(%dma_start3A_336 : memref<20480x128xf32, #tpu.memory_space<hbm>>) target(%arg13 : memref<64x128xf32, #tpu.memory_space<vmem>>) offsets(%dma_start3A_333 : memref<64xi32, #tpu.memory_space<vmem>>) semaphore(%arg18 : memref<!tpu.dma_semaphore, #tpu.memory_space<semaphore_mem>>)
      %dma_wait3A_337 = arith.constant 6 : i32
      %dma_wait3A_338 = arith.constant 0 : i32
      %dma_wait3A_339 = tpu.memref_slice %arg8[%dma_wait3A_337, %dma_wait3A_338] : memref<32x64xi32, #tpu.memory_space<vmem>> -> memref<1x64xi32, #tpu.memory_space<vmem>>
      %dma_wait3A_340 = tpu.memref_squeeze %dma_wait3A_339 : memref<1x64xi32, #tpu.memory_space<vmem>> -> memref<64xi32, #tpu.memory_space<vmem>>
      %dma_wait3A_341 = arith.constant 0 : i32
      %dma_wait3A_342 = arith.constant 0 : i32
      %dma_wait3A_343 = tpu.memref_slice %arg6[%dma_wait3A_341, %dma_wait3A_342] : memref<20480x128xf32, #tpu.memory_space<hbm>> -> memref<20480x128xf32, #tpu.memory_space<hbm>>
      tpu.wait_indirect_dma semaphore(%arg18 : memref<!tpu.dma_semaphore, #tpu.memory_space<semaphore_mem>>) src(%dma_wait3A_343 : memref<20480x128xf32, #tpu.memory_space<hbm>>) dst(%arg14 : memref<64x128xf32, #tpu.memory_space<vmem>>)
      %run_scoped3A_344 = arith.constant 6 : i32
      "tpu.region"() ({
        %run_scoped3A_700 = tpu.sem_alloc : memref<!tpu.dma_semaphore, #tpu.memory_space<semaphore_mem>>
        %dma_start3A_701 = arith.constant 0 : i32
        %dma_start3A_702 = tpu.memref_slice %arg9[%run_scoped3A_344, %dma_start3A_701] : memref<32x64xi32, #tpu.memory_space<vmem>> -> memref<1x64xi32, #tpu.memory_space<vmem>>
        %dma_start3A_703 = tpu.memref_squeeze %dma_start3A_702 : memref<1x64xi32, #tpu.memory_space<vmem>> -> memref<64xi32, #tpu.memory_space<vmem>>
        %dma_start3A_704 = arith.constant 0 : i32
        %dma_start3A_705 = arith.constant 0 : i32
        %dma_start3A_706 = tpu.memref_slice %arg17[%dma_start3A_704, %dma_start3A_705] : memref<10240x128xf32, #tpu.memory_space<vmem_shared>> -> memref<10240x128xf32, #tpu.memory_space<vmem_shared>>
        tpu.enqueue_indirect_dma source(%arg14 : memref<64x128xf32, #tpu.memory_space<vmem>>) target(%dma_start3A_706 : memref<10240x128xf32, #tpu.memory_space<vmem_shared>>) offsets(%dma_start3A_703 : memref<64xi32, #tpu.memory_space<vmem>>) semaphore(%run_scoped3A_700 : memref<!tpu.dma_semaphore, #tpu.memory_space<semaphore_mem>>) {add = true}
        %dma_wait3A_707 = arith.constant 0 : i32
        %dma_wait3A_708 = tpu.memref_slice %arg9[%run_scoped3A_344, %dma_wait3A_707] : memref<32x64xi32, #tpu.memory_space<vmem>> -> memref<1x64xi32, #tpu.memory_space<vmem>>
        %dma_wait3A_709 = tpu.memref_squeeze %dma_wait3A_708 : memref<1x64xi32, #tpu.memory_space<vmem>> -> memref<64xi32, #tpu.memory_space<vmem>>
        %dma_wait3A_710 = arith.constant 0 : i32
        %dma_wait3A_711 = arith.constant 0 : i32
        %dma_wait3A_712 = tpu.memref_slice %arg17[%dma_wait3A_710, %dma_wait3A_711] : memref<10240x128xf32, #tpu.memory_space<vmem_shared>> -> memref<10240x128xf32, #tpu.memory_space<vmem_shared>>
        tpu.wait_indirect_dma semaphore(%run_scoped3A_700 : memref<!tpu.dma_semaphore, #tpu.memory_space<semaphore_mem>>) src(%arg14 : memref<64x128xf32, #tpu.memory_space<vmem>>) dst(%dma_wait3A_712 : memref<10240x128xf32, #tpu.memory_space<vmem_shared>>)
        tpu.yield
      }) : () -> ()
      %dma_start3A_345 = arith.constant 10 : i32
      %dma_start3A_346 = arith.constant 0 : i32
      %dma_start3A_347 = tpu.memref_slice %arg8[%dma_start3A_345, %dma_start3A_346] : memref<32x64xi32, #tpu.memory_space<vmem>> -> memref<1x64xi32, #tpu.memory_space<vmem>>
      %dma_start3A_348 = tpu.memref_squeeze %dma_start3A_347 : memref<1x64xi32, #tpu.memory_space<vmem>> -> memref<64xi32, #tpu.memory_space<vmem>>
      %dma_start3A_349 = arith.constant 0 : i32
      %dma_start3A_350 = arith.constant 0 : i32
      %dma_start3A_351 = tpu.memref_slice %arg6[%dma_start3A_349, %dma_start3A_350] : memref<20480x128xf32, #tpu.memory_space<hbm>> -> memref<20480x128xf32, #tpu.memory_space<hbm>>
      tpu.enqueue_indirect_dma source(%dma_start3A_351 : memref<20480x128xf32, #tpu.memory_space<hbm>>) target(%arg14 : memref<64x128xf32, #tpu.memory_space<vmem>>) offsets(%dma_start3A_348 : memref<64xi32, #tpu.memory_space<vmem>>) semaphore(%arg18 : memref<!tpu.dma_semaphore, #tpu.memory_space<semaphore_mem>>)
      %dma_wait3A_352 = arith.constant 7 : i32
      %dma_wait3A_353 = arith.constant 0 : i32
      %dma_wait3A_354 = tpu.memref_slice %arg8[%dma_wait3A_352, %dma_wait3A_353] : memref<32x64xi32, #tpu.memory_space<vmem>> -> memref<1x64xi32, #tpu.memory_space<vmem>>
      %dma_wait3A_355 = tpu.memref_squeeze %dma_wait3A_354 : memref<1x64xi32, #tpu.memory_space<vmem>> -> memref<64xi32, #tpu.memory_space<vmem>>
      %dma_wait3A_356 = arith.constant 0 : i32
      %dma_wait3A_357 = arith.constant 0 : i32
      %dma_wait3A_358 = tpu.memref_slice %arg6[%dma_wait3A_356, %dma_wait3A_357] : memref<20480x128xf32, #tpu.memory_space<hbm>> -> memref<20480x128xf32, #tpu.memory_space<hbm>>
      tpu.wait_indirect_dma semaphore(%arg18 : memref<!tpu.dma_semaphore, #tpu.memory_space<semaphore_mem>>) src(%dma_wait3A_358 : memref<20480x128xf32, #tpu.memory_space<hbm>>) dst(%arg15 : memref<64x128xf32, #tpu.memory_space<vmem>>)
      %run_scoped3A_359 = arith.constant 7 : i32
      "tpu.region"() ({
        %run_scoped3A_700 = tpu.sem_alloc : memref<!tpu.dma_semaphore, #tpu.memory_space<semaphore_mem>>
        %dma_start3A_701 = arith.constant 0 : i32
        %dma_start3A_702 = tpu.memref_slice %arg9[%run_scoped3A_359, %dma_start3A_701] : memref<32x64xi32, #tpu.memory_space<vmem>> -> memref<1x64xi32, #tpu.memory_space<vmem>>
        %dma_start3A_703 = tpu.memref_squeeze %dma_start3A_702 : memref<1x64xi32, #tpu.memory_space<vmem>> -> memref<64xi32, #tpu.memory_space<vmem>>
        %dma_start3A_704 = arith.constant 0 : i32
        %dma_start3A_705 = arith.constant 0 : i32
        %dma_start3A_706 = tpu.memref_slice %arg17[%dma_start3A_704, %dma_start3A_705] : memref<10240x128xf32, #tpu.memory_space<vmem_shared>> -> memref<10240x128xf32, #tpu.memory_space<vmem_shared>>
        tpu.enqueue_indirect_dma source(%arg15 : memref<64x128xf32, #tpu.memory_space<vmem>>) target(%dma_start3A_706 : memref<10240x128xf32, #tpu.memory_space<vmem_shared>>) offsets(%dma_start3A_703 : memref<64xi32, #tpu.memory_space<vmem>>) semaphore(%run_scoped3A_700 : memref<!tpu.dma_semaphore, #tpu.memory_space<semaphore_mem>>) {add = true}
        %dma_wait3A_707 = arith.constant 0 : i32
        %dma_wait3A_708 = tpu.memref_slice %arg9[%run_scoped3A_359, %dma_wait3A_707] : memref<32x64xi32, #tpu.memory_space<vmem>> -> memref<1x64xi32, #tpu.memory_space<vmem>>
        %dma_wait3A_709 = tpu.memref_squeeze %dma_wait3A_708 : memref<1x64xi32, #tpu.memory_space<vmem>> -> memref<64xi32, #tpu.memory_space<vmem>>
        %dma_wait3A_710 = arith.constant 0 : i32
        %dma_wait3A_711 = arith.constant 0 : i32
        %dma_wait3A_712 = tpu.memref_slice %arg17[%dma_wait3A_710, %dma_wait3A_711] : memref<10240x128xf32, #tpu.memory_space<vmem_shared>> -> memref<10240x128xf32, #tpu.memory_space<vmem_shared>>
        tpu.wait_indirect_dma semaphore(%run_scoped3A_700 : memref<!tpu.dma_semaphore, #tpu.memory_space<semaphore_mem>>) src(%arg15 : memref<64x128xf32, #tpu.memory_space<vmem>>) dst(%dma_wait3A_712 : memref<10240x128xf32, #tpu.memory_space<vmem_shared>>)
        tpu.yield
      }) : () -> ()
      %dma_start3A_360 = arith.constant 11 : i32
      %dma_start3A_361 = arith.constant 0 : i32
      %dma_start3A_362 = tpu.memref_slice %arg8[%dma_start3A_360, %dma_start3A_361] : memref<32x64xi32, #tpu.memory_space<vmem>> -> memref<1x64xi32, #tpu.memory_space<vmem>>
      %dma_start3A_363 = tpu.memref_squeeze %dma_start3A_362 : memref<1x64xi32, #tpu.memory_space<vmem>> -> memref<64xi32, #tpu.memory_space<vmem>>
      %dma_start3A_364 = arith.constant 0 : i32
      %dma_start3A_365 = arith.constant 0 : i32
      %dma_start3A_366 = tpu.memref_slice %arg6[%dma_start3A_364, %dma_start3A_365] : memref<20480x128xf32, #tpu.memory_space<hbm>> -> memref<20480x128xf32, #tpu.memory_space<hbm>>
      tpu.enqueue_indirect_dma source(%dma_start3A_366 : memref<20480x128xf32, #tpu.memory_space<hbm>>) target(%arg15 : memref<64x128xf32, #tpu.memory_space<vmem>>) offsets(%dma_start3A_363 : memref<64xi32, #tpu.memory_space<vmem>>) semaphore(%arg18 : memref<!tpu.dma_semaphore, #tpu.memory_space<semaphore_mem>>)
      %dma_wait3A_367 = arith.constant 8 : i32
      %dma_wait3A_368 = arith.constant 0 : i32
      %dma_wait3A_369 = tpu.memref_slice %arg8[%dma_wait3A_367, %dma_wait3A_368] : memref<32x64xi32, #tpu.memory_space<vmem>> -> memref<1x64xi32, #tpu.memory_space<vmem>>
      %dma_wait3A_370 = tpu.memref_squeeze %dma_wait3A_369 : memref<1x64xi32, #tpu.memory_space<vmem>> -> memref<64xi32, #tpu.memory_space<vmem>>
      %dma_wait3A_371 = arith.constant 0 : i32
      %dma_wait3A_372 = arith.constant 0 : i32
      %dma_wait3A_373 = tpu.memref_slice %arg6[%dma_wait3A_371, %dma_wait3A_372] : memref<20480x128xf32, #tpu.memory_space<hbm>> -> memref<20480x128xf32, #tpu.memory_space<hbm>>
      tpu.wait_indirect_dma semaphore(%arg18 : memref<!tpu.dma_semaphore, #tpu.memory_space<semaphore_mem>>) src(%dma_wait3A_373 : memref<20480x128xf32, #tpu.memory_space<hbm>>) dst(%arg12 : memref<64x128xf32, #tpu.memory_space<vmem>>)
      %run_scoped3A_374 = arith.constant 8 : i32
      "tpu.region"() ({
        %run_scoped3A_700 = tpu.sem_alloc : memref<!tpu.dma_semaphore, #tpu.memory_space<semaphore_mem>>
        %dma_start3A_701 = arith.constant 0 : i32
        %dma_start3A_702 = tpu.memref_slice %arg9[%run_scoped3A_374, %dma_start3A_701] : memref<32x64xi32, #tpu.memory_space<vmem>> -> memref<1x64xi32, #tpu.memory_space<vmem>>
        %dma_start3A_703 = tpu.memref_squeeze %dma_start3A_702 : memref<1x64xi32, #tpu.memory_space<vmem>> -> memref<64xi32, #tpu.memory_space<vmem>>
        %dma_start3A_704 = arith.constant 0 : i32
        %dma_start3A_705 = arith.constant 0 : i32
        %dma_start3A_706 = tpu.memref_slice %arg17[%dma_start3A_704, %dma_start3A_705] : memref<10240x128xf32, #tpu.memory_space<vmem_shared>> -> memref<10240x128xf32, #tpu.memory_space<vmem_shared>>
        tpu.enqueue_indirect_dma source(%arg12 : memref<64x128xf32, #tpu.memory_space<vmem>>) target(%dma_start3A_706 : memref<10240x128xf32, #tpu.memory_space<vmem_shared>>) offsets(%dma_start3A_703 : memref<64xi32, #tpu.memory_space<vmem>>) semaphore(%run_scoped3A_700 : memref<!tpu.dma_semaphore, #tpu.memory_space<semaphore_mem>>) {add = true}
        %dma_wait3A_707 = arith.constant 0 : i32
        %dma_wait3A_708 = tpu.memref_slice %arg9[%run_scoped3A_374, %dma_wait3A_707] : memref<32x64xi32, #tpu.memory_space<vmem>> -> memref<1x64xi32, #tpu.memory_space<vmem>>
        %dma_wait3A_709 = tpu.memref_squeeze %dma_wait3A_708 : memref<1x64xi32, #tpu.memory_space<vmem>> -> memref<64xi32, #tpu.memory_space<vmem>>
        %dma_wait3A_710 = arith.constant 0 : i32
        %dma_wait3A_711 = arith.constant 0 : i32
        %dma_wait3A_712 = tpu.memref_slice %arg17[%dma_wait3A_710, %dma_wait3A_711] : memref<10240x128xf32, #tpu.memory_space<vmem_shared>> -> memref<10240x128xf32, #tpu.memory_space<vmem_shared>>
        tpu.wait_indirect_dma semaphore(%run_scoped3A_700 : memref<!tpu.dma_semaphore, #tpu.memory_space<semaphore_mem>>) src(%arg12 : memref<64x128xf32, #tpu.memory_space<vmem>>) dst(%dma_wait3A_712 : memref<10240x128xf32, #tpu.memory_space<vmem_shared>>)
        tpu.yield
      }) : () -> ()
      %dma_start3A_375 = arith.constant 12 : i32
      %dma_start3A_376 = arith.constant 0 : i32
      %dma_start3A_377 = tpu.memref_slice %arg8[%dma_start3A_375, %dma_start3A_376] : memref<32x64xi32, #tpu.memory_space<vmem>> -> memref<1x64xi32, #tpu.memory_space<vmem>>
      %dma_start3A_378 = tpu.memref_squeeze %dma_start3A_377 : memref<1x64xi32, #tpu.memory_space<vmem>> -> memref<64xi32, #tpu.memory_space<vmem>>
      %dma_start3A_379 = arith.constant 0 : i32
      %dma_start3A_380 = arith.constant 0 : i32
      %dma_start3A_381 = tpu.memref_slice %arg6[%dma_start3A_379, %dma_start3A_380] : memref<20480x128xf32, #tpu.memory_space<hbm>> -> memref<20480x128xf32, #tpu.memory_space<hbm>>
      tpu.enqueue_indirect_dma source(%dma_start3A_381 : memref<20480x128xf32, #tpu.memory_space<hbm>>) target(%arg12 : memref<64x128xf32, #tpu.memory_space<vmem>>) offsets(%dma_start3A_378 : memref<64xi32, #tpu.memory_space<vmem>>) semaphore(%arg18 : memref<!tpu.dma_semaphore, #tpu.memory_space<semaphore_mem>>)
      %dma_wait3A_382 = arith.constant 9 : i32
      %dma_wait3A_383 = arith.constant 0 : i32
      %dma_wait3A_384 = tpu.memref_slice %arg8[%dma_wait3A_382, %dma_wait3A_383] : memref<32x64xi32, #tpu.memory_space<vmem>> -> memref<1x64xi32, #tpu.memory_space<vmem>>
      %dma_wait3A_385 = tpu.memref_squeeze %dma_wait3A_384 : memref<1x64xi32, #tpu.memory_space<vmem>> -> memref<64xi32, #tpu.memory_space<vmem>>
      %dma_wait3A_386 = arith.constant 0 : i32
      %dma_wait3A_387 = arith.constant 0 : i32
      %dma_wait3A_388 = tpu.memref_slice %arg6[%dma_wait3A_386, %dma_wait3A_387] : memref<20480x128xf32, #tpu.memory_space<hbm>> -> memref<20480x128xf32, #tpu.memory_space<hbm>>
      tpu.wait_indirect_dma semaphore(%arg18 : memref<!tpu.dma_semaphore, #tpu.memory_space<semaphore_mem>>) src(%dma_wait3A_388 : memref<20480x128xf32, #tpu.memory_space<hbm>>) dst(%arg13 : memref<64x128xf32, #tpu.memory_space<vmem>>)
      %run_scoped3A_389 = arith.constant 9 : i32
      "tpu.region"() ({
        %run_scoped3A_700 = tpu.sem_alloc : memref<!tpu.dma_semaphore, #tpu.memory_space<semaphore_mem>>
        %dma_start3A_701 = arith.constant 0 : i32
        %dma_start3A_702 = tpu.memref_slice %arg9[%run_scoped3A_389, %dma_start3A_701] : memref<32x64xi32, #tpu.memory_space<vmem>> -> memref<1x64xi32, #tpu.memory_space<vmem>>
        %dma_start3A_703 = tpu.memref_squeeze %dma_start3A_702 : memref<1x64xi32, #tpu.memory_space<vmem>> -> memref<64xi32, #tpu.memory_space<vmem>>
        %dma_start3A_704 = arith.constant 0 : i32
        %dma_start3A_705 = arith.constant 0 : i32
        %dma_start3A_706 = tpu.memref_slice %arg17[%dma_start3A_704, %dma_start3A_705] : memref<10240x128xf32, #tpu.memory_space<vmem_shared>> -> memref<10240x128xf32, #tpu.memory_space<vmem_shared>>
        tpu.enqueue_indirect_dma source(%arg13 : memref<64x128xf32, #tpu.memory_space<vmem>>) target(%dma_start3A_706 : memref<10240x128xf32, #tpu.memory_space<vmem_shared>>) offsets(%dma_start3A_703 : memref<64xi32, #tpu.memory_space<vmem>>) semaphore(%run_scoped3A_700 : memref<!tpu.dma_semaphore, #tpu.memory_space<semaphore_mem>>) {add = true}
        %dma_wait3A_707 = arith.constant 0 : i32
        %dma_wait3A_708 = tpu.memref_slice %arg9[%run_scoped3A_389, %dma_wait3A_707] : memref<32x64xi32, #tpu.memory_space<vmem>> -> memref<1x64xi32, #tpu.memory_space<vmem>>
        %dma_wait3A_709 = tpu.memref_squeeze %dma_wait3A_708 : memref<1x64xi32, #tpu.memory_space<vmem>> -> memref<64xi32, #tpu.memory_space<vmem>>
        %dma_wait3A_710 = arith.constant 0 : i32
        %dma_wait3A_711 = arith.constant 0 : i32
        %dma_wait3A_712 = tpu.memref_slice %arg17[%dma_wait3A_710, %dma_wait3A_711] : memref<10240x128xf32, #tpu.memory_space<vmem_shared>> -> memref<10240x128xf32, #tpu.memory_space<vmem_shared>>
        tpu.wait_indirect_dma semaphore(%run_scoped3A_700 : memref<!tpu.dma_semaphore, #tpu.memory_space<semaphore_mem>>) src(%arg13 : memref<64x128xf32, #tpu.memory_space<vmem>>) dst(%dma_wait3A_712 : memref<10240x128xf32, #tpu.memory_space<vmem_shared>>)
        tpu.yield
      }) : () -> ()
      %dma_start3A_390 = arith.constant 13 : i32
      %dma_start3A_391 = arith.constant 0 : i32
      %dma_start3A_392 = tpu.memref_slice %arg8[%dma_start3A_390, %dma_start3A_391] : memref<32x64xi32, #tpu.memory_space<vmem>> -> memref<1x64xi32, #tpu.memory_space<vmem>>
      %dma_start3A_393 = tpu.memref_squeeze %dma_start3A_392 : memref<1x64xi32, #tpu.memory_space<vmem>> -> memref<64xi32, #tpu.memory_space<vmem>>
      %dma_start3A_394 = arith.constant 0 : i32
      %dma_start3A_395 = arith.constant 0 : i32
      %dma_start3A_396 = tpu.memref_slice %arg6[%dma_start3A_394, %dma_start3A_395] : memref<20480x128xf32, #tpu.memory_space<hbm>> -> memref<20480x128xf32, #tpu.memory_space<hbm>>
      tpu.enqueue_indirect_dma source(%dma_start3A_396 : memref<20480x128xf32, #tpu.memory_space<hbm>>) target(%arg13 : memref<64x128xf32, #tpu.memory_space<vmem>>) offsets(%dma_start3A_393 : memref<64xi32, #tpu.memory_space<vmem>>) semaphore(%arg18 : memref<!tpu.dma_semaphore, #tpu.memory_space<semaphore_mem>>)
      %dma_wait3A_397 = arith.constant 10 : i32
      %dma_wait3A_398 = arith.constant 0 : i32
      %dma_wait3A_399 = tpu.memref_slice %arg8[%dma_wait3A_397, %dma_wait3A_398] : memref<32x64xi32, #tpu.memory_space<vmem>> -> memref<1x64xi32, #tpu.memory_space<vmem>>
      %dma_wait3A_400 = tpu.memref_squeeze %dma_wait3A_399 : memref<1x64xi32, #tpu.memory_space<vmem>> -> memref<64xi32, #tpu.memory_space<vmem>>
      %dma_wait3A_401 = arith.constant 0 : i32
      %dma_wait3A_402 = arith.constant 0 : i32
      %dma_wait3A_403 = tpu.memref_slice %arg6[%dma_wait3A_401, %dma_wait3A_402] : memref<20480x128xf32, #tpu.memory_space<hbm>> -> memref<20480x128xf32, #tpu.memory_space<hbm>>
      tpu.wait_indirect_dma semaphore(%arg18 : memref<!tpu.dma_semaphore, #tpu.memory_space<semaphore_mem>>) src(%dma_wait3A_403 : memref<20480x128xf32, #tpu.memory_space<hbm>>) dst(%arg14 : memref<64x128xf32, #tpu.memory_space<vmem>>)
      %run_scoped3A_404 = arith.constant 10 : i32
      "tpu.region"() ({
        %run_scoped3A_700 = tpu.sem_alloc : memref<!tpu.dma_semaphore, #tpu.memory_space<semaphore_mem>>
        %dma_start3A_701 = arith.constant 0 : i32
        %dma_start3A_702 = tpu.memref_slice %arg9[%run_scoped3A_404, %dma_start3A_701] : memref<32x64xi32, #tpu.memory_space<vmem>> -> memref<1x64xi32, #tpu.memory_space<vmem>>
        %dma_start3A_703 = tpu.memref_squeeze %dma_start3A_702 : memref<1x64xi32, #tpu.memory_space<vmem>> -> memref<64xi32, #tpu.memory_space<vmem>>
        %dma_start3A_704 = arith.constant 0 : i32
        %dma_start3A_705 = arith.constant 0 : i32
        %dma_start3A_706 = tpu.memref_slice %arg17[%dma_start3A_704, %dma_start3A_705] : memref<10240x128xf32, #tpu.memory_space<vmem_shared>> -> memref<10240x128xf32, #tpu.memory_space<vmem_shared>>
        tpu.enqueue_indirect_dma source(%arg14 : memref<64x128xf32, #tpu.memory_space<vmem>>) target(%dma_start3A_706 : memref<10240x128xf32, #tpu.memory_space<vmem_shared>>) offsets(%dma_start3A_703 : memref<64xi32, #tpu.memory_space<vmem>>) semaphore(%run_scoped3A_700 : memref<!tpu.dma_semaphore, #tpu.memory_space<semaphore_mem>>) {add = true}
        %dma_wait3A_707 = arith.constant 0 : i32
        %dma_wait3A_708 = tpu.memref_slice %arg9[%run_scoped3A_404, %dma_wait3A_707] : memref<32x64xi32, #tpu.memory_space<vmem>> -> memref<1x64xi32, #tpu.memory_space<vmem>>
        %dma_wait3A_709 = tpu.memref_squeeze %dma_wait3A_708 : memref<1x64xi32, #tpu.memory_space<vmem>> -> memref<64xi32, #tpu.memory_space<vmem>>
        %dma_wait3A_710 = arith.constant 0 : i32
        %dma_wait3A_711 = arith.constant 0 : i32
        %dma_wait3A_712 = tpu.memref_slice %arg17[%dma_wait3A_710, %dma_wait3A_711] : memref<10240x128xf32, #tpu.memory_space<vmem_shared>> -> memref<10240x128xf32, #tpu.memory_space<vmem_shared>>
        tpu.wait_indirect_dma semaphore(%run_scoped3A_700 : memref<!tpu.dma_semaphore, #tpu.memory_space<semaphore_mem>>) src(%arg14 : memref<64x128xf32, #tpu.memory_space<vmem>>) dst(%dma_wait3A_712 : memref<10240x128xf32, #tpu.memory_space<vmem_shared>>)
        tpu.yield
      }) : () -> ()
      %dma_start3A_405 = arith.constant 14 : i32
      %dma_start3A_406 = arith.constant 0 : i32
      %dma_start3A_407 = tpu.memref_slice %arg8[%dma_start3A_405, %dma_start3A_406] : memref<32x64xi32, #tpu.memory_space<vmem>> -> memref<1x64xi32, #tpu.memory_space<vmem>>
      %dma_start3A_408 = tpu.memref_squeeze %dma_start3A_407 : memref<1x64xi32, #tpu.memory_space<vmem>> -> memref<64xi32, #tpu.memory_space<vmem>>
      %dma_start3A_409 = arith.constant 0 : i32
      %dma_start3A_410 = arith.constant 0 : i32
      %dma_start3A_411 = tpu.memref_slice %arg6[%dma_start3A_409, %dma_start3A_410] : memref<20480x128xf32, #tpu.memory_space<hbm>> -> memref<20480x128xf32, #tpu.memory_space<hbm>>
      tpu.enqueue_indirect_dma source(%dma_start3A_411 : memref<20480x128xf32, #tpu.memory_space<hbm>>) target(%arg14 : memref<64x128xf32, #tpu.memory_space<vmem>>) offsets(%dma_start3A_408 : memref<64xi32, #tpu.memory_space<vmem>>) semaphore(%arg18 : memref<!tpu.dma_semaphore, #tpu.memory_space<semaphore_mem>>)
      %dma_wait3A_412 = arith.constant 11 : i32
      %dma_wait3A_413 = arith.constant 0 : i32
      %dma_wait3A_414 = tpu.memref_slice %arg8[%dma_wait3A_412, %dma_wait3A_413] : memref<32x64xi32, #tpu.memory_space<vmem>> -> memref<1x64xi32, #tpu.memory_space<vmem>>
      %dma_wait3A_415 = tpu.memref_squeeze %dma_wait3A_414 : memref<1x64xi32, #tpu.memory_space<vmem>> -> memref<64xi32, #tpu.memory_space<vmem>>
      %dma_wait3A_416 = arith.constant 0 : i32
      %dma_wait3A_417 = arith.constant 0 : i32
      %dma_wait3A_418 = tpu.memref_slice %arg6[%dma_wait3A_416, %dma_wait3A_417] : memref<20480x128xf32, #tpu.memory_space<hbm>> -> memref<20480x128xf32, #tpu.memory_space<hbm>>
      tpu.wait_indirect_dma semaphore(%arg18 : memref<!tpu.dma_semaphore, #tpu.memory_space<semaphore_mem>>) src(%dma_wait3A_418 : memref<20480x128xf32, #tpu.memory_space<hbm>>) dst(%arg15 : memref<64x128xf32, #tpu.memory_space<vmem>>)
      %run_scoped3A_419 = arith.constant 11 : i32
      "tpu.region"() ({
        %run_scoped3A_700 = tpu.sem_alloc : memref<!tpu.dma_semaphore, #tpu.memory_space<semaphore_mem>>
        %dma_start3A_701 = arith.constant 0 : i32
        %dma_start3A_702 = tpu.memref_slice %arg9[%run_scoped3A_419, %dma_start3A_701] : memref<32x64xi32, #tpu.memory_space<vmem>> -> memref<1x64xi32, #tpu.memory_space<vmem>>
        %dma_start3A_703 = tpu.memref_squeeze %dma_start3A_702 : memref<1x64xi32, #tpu.memory_space<vmem>> -> memref<64xi32, #tpu.memory_space<vmem>>
        %dma_start3A_704 = arith.constant 0 : i32
        %dma_start3A_705 = arith.constant 0 : i32
        %dma_start3A_706 = tpu.memref_slice %arg17[%dma_start3A_704, %dma_start3A_705] : memref<10240x128xf32, #tpu.memory_space<vmem_shared>> -> memref<10240x128xf32, #tpu.memory_space<vmem_shared>>
        tpu.enqueue_indirect_dma source(%arg15 : memref<64x128xf32, #tpu.memory_space<vmem>>) target(%dma_start3A_706 : memref<10240x128xf32, #tpu.memory_space<vmem_shared>>) offsets(%dma_start3A_703 : memref<64xi32, #tpu.memory_space<vmem>>) semaphore(%run_scoped3A_700 : memref<!tpu.dma_semaphore, #tpu.memory_space<semaphore_mem>>) {add = true}
        %dma_wait3A_707 = arith.constant 0 : i32
        %dma_wait3A_708 = tpu.memref_slice %arg9[%run_scoped3A_419, %dma_wait3A_707] : memref<32x64xi32, #tpu.memory_space<vmem>> -> memref<1x64xi32, #tpu.memory_space<vmem>>
        %dma_wait3A_709 = tpu.memref_squeeze %dma_wait3A_708 : memref<1x64xi32, #tpu.memory_space<vmem>> -> memref<64xi32, #tpu.memory_space<vmem>>
        %dma_wait3A_710 = arith.constant 0 : i32
        %dma_wait3A_711 = arith.constant 0 : i32
        %dma_wait3A_712 = tpu.memref_slice %arg17[%dma_wait3A_710, %dma_wait3A_711] : memref<10240x128xf32, #tpu.memory_space<vmem_shared>> -> memref<10240x128xf32, #tpu.memory_space<vmem_shared>>
        tpu.wait_indirect_dma semaphore(%run_scoped3A_700 : memref<!tpu.dma_semaphore, #tpu.memory_space<semaphore_mem>>) src(%arg15 : memref<64x128xf32, #tpu.memory_space<vmem>>) dst(%dma_wait3A_712 : memref<10240x128xf32, #tpu.memory_space<vmem_shared>>)
        tpu.yield
      }) : () -> ()
      %dma_start3A_420 = arith.constant 15 : i32
      %dma_start3A_421 = arith.constant 0 : i32
      %dma_start3A_422 = tpu.memref_slice %arg8[%dma_start3A_420, %dma_start3A_421] : memref<32x64xi32, #tpu.memory_space<vmem>> -> memref<1x64xi32, #tpu.memory_space<vmem>>
      %dma_start3A_423 = tpu.memref_squeeze %dma_start3A_422 : memref<1x64xi32, #tpu.memory_space<vmem>> -> memref<64xi32, #tpu.memory_space<vmem>>
      %dma_start3A_424 = arith.constant 0 : i32
      %dma_start3A_425 = arith.constant 0 : i32
      %dma_start3A_426 = tpu.memref_slice %arg6[%dma_start3A_424, %dma_start3A_425] : memref<20480x128xf32, #tpu.memory_space<hbm>> -> memref<20480x128xf32, #tpu.memory_space<hbm>>
      tpu.enqueue_indirect_dma source(%dma_start3A_426 : memref<20480x128xf32, #tpu.memory_space<hbm>>) target(%arg15 : memref<64x128xf32, #tpu.memory_space<vmem>>) offsets(%dma_start3A_423 : memref<64xi32, #tpu.memory_space<vmem>>) semaphore(%arg18 : memref<!tpu.dma_semaphore, #tpu.memory_space<semaphore_mem>>)
      %dma_wait3A_427 = arith.constant 12 : i32
      %dma_wait3A_428 = arith.constant 0 : i32
      %dma_wait3A_429 = tpu.memref_slice %arg8[%dma_wait3A_427, %dma_wait3A_428] : memref<32x64xi32, #tpu.memory_space<vmem>> -> memref<1x64xi32, #tpu.memory_space<vmem>>
      %dma_wait3A_430 = tpu.memref_squeeze %dma_wait3A_429 : memref<1x64xi32, #tpu.memory_space<vmem>> -> memref<64xi32, #tpu.memory_space<vmem>>
      %dma_wait3A_431 = arith.constant 0 : i32
      %dma_wait3A_432 = arith.constant 0 : i32
      %dma_wait3A_433 = tpu.memref_slice %arg6[%dma_wait3A_431, %dma_wait3A_432] : memref<20480x128xf32, #tpu.memory_space<hbm>> -> memref<20480x128xf32, #tpu.memory_space<hbm>>
      tpu.wait_indirect_dma semaphore(%arg18 : memref<!tpu.dma_semaphore, #tpu.memory_space<semaphore_mem>>) src(%dma_wait3A_433 : memref<20480x128xf32, #tpu.memory_space<hbm>>) dst(%arg12 : memref<64x128xf32, #tpu.memory_space<vmem>>)
      %run_scoped3A_434 = arith.constant 12 : i32
      "tpu.region"() ({
        %run_scoped3A_700 = tpu.sem_alloc : memref<!tpu.dma_semaphore, #tpu.memory_space<semaphore_mem>>
        %dma_start3A_701 = arith.constant 0 : i32
        %dma_start3A_702 = tpu.memref_slice %arg9[%run_scoped3A_434, %dma_start3A_701] : memref<32x64xi32, #tpu.memory_space<vmem>> -> memref<1x64xi32, #tpu.memory_space<vmem>>
        %dma_start3A_703 = tpu.memref_squeeze %dma_start3A_702 : memref<1x64xi32, #tpu.memory_space<vmem>> -> memref<64xi32, #tpu.memory_space<vmem>>
        %dma_start3A_704 = arith.constant 0 : i32
        %dma_start3A_705 = arith.constant 0 : i32
        %dma_start3A_706 = tpu.memref_slice %arg17[%dma_start3A_704, %dma_start3A_705] : memref<10240x128xf32, #tpu.memory_space<vmem_shared>> -> memref<10240x128xf32, #tpu.memory_space<vmem_shared>>
        tpu.enqueue_indirect_dma source(%arg12 : memref<64x128xf32, #tpu.memory_space<vmem>>) target(%dma_start3A_706 : memref<10240x128xf32, #tpu.memory_space<vmem_shared>>) offsets(%dma_start3A_703 : memref<64xi32, #tpu.memory_space<vmem>>) semaphore(%run_scoped3A_700 : memref<!tpu.dma_semaphore, #tpu.memory_space<semaphore_mem>>) {add = true}
        %dma_wait3A_707 = arith.constant 0 : i32
        %dma_wait3A_708 = tpu.memref_slice %arg9[%run_scoped3A_434, %dma_wait3A_707] : memref<32x64xi32, #tpu.memory_space<vmem>> -> memref<1x64xi32, #tpu.memory_space<vmem>>
        %dma_wait3A_709 = tpu.memref_squeeze %dma_wait3A_708 : memref<1x64xi32, #tpu.memory_space<vmem>> -> memref<64xi32, #tpu.memory_space<vmem>>
        %dma_wait3A_710 = arith.constant 0 : i32
        %dma_wait3A_711 = arith.constant 0 : i32
        %dma_wait3A_712 = tpu.memref_slice %arg17[%dma_wait3A_710, %dma_wait3A_711] : memref<10240x128xf32, #tpu.memory_space<vmem_shared>> -> memref<10240x128xf32, #tpu.memory_space<vmem_shared>>
        tpu.wait_indirect_dma semaphore(%run_scoped3A_700 : memref<!tpu.dma_semaphore, #tpu.memory_space<semaphore_mem>>) src(%arg12 : memref<64x128xf32, #tpu.memory_space<vmem>>) dst(%dma_wait3A_712 : memref<10240x128xf32, #tpu.memory_space<vmem_shared>>)
        tpu.yield
      }) : () -> ()
      %dma_start3A_435 = arith.constant 16 : i32
      %dma_start3A_436 = arith.constant 0 : i32
      %dma_start3A_437 = tpu.memref_slice %arg8[%dma_start3A_435, %dma_start3A_436] : memref<32x64xi32, #tpu.memory_space<vmem>> -> memref<1x64xi32, #tpu.memory_space<vmem>>
      %dma_start3A_438 = tpu.memref_squeeze %dma_start3A_437 : memref<1x64xi32, #tpu.memory_space<vmem>> -> memref<64xi32, #tpu.memory_space<vmem>>
      %dma_start3A_439 = arith.constant 0 : i32
      %dma_start3A_440 = arith.constant 0 : i32
      %dma_start3A_441 = tpu.memref_slice %arg6[%dma_start3A_439, %dma_start3A_440] : memref<20480x128xf32, #tpu.memory_space<hbm>> -> memref<20480x128xf32, #tpu.memory_space<hbm>>
      tpu.enqueue_indirect_dma source(%dma_start3A_441 : memref<20480x128xf32, #tpu.memory_space<hbm>>) target(%arg12 : memref<64x128xf32, #tpu.memory_space<vmem>>) offsets(%dma_start3A_438 : memref<64xi32, #tpu.memory_space<vmem>>) semaphore(%arg18 : memref<!tpu.dma_semaphore, #tpu.memory_space<semaphore_mem>>)
      %dma_wait3A_442 = arith.constant 13 : i32
      %dma_wait3A_443 = arith.constant 0 : i32
      %dma_wait3A_444 = tpu.memref_slice %arg8[%dma_wait3A_442, %dma_wait3A_443] : memref<32x64xi32, #tpu.memory_space<vmem>> -> memref<1x64xi32, #tpu.memory_space<vmem>>
      %dma_wait3A_445 = tpu.memref_squeeze %dma_wait3A_444 : memref<1x64xi32, #tpu.memory_space<vmem>> -> memref<64xi32, #tpu.memory_space<vmem>>
      %dma_wait3A_446 = arith.constant 0 : i32
      %dma_wait3A_447 = arith.constant 0 : i32
      %dma_wait3A_448 = tpu.memref_slice %arg6[%dma_wait3A_446, %dma_wait3A_447] : memref<20480x128xf32, #tpu.memory_space<hbm>> -> memref<20480x128xf32, #tpu.memory_space<hbm>>
      tpu.wait_indirect_dma semaphore(%arg18 : memref<!tpu.dma_semaphore, #tpu.memory_space<semaphore_mem>>) src(%dma_wait3A_448 : memref<20480x128xf32, #tpu.memory_space<hbm>>) dst(%arg13 : memref<64x128xf32, #tpu.memory_space<vmem>>)
      %run_scoped3A_449 = arith.constant 13 : i32
      "tpu.region"() ({
        %run_scoped3A_700 = tpu.sem_alloc : memref<!tpu.dma_semaphore, #tpu.memory_space<semaphore_mem>>
        %dma_start3A_701 = arith.constant 0 : i32
        %dma_start3A_702 = tpu.memref_slice %arg9[%run_scoped3A_449, %dma_start3A_701] : memref<32x64xi32, #tpu.memory_space<vmem>> -> memref<1x64xi32, #tpu.memory_space<vmem>>
        %dma_start3A_703 = tpu.memref_squeeze %dma_start3A_702 : memref<1x64xi32, #tpu.memory_space<vmem>> -> memref<64xi32, #tpu.memory_space<vmem>>
        %dma_start3A_704 = arith.constant 0 : i32
        %dma_start3A_705 = arith.constant 0 : i32
        %dma_start3A_706 = tpu.memref_slice %arg17[%dma_start3A_704, %dma_start3A_705] : memref<10240x128xf32, #tpu.memory_space<vmem_shared>> -> memref<10240x128xf32, #tpu.memory_space<vmem_shared>>
        tpu.enqueue_indirect_dma source(%arg13 : memref<64x128xf32, #tpu.memory_space<vmem>>) target(%dma_start3A_706 : memref<10240x128xf32, #tpu.memory_space<vmem_shared>>) offsets(%dma_start3A_703 : memref<64xi32, #tpu.memory_space<vmem>>) semaphore(%run_scoped3A_700 : memref<!tpu.dma_semaphore, #tpu.memory_space<semaphore_mem>>) {add = true}
        %dma_wait3A_707 = arith.constant 0 : i32
        %dma_wait3A_708 = tpu.memref_slice %arg9[%run_scoped3A_449, %dma_wait3A_707] : memref<32x64xi32, #tpu.memory_space<vmem>> -> memref<1x64xi32, #tpu.memory_space<vmem>>
        %dma_wait3A_709 = tpu.memref_squeeze %dma_wait3A_708 : memref<1x64xi32, #tpu.memory_space<vmem>> -> memref<64xi32, #tpu.memory_space<vmem>>
        %dma_wait3A_710 = arith.constant 0 : i32
        %dma_wait3A_711 = arith.constant 0 : i32
        %dma_wait3A_712 = tpu.memref_slice %arg17[%dma_wait3A_710, %dma_wait3A_711] : memref<10240x128xf32, #tpu.memory_space<vmem_shared>> -> memref<10240x128xf32, #tpu.memory_space<vmem_shared>>
        tpu.wait_indirect_dma semaphore(%run_scoped3A_700 : memref<!tpu.dma_semaphore, #tpu.memory_space<semaphore_mem>>) src(%arg13 : memref<64x128xf32, #tpu.memory_space<vmem>>) dst(%dma_wait3A_712 : memref<10240x128xf32, #tpu.memory_space<vmem_shared>>)
        tpu.yield
      }) : () -> ()
      %dma_start3A_450 = arith.constant 17 : i32
      %dma_start3A_451 = arith.constant 0 : i32
      %dma_start3A_452 = tpu.memref_slice %arg8[%dma_start3A_450, %dma_start3A_451] : memref<32x64xi32, #tpu.memory_space<vmem>> -> memref<1x64xi32, #tpu.memory_space<vmem>>
      %dma_start3A_453 = tpu.memref_squeeze %dma_start3A_452 : memref<1x64xi32, #tpu.memory_space<vmem>> -> memref<64xi32, #tpu.memory_space<vmem>>
      %dma_start3A_454 = arith.constant 0 : i32
      %dma_start3A_455 = arith.constant 0 : i32
      %dma_start3A_456 = tpu.memref_slice %arg6[%dma_start3A_454, %dma_start3A_455] : memref<20480x128xf32, #tpu.memory_space<hbm>> -> memref<20480x128xf32, #tpu.memory_space<hbm>>
      tpu.enqueue_indirect_dma source(%dma_start3A_456 : memref<20480x128xf32, #tpu.memory_space<hbm>>) target(%arg13 : memref<64x128xf32, #tpu.memory_space<vmem>>) offsets(%dma_start3A_453 : memref<64xi32, #tpu.memory_space<vmem>>) semaphore(%arg18 : memref<!tpu.dma_semaphore, #tpu.memory_space<semaphore_mem>>)
      %dma_wait3A_457 = arith.constant 14 : i32
      %dma_wait3A_458 = arith.constant 0 : i32
      %dma_wait3A_459 = tpu.memref_slice %arg8[%dma_wait3A_457, %dma_wait3A_458] : memref<32x64xi32, #tpu.memory_space<vmem>> -> memref<1x64xi32, #tpu.memory_space<vmem>>
      %dma_wait3A_460 = tpu.memref_squeeze %dma_wait3A_459 : memref<1x64xi32, #tpu.memory_space<vmem>> -> memref<64xi32, #tpu.memory_space<vmem>>
      %dma_wait3A_461 = arith.constant 0 : i32
      %dma_wait3A_462 = arith.constant 0 : i32
      %dma_wait3A_463 = tpu.memref_slice %arg6[%dma_wait3A_461, %dma_wait3A_462] : memref<20480x128xf32, #tpu.memory_space<hbm>> -> memref<20480x128xf32, #tpu.memory_space<hbm>>
      tpu.wait_indirect_dma semaphore(%arg18 : memref<!tpu.dma_semaphore, #tpu.memory_space<semaphore_mem>>) src(%dma_wait3A_463 : memref<20480x128xf32, #tpu.memory_space<hbm>>) dst(%arg14 : memref<64x128xf32, #tpu.memory_space<vmem>>)
      %run_scoped3A_464 = arith.constant 14 : i32
      "tpu.region"() ({
        %run_scoped3A_700 = tpu.sem_alloc : memref<!tpu.dma_semaphore, #tpu.memory_space<semaphore_mem>>
        %dma_start3A_701 = arith.constant 0 : i32
        %dma_start3A_702 = tpu.memref_slice %arg9[%run_scoped3A_464, %dma_start3A_701] : memref<32x64xi32, #tpu.memory_space<vmem>> -> memref<1x64xi32, #tpu.memory_space<vmem>>
        %dma_start3A_703 = tpu.memref_squeeze %dma_start3A_702 : memref<1x64xi32, #tpu.memory_space<vmem>> -> memref<64xi32, #tpu.memory_space<vmem>>
        %dma_start3A_704 = arith.constant 0 : i32
        %dma_start3A_705 = arith.constant 0 : i32
        %dma_start3A_706 = tpu.memref_slice %arg17[%dma_start3A_704, %dma_start3A_705] : memref<10240x128xf32, #tpu.memory_space<vmem_shared>> -> memref<10240x128xf32, #tpu.memory_space<vmem_shared>>
        tpu.enqueue_indirect_dma source(%arg14 : memref<64x128xf32, #tpu.memory_space<vmem>>) target(%dma_start3A_706 : memref<10240x128xf32, #tpu.memory_space<vmem_shared>>) offsets(%dma_start3A_703 : memref<64xi32, #tpu.memory_space<vmem>>) semaphore(%run_scoped3A_700 : memref<!tpu.dma_semaphore, #tpu.memory_space<semaphore_mem>>) {add = true}
        %dma_wait3A_707 = arith.constant 0 : i32
        %dma_wait3A_708 = tpu.memref_slice %arg9[%run_scoped3A_464, %dma_wait3A_707] : memref<32x64xi32, #tpu.memory_space<vmem>> -> memref<1x64xi32, #tpu.memory_space<vmem>>
        %dma_wait3A_709 = tpu.memref_squeeze %dma_wait3A_708 : memref<1x64xi32, #tpu.memory_space<vmem>> -> memref<64xi32, #tpu.memory_space<vmem>>
        %dma_wait3A_710 = arith.constant 0 : i32
        %dma_wait3A_711 = arith.constant 0 : i32
        %dma_wait3A_712 = tpu.memref_slice %arg17[%dma_wait3A_710, %dma_wait3A_711] : memref<10240x128xf32, #tpu.memory_space<vmem_shared>> -> memref<10240x128xf32, #tpu.memory_space<vmem_shared>>
        tpu.wait_indirect_dma semaphore(%run_scoped3A_700 : memref<!tpu.dma_semaphore, #tpu.memory_space<semaphore_mem>>) src(%arg14 : memref<64x128xf32, #tpu.memory_space<vmem>>) dst(%dma_wait3A_712 : memref<10240x128xf32, #tpu.memory_space<vmem_shared>>)
        tpu.yield
      }) : () -> ()
      %dma_start3A_465 = arith.constant 18 : i32
      %dma_start3A_466 = arith.constant 0 : i32
      %dma_start3A_467 = tpu.memref_slice %arg8[%dma_start3A_465, %dma_start3A_466] : memref<32x64xi32, #tpu.memory_space<vmem>> -> memref<1x64xi32, #tpu.memory_space<vmem>>
      %dma_start3A_468 = tpu.memref_squeeze %dma_start3A_467 : memref<1x64xi32, #tpu.memory_space<vmem>> -> memref<64xi32, #tpu.memory_space<vmem>>
      %dma_start3A_469 = arith.constant 0 : i32
      %dma_start3A_470 = arith.constant 0 : i32
      %dma_start3A_471 = tpu.memref_slice %arg6[%dma_start3A_469, %dma_start3A_470] : memref<20480x128xf32, #tpu.memory_space<hbm>> -> memref<20480x128xf32, #tpu.memory_space<hbm>>
      tpu.enqueue_indirect_dma source(%dma_start3A_471 : memref<20480x128xf32, #tpu.memory_space<hbm>>) target(%arg14 : memref<64x128xf32, #tpu.memory_space<vmem>>) offsets(%dma_start3A_468 : memref<64xi32, #tpu.memory_space<vmem>>) semaphore(%arg18 : memref<!tpu.dma_semaphore, #tpu.memory_space<semaphore_mem>>)
      %dma_wait3A_472 = arith.constant 15 : i32
      %dma_wait3A_473 = arith.constant 0 : i32
      %dma_wait3A_474 = tpu.memref_slice %arg8[%dma_wait3A_472, %dma_wait3A_473] : memref<32x64xi32, #tpu.memory_space<vmem>> -> memref<1x64xi32, #tpu.memory_space<vmem>>
      %dma_wait3A_475 = tpu.memref_squeeze %dma_wait3A_474 : memref<1x64xi32, #tpu.memory_space<vmem>> -> memref<64xi32, #tpu.memory_space<vmem>>
      %dma_wait3A_476 = arith.constant 0 : i32
      %dma_wait3A_477 = arith.constant 0 : i32
      %dma_wait3A_478 = tpu.memref_slice %arg6[%dma_wait3A_476, %dma_wait3A_477] : memref<20480x128xf32, #tpu.memory_space<hbm>> -> memref<20480x128xf32, #tpu.memory_space<hbm>>
      tpu.wait_indirect_dma semaphore(%arg18 : memref<!tpu.dma_semaphore, #tpu.memory_space<semaphore_mem>>) src(%dma_wait3A_478 : memref<20480x128xf32, #tpu.memory_space<hbm>>) dst(%arg15 : memref<64x128xf32, #tpu.memory_space<vmem>>)
      %run_scoped3A_479 = arith.constant 15 : i32
      "tpu.region"() ({
        %run_scoped3A_700 = tpu.sem_alloc : memref<!tpu.dma_semaphore, #tpu.memory_space<semaphore_mem>>
        %dma_start3A_701 = arith.constant 0 : i32
        %dma_start3A_702 = tpu.memref_slice %arg9[%run_scoped3A_479, %dma_start3A_701] : memref<32x64xi32, #tpu.memory_space<vmem>> -> memref<1x64xi32, #tpu.memory_space<vmem>>
        %dma_start3A_703 = tpu.memref_squeeze %dma_start3A_702 : memref<1x64xi32, #tpu.memory_space<vmem>> -> memref<64xi32, #tpu.memory_space<vmem>>
        %dma_start3A_704 = arith.constant 0 : i32
        %dma_start3A_705 = arith.constant 0 : i32
        %dma_start3A_706 = tpu.memref_slice %arg17[%dma_start3A_704, %dma_start3A_705] : memref<10240x128xf32, #tpu.memory_space<vmem_shared>> -> memref<10240x128xf32, #tpu.memory_space<vmem_shared>>
        tpu.enqueue_indirect_dma source(%arg15 : memref<64x128xf32, #tpu.memory_space<vmem>>) target(%dma_start3A_706 : memref<10240x128xf32, #tpu.memory_space<vmem_shared>>) offsets(%dma_start3A_703 : memref<64xi32, #tpu.memory_space<vmem>>) semaphore(%run_scoped3A_700 : memref<!tpu.dma_semaphore, #tpu.memory_space<semaphore_mem>>) {add = true}
        %dma_wait3A_707 = arith.constant 0 : i32
        %dma_wait3A_708 = tpu.memref_slice %arg9[%run_scoped3A_479, %dma_wait3A_707] : memref<32x64xi32, #tpu.memory_space<vmem>> -> memref<1x64xi32, #tpu.memory_space<vmem>>
        %dma_wait3A_709 = tpu.memref_squeeze %dma_wait3A_708 : memref<1x64xi32, #tpu.memory_space<vmem>> -> memref<64xi32, #tpu.memory_space<vmem>>
        %dma_wait3A_710 = arith.constant 0 : i32
        %dma_wait3A_711 = arith.constant 0 : i32
        %dma_wait3A_712 = tpu.memref_slice %arg17[%dma_wait3A_710, %dma_wait3A_711] : memref<10240x128xf32, #tpu.memory_space<vmem_shared>> -> memref<10240x128xf32, #tpu.memory_space<vmem_shared>>
        tpu.wait_indirect_dma semaphore(%run_scoped3A_700 : memref<!tpu.dma_semaphore, #tpu.memory_space<semaphore_mem>>) src(%arg15 : memref<64x128xf32, #tpu.memory_space<vmem>>) dst(%dma_wait3A_712 : memref<10240x128xf32, #tpu.memory_space<vmem_shared>>)
        tpu.yield
      }) : () -> ()
      %dma_start3A_480 = arith.constant 19 : i32
      %dma_start3A_481 = arith.constant 0 : i32
      %dma_start3A_482 = tpu.memref_slice %arg8[%dma_start3A_480, %dma_start3A_481] : memref<32x64xi32, #tpu.memory_space<vmem>> -> memref<1x64xi32, #tpu.memory_space<vmem>>
      %dma_start3A_483 = tpu.memref_squeeze %dma_start3A_482 : memref<1x64xi32, #tpu.memory_space<vmem>> -> memref<64xi32, #tpu.memory_space<vmem>>
      %dma_start3A_484 = arith.constant 0 : i32
      %dma_start3A_485 = arith.constant 0 : i32
      %dma_start3A_486 = tpu.memref_slice %arg6[%dma_start3A_484, %dma_start3A_485] : memref<20480x128xf32, #tpu.memory_space<hbm>> -> memref<20480x128xf32, #tpu.memory_space<hbm>>
      tpu.enqueue_indirect_dma source(%dma_start3A_486 : memref<20480x128xf32, #tpu.memory_space<hbm>>) target(%arg15 : memref<64x128xf32, #tpu.memory_space<vmem>>) offsets(%dma_start3A_483 : memref<64xi32, #tpu.memory_space<vmem>>) semaphore(%arg18 : memref<!tpu.dma_semaphore, #tpu.memory_space<semaphore_mem>>)
      %dma_wait3A_487 = arith.constant 16 : i32
      %dma_wait3A_488 = arith.constant 0 : i32
      %dma_wait3A_489 = tpu.memref_slice %arg8[%dma_wait3A_487, %dma_wait3A_488] : memref<32x64xi32, #tpu.memory_space<vmem>> -> memref<1x64xi32, #tpu.memory_space<vmem>>
      %dma_wait3A_490 = tpu.memref_squeeze %dma_wait3A_489 : memref<1x64xi32, #tpu.memory_space<vmem>> -> memref<64xi32, #tpu.memory_space<vmem>>
      %dma_wait3A_491 = arith.constant 0 : i32
      %dma_wait3A_492 = arith.constant 0 : i32
      %dma_wait3A_493 = tpu.memref_slice %arg6[%dma_wait3A_491, %dma_wait3A_492] : memref<20480x128xf32, #tpu.memory_space<hbm>> -> memref<20480x128xf32, #tpu.memory_space<hbm>>
      tpu.wait_indirect_dma semaphore(%arg18 : memref<!tpu.dma_semaphore, #tpu.memory_space<semaphore_mem>>) src(%dma_wait3A_493 : memref<20480x128xf32, #tpu.memory_space<hbm>>) dst(%arg12 : memref<64x128xf32, #tpu.memory_space<vmem>>)
      %run_scoped3A_494 = arith.constant 16 : i32
      "tpu.region"() ({
        %run_scoped3A_700 = tpu.sem_alloc : memref<!tpu.dma_semaphore, #tpu.memory_space<semaphore_mem>>
        %dma_start3A_701 = arith.constant 0 : i32
        %dma_start3A_702 = tpu.memref_slice %arg9[%run_scoped3A_494, %dma_start3A_701] : memref<32x64xi32, #tpu.memory_space<vmem>> -> memref<1x64xi32, #tpu.memory_space<vmem>>
        %dma_start3A_703 = tpu.memref_squeeze %dma_start3A_702 : memref<1x64xi32, #tpu.memory_space<vmem>> -> memref<64xi32, #tpu.memory_space<vmem>>
        %dma_start3A_704 = arith.constant 0 : i32
        %dma_start3A_705 = arith.constant 0 : i32
        %dma_start3A_706 = tpu.memref_slice %arg17[%dma_start3A_704, %dma_start3A_705] : memref<10240x128xf32, #tpu.memory_space<vmem_shared>> -> memref<10240x128xf32, #tpu.memory_space<vmem_shared>>
        tpu.enqueue_indirect_dma source(%arg12 : memref<64x128xf32, #tpu.memory_space<vmem>>) target(%dma_start3A_706 : memref<10240x128xf32, #tpu.memory_space<vmem_shared>>) offsets(%dma_start3A_703 : memref<64xi32, #tpu.memory_space<vmem>>) semaphore(%run_scoped3A_700 : memref<!tpu.dma_semaphore, #tpu.memory_space<semaphore_mem>>) {add = true}
        %dma_wait3A_707 = arith.constant 0 : i32
        %dma_wait3A_708 = tpu.memref_slice %arg9[%run_scoped3A_494, %dma_wait3A_707] : memref<32x64xi32, #tpu.memory_space<vmem>> -> memref<1x64xi32, #tpu.memory_space<vmem>>
        %dma_wait3A_709 = tpu.memref_squeeze %dma_wait3A_708 : memref<1x64xi32, #tpu.memory_space<vmem>> -> memref<64xi32, #tpu.memory_space<vmem>>
        %dma_wait3A_710 = arith.constant 0 : i32
        %dma_wait3A_711 = arith.constant 0 : i32
        %dma_wait3A_712 = tpu.memref_slice %arg17[%dma_wait3A_710, %dma_wait3A_711] : memref<10240x128xf32, #tpu.memory_space<vmem_shared>> -> memref<10240x128xf32, #tpu.memory_space<vmem_shared>>
        tpu.wait_indirect_dma semaphore(%run_scoped3A_700 : memref<!tpu.dma_semaphore, #tpu.memory_space<semaphore_mem>>) src(%arg12 : memref<64x128xf32, #tpu.memory_space<vmem>>) dst(%dma_wait3A_712 : memref<10240x128xf32, #tpu.memory_space<vmem_shared>>)
        tpu.yield
      }) : () -> ()
      %dma_start3A_495 = arith.constant 20 : i32
      %dma_start3A_496 = arith.constant 0 : i32
      %dma_start3A_497 = tpu.memref_slice %arg8[%dma_start3A_495, %dma_start3A_496] : memref<32x64xi32, #tpu.memory_space<vmem>> -> memref<1x64xi32, #tpu.memory_space<vmem>>
      %dma_start3A_498 = tpu.memref_squeeze %dma_start3A_497 : memref<1x64xi32, #tpu.memory_space<vmem>> -> memref<64xi32, #tpu.memory_space<vmem>>
      %dma_start3A_499 = arith.constant 0 : i32
      %dma_start3A_500 = arith.constant 0 : i32
      %dma_start3A_501 = tpu.memref_slice %arg6[%dma_start3A_499, %dma_start3A_500] : memref<20480x128xf32, #tpu.memory_space<hbm>> -> memref<20480x128xf32, #tpu.memory_space<hbm>>
      tpu.enqueue_indirect_dma source(%dma_start3A_501 : memref<20480x128xf32, #tpu.memory_space<hbm>>) target(%arg12 : memref<64x128xf32, #tpu.memory_space<vmem>>) offsets(%dma_start3A_498 : memref<64xi32, #tpu.memory_space<vmem>>) semaphore(%arg18 : memref<!tpu.dma_semaphore, #tpu.memory_space<semaphore_mem>>)
      %dma_wait3A_502 = arith.constant 17 : i32
      %dma_wait3A_503 = arith.constant 0 : i32
      %dma_wait3A_504 = tpu.memref_slice %arg8[%dma_wait3A_502, %dma_wait3A_503] : memref<32x64xi32, #tpu.memory_space<vmem>> -> memref<1x64xi32, #tpu.memory_space<vmem>>
      %dma_wait3A_505 = tpu.memref_squeeze %dma_wait3A_504 : memref<1x64xi32, #tpu.memory_space<vmem>> -> memref<64xi32, #tpu.memory_space<vmem>>
      %dma_wait3A_506 = arith.constant 0 : i32
      %dma_wait3A_507 = arith.constant 0 : i32
      %dma_wait3A_508 = tpu.memref_slice %arg6[%dma_wait3A_506, %dma_wait3A_507] : memref<20480x128xf32, #tpu.memory_space<hbm>> -> memref<20480x128xf32, #tpu.memory_space<hbm>>
      tpu.wait_indirect_dma semaphore(%arg18 : memref<!tpu.dma_semaphore, #tpu.memory_space<semaphore_mem>>) src(%dma_wait3A_508 : memref<20480x128xf32, #tpu.memory_space<hbm>>) dst(%arg13 : memref<64x128xf32, #tpu.memory_space<vmem>>)
      %run_scoped3A_509 = arith.constant 17 : i32
      "tpu.region"() ({
        %run_scoped3A_700 = tpu.sem_alloc : memref<!tpu.dma_semaphore, #tpu.memory_space<semaphore_mem>>
        %dma_start3A_701 = arith.constant 0 : i32
        %dma_start3A_702 = tpu.memref_slice %arg9[%run_scoped3A_509, %dma_start3A_701] : memref<32x64xi32, #tpu.memory_space<vmem>> -> memref<1x64xi32, #tpu.memory_space<vmem>>
        %dma_start3A_703 = tpu.memref_squeeze %dma_start3A_702 : memref<1x64xi32, #tpu.memory_space<vmem>> -> memref<64xi32, #tpu.memory_space<vmem>>
        %dma_start3A_704 = arith.constant 0 : i32
        %dma_start3A_705 = arith.constant 0 : i32
        %dma_start3A_706 = tpu.memref_slice %arg17[%dma_start3A_704, %dma_start3A_705] : memref<10240x128xf32, #tpu.memory_space<vmem_shared>> -> memref<10240x128xf32, #tpu.memory_space<vmem_shared>>
        tpu.enqueue_indirect_dma source(%arg13 : memref<64x128xf32, #tpu.memory_space<vmem>>) target(%dma_start3A_706 : memref<10240x128xf32, #tpu.memory_space<vmem_shared>>) offsets(%dma_start3A_703 : memref<64xi32, #tpu.memory_space<vmem>>) semaphore(%run_scoped3A_700 : memref<!tpu.dma_semaphore, #tpu.memory_space<semaphore_mem>>) {add = true}
        %dma_wait3A_707 = arith.constant 0 : i32
        %dma_wait3A_708 = tpu.memref_slice %arg9[%run_scoped3A_509, %dma_wait3A_707] : memref<32x64xi32, #tpu.memory_space<vmem>> -> memref<1x64xi32, #tpu.memory_space<vmem>>
        %dma_wait3A_709 = tpu.memref_squeeze %dma_wait3A_708 : memref<1x64xi32, #tpu.memory_space<vmem>> -> memref<64xi32, #tpu.memory_space<vmem>>
        %dma_wait3A_710 = arith.constant 0 : i32
        %dma_wait3A_711 = arith.constant 0 : i32
        %dma_wait3A_712 = tpu.memref_slice %arg17[%dma_wait3A_710, %dma_wait3A_711] : memref<10240x128xf32, #tpu.memory_space<vmem_shared>> -> memref<10240x128xf32, #tpu.memory_space<vmem_shared>>
        tpu.wait_indirect_dma semaphore(%run_scoped3A_700 : memref<!tpu.dma_semaphore, #tpu.memory_space<semaphore_mem>>) src(%arg13 : memref<64x128xf32, #tpu.memory_space<vmem>>) dst(%dma_wait3A_712 : memref<10240x128xf32, #tpu.memory_space<vmem_shared>>)
        tpu.yield
      }) : () -> ()
      %dma_start3A_510 = arith.constant 21 : i32
      %dma_start3A_511 = arith.constant 0 : i32
      %dma_start3A_512 = tpu.memref_slice %arg8[%dma_start3A_510, %dma_start3A_511] : memref<32x64xi32, #tpu.memory_space<vmem>> -> memref<1x64xi32, #tpu.memory_space<vmem>>
      %dma_start3A_513 = tpu.memref_squeeze %dma_start3A_512 : memref<1x64xi32, #tpu.memory_space<vmem>> -> memref<64xi32, #tpu.memory_space<vmem>>
      %dma_start3A_514 = arith.constant 0 : i32
      %dma_start3A_515 = arith.constant 0 : i32
      %dma_start3A_516 = tpu.memref_slice %arg6[%dma_start3A_514, %dma_start3A_515] : memref<20480x128xf32, #tpu.memory_space<hbm>> -> memref<20480x128xf32, #tpu.memory_space<hbm>>
      tpu.enqueue_indirect_dma source(%dma_start3A_516 : memref<20480x128xf32, #tpu.memory_space<hbm>>) target(%arg13 : memref<64x128xf32, #tpu.memory_space<vmem>>) offsets(%dma_start3A_513 : memref<64xi32, #tpu.memory_space<vmem>>) semaphore(%arg18 : memref<!tpu.dma_semaphore, #tpu.memory_space<semaphore_mem>>)
      %dma_wait3A_517 = arith.constant 18 : i32
      %dma_wait3A_518 = arith.constant 0 : i32
      %dma_wait3A_519 = tpu.memref_slice %arg8[%dma_wait3A_517, %dma_wait3A_518] : memref<32x64xi32, #tpu.memory_space<vmem>> -> memref<1x64xi32, #tpu.memory_space<vmem>>
      %dma_wait3A_520 = tpu.memref_squeeze %dma_wait3A_519 : memref<1x64xi32, #tpu.memory_space<vmem>> -> memref<64xi32, #tpu.memory_space<vmem>>
      %dma_wait3A_521 = arith.constant 0 : i32
      %dma_wait3A_522 = arith.constant 0 : i32
      %dma_wait3A_523 = tpu.memref_slice %arg6[%dma_wait3A_521, %dma_wait3A_522] : memref<20480x128xf32, #tpu.memory_space<hbm>> -> memref<20480x128xf32, #tpu.memory_space<hbm>>
      tpu.wait_indirect_dma semaphore(%arg18 : memref<!tpu.dma_semaphore, #tpu.memory_space<semaphore_mem>>) src(%dma_wait3A_523 : memref<20480x128xf32, #tpu.memory_space<hbm>>) dst(%arg14 : memref<64x128xf32, #tpu.memory_space<vmem>>)
      %run_scoped3A_524 = arith.constant 18 : i32
      "tpu.region"() ({
        %run_scoped3A_700 = tpu.sem_alloc : memref<!tpu.dma_semaphore, #tpu.memory_space<semaphore_mem>>
        %dma_start3A_701 = arith.constant 0 : i32
        %dma_start3A_702 = tpu.memref_slice %arg9[%run_scoped3A_524, %dma_start3A_701] : memref<32x64xi32, #tpu.memory_space<vmem>> -> memref<1x64xi32, #tpu.memory_space<vmem>>
        %dma_start3A_703 = tpu.memref_squeeze %dma_start3A_702 : memref<1x64xi32, #tpu.memory_space<vmem>> -> memref<64xi32, #tpu.memory_space<vmem>>
        %dma_start3A_704 = arith.constant 0 : i32
        %dma_start3A_705 = arith.constant 0 : i32
        %dma_start3A_706 = tpu.memref_slice %arg17[%dma_start3A_704, %dma_start3A_705] : memref<10240x128xf32, #tpu.memory_space<vmem_shared>> -> memref<10240x128xf32, #tpu.memory_space<vmem_shared>>
        tpu.enqueue_indirect_dma source(%arg14 : memref<64x128xf32, #tpu.memory_space<vmem>>) target(%dma_start3A_706 : memref<10240x128xf32, #tpu.memory_space<vmem_shared>>) offsets(%dma_start3A_703 : memref<64xi32, #tpu.memory_space<vmem>>) semaphore(%run_scoped3A_700 : memref<!tpu.dma_semaphore, #tpu.memory_space<semaphore_mem>>) {add = true}
        %dma_wait3A_707 = arith.constant 0 : i32
        %dma_wait3A_708 = tpu.memref_slice %arg9[%run_scoped3A_524, %dma_wait3A_707] : memref<32x64xi32, #tpu.memory_space<vmem>> -> memref<1x64xi32, #tpu.memory_space<vmem>>
        %dma_wait3A_709 = tpu.memref_squeeze %dma_wait3A_708 : memref<1x64xi32, #tpu.memory_space<vmem>> -> memref<64xi32, #tpu.memory_space<vmem>>
        %dma_wait3A_710 = arith.constant 0 : i32
        %dma_wait3A_711 = arith.constant 0 : i32
        %dma_wait3A_712 = tpu.memref_slice %arg17[%dma_wait3A_710, %dma_wait3A_711] : memref<10240x128xf32, #tpu.memory_space<vmem_shared>> -> memref<10240x128xf32, #tpu.memory_space<vmem_shared>>
        tpu.wait_indirect_dma semaphore(%run_scoped3A_700 : memref<!tpu.dma_semaphore, #tpu.memory_space<semaphore_mem>>) src(%arg14 : memref<64x128xf32, #tpu.memory_space<vmem>>) dst(%dma_wait3A_712 : memref<10240x128xf32, #tpu.memory_space<vmem_shared>>)
        tpu.yield
      }) : () -> ()
      %dma_start3A_525 = arith.constant 22 : i32
      %dma_start3A_526 = arith.constant 0 : i32
      %dma_start3A_527 = tpu.memref_slice %arg8[%dma_start3A_525, %dma_start3A_526] : memref<32x64xi32, #tpu.memory_space<vmem>> -> memref<1x64xi32, #tpu.memory_space<vmem>>
      %dma_start3A_528 = tpu.memref_squeeze %dma_start3A_527 : memref<1x64xi32, #tpu.memory_space<vmem>> -> memref<64xi32, #tpu.memory_space<vmem>>
      %dma_start3A_529 = arith.constant 0 : i32
      %dma_start3A_530 = arith.constant 0 : i32
      %dma_start3A_531 = tpu.memref_slice %arg6[%dma_start3A_529, %dma_start3A_530] : memref<20480x128xf32, #tpu.memory_space<hbm>> -> memref<20480x128xf32, #tpu.memory_space<hbm>>
      tpu.enqueue_indirect_dma source(%dma_start3A_531 : memref<20480x128xf32, #tpu.memory_space<hbm>>) target(%arg14 : memref<64x128xf32, #tpu.memory_space<vmem>>) offsets(%dma_start3A_528 : memref<64xi32, #tpu.memory_space<vmem>>) semaphore(%arg18 : memref<!tpu.dma_semaphore, #tpu.memory_space<semaphore_mem>>)
      %dma_wait3A_532 = arith.constant 19 : i32
      %dma_wait3A_533 = arith.constant 0 : i32
      %dma_wait3A_534 = tpu.memref_slice %arg8[%dma_wait3A_532, %dma_wait3A_533] : memref<32x64xi32, #tpu.memory_space<vmem>> -> memref<1x64xi32, #tpu.memory_space<vmem>>
      %dma_wait3A_535 = tpu.memref_squeeze %dma_wait3A_534 : memref<1x64xi32, #tpu.memory_space<vmem>> -> memref<64xi32, #tpu.memory_space<vmem>>
      %dma_wait3A_536 = arith.constant 0 : i32
      %dma_wait3A_537 = arith.constant 0 : i32
      %dma_wait3A_538 = tpu.memref_slice %arg6[%dma_wait3A_536, %dma_wait3A_537] : memref<20480x128xf32, #tpu.memory_space<hbm>> -> memref<20480x128xf32, #tpu.memory_space<hbm>>
      tpu.wait_indirect_dma semaphore(%arg18 : memref<!tpu.dma_semaphore, #tpu.memory_space<semaphore_mem>>) src(%dma_wait3A_538 : memref<20480x128xf32, #tpu.memory_space<hbm>>) dst(%arg15 : memref<64x128xf32, #tpu.memory_space<vmem>>)
      %run_scoped3A_539 = arith.constant 19 : i32
      "tpu.region"() ({
        %run_scoped3A_700 = tpu.sem_alloc : memref<!tpu.dma_semaphore, #tpu.memory_space<semaphore_mem>>
        %dma_start3A_701 = arith.constant 0 : i32
        %dma_start3A_702 = tpu.memref_slice %arg9[%run_scoped3A_539, %dma_start3A_701] : memref<32x64xi32, #tpu.memory_space<vmem>> -> memref<1x64xi32, #tpu.memory_space<vmem>>
        %dma_start3A_703 = tpu.memref_squeeze %dma_start3A_702 : memref<1x64xi32, #tpu.memory_space<vmem>> -> memref<64xi32, #tpu.memory_space<vmem>>
        %dma_start3A_704 = arith.constant 0 : i32
        %dma_start3A_705 = arith.constant 0 : i32
        %dma_start3A_706 = tpu.memref_slice %arg17[%dma_start3A_704, %dma_start3A_705] : memref<10240x128xf32, #tpu.memory_space<vmem_shared>> -> memref<10240x128xf32, #tpu.memory_space<vmem_shared>>
        tpu.enqueue_indirect_dma source(%arg15 : memref<64x128xf32, #tpu.memory_space<vmem>>) target(%dma_start3A_706 : memref<10240x128xf32, #tpu.memory_space<vmem_shared>>) offsets(%dma_start3A_703 : memref<64xi32, #tpu.memory_space<vmem>>) semaphore(%run_scoped3A_700 : memref<!tpu.dma_semaphore, #tpu.memory_space<semaphore_mem>>) {add = true}
        %dma_wait3A_707 = arith.constant 0 : i32
        %dma_wait3A_708 = tpu.memref_slice %arg9[%run_scoped3A_539, %dma_wait3A_707] : memref<32x64xi32, #tpu.memory_space<vmem>> -> memref<1x64xi32, #tpu.memory_space<vmem>>
        %dma_wait3A_709 = tpu.memref_squeeze %dma_wait3A_708 : memref<1x64xi32, #tpu.memory_space<vmem>> -> memref<64xi32, #tpu.memory_space<vmem>>
        %dma_wait3A_710 = arith.constant 0 : i32
        %dma_wait3A_711 = arith.constant 0 : i32
        %dma_wait3A_712 = tpu.memref_slice %arg17[%dma_wait3A_710, %dma_wait3A_711] : memref<10240x128xf32, #tpu.memory_space<vmem_shared>> -> memref<10240x128xf32, #tpu.memory_space<vmem_shared>>
        tpu.wait_indirect_dma semaphore(%run_scoped3A_700 : memref<!tpu.dma_semaphore, #tpu.memory_space<semaphore_mem>>) src(%arg15 : memref<64x128xf32, #tpu.memory_space<vmem>>) dst(%dma_wait3A_712 : memref<10240x128xf32, #tpu.memory_space<vmem_shared>>)
        tpu.yield
      }) : () -> ()
      %dma_start3A_540 = arith.constant 23 : i32
      %dma_start3A_541 = arith.constant 0 : i32
      %dma_start3A_542 = tpu.memref_slice %arg8[%dma_start3A_540, %dma_start3A_541] : memref<32x64xi32, #tpu.memory_space<vmem>> -> memref<1x64xi32, #tpu.memory_space<vmem>>
      %dma_start3A_543 = tpu.memref_squeeze %dma_start3A_542 : memref<1x64xi32, #tpu.memory_space<vmem>> -> memref<64xi32, #tpu.memory_space<vmem>>
      %dma_start3A_544 = arith.constant 0 : i32
      %dma_start3A_545 = arith.constant 0 : i32
      %dma_start3A_546 = tpu.memref_slice %arg6[%dma_start3A_544, %dma_start3A_545] : memref<20480x128xf32, #tpu.memory_space<hbm>> -> memref<20480x128xf32, #tpu.memory_space<hbm>>
      tpu.enqueue_indirect_dma source(%dma_start3A_546 : memref<20480x128xf32, #tpu.memory_space<hbm>>) target(%arg15 : memref<64x128xf32, #tpu.memory_space<vmem>>) offsets(%dma_start3A_543 : memref<64xi32, #tpu.memory_space<vmem>>) semaphore(%arg18 : memref<!tpu.dma_semaphore, #tpu.memory_space<semaphore_mem>>)
      %dma_wait3A_547 = arith.constant 20 : i32
      %dma_wait3A_548 = arith.constant 0 : i32
      %dma_wait3A_549 = tpu.memref_slice %arg8[%dma_wait3A_547, %dma_wait3A_548] : memref<32x64xi32, #tpu.memory_space<vmem>> -> memref<1x64xi32, #tpu.memory_space<vmem>>
      %dma_wait3A_550 = tpu.memref_squeeze %dma_wait3A_549 : memref<1x64xi32, #tpu.memory_space<vmem>> -> memref<64xi32, #tpu.memory_space<vmem>>
      %dma_wait3A_551 = arith.constant 0 : i32
      %dma_wait3A_552 = arith.constant 0 : i32
      %dma_wait3A_553 = tpu.memref_slice %arg6[%dma_wait3A_551, %dma_wait3A_552] : memref<20480x128xf32, #tpu.memory_space<hbm>> -> memref<20480x128xf32, #tpu.memory_space<hbm>>
      tpu.wait_indirect_dma semaphore(%arg18 : memref<!tpu.dma_semaphore, #tpu.memory_space<semaphore_mem>>) src(%dma_wait3A_553 : memref<20480x128xf32, #tpu.memory_space<hbm>>) dst(%arg12 : memref<64x128xf32, #tpu.memory_space<vmem>>)
      %run_scoped3A_554 = arith.constant 20 : i32
      "tpu.region"() ({
        %run_scoped3A_700 = tpu.sem_alloc : memref<!tpu.dma_semaphore, #tpu.memory_space<semaphore_mem>>
        %dma_start3A_701 = arith.constant 0 : i32
        %dma_start3A_702 = tpu.memref_slice %arg9[%run_scoped3A_554, %dma_start3A_701] : memref<32x64xi32, #tpu.memory_space<vmem>> -> memref<1x64xi32, #tpu.memory_space<vmem>>
        %dma_start3A_703 = tpu.memref_squeeze %dma_start3A_702 : memref<1x64xi32, #tpu.memory_space<vmem>> -> memref<64xi32, #tpu.memory_space<vmem>>
        %dma_start3A_704 = arith.constant 0 : i32
        %dma_start3A_705 = arith.constant 0 : i32
        %dma_start3A_706 = tpu.memref_slice %arg17[%dma_start3A_704, %dma_start3A_705] : memref<10240x128xf32, #tpu.memory_space<vmem_shared>> -> memref<10240x128xf32, #tpu.memory_space<vmem_shared>>
        tpu.enqueue_indirect_dma source(%arg12 : memref<64x128xf32, #tpu.memory_space<vmem>>) target(%dma_start3A_706 : memref<10240x128xf32, #tpu.memory_space<vmem_shared>>) offsets(%dma_start3A_703 : memref<64xi32, #tpu.memory_space<vmem>>) semaphore(%run_scoped3A_700 : memref<!tpu.dma_semaphore, #tpu.memory_space<semaphore_mem>>) {add = true}
        %dma_wait3A_707 = arith.constant 0 : i32
        %dma_wait3A_708 = tpu.memref_slice %arg9[%run_scoped3A_554, %dma_wait3A_707] : memref<32x64xi32, #tpu.memory_space<vmem>> -> memref<1x64xi32, #tpu.memory_space<vmem>>
        %dma_wait3A_709 = tpu.memref_squeeze %dma_wait3A_708 : memref<1x64xi32, #tpu.memory_space<vmem>> -> memref<64xi32, #tpu.memory_space<vmem>>
        %dma_wait3A_710 = arith.constant 0 : i32
        %dma_wait3A_711 = arith.constant 0 : i32
        %dma_wait3A_712 = tpu.memref_slice %arg17[%dma_wait3A_710, %dma_wait3A_711] : memref<10240x128xf32, #tpu.memory_space<vmem_shared>> -> memref<10240x128xf32, #tpu.memory_space<vmem_shared>>
        tpu.wait_indirect_dma semaphore(%run_scoped3A_700 : memref<!tpu.dma_semaphore, #tpu.memory_space<semaphore_mem>>) src(%arg12 : memref<64x128xf32, #tpu.memory_space<vmem>>) dst(%dma_wait3A_712 : memref<10240x128xf32, #tpu.memory_space<vmem_shared>>)
        tpu.yield
      }) : () -> ()
      %dma_start3A_555 = arith.constant 24 : i32
      %dma_start3A_556 = arith.constant 0 : i32
      %dma_start3A_557 = tpu.memref_slice %arg8[%dma_start3A_555, %dma_start3A_556] : memref<32x64xi32, #tpu.memory_space<vmem>> -> memref<1x64xi32, #tpu.memory_space<vmem>>
      %dma_start3A_558 = tpu.memref_squeeze %dma_start3A_557 : memref<1x64xi32, #tpu.memory_space<vmem>> -> memref<64xi32, #tpu.memory_space<vmem>>
      %dma_start3A_559 = arith.constant 0 : i32
      %dma_start3A_560 = arith.constant 0 : i32
      %dma_start3A_561 = tpu.memref_slice %arg6[%dma_start3A_559, %dma_start3A_560] : memref<20480x128xf32, #tpu.memory_space<hbm>> -> memref<20480x128xf32, #tpu.memory_space<hbm>>
      tpu.enqueue_indirect_dma source(%dma_start3A_561 : memref<20480x128xf32, #tpu.memory_space<hbm>>) target(%arg12 : memref<64x128xf32, #tpu.memory_space<vmem>>) offsets(%dma_start3A_558 : memref<64xi32, #tpu.memory_space<vmem>>) semaphore(%arg18 : memref<!tpu.dma_semaphore, #tpu.memory_space<semaphore_mem>>)
      %dma_wait3A_562 = arith.constant 21 : i32
      %dma_wait3A_563 = arith.constant 0 : i32
      %dma_wait3A_564 = tpu.memref_slice %arg8[%dma_wait3A_562, %dma_wait3A_563] : memref<32x64xi32, #tpu.memory_space<vmem>> -> memref<1x64xi32, #tpu.memory_space<vmem>>
      %dma_wait3A_565 = tpu.memref_squeeze %dma_wait3A_564 : memref<1x64xi32, #tpu.memory_space<vmem>> -> memref<64xi32, #tpu.memory_space<vmem>>
      %dma_wait3A_566 = arith.constant 0 : i32
      %dma_wait3A_567 = arith.constant 0 : i32
      %dma_wait3A_568 = tpu.memref_slice %arg6[%dma_wait3A_566, %dma_wait3A_567] : memref<20480x128xf32, #tpu.memory_space<hbm>> -> memref<20480x128xf32, #tpu.memory_space<hbm>>
      tpu.wait_indirect_dma semaphore(%arg18 : memref<!tpu.dma_semaphore, #tpu.memory_space<semaphore_mem>>) src(%dma_wait3A_568 : memref<20480x128xf32, #tpu.memory_space<hbm>>) dst(%arg13 : memref<64x128xf32, #tpu.memory_space<vmem>>)
      %run_scoped3A_569 = arith.constant 21 : i32
      "tpu.region"() ({
        %run_scoped3A_700 = tpu.sem_alloc : memref<!tpu.dma_semaphore, #tpu.memory_space<semaphore_mem>>
        %dma_start3A_701 = arith.constant 0 : i32
        %dma_start3A_702 = tpu.memref_slice %arg9[%run_scoped3A_569, %dma_start3A_701] : memref<32x64xi32, #tpu.memory_space<vmem>> -> memref<1x64xi32, #tpu.memory_space<vmem>>
        %dma_start3A_703 = tpu.memref_squeeze %dma_start3A_702 : memref<1x64xi32, #tpu.memory_space<vmem>> -> memref<64xi32, #tpu.memory_space<vmem>>
        %dma_start3A_704 = arith.constant 0 : i32
        %dma_start3A_705 = arith.constant 0 : i32
        %dma_start3A_706 = tpu.memref_slice %arg17[%dma_start3A_704, %dma_start3A_705] : memref<10240x128xf32, #tpu.memory_space<vmem_shared>> -> memref<10240x128xf32, #tpu.memory_space<vmem_shared>>
        tpu.enqueue_indirect_dma source(%arg13 : memref<64x128xf32, #tpu.memory_space<vmem>>) target(%dma_start3A_706 : memref<10240x128xf32, #tpu.memory_space<vmem_shared>>) offsets(%dma_start3A_703 : memref<64xi32, #tpu.memory_space<vmem>>) semaphore(%run_scoped3A_700 : memref<!tpu.dma_semaphore, #tpu.memory_space<semaphore_mem>>) {add = true}
        %dma_wait3A_707 = arith.constant 0 : i32
        %dma_wait3A_708 = tpu.memref_slice %arg9[%run_scoped3A_569, %dma_wait3A_707] : memref<32x64xi32, #tpu.memory_space<vmem>> -> memref<1x64xi32, #tpu.memory_space<vmem>>
        %dma_wait3A_709 = tpu.memref_squeeze %dma_wait3A_708 : memref<1x64xi32, #tpu.memory_space<vmem>> -> memref<64xi32, #tpu.memory_space<vmem>>
        %dma_wait3A_710 = arith.constant 0 : i32
        %dma_wait3A_711 = arith.constant 0 : i32
        %dma_wait3A_712 = tpu.memref_slice %arg17[%dma_wait3A_710, %dma_wait3A_711] : memref<10240x128xf32, #tpu.memory_space<vmem_shared>> -> memref<10240x128xf32, #tpu.memory_space<vmem_shared>>
        tpu.wait_indirect_dma semaphore(%run_scoped3A_700 : memref<!tpu.dma_semaphore, #tpu.memory_space<semaphore_mem>>) src(%arg13 : memref<64x128xf32, #tpu.memory_space<vmem>>) dst(%dma_wait3A_712 : memref<10240x128xf32, #tpu.memory_space<vmem_shared>>)
        tpu.yield
      }) : () -> ()
      %dma_start3A_570 = arith.constant 25 : i32
      %dma_start3A_571 = arith.constant 0 : i32
      %dma_start3A_572 = tpu.memref_slice %arg8[%dma_start3A_570, %dma_start3A_571] : memref<32x64xi32, #tpu.memory_space<vmem>> -> memref<1x64xi32, #tpu.memory_space<vmem>>
      %dma_start3A_573 = tpu.memref_squeeze %dma_start3A_572 : memref<1x64xi32, #tpu.memory_space<vmem>> -> memref<64xi32, #tpu.memory_space<vmem>>
      %dma_start3A_574 = arith.constant 0 : i32
      %dma_start3A_575 = arith.constant 0 : i32
      %dma_start3A_576 = tpu.memref_slice %arg6[%dma_start3A_574, %dma_start3A_575] : memref<20480x128xf32, #tpu.memory_space<hbm>> -> memref<20480x128xf32, #tpu.memory_space<hbm>>
      tpu.enqueue_indirect_dma source(%dma_start3A_576 : memref<20480x128xf32, #tpu.memory_space<hbm>>) target(%arg13 : memref<64x128xf32, #tpu.memory_space<vmem>>) offsets(%dma_start3A_573 : memref<64xi32, #tpu.memory_space<vmem>>) semaphore(%arg18 : memref<!tpu.dma_semaphore, #tpu.memory_space<semaphore_mem>>)
      %dma_wait3A_577 = arith.constant 22 : i32
      %dma_wait3A_578 = arith.constant 0 : i32
      %dma_wait3A_579 = tpu.memref_slice %arg8[%dma_wait3A_577, %dma_wait3A_578] : memref<32x64xi32, #tpu.memory_space<vmem>> -> memref<1x64xi32, #tpu.memory_space<vmem>>
      %dma_wait3A_580 = tpu.memref_squeeze %dma_wait3A_579 : memref<1x64xi32, #tpu.memory_space<vmem>> -> memref<64xi32, #tpu.memory_space<vmem>>
      %dma_wait3A_581 = arith.constant 0 : i32
      %dma_wait3A_582 = arith.constant 0 : i32
      %dma_wait3A_583 = tpu.memref_slice %arg6[%dma_wait3A_581, %dma_wait3A_582] : memref<20480x128xf32, #tpu.memory_space<hbm>> -> memref<20480x128xf32, #tpu.memory_space<hbm>>
      tpu.wait_indirect_dma semaphore(%arg18 : memref<!tpu.dma_semaphore, #tpu.memory_space<semaphore_mem>>) src(%dma_wait3A_583 : memref<20480x128xf32, #tpu.memory_space<hbm>>) dst(%arg14 : memref<64x128xf32, #tpu.memory_space<vmem>>)
      %run_scoped3A_584 = arith.constant 22 : i32
      "tpu.region"() ({
        %run_scoped3A_700 = tpu.sem_alloc : memref<!tpu.dma_semaphore, #tpu.memory_space<semaphore_mem>>
        %dma_start3A_701 = arith.constant 0 : i32
        %dma_start3A_702 = tpu.memref_slice %arg9[%run_scoped3A_584, %dma_start3A_701] : memref<32x64xi32, #tpu.memory_space<vmem>> -> memref<1x64xi32, #tpu.memory_space<vmem>>
        %dma_start3A_703 = tpu.memref_squeeze %dma_start3A_702 : memref<1x64xi32, #tpu.memory_space<vmem>> -> memref<64xi32, #tpu.memory_space<vmem>>
        %dma_start3A_704 = arith.constant 0 : i32
        %dma_start3A_705 = arith.constant 0 : i32
        %dma_start3A_706 = tpu.memref_slice %arg17[%dma_start3A_704, %dma_start3A_705] : memref<10240x128xf32, #tpu.memory_space<vmem_shared>> -> memref<10240x128xf32, #tpu.memory_space<vmem_shared>>
        tpu.enqueue_indirect_dma source(%arg14 : memref<64x128xf32, #tpu.memory_space<vmem>>) target(%dma_start3A_706 : memref<10240x128xf32, #tpu.memory_space<vmem_shared>>) offsets(%dma_start3A_703 : memref<64xi32, #tpu.memory_space<vmem>>) semaphore(%run_scoped3A_700 : memref<!tpu.dma_semaphore, #tpu.memory_space<semaphore_mem>>) {add = true}
        %dma_wait3A_707 = arith.constant 0 : i32
        %dma_wait3A_708 = tpu.memref_slice %arg9[%run_scoped3A_584, %dma_wait3A_707] : memref<32x64xi32, #tpu.memory_space<vmem>> -> memref<1x64xi32, #tpu.memory_space<vmem>>
        %dma_wait3A_709 = tpu.memref_squeeze %dma_wait3A_708 : memref<1x64xi32, #tpu.memory_space<vmem>> -> memref<64xi32, #tpu.memory_space<vmem>>
        %dma_wait3A_710 = arith.constant 0 : i32
        %dma_wait3A_711 = arith.constant 0 : i32
        %dma_wait3A_712 = tpu.memref_slice %arg17[%dma_wait3A_710, %dma_wait3A_711] : memref<10240x128xf32, #tpu.memory_space<vmem_shared>> -> memref<10240x128xf32, #tpu.memory_space<vmem_shared>>
        tpu.wait_indirect_dma semaphore(%run_scoped3A_700 : memref<!tpu.dma_semaphore, #tpu.memory_space<semaphore_mem>>) src(%arg14 : memref<64x128xf32, #tpu.memory_space<vmem>>) dst(%dma_wait3A_712 : memref<10240x128xf32, #tpu.memory_space<vmem_shared>>)
        tpu.yield
      }) : () -> ()
      %dma_start3A_585 = arith.constant 26 : i32
      %dma_start3A_586 = arith.constant 0 : i32
      %dma_start3A_587 = tpu.memref_slice %arg8[%dma_start3A_585, %dma_start3A_586] : memref<32x64xi32, #tpu.memory_space<vmem>> -> memref<1x64xi32, #tpu.memory_space<vmem>>
      %dma_start3A_588 = tpu.memref_squeeze %dma_start3A_587 : memref<1x64xi32, #tpu.memory_space<vmem>> -> memref<64xi32, #tpu.memory_space<vmem>>
      %dma_start3A_589 = arith.constant 0 : i32
      %dma_start3A_590 = arith.constant 0 : i32
      %dma_start3A_591 = tpu.memref_slice %arg6[%dma_start3A_589, %dma_start3A_590] : memref<20480x128xf32, #tpu.memory_space<hbm>> -> memref<20480x128xf32, #tpu.memory_space<hbm>>
      tpu.enqueue_indirect_dma source(%dma_start3A_591 : memref<20480x128xf32, #tpu.memory_space<hbm>>) target(%arg14 : memref<64x128xf32, #tpu.memory_space<vmem>>) offsets(%dma_start3A_588 : memref<64xi32, #tpu.memory_space<vmem>>) semaphore(%arg18 : memref<!tpu.dma_semaphore, #tpu.memory_space<semaphore_mem>>)
      %dma_wait3A_592 = arith.constant 23 : i32
      %dma_wait3A_593 = arith.constant 0 : i32
      %dma_wait3A_594 = tpu.memref_slice %arg8[%dma_wait3A_592, %dma_wait3A_593] : memref<32x64xi32, #tpu.memory_space<vmem>> -> memref<1x64xi32, #tpu.memory_space<vmem>>
      %dma_wait3A_595 = tpu.memref_squeeze %dma_wait3A_594 : memref<1x64xi32, #tpu.memory_space<vmem>> -> memref<64xi32, #tpu.memory_space<vmem>>
      %dma_wait3A_596 = arith.constant 0 : i32
      %dma_wait3A_597 = arith.constant 0 : i32
      %dma_wait3A_598 = tpu.memref_slice %arg6[%dma_wait3A_596, %dma_wait3A_597] : memref<20480x128xf32, #tpu.memory_space<hbm>> -> memref<20480x128xf32, #tpu.memory_space<hbm>>
      tpu.wait_indirect_dma semaphore(%arg18 : memref<!tpu.dma_semaphore, #tpu.memory_space<semaphore_mem>>) src(%dma_wait3A_598 : memref<20480x128xf32, #tpu.memory_space<hbm>>) dst(%arg15 : memref<64x128xf32, #tpu.memory_space<vmem>>)
      %run_scoped3A_599 = arith.constant 23 : i32
      "tpu.region"() ({
        %run_scoped3A_700 = tpu.sem_alloc : memref<!tpu.dma_semaphore, #tpu.memory_space<semaphore_mem>>
        %dma_start3A_701 = arith.constant 0 : i32
        %dma_start3A_702 = tpu.memref_slice %arg9[%run_scoped3A_599, %dma_start3A_701] : memref<32x64xi32, #tpu.memory_space<vmem>> -> memref<1x64xi32, #tpu.memory_space<vmem>>
        %dma_start3A_703 = tpu.memref_squeeze %dma_start3A_702 : memref<1x64xi32, #tpu.memory_space<vmem>> -> memref<64xi32, #tpu.memory_space<vmem>>
        %dma_start3A_704 = arith.constant 0 : i32
        %dma_start3A_705 = arith.constant 0 : i32
        %dma_start3A_706 = tpu.memref_slice %arg17[%dma_start3A_704, %dma_start3A_705] : memref<10240x128xf32, #tpu.memory_space<vmem_shared>> -> memref<10240x128xf32, #tpu.memory_space<vmem_shared>>
        tpu.enqueue_indirect_dma source(%arg15 : memref<64x128xf32, #tpu.memory_space<vmem>>) target(%dma_start3A_706 : memref<10240x128xf32, #tpu.memory_space<vmem_shared>>) offsets(%dma_start3A_703 : memref<64xi32, #tpu.memory_space<vmem>>) semaphore(%run_scoped3A_700 : memref<!tpu.dma_semaphore, #tpu.memory_space<semaphore_mem>>) {add = true}
        %dma_wait3A_707 = arith.constant 0 : i32
        %dma_wait3A_708 = tpu.memref_slice %arg9[%run_scoped3A_599, %dma_wait3A_707] : memref<32x64xi32, #tpu.memory_space<vmem>> -> memref<1x64xi32, #tpu.memory_space<vmem>>
        %dma_wait3A_709 = tpu.memref_squeeze %dma_wait3A_708 : memref<1x64xi32, #tpu.memory_space<vmem>> -> memref<64xi32, #tpu.memory_space<vmem>>
        %dma_wait3A_710 = arith.constant 0 : i32
        %dma_wait3A_711 = arith.constant 0 : i32
        %dma_wait3A_712 = tpu.memref_slice %arg17[%dma_wait3A_710, %dma_wait3A_711] : memref<10240x128xf32, #tpu.memory_space<vmem_shared>> -> memref<10240x128xf32, #tpu.memory_space<vmem_shared>>
        tpu.wait_indirect_dma semaphore(%run_scoped3A_700 : memref<!tpu.dma_semaphore, #tpu.memory_space<semaphore_mem>>) src(%arg15 : memref<64x128xf32, #tpu.memory_space<vmem>>) dst(%dma_wait3A_712 : memref<10240x128xf32, #tpu.memory_space<vmem_shared>>)
        tpu.yield
      }) : () -> ()
      %dma_start3A_600 = arith.constant 27 : i32
      %dma_start3A_601 = arith.constant 0 : i32
      %dma_start3A_602 = tpu.memref_slice %arg8[%dma_start3A_600, %dma_start3A_601] : memref<32x64xi32, #tpu.memory_space<vmem>> -> memref<1x64xi32, #tpu.memory_space<vmem>>
      %dma_start3A_603 = tpu.memref_squeeze %dma_start3A_602 : memref<1x64xi32, #tpu.memory_space<vmem>> -> memref<64xi32, #tpu.memory_space<vmem>>
      %dma_start3A_604 = arith.constant 0 : i32
      %dma_start3A_605 = arith.constant 0 : i32
      %dma_start3A_606 = tpu.memref_slice %arg6[%dma_start3A_604, %dma_start3A_605] : memref<20480x128xf32, #tpu.memory_space<hbm>> -> memref<20480x128xf32, #tpu.memory_space<hbm>>
      tpu.enqueue_indirect_dma source(%dma_start3A_606 : memref<20480x128xf32, #tpu.memory_space<hbm>>) target(%arg15 : memref<64x128xf32, #tpu.memory_space<vmem>>) offsets(%dma_start3A_603 : memref<64xi32, #tpu.memory_space<vmem>>) semaphore(%arg18 : memref<!tpu.dma_semaphore, #tpu.memory_space<semaphore_mem>>)
      %dma_wait3A_607 = arith.constant 24 : i32
      %dma_wait3A_608 = arith.constant 0 : i32
      %dma_wait3A_609 = tpu.memref_slice %arg8[%dma_wait3A_607, %dma_wait3A_608] : memref<32x64xi32, #tpu.memory_space<vmem>> -> memref<1x64xi32, #tpu.memory_space<vmem>>
      %dma_wait3A_610 = tpu.memref_squeeze %dma_wait3A_609 : memref<1x64xi32, #tpu.memory_space<vmem>> -> memref<64xi32, #tpu.memory_space<vmem>>
      %dma_wait3A_611 = arith.constant 0 : i32
      %dma_wait3A_612 = arith.constant 0 : i32
      %dma_wait3A_613 = tpu.memref_slice %arg6[%dma_wait3A_611, %dma_wait3A_612] : memref<20480x128xf32, #tpu.memory_space<hbm>> -> memref<20480x128xf32, #tpu.memory_space<hbm>>
      tpu.wait_indirect_dma semaphore(%arg18 : memref<!tpu.dma_semaphore, #tpu.memory_space<semaphore_mem>>) src(%dma_wait3A_613 : memref<20480x128xf32, #tpu.memory_space<hbm>>) dst(%arg12 : memref<64x128xf32, #tpu.memory_space<vmem>>)
      %run_scoped3A_614 = arith.constant 24 : i32
      "tpu.region"() ({
        %run_scoped3A_700 = tpu.sem_alloc : memref<!tpu.dma_semaphore, #tpu.memory_space<semaphore_mem>>
        %dma_start3A_701 = arith.constant 0 : i32
        %dma_start3A_702 = tpu.memref_slice %arg9[%run_scoped3A_614, %dma_start3A_701] : memref<32x64xi32, #tpu.memory_space<vmem>> -> memref<1x64xi32, #tpu.memory_space<vmem>>
        %dma_start3A_703 = tpu.memref_squeeze %dma_start3A_702 : memref<1x64xi32, #tpu.memory_space<vmem>> -> memref<64xi32, #tpu.memory_space<vmem>>
        %dma_start3A_704 = arith.constant 0 : i32
        %dma_start3A_705 = arith.constant 0 : i32
        %dma_start3A_706 = tpu.memref_slice %arg17[%dma_start3A_704, %dma_start3A_705] : memref<10240x128xf32, #tpu.memory_space<vmem_shared>> -> memref<10240x128xf32, #tpu.memory_space<vmem_shared>>
        tpu.enqueue_indirect_dma source(%arg12 : memref<64x128xf32, #tpu.memory_space<vmem>>) target(%dma_start3A_706 : memref<10240x128xf32, #tpu.memory_space<vmem_shared>>) offsets(%dma_start3A_703 : memref<64xi32, #tpu.memory_space<vmem>>) semaphore(%run_scoped3A_700 : memref<!tpu.dma_semaphore, #tpu.memory_space<semaphore_mem>>) {add = true}
        %dma_wait3A_707 = arith.constant 0 : i32
        %dma_wait3A_708 = tpu.memref_slice %arg9[%run_scoped3A_614, %dma_wait3A_707] : memref<32x64xi32, #tpu.memory_space<vmem>> -> memref<1x64xi32, #tpu.memory_space<vmem>>
        %dma_wait3A_709 = tpu.memref_squeeze %dma_wait3A_708 : memref<1x64xi32, #tpu.memory_space<vmem>> -> memref<64xi32, #tpu.memory_space<vmem>>
        %dma_wait3A_710 = arith.constant 0 : i32
        %dma_wait3A_711 = arith.constant 0 : i32
        %dma_wait3A_712 = tpu.memref_slice %arg17[%dma_wait3A_710, %dma_wait3A_711] : memref<10240x128xf32, #tpu.memory_space<vmem_shared>> -> memref<10240x128xf32, #tpu.memory_space<vmem_shared>>
        tpu.wait_indirect_dma semaphore(%run_scoped3A_700 : memref<!tpu.dma_semaphore, #tpu.memory_space<semaphore_mem>>) src(%arg12 : memref<64x128xf32, #tpu.memory_space<vmem>>) dst(%dma_wait3A_712 : memref<10240x128xf32, #tpu.memory_space<vmem_shared>>)
        tpu.yield
      }) : () -> ()
      %dma_start3A_615 = arith.constant 28 : i32
      %dma_start3A_616 = arith.constant 0 : i32
      %dma_start3A_617 = tpu.memref_slice %arg8[%dma_start3A_615, %dma_start3A_616] : memref<32x64xi32, #tpu.memory_space<vmem>> -> memref<1x64xi32, #tpu.memory_space<vmem>>
      %dma_start3A_618 = tpu.memref_squeeze %dma_start3A_617 : memref<1x64xi32, #tpu.memory_space<vmem>> -> memref<64xi32, #tpu.memory_space<vmem>>
      %dma_start3A_619 = arith.constant 0 : i32
      %dma_start3A_620 = arith.constant 0 : i32
      %dma_start3A_621 = tpu.memref_slice %arg6[%dma_start3A_619, %dma_start3A_620] : memref<20480x128xf32, #tpu.memory_space<hbm>> -> memref<20480x128xf32, #tpu.memory_space<hbm>>
      tpu.enqueue_indirect_dma source(%dma_start3A_621 : memref<20480x128xf32, #tpu.memory_space<hbm>>) target(%arg12 : memref<64x128xf32, #tpu.memory_space<vmem>>) offsets(%dma_start3A_618 : memref<64xi32, #tpu.memory_space<vmem>>) semaphore(%arg18 : memref<!tpu.dma_semaphore, #tpu.memory_space<semaphore_mem>>)
      %dma_wait3A_622 = arith.constant 25 : i32
      %dma_wait3A_623 = arith.constant 0 : i32
      %dma_wait3A_624 = tpu.memref_slice %arg8[%dma_wait3A_622, %dma_wait3A_623] : memref<32x64xi32, #tpu.memory_space<vmem>> -> memref<1x64xi32, #tpu.memory_space<vmem>>
      %dma_wait3A_625 = tpu.memref_squeeze %dma_wait3A_624 : memref<1x64xi32, #tpu.memory_space<vmem>> -> memref<64xi32, #tpu.memory_space<vmem>>
      %dma_wait3A_626 = arith.constant 0 : i32
      %dma_wait3A_627 = arith.constant 0 : i32
      %dma_wait3A_628 = tpu.memref_slice %arg6[%dma_wait3A_626, %dma_wait3A_627] : memref<20480x128xf32, #tpu.memory_space<hbm>> -> memref<20480x128xf32, #tpu.memory_space<hbm>>
      tpu.wait_indirect_dma semaphore(%arg18 : memref<!tpu.dma_semaphore, #tpu.memory_space<semaphore_mem>>) src(%dma_wait3A_628 : memref<20480x128xf32, #tpu.memory_space<hbm>>) dst(%arg13 : memref<64x128xf32, #tpu.memory_space<vmem>>)
      %run_scoped3A_629 = arith.constant 25 : i32
      "tpu.region"() ({
        %run_scoped3A_700 = tpu.sem_alloc : memref<!tpu.dma_semaphore, #tpu.memory_space<semaphore_mem>>
        %dma_start3A_701 = arith.constant 0 : i32
        %dma_start3A_702 = tpu.memref_slice %arg9[%run_scoped3A_629, %dma_start3A_701] : memref<32x64xi32, #tpu.memory_space<vmem>> -> memref<1x64xi32, #tpu.memory_space<vmem>>
        %dma_start3A_703 = tpu.memref_squeeze %dma_start3A_702 : memref<1x64xi32, #tpu.memory_space<vmem>> -> memref<64xi32, #tpu.memory_space<vmem>>
        %dma_start3A_704 = arith.constant 0 : i32
        %dma_start3A_705 = arith.constant 0 : i32
        %dma_start3A_706 = tpu.memref_slice %arg17[%dma_start3A_704, %dma_start3A_705] : memref<10240x128xf32, #tpu.memory_space<vmem_shared>> -> memref<10240x128xf32, #tpu.memory_space<vmem_shared>>
        tpu.enqueue_indirect_dma source(%arg13 : memref<64x128xf32, #tpu.memory_space<vmem>>) target(%dma_start3A_706 : memref<10240x128xf32, #tpu.memory_space<vmem_shared>>) offsets(%dma_start3A_703 : memref<64xi32, #tpu.memory_space<vmem>>) semaphore(%run_scoped3A_700 : memref<!tpu.dma_semaphore, #tpu.memory_space<semaphore_mem>>) {add = true}
        %dma_wait3A_707 = arith.constant 0 : i32
        %dma_wait3A_708 = tpu.memref_slice %arg9[%run_scoped3A_629, %dma_wait3A_707] : memref<32x64xi32, #tpu.memory_space<vmem>> -> memref<1x64xi32, #tpu.memory_space<vmem>>
        %dma_wait3A_709 = tpu.memref_squeeze %dma_wait3A_708 : memref<1x64xi32, #tpu.memory_space<vmem>> -> memref<64xi32, #tpu.memory_space<vmem>>
        %dma_wait3A_710 = arith.constant 0 : i32
        %dma_wait3A_711 = arith.constant 0 : i32
        %dma_wait3A_712 = tpu.memref_slice %arg17[%dma_wait3A_710, %dma_wait3A_711] : memref<10240x128xf32, #tpu.memory_space<vmem_shared>> -> memref<10240x128xf32, #tpu.memory_space<vmem_shared>>
        tpu.wait_indirect_dma semaphore(%run_scoped3A_700 : memref<!tpu.dma_semaphore, #tpu.memory_space<semaphore_mem>>) src(%arg13 : memref<64x128xf32, #tpu.memory_space<vmem>>) dst(%dma_wait3A_712 : memref<10240x128xf32, #tpu.memory_space<vmem_shared>>)
        tpu.yield
      }) : () -> ()
      %dma_start3A_630 = arith.constant 29 : i32
      %dma_start3A_631 = arith.constant 0 : i32
      %dma_start3A_632 = tpu.memref_slice %arg8[%dma_start3A_630, %dma_start3A_631] : memref<32x64xi32, #tpu.memory_space<vmem>> -> memref<1x64xi32, #tpu.memory_space<vmem>>
      %dma_start3A_633 = tpu.memref_squeeze %dma_start3A_632 : memref<1x64xi32, #tpu.memory_space<vmem>> -> memref<64xi32, #tpu.memory_space<vmem>>
      %dma_start3A_634 = arith.constant 0 : i32
      %dma_start3A_635 = arith.constant 0 : i32
      %dma_start3A_636 = tpu.memref_slice %arg6[%dma_start3A_634, %dma_start3A_635] : memref<20480x128xf32, #tpu.memory_space<hbm>> -> memref<20480x128xf32, #tpu.memory_space<hbm>>
      tpu.enqueue_indirect_dma source(%dma_start3A_636 : memref<20480x128xf32, #tpu.memory_space<hbm>>) target(%arg13 : memref<64x128xf32, #tpu.memory_space<vmem>>) offsets(%dma_start3A_633 : memref<64xi32, #tpu.memory_space<vmem>>) semaphore(%arg18 : memref<!tpu.dma_semaphore, #tpu.memory_space<semaphore_mem>>)
      %dma_wait3A_637 = arith.constant 26 : i32
      %dma_wait3A_638 = arith.constant 0 : i32
      %dma_wait3A_639 = tpu.memref_slice %arg8[%dma_wait3A_637, %dma_wait3A_638] : memref<32x64xi32, #tpu.memory_space<vmem>> -> memref<1x64xi32, #tpu.memory_space<vmem>>
      %dma_wait3A_640 = tpu.memref_squeeze %dma_wait3A_639 : memref<1x64xi32, #tpu.memory_space<vmem>> -> memref<64xi32, #tpu.memory_space<vmem>>
      %dma_wait3A_641 = arith.constant 0 : i32
      %dma_wait3A_642 = arith.constant 0 : i32
      %dma_wait3A_643 = tpu.memref_slice %arg6[%dma_wait3A_641, %dma_wait3A_642] : memref<20480x128xf32, #tpu.memory_space<hbm>> -> memref<20480x128xf32, #tpu.memory_space<hbm>>
      tpu.wait_indirect_dma semaphore(%arg18 : memref<!tpu.dma_semaphore, #tpu.memory_space<semaphore_mem>>) src(%dma_wait3A_643 : memref<20480x128xf32, #tpu.memory_space<hbm>>) dst(%arg14 : memref<64x128xf32, #tpu.memory_space<vmem>>)
      %run_scoped3A_644 = arith.constant 26 : i32
      "tpu.region"() ({
        %run_scoped3A_700 = tpu.sem_alloc : memref<!tpu.dma_semaphore, #tpu.memory_space<semaphore_mem>>
        %dma_start3A_701 = arith.constant 0 : i32
        %dma_start3A_702 = tpu.memref_slice %arg9[%run_scoped3A_644, %dma_start3A_701] : memref<32x64xi32, #tpu.memory_space<vmem>> -> memref<1x64xi32, #tpu.memory_space<vmem>>
        %dma_start3A_703 = tpu.memref_squeeze %dma_start3A_702 : memref<1x64xi32, #tpu.memory_space<vmem>> -> memref<64xi32, #tpu.memory_space<vmem>>
        %dma_start3A_704 = arith.constant 0 : i32
        %dma_start3A_705 = arith.constant 0 : i32
        %dma_start3A_706 = tpu.memref_slice %arg17[%dma_start3A_704, %dma_start3A_705] : memref<10240x128xf32, #tpu.memory_space<vmem_shared>> -> memref<10240x128xf32, #tpu.memory_space<vmem_shared>>
        tpu.enqueue_indirect_dma source(%arg14 : memref<64x128xf32, #tpu.memory_space<vmem>>) target(%dma_start3A_706 : memref<10240x128xf32, #tpu.memory_space<vmem_shared>>) offsets(%dma_start3A_703 : memref<64xi32, #tpu.memory_space<vmem>>) semaphore(%run_scoped3A_700 : memref<!tpu.dma_semaphore, #tpu.memory_space<semaphore_mem>>) {add = true}
        %dma_wait3A_707 = arith.constant 0 : i32
        %dma_wait3A_708 = tpu.memref_slice %arg9[%run_scoped3A_644, %dma_wait3A_707] : memref<32x64xi32, #tpu.memory_space<vmem>> -> memref<1x64xi32, #tpu.memory_space<vmem>>
        %dma_wait3A_709 = tpu.memref_squeeze %dma_wait3A_708 : memref<1x64xi32, #tpu.memory_space<vmem>> -> memref<64xi32, #tpu.memory_space<vmem>>
        %dma_wait3A_710 = arith.constant 0 : i32
        %dma_wait3A_711 = arith.constant 0 : i32
        %dma_wait3A_712 = tpu.memref_slice %arg17[%dma_wait3A_710, %dma_wait3A_711] : memref<10240x128xf32, #tpu.memory_space<vmem_shared>> -> memref<10240x128xf32, #tpu.memory_space<vmem_shared>>
        tpu.wait_indirect_dma semaphore(%run_scoped3A_700 : memref<!tpu.dma_semaphore, #tpu.memory_space<semaphore_mem>>) src(%arg14 : memref<64x128xf32, #tpu.memory_space<vmem>>) dst(%dma_wait3A_712 : memref<10240x128xf32, #tpu.memory_space<vmem_shared>>)
        tpu.yield
      }) : () -> ()
      %dma_start3A_645 = arith.constant 30 : i32
      %dma_start3A_646 = arith.constant 0 : i32
      %dma_start3A_647 = tpu.memref_slice %arg8[%dma_start3A_645, %dma_start3A_646] : memref<32x64xi32, #tpu.memory_space<vmem>> -> memref<1x64xi32, #tpu.memory_space<vmem>>
      %dma_start3A_648 = tpu.memref_squeeze %dma_start3A_647 : memref<1x64xi32, #tpu.memory_space<vmem>> -> memref<64xi32, #tpu.memory_space<vmem>>
      %dma_start3A_649 = arith.constant 0 : i32
      %dma_start3A_650 = arith.constant 0 : i32
      %dma_start3A_651 = tpu.memref_slice %arg6[%dma_start3A_649, %dma_start3A_650] : memref<20480x128xf32, #tpu.memory_space<hbm>> -> memref<20480x128xf32, #tpu.memory_space<hbm>>
      tpu.enqueue_indirect_dma source(%dma_start3A_651 : memref<20480x128xf32, #tpu.memory_space<hbm>>) target(%arg14 : memref<64x128xf32, #tpu.memory_space<vmem>>) offsets(%dma_start3A_648 : memref<64xi32, #tpu.memory_space<vmem>>) semaphore(%arg18 : memref<!tpu.dma_semaphore, #tpu.memory_space<semaphore_mem>>)
      %dma_wait3A_652 = arith.constant 27 : i32
      %dma_wait3A_653 = arith.constant 0 : i32
      %dma_wait3A_654 = tpu.memref_slice %arg8[%dma_wait3A_652, %dma_wait3A_653] : memref<32x64xi32, #tpu.memory_space<vmem>> -> memref<1x64xi32, #tpu.memory_space<vmem>>
      %dma_wait3A_655 = tpu.memref_squeeze %dma_wait3A_654 : memref<1x64xi32, #tpu.memory_space<vmem>> -> memref<64xi32, #tpu.memory_space<vmem>>
      %dma_wait3A_656 = arith.constant 0 : i32
      %dma_wait3A_657 = arith.constant 0 : i32
      %dma_wait3A_658 = tpu.memref_slice %arg6[%dma_wait3A_656, %dma_wait3A_657] : memref<20480x128xf32, #tpu.memory_space<hbm>> -> memref<20480x128xf32, #tpu.memory_space<hbm>>
      tpu.wait_indirect_dma semaphore(%arg18 : memref<!tpu.dma_semaphore, #tpu.memory_space<semaphore_mem>>) src(%dma_wait3A_658 : memref<20480x128xf32, #tpu.memory_space<hbm>>) dst(%arg15 : memref<64x128xf32, #tpu.memory_space<vmem>>)
      %run_scoped3A_659 = arith.constant 27 : i32
      "tpu.region"() ({
        %run_scoped3A_700 = tpu.sem_alloc : memref<!tpu.dma_semaphore, #tpu.memory_space<semaphore_mem>>
        %dma_start3A_701 = arith.constant 0 : i32
        %dma_start3A_702 = tpu.memref_slice %arg9[%run_scoped3A_659, %dma_start3A_701] : memref<32x64xi32, #tpu.memory_space<vmem>> -> memref<1x64xi32, #tpu.memory_space<vmem>>
        %dma_start3A_703 = tpu.memref_squeeze %dma_start3A_702 : memref<1x64xi32, #tpu.memory_space<vmem>> -> memref<64xi32, #tpu.memory_space<vmem>>
        %dma_start3A_704 = arith.constant 0 : i32
        %dma_start3A_705 = arith.constant 0 : i32
        %dma_start3A_706 = tpu.memref_slice %arg17[%dma_start3A_704, %dma_start3A_705] : memref<10240x128xf32, #tpu.memory_space<vmem_shared>> -> memref<10240x128xf32, #tpu.memory_space<vmem_shared>>
        tpu.enqueue_indirect_dma source(%arg15 : memref<64x128xf32, #tpu.memory_space<vmem>>) target(%dma_start3A_706 : memref<10240x128xf32, #tpu.memory_space<vmem_shared>>) offsets(%dma_start3A_703 : memref<64xi32, #tpu.memory_space<vmem>>) semaphore(%run_scoped3A_700 : memref<!tpu.dma_semaphore, #tpu.memory_space<semaphore_mem>>) {add = true}
        %dma_wait3A_707 = arith.constant 0 : i32
        %dma_wait3A_708 = tpu.memref_slice %arg9[%run_scoped3A_659, %dma_wait3A_707] : memref<32x64xi32, #tpu.memory_space<vmem>> -> memref<1x64xi32, #tpu.memory_space<vmem>>
        %dma_wait3A_709 = tpu.memref_squeeze %dma_wait3A_708 : memref<1x64xi32, #tpu.memory_space<vmem>> -> memref<64xi32, #tpu.memory_space<vmem>>
        %dma_wait3A_710 = arith.constant 0 : i32
        %dma_wait3A_711 = arith.constant 0 : i32
        %dma_wait3A_712 = tpu.memref_slice %arg17[%dma_wait3A_710, %dma_wait3A_711] : memref<10240x128xf32, #tpu.memory_space<vmem_shared>> -> memref<10240x128xf32, #tpu.memory_space<vmem_shared>>
        tpu.wait_indirect_dma semaphore(%run_scoped3A_700 : memref<!tpu.dma_semaphore, #tpu.memory_space<semaphore_mem>>) src(%arg15 : memref<64x128xf32, #tpu.memory_space<vmem>>) dst(%dma_wait3A_712 : memref<10240x128xf32, #tpu.memory_space<vmem_shared>>)
        tpu.yield
      }) : () -> ()
      %dma_start3A_660 = arith.constant 31 : i32
      %dma_start3A_661 = arith.constant 0 : i32
      %dma_start3A_662 = tpu.memref_slice %arg8[%dma_start3A_660, %dma_start3A_661] : memref<32x64xi32, #tpu.memory_space<vmem>> -> memref<1x64xi32, #tpu.memory_space<vmem>>
      %dma_start3A_663 = tpu.memref_squeeze %dma_start3A_662 : memref<1x64xi32, #tpu.memory_space<vmem>> -> memref<64xi32, #tpu.memory_space<vmem>>
      %dma_start3A_664 = arith.constant 0 : i32
      %dma_start3A_665 = arith.constant 0 : i32
      %dma_start3A_666 = tpu.memref_slice %arg6[%dma_start3A_664, %dma_start3A_665] : memref<20480x128xf32, #tpu.memory_space<hbm>> -> memref<20480x128xf32, #tpu.memory_space<hbm>>
      tpu.enqueue_indirect_dma source(%dma_start3A_666 : memref<20480x128xf32, #tpu.memory_space<hbm>>) target(%arg15 : memref<64x128xf32, #tpu.memory_space<vmem>>) offsets(%dma_start3A_663 : memref<64xi32, #tpu.memory_space<vmem>>) semaphore(%arg18 : memref<!tpu.dma_semaphore, #tpu.memory_space<semaphore_mem>>)
      %dma_wait3A_667 = arith.constant 28 : i32
      %dma_wait3A_668 = arith.constant 0 : i32
      %dma_wait3A_669 = tpu.memref_slice %arg8[%dma_wait3A_667, %dma_wait3A_668] : memref<32x64xi32, #tpu.memory_space<vmem>> -> memref<1x64xi32, #tpu.memory_space<vmem>>
      %dma_wait3A_670 = tpu.memref_squeeze %dma_wait3A_669 : memref<1x64xi32, #tpu.memory_space<vmem>> -> memref<64xi32, #tpu.memory_space<vmem>>
      %dma_wait3A_671 = arith.constant 0 : i32
      %dma_wait3A_672 = arith.constant 0 : i32
      %dma_wait3A_673 = tpu.memref_slice %arg6[%dma_wait3A_671, %dma_wait3A_672] : memref<20480x128xf32, #tpu.memory_space<hbm>> -> memref<20480x128xf32, #tpu.memory_space<hbm>>
      tpu.wait_indirect_dma semaphore(%arg18 : memref<!tpu.dma_semaphore, #tpu.memory_space<semaphore_mem>>) src(%dma_wait3A_673 : memref<20480x128xf32, #tpu.memory_space<hbm>>) dst(%arg12 : memref<64x128xf32, #tpu.memory_space<vmem>>)
      %run_scoped3A_674 = arith.constant 28 : i32
      "tpu.region"() ({
        %run_scoped3A_700 = tpu.sem_alloc : memref<!tpu.dma_semaphore, #tpu.memory_space<semaphore_mem>>
        %dma_start3A_701 = arith.constant 0 : i32
        %dma_start3A_702 = tpu.memref_slice %arg9[%run_scoped3A_674, %dma_start3A_701] : memref<32x64xi32, #tpu.memory_space<vmem>> -> memref<1x64xi32, #tpu.memory_space<vmem>>
        %dma_start3A_703 = tpu.memref_squeeze %dma_start3A_702 : memref<1x64xi32, #tpu.memory_space<vmem>> -> memref<64xi32, #tpu.memory_space<vmem>>
        %dma_start3A_704 = arith.constant 0 : i32
        %dma_start3A_705 = arith.constant 0 : i32
        %dma_start3A_706 = tpu.memref_slice %arg17[%dma_start3A_704, %dma_start3A_705] : memref<10240x128xf32, #tpu.memory_space<vmem_shared>> -> memref<10240x128xf32, #tpu.memory_space<vmem_shared>>
        tpu.enqueue_indirect_dma source(%arg12 : memref<64x128xf32, #tpu.memory_space<vmem>>) target(%dma_start3A_706 : memref<10240x128xf32, #tpu.memory_space<vmem_shared>>) offsets(%dma_start3A_703 : memref<64xi32, #tpu.memory_space<vmem>>) semaphore(%run_scoped3A_700 : memref<!tpu.dma_semaphore, #tpu.memory_space<semaphore_mem>>) {add = true}
        %dma_wait3A_707 = arith.constant 0 : i32
        %dma_wait3A_708 = tpu.memref_slice %arg9[%run_scoped3A_674, %dma_wait3A_707] : memref<32x64xi32, #tpu.memory_space<vmem>> -> memref<1x64xi32, #tpu.memory_space<vmem>>
        %dma_wait3A_709 = tpu.memref_squeeze %dma_wait3A_708 : memref<1x64xi32, #tpu.memory_space<vmem>> -> memref<64xi32, #tpu.memory_space<vmem>>
        %dma_wait3A_710 = arith.constant 0 : i32
        %dma_wait3A_711 = arith.constant 0 : i32
        %dma_wait3A_712 = tpu.memref_slice %arg17[%dma_wait3A_710, %dma_wait3A_711] : memref<10240x128xf32, #tpu.memory_space<vmem_shared>> -> memref<10240x128xf32, #tpu.memory_space<vmem_shared>>
        tpu.wait_indirect_dma semaphore(%run_scoped3A_700 : memref<!tpu.dma_semaphore, #tpu.memory_space<semaphore_mem>>) src(%arg12 : memref<64x128xf32, #tpu.memory_space<vmem>>) dst(%dma_wait3A_712 : memref<10240x128xf32, #tpu.memory_space<vmem_shared>>)
        tpu.yield
      }) : () -> ()
      %dma_wait3A_675 = arith.constant 29 : i32
      %dma_wait3A_676 = arith.constant 0 : i32
      %dma_wait3A_677 = tpu.memref_slice %arg8[%dma_wait3A_675, %dma_wait3A_676] : memref<32x64xi32, #tpu.memory_space<vmem>> -> memref<1x64xi32, #tpu.memory_space<vmem>>
      %dma_wait3A_678 = tpu.memref_squeeze %dma_wait3A_677 : memref<1x64xi32, #tpu.memory_space<vmem>> -> memref<64xi32, #tpu.memory_space<vmem>>
      %dma_wait3A_679 = arith.constant 0 : i32
      %dma_wait3A_680 = arith.constant 0 : i32
      %dma_wait3A_681 = tpu.memref_slice %arg6[%dma_wait3A_679, %dma_wait3A_680] : memref<20480x128xf32, #tpu.memory_space<hbm>> -> memref<20480x128xf32, #tpu.memory_space<hbm>>
      tpu.wait_indirect_dma semaphore(%arg18 : memref<!tpu.dma_semaphore, #tpu.memory_space<semaphore_mem>>) src(%dma_wait3A_681 : memref<20480x128xf32, #tpu.memory_space<hbm>>) dst(%arg13 : memref<64x128xf32, #tpu.memory_space<vmem>>)
      %run_scoped3A_682 = arith.constant 29 : i32
      "tpu.region"() ({
        %run_scoped3A_700 = tpu.sem_alloc : memref<!tpu.dma_semaphore, #tpu.memory_space<semaphore_mem>>
        %dma_start3A_701 = arith.constant 0 : i32
        %dma_start3A_702 = tpu.memref_slice %arg9[%run_scoped3A_682, %dma_start3A_701] : memref<32x64xi32, #tpu.memory_space<vmem>> -> memref<1x64xi32, #tpu.memory_space<vmem>>
        %dma_start3A_703 = tpu.memref_squeeze %dma_start3A_702 : memref<1x64xi32, #tpu.memory_space<vmem>> -> memref<64xi32, #tpu.memory_space<vmem>>
        %dma_start3A_704 = arith.constant 0 : i32
        %dma_start3A_705 = arith.constant 0 : i32
        %dma_start3A_706 = tpu.memref_slice %arg17[%dma_start3A_704, %dma_start3A_705] : memref<10240x128xf32, #tpu.memory_space<vmem_shared>> -> memref<10240x128xf32, #tpu.memory_space<vmem_shared>>
        tpu.enqueue_indirect_dma source(%arg13 : memref<64x128xf32, #tpu.memory_space<vmem>>) target(%dma_start3A_706 : memref<10240x128xf32, #tpu.memory_space<vmem_shared>>) offsets(%dma_start3A_703 : memref<64xi32, #tpu.memory_space<vmem>>) semaphore(%run_scoped3A_700 : memref<!tpu.dma_semaphore, #tpu.memory_space<semaphore_mem>>) {add = true}
        %dma_wait3A_707 = arith.constant 0 : i32
        %dma_wait3A_708 = tpu.memref_slice %arg9[%run_scoped3A_682, %dma_wait3A_707] : memref<32x64xi32, #tpu.memory_space<vmem>> -> memref<1x64xi32, #tpu.memory_space<vmem>>
        %dma_wait3A_709 = tpu.memref_squeeze %dma_wait3A_708 : memref<1x64xi32, #tpu.memory_space<vmem>> -> memref<64xi32, #tpu.memory_space<vmem>>
        %dma_wait3A_710 = arith.constant 0 : i32
        %dma_wait3A_711 = arith.constant 0 : i32
        %dma_wait3A_712 = tpu.memref_slice %arg17[%dma_wait3A_710, %dma_wait3A_711] : memref<10240x128xf32, #tpu.memory_space<vmem_shared>> -> memref<10240x128xf32, #tpu.memory_space<vmem_shared>>
        tpu.wait_indirect_dma semaphore(%run_scoped3A_700 : memref<!tpu.dma_semaphore, #tpu.memory_space<semaphore_mem>>) src(%arg13 : memref<64x128xf32, #tpu.memory_space<vmem>>) dst(%dma_wait3A_712 : memref<10240x128xf32, #tpu.memory_space<vmem_shared>>)
        tpu.yield
      }) : () -> ()
      %dma_wait3A_683 = arith.constant 30 : i32
      %dma_wait3A_684 = arith.constant 0 : i32
      %dma_wait3A_685 = tpu.memref_slice %arg8[%dma_wait3A_683, %dma_wait3A_684] : memref<32x64xi32, #tpu.memory_space<vmem>> -> memref<1x64xi32, #tpu.memory_space<vmem>>
      %dma_wait3A_686 = tpu.memref_squeeze %dma_wait3A_685 : memref<1x64xi32, #tpu.memory_space<vmem>> -> memref<64xi32, #tpu.memory_space<vmem>>
      %dma_wait3A_687 = arith.constant 0 : i32
      %dma_wait3A_688 = arith.constant 0 : i32
      %dma_wait3A_689 = tpu.memref_slice %arg6[%dma_wait3A_687, %dma_wait3A_688] : memref<20480x128xf32, #tpu.memory_space<hbm>> -> memref<20480x128xf32, #tpu.memory_space<hbm>>
      tpu.wait_indirect_dma semaphore(%arg18 : memref<!tpu.dma_semaphore, #tpu.memory_space<semaphore_mem>>) src(%dma_wait3A_689 : memref<20480x128xf32, #tpu.memory_space<hbm>>) dst(%arg14 : memref<64x128xf32, #tpu.memory_space<vmem>>)
      %run_scoped3A_690 = arith.constant 30 : i32
      "tpu.region"() ({
        %run_scoped3A_700 = tpu.sem_alloc : memref<!tpu.dma_semaphore, #tpu.memory_space<semaphore_mem>>
        %dma_start3A_701 = arith.constant 0 : i32
        %dma_start3A_702 = tpu.memref_slice %arg9[%run_scoped3A_690, %dma_start3A_701] : memref<32x64xi32, #tpu.memory_space<vmem>> -> memref<1x64xi32, #tpu.memory_space<vmem>>
        %dma_start3A_703 = tpu.memref_squeeze %dma_start3A_702 : memref<1x64xi32, #tpu.memory_space<vmem>> -> memref<64xi32, #tpu.memory_space<vmem>>
        %dma_start3A_704 = arith.constant 0 : i32
        %dma_start3A_705 = arith.constant 0 : i32
        %dma_start3A_706 = tpu.memref_slice %arg17[%dma_start3A_704, %dma_start3A_705] : memref<10240x128xf32, #tpu.memory_space<vmem_shared>> -> memref<10240x128xf32, #tpu.memory_space<vmem_shared>>
        tpu.enqueue_indirect_dma source(%arg14 : memref<64x128xf32, #tpu.memory_space<vmem>>) target(%dma_start3A_706 : memref<10240x128xf32, #tpu.memory_space<vmem_shared>>) offsets(%dma_start3A_703 : memref<64xi32, #tpu.memory_space<vmem>>) semaphore(%run_scoped3A_700 : memref<!tpu.dma_semaphore, #tpu.memory_space<semaphore_mem>>) {add = true}
        %dma_wait3A_707 = arith.constant 0 : i32
        %dma_wait3A_708 = tpu.memref_slice %arg9[%run_scoped3A_690, %dma_wait3A_707] : memref<32x64xi32, #tpu.memory_space<vmem>> -> memref<1x64xi32, #tpu.memory_space<vmem>>
        %dma_wait3A_709 = tpu.memref_squeeze %dma_wait3A_708 : memref<1x64xi32, #tpu.memory_space<vmem>> -> memref<64xi32, #tpu.memory_space<vmem>>
        %dma_wait3A_710 = arith.constant 0 : i32
        %dma_wait3A_711 = arith.constant 0 : i32
        %dma_wait3A_712 = tpu.memref_slice %arg17[%dma_wait3A_710, %dma_wait3A_711] : memref<10240x128xf32, #tpu.memory_space<vmem_shared>> -> memref<10240x128xf32, #tpu.memory_space<vmem_shared>>
        tpu.wait_indirect_dma semaphore(%run_scoped3A_700 : memref<!tpu.dma_semaphore, #tpu.memory_space<semaphore_mem>>) src(%arg14 : memref<64x128xf32, #tpu.memory_space<vmem>>) dst(%dma_wait3A_712 : memref<10240x128xf32, #tpu.memory_space<vmem_shared>>)
        tpu.yield
      }) : () -> ()
      %dma_wait3A_691 = arith.constant 31 : i32
      %dma_wait3A_692 = arith.constant 0 : i32
      %dma_wait3A_693 = tpu.memref_slice %arg8[%dma_wait3A_691, %dma_wait3A_692] : memref<32x64xi32, #tpu.memory_space<vmem>> -> memref<1x64xi32, #tpu.memory_space<vmem>>
      %dma_wait3A_694 = tpu.memref_squeeze %dma_wait3A_693 : memref<1x64xi32, #tpu.memory_space<vmem>> -> memref<64xi32, #tpu.memory_space<vmem>>
      %dma_wait3A_695 = arith.constant 0 : i32
      %dma_wait3A_696 = arith.constant 0 : i32
      %dma_wait3A_697 = tpu.memref_slice %arg6[%dma_wait3A_695, %dma_wait3A_696] : memref<20480x128xf32, #tpu.memory_space<hbm>> -> memref<20480x128xf32, #tpu.memory_space<hbm>>
      tpu.wait_indirect_dma semaphore(%arg18 : memref<!tpu.dma_semaphore, #tpu.memory_space<semaphore_mem>>) src(%dma_wait3A_697 : memref<20480x128xf32, #tpu.memory_space<hbm>>) dst(%arg15 : memref<64x128xf32, #tpu.memory_space<vmem>>)
      %run_scoped3A_698 = arith.constant 31 : i32
      "tpu.region"() ({
        %run_scoped3A_700 = tpu.sem_alloc : memref<!tpu.dma_semaphore, #tpu.memory_space<semaphore_mem>>
        %dma_start3A_701 = arith.constant 0 : i32
        %dma_start3A_702 = tpu.memref_slice %arg9[%run_scoped3A_698, %dma_start3A_701] : memref<32x64xi32, #tpu.memory_space<vmem>> -> memref<1x64xi32, #tpu.memory_space<vmem>>
        %dma_start3A_703 = tpu.memref_squeeze %dma_start3A_702 : memref<1x64xi32, #tpu.memory_space<vmem>> -> memref<64xi32, #tpu.memory_space<vmem>>
        %dma_start3A_704 = arith.constant 0 : i32
        %dma_start3A_705 = arith.constant 0 : i32
        %dma_start3A_706 = tpu.memref_slice %arg17[%dma_start3A_704, %dma_start3A_705] : memref<10240x128xf32, #tpu.memory_space<vmem_shared>> -> memref<10240x128xf32, #tpu.memory_space<vmem_shared>>
        tpu.enqueue_indirect_dma source(%arg15 : memref<64x128xf32, #tpu.memory_space<vmem>>) target(%dma_start3A_706 : memref<10240x128xf32, #tpu.memory_space<vmem_shared>>) offsets(%dma_start3A_703 : memref<64xi32, #tpu.memory_space<vmem>>) semaphore(%run_scoped3A_700 : memref<!tpu.dma_semaphore, #tpu.memory_space<semaphore_mem>>) {add = true}
        %dma_wait3A_707 = arith.constant 0 : i32
        %dma_wait3A_708 = tpu.memref_slice %arg9[%run_scoped3A_698, %dma_wait3A_707] : memref<32x64xi32, #tpu.memory_space<vmem>> -> memref<1x64xi32, #tpu.memory_space<vmem>>
        %dma_wait3A_709 = tpu.memref_squeeze %dma_wait3A_708 : memref<1x64xi32, #tpu.memory_space<vmem>> -> memref<64xi32, #tpu.memory_space<vmem>>
        %dma_wait3A_710 = arith.constant 0 : i32
        %dma_wait3A_711 = arith.constant 0 : i32
        %dma_wait3A_712 = tpu.memref_slice %arg17[%dma_wait3A_710, %dma_wait3A_711] : memref<10240x128xf32, #tpu.memory_space<vmem_shared>> -> memref<10240x128xf32, #tpu.memory_space<vmem_shared>>
        tpu.wait_indirect_dma semaphore(%run_scoped3A_700 : memref<!tpu.dma_semaphore, #tpu.memory_space<semaphore_mem>>) src(%arg15 : memref<64x128xf32, #tpu.memory_space<vmem>>) dst(%dma_wait3A_712 : memref<10240x128xf32, #tpu.memory_space<vmem_shared>>)
        tpu.yield
      }) : () -> ()
      %scan3A_699 = arith.constant 0 : i32
      scf.yield %scan3A_699 : i32
    }
    %scan3A_205 = arith.constant 10 : i32
    %barrier3A_206 = arith.constant 0 : index
    tpu.barrier barrier_id(%barrier3A_206)
    %mul3A_207 = arith.constant 640 : i32
    %mul3A_208 = arith.muli %arg1, %mul3A_207 : i32
    %mul3A_209 = arith.constant 10240 : i32
    %mul3A_210 = arith.muli %arg0, %mul3A_209 : i32
    %mul3A_211 = arith.constant 640 : i32
    %mul3A_212 = arith.muli %arg1, %mul3A_211 : i32
    %add3A_213 = arith.addi %mul3A_210, %mul3A_212 : i32
    "tpu.region"() ({
      %run_scoped3A = tpu.sem_alloc : memref<!tpu.dma_semaphore, #tpu.memory_space<semaphore_mem>>
      %dma_start3A_214 = arith.constant 0 : i32
      %dma_start3A_215 = tpu.memref_slice %arg7[%add3A_213, %dma_start3A_214] : memref<20480x128xf32, #tpu.memory_space<hbm>> -> memref<640x128xf32, #tpu.memory_space<hbm>>
      %dma_start3A_216 = arith.constant 0 : i32
      %dma_start3A_217 = tpu.memref_slice %arg17[%mul3A_208, %dma_start3A_216] : memref<10240x128xf32, #tpu.memory_space<vmem_shared>> -> memref<640x128xf32, #tpu.memory_space<vmem_shared>>
      tpu.enqueue_dma source(%dma_start3A_217 : memref<640x128xf32, #tpu.memory_space<vmem_shared>>) target(%dma_start3A_215 : memref<640x128xf32, #tpu.memory_space<hbm>>) target_semaphore(%run_scoped3A : memref<!tpu.dma_semaphore, #tpu.memory_space<semaphore_mem>>)
      %dma_wait3A_218 = arith.constant 0 : i32
      %dma_wait3A_219 = tpu.memref_slice %arg7[%add3A_213, %dma_wait3A_218] : memref<20480x128xf32, #tpu.memory_space<hbm>> -> memref<640x128xf32, #tpu.memory_space<hbm>>
      %dma_wait3A_220 = arith.constant 0 : i32
      %dma_wait3A_221 = tpu.memref_slice %arg17[%mul3A_208, %dma_wait3A_220] : memref<10240x128xf32, #tpu.memory_space<vmem_shared>> -> memref<640x128xf32, #tpu.memory_space<vmem_shared>>
      tpu.wait_dma2 semaphore(%run_scoped3A : memref<!tpu.dma_semaphore, #tpu.memory_space<semaphore_mem>>) src(%dma_wait3A_221 : memref<640x128xf32, #tpu.memory_space<vmem_shared>>) dst(%dma_wait3A_219 : memref<640x128xf32, #tpu.memory_space<hbm>>)
      tpu.yield
    }) : () -> ()
    return
  }
}

module attributes {stable_mosaic.version = 14 : i64} {
  func.func @_tc_body(%arg0: i32, %arg1: memref<1024x128xf32, #tpu.memory_space<vmem>>, %arg2: memref<1024x128xf32, #tpu.memory_space<vmem>>, %arg3: memref<1024x128xf32, #tpu.memory_space<vmem>>, %arg4: memref<128x256xf32, #tpu.memory_space<vmem>>, %arg5: memref<128x256xf32, #tpu.memory_space<vmem>>, %arg6: memref<128x256xf32, #tpu.memory_space<vmem>>, %arg7: memref<1x256xf32, #tpu.memory_space<vmem>>, %arg8: memref<1024x128xf32, #tpu.memory_space<vmem>>) attributes {dimension_semantics = [#tpu.dimension_semantics<arbitrary>], iteration_bounds = array<i64: 10>, scalar_prefetch = 0 : i64, scratch_operands = 0 : i64, tpu.core_type = #tpu.core_type<tc>, window_params = [{transform_indices = @transform_0, window_bounds = array<i64: 1024, 128>}, {transform_indices = @transform_1, window_bounds = array<i64: 1024, 128>}, {transform_indices = @transform_2, window_bounds = array<i64: 1024, 128>}, {pipeline_mode = #tpu.pipeline_mode<synchronous>, transform_indices = @transform_3, window_bounds = array<i64: 128, 256>}, {pipeline_mode = #tpu.pipeline_mode<synchronous>, transform_indices = @transform_4, window_bounds = array<i64: 128, 256>}, {pipeline_mode = #tpu.pipeline_mode<synchronous>, transform_indices = @transform_5, window_bounds = array<i64: 128, 256>}, {pipeline_mode = #tpu.pipeline_mode<synchronous>, transform_indices = @transform_6, window_bounds = array<i64: 1, 256>}, {transform_indices = @transform_7, window_bounds = array<i64: 1024, 128>}]} {
    %get3A = arith.constant 0 : index
    %get3A_0 = arith.constant 0 : index
    %get3A_1 = vector.load %arg1[%get3A, %get3A_0] : memref<1024x128xf32, #tpu.memory_space<vmem>>, vector<1024x128xf32>
    %get3A_2 = arith.constant 0 : index
    %get3A_3 = arith.constant 0 : index
    %get3A_4 = vector.load %arg4[%get3A_2, %get3A_3] : memref<128x256xf32, #tpu.memory_space<vmem>>, vector<128x256xf32>
    %dot_general3A = arith.constant dense<0.000000e+00> : vector<1024x256xf32>
    %dot_general3A_5 = tpu.matmul %get3A_1, %get3A_4, %dot_general3A {dimension_numbers = #tpu.dot_dimension_numbers<[1], [0], [0], [1], [0, 0, 1, 1], [], []>, transpose_lhs_hint = false} : vector<1024x128xf32>, vector<128x256xf32>, vector<1024x256xf32> -> vector<1024x256xf32>
    %get3A_6 = arith.constant 0 : index
    %get3A_7 = arith.constant 0 : index
    %get3A_8 = vector.load %arg2[%get3A_6, %get3A_7] : memref<1024x128xf32, #tpu.memory_space<vmem>>, vector<1024x128xf32>
    %get3A_9 = arith.constant 0 : index
    %get3A_10 = arith.constant 0 : index
    %get3A_11 = vector.load %arg5[%get3A_9, %get3A_10] : memref<128x256xf32, #tpu.memory_space<vmem>>, vector<128x256xf32>
    %dot_general3A_12 = arith.constant dense<0.000000e+00> : vector<1024x256xf32>
    %dot_general3A_13 = tpu.matmul %get3A_8, %get3A_11, %dot_general3A_12 {dimension_numbers = #tpu.dot_dimension_numbers<[1], [0], [0], [1], [0, 0, 1, 1], [], []>, transpose_lhs_hint = false} : vector<1024x128xf32>, vector<128x256xf32>, vector<1024x256xf32> -> vector<1024x256xf32>
    %add3A = arith.addf %dot_general3A_5, %dot_general3A_13 : vector<1024x256xf32>
    %get3A_14 = arith.constant 0 : index
    %get3A_15 = arith.constant 0 : index
    %get3A_16 = vector.load %arg3[%get3A_14, %get3A_15] : memref<1024x128xf32, #tpu.memory_space<vmem>>, vector<1024x128xf32>
    %get3A_17 = arith.constant 0 : index
    %get3A_18 = arith.constant 0 : index
    %get3A_19 = vector.load %arg6[%get3A_17, %get3A_18] : memref<128x256xf32, #tpu.memory_space<vmem>>, vector<128x256xf32>
    %dot_general3A_20 = arith.constant dense<0.000000e+00> : vector<1024x256xf32>
    %dot_general3A_21 = tpu.matmul %get3A_16, %get3A_19, %dot_general3A_20 {dimension_numbers = #tpu.dot_dimension_numbers<[1], [0], [0], [1], [0, 0, 1, 1], [], []>, transpose_lhs_hint = false} : vector<1024x128xf32>, vector<128x256xf32>, vector<1024x256xf32> -> vector<1024x256xf32>
    %add3A_22 = arith.addf %add3A, %dot_general3A_21 : vector<1024x256xf32>
    %get3A_23 = arith.constant 0 : index
    %get3A_24 = arith.constant 0 : index
    %get3A_25 = vector.load %arg7[%get3A_23, %get3A_24] : memref<1x256xf32, #tpu.memory_space<vmem>>, vector<1x256xf32>
    %add3A_26 = vector.broadcast %get3A_25 : vector<1x256xf32> to vector<1024x256xf32>
    %add3A_27 = arith.addf %add3A_22, %add3A_26 : vector<1024x256xf32>
    %slice3A = vector.extract_strided_slice %add3A_27 {offsets = [0, 0], sizes = [1024, 128], strides = [1, 1]} : vector<1024x256xf32> to vector<1024x128xf32>
    %logistic3A = arith.negf %slice3A : vector<1024x128xf32>
    %logistic3A_28 = math.exp %logistic3A : vector<1024x128xf32>
    %logistic3A_29 = arith.constant 1.000000e+00 : f32
    %logistic3A_30 = vector.broadcast %logistic3A_29 : f32 to vector<1024x128xf32>
    %logistic3A_31 = arith.addf %logistic3A_30, %logistic3A_28 : vector<1024x128xf32>
    %logistic3A_32 = arith.divf %logistic3A_30, %logistic3A_31 : vector<1024x128xf32>
    %slice3A_33 = vector.extract_strided_slice %add3A_27 {offsets = [0, 128], sizes = [1024, 128], strides = [1, 1]} : vector<1024x256xf32> to vector<1024x128xf32>
    %tanh3A = math.tanh %slice3A_33 : vector<1024x128xf32>
    %sub3A = arith.constant 1.000000e+00 : f32
    %sub3A_34 = vector.broadcast %sub3A : f32 to vector<1024x128xf32>
    %sub3A_35 = arith.subf %sub3A_34, %logistic3A_32 : vector<1024x128xf32>
    %mul3A = arith.mulf %sub3A_35, %tanh3A : vector<1024x128xf32>
    %swap3A = arith.constant 0 : index
    %swap3A_36 = arith.constant 0 : index
    %swap3A_37 = vector.load %arg8[%swap3A, %swap3A_36] : memref<1024x128xf32, #tpu.memory_space<vmem>>, vector<1024x128xf32>
    tpu.vector_store %arg8[%swap3A, %swap3A_36], %mul3A {strides = array<i32>} : memref<1024x128xf32, #tpu.memory_space<vmem>>, vector<1024x128xf32>,
    return
  }
  func.func @transform_0(%arg0: i32) -> (i32, i32) {
    %c0_i32 = arith.constant 0 : i32
    %c0_i32_0 = arith.constant 0 : i32
    return %arg0, %c0_i32 : i32, i32
  }
  func.func @transform_1(%arg0: i32) -> (i32, i32) {
    %c0_i32 = arith.constant 0 : i32
    %c0_i32_0 = arith.constant 0 : i32
    return %arg0, %c0_i32 : i32, i32
  }
  func.func @transform_2(%arg0: i32) -> (i32, i32) {
    %c0_i32 = arith.constant 0 : i32
    %c0_i32_0 = arith.constant 0 : i32
    return %arg0, %c0_i32 : i32, i32
  }
  func.func @transform_3(%arg0: i32) -> (i32, i32) {
    %c0_i32 = arith.constant 0 : i32
    %c0_i32_0 = arith.constant 0 : i32
    %c0_i32_1 = arith.constant 0 : i32
    return %c0_i32, %c0_i32_0 : i32, i32
  }
  func.func @transform_4(%arg0: i32) -> (i32, i32) {
    %c0_i32 = arith.constant 0 : i32
    %c0_i32_0 = arith.constant 0 : i32
    %c0_i32_1 = arith.constant 0 : i32
    return %c0_i32, %c0_i32_0 : i32, i32
  }
  func.func @transform_5(%arg0: i32) -> (i32, i32) {
    %c0_i32 = arith.constant 0 : i32
    %c0_i32_0 = arith.constant 0 : i32
    %c0_i32_1 = arith.constant 0 : i32
    return %c0_i32, %c0_i32_0 : i32, i32
  }
  func.func @transform_6(%arg0: i32) -> (i32, i32) {
    %c0_i32 = arith.constant 0 : i32
    %c0_i32_0 = arith.constant 0 : i32
    %c0_i32_1 = arith.constant 0 : i32
    return %c0_i32, %c0_i32_0 : i32, i32
  }
  func.func @transform_7(%arg0: i32) -> (i32, i32) {
    %c0_i32 = arith.constant 0 : i32
    %c0_i32_0 = arith.constant 0 : i32
    return %arg0, %c0_i32 : i32, i32
  }
}

</mosaic_0001>

<sc_bundles>
// kernel: kernel.4.cloned.1.call-start
scs
__scs_entry_jumppad:
0x0: {  	(pc) =	sbr.rel $0x88, $3  }
0x1: {  	(tag) =	ssettag $0x0;
	lr =	simm.s32 $0x1  }
0x2: {  	[smem:$0x3F9A] =	sst lr;
	_ =	strace $0xD0000000  }
0x3: {  	_ = 	snop  }
0x4: {  	_ = 	snop  }
0x5: {  	_ = 	snop  }
0x6: {  	_ = 	snop  }
0x7: {  	_ = 	snop  }
__scs_overlays_trampoline_lowered:
0x8: {  	[smem:$0x3FA9] =	sst s0  }
0x9: {  	[smem:$0x3FAA] =	sst s1  }
0xa: {  	[smem:$0x3FAB] =	sst s2  }
0xb: {  	[smem:$0x3FAC] =	sst s3  }
0xc: {  	[smem:$0x3FAD] =	sst s4  }
0xd: {  	[smem:$0x3FAE] =	sst s5  }
0xe: {  	[smem:$0x3FAF] =	sst s6  }
0xf: {  	[smem:$0x3FB0] =	sst s7  }
0x10: {  	[smem:$0x3FB1] =	sst s8  }
0x11: {  	[smem:$0x3FB2] =	sst s9;
	s0 =	simm.s32 @!p0 $0x0  }
0x12: {  	s1 =	sld [smem:$0x3F98];
	s0 =	simm.s32 @p0 $0x1  }
0x13: {  	[smem:$0x3FB3] =	sst s0;
	s0 =	simm.s32 @!p1 $0x0  }
0x14: {  	s2 =	sld [smem:$0x3F97];
	s0 =	simm.s32 @p1 $0x1  }
0x15: {  	[smem:$0x3FB4] =	sst s0;
	s0 =	simm.s32 @!p2 $0x0  }
0x16: {  	s3 =	sld [smem:$0x3FDB];
	s0 =	simm.s32 @p2 $0x1  }
0x17: {  	s4 =	simm.s32 $0x1BF5;
	[smem:$0x3FB6] =	sst s0  }
0x18: {  	s0 =	sld [smem:$0x3F99];
	_ =	swait.ge [sflag:s4], $0x0  }
0x19: {  	s7 =	sld [smem:$0x3F9A]  }
0x1a: {  	s8 =	sadd.s32 $0xFFFFE003, lr  }
0x1b: {  	s9 =	sadd.s32 $0xFFFFFEF7, lr;
	s5 =	simm.s32 $0xFFFFFFFF;
	p2 =	slt.u32 s8, $0xFFFFF086  }
0x1c: {  	p1 =	slt.u32 s9, $0xF7A;
	s5 =	simm.s32 @!p2 $0x0  }
0x1d: {  	s5 =	simm.s32 @p1 $0x1;
	p0 =	seq.s32 s7, s2  }
0x1e: {  	s7 =	smul.u32 @!p0 $0xF7A, s2;
	p2 =	seq.s32 @!p0 s5, $0x0  }
0x1f: {  	s9 =	smul.u32 $0xF7A, s1;
	s8 =	simm.s32 @!p0 $0x1BF5;
	p2 =	por !p2, p0  }
0x20: {  	[sflag:s8] =	ssyncset.s32 @!p0 $0xFFFFF086;
	s6 =	sadd.s32 @!p0 s3, s7;
	s7 =	simm.s32 @!p0 $0x108  }
0x21: {  	s3 =	sadd.s32 s3, s9;
	s6 =	sadd.s32 @!p0 $0x88, s6;
	s7 =	simm.s32 @p2 $0x1082  }
0x22: {  	[simem:s7], [sflag:s8] =	dma.local @!p0 [hbm:s6], $0xF7A  }
0x23: {  	s9 =	sor.u32 $0xD0000000, s2;
	s6 =	simm.s32 $0x108;
	_ =	swait.ge @!p0 [sflag:s8], $0x0  }
0x24: {  	s3 =	sadd.s32 $0x88, s3;
	s6 =	simm.s32 @!p1 $0x1082;
	[sflag:s4] =	ssyncset.s32 $0xFFFFF086  }
0x25: {  	[simem:s6], [sflag:s4] =	dma.local [hbm:s3], $0xF7A  }
0x26: {  	[smem:$0x3F9A] =	sst s1;
	(tag) =	ssettag s2;
	_ =	strace s9  }
0x27: {  	s1 =	sld [smem:$0x3FAA]  }
0x28: {  	s2 =	sld [smem:$0x3FAB]  }
0x29: {  	s4 =	sld [smem:$0x3FAD]  }
0x2a: {  	p0 =	seq.s32 s5, $0x0;
	s5 =	sld [smem:$0x3FAE]  }
0x2b: {  	s6 =	sld [smem:$0x3FAF]  }
0x2c: {  	s7 =	sld [smem:$0x3FB0]  }
0x2d: {  	s3 =	simm.s32 $0x108;
	s8 =	sld [smem:$0x3FB1]  }
0x2e: {  	s3 =	simm.s32 @!p0 $0x1082;
	s9 =	sld [smem:$0x3FB2]  }
0x2f: {  	lr =	sadd.s32 s0, s3;
	s0 =	sld [smem:$0x3FA9]  }
0x30: {  	s3 =	sld [smem:$0x3FAC]  }
0x31: {  	[smem:$0x3FB5] =	sst s10  }
0x32: {  	s10 =	sld [smem:$0x3FB3];
	_ =	sdelay $0x3  }
0x33: {  	p0 =	seq.s32 s10, $0x1;
	s10 =	sld [smem:$0x3FB5];
	_ =	sdelay $0x3  }
0x34: {  	[smem:$0x3FB5] =	sst s10  }
0x35: {  	s10 =	sld [smem:$0x3FB4];
	_ =	sdelay $0x3  }
0x36: {  	p1 =	seq.s32 s10, $0x1;
	s10 =	sld [smem:$0x3FB5];
	_ =	sdelay $0x3  }
0x37: {  	[smem:$0x3FB5] =	sst s10  }
0x38: {  	s10 =	sld [smem:$0x3FB6]  }
0x39: {  	_ = 	snop;
	(pc) =	sbr.ind lr, $3  }
0x3a: {  	_ = 	snop  }
0x3b: {  	_ = 	snop  }
0x3c: {  	p2 =	seq.s32 s10, $0x1;
	s10 =	sld [smem:$0x3FB5]  }
0x3d: {  	_ =	shalt  }
0x3e: {  	_ =	shalt  }
0x3f: {  	_ =	shalt  }
0x40: {  	_ =	shalt  }
0x41: {  	_ =	shalt  }
0x42: {  	_ =	shalt  }
0x43: {  	_ =	shalt  }
0x44: {  	_ =	shalt  }
0x45: {  	_ =	shalt  }
0x46: {  	_ =	shalt  }
0x47: {  	_ =	shalt  }
0x48: {  	_ =	shalt  }
0x49: {  	_ =	shalt  }
0x4a: {  	_ =	shalt  }
0x4b: {  	_ =	shalt  }
0x4c: {  	_ =	shalt  }
0x4d: {  	_ =	shalt  }
0x4e: {  	_ =	shalt  }
0x4f: {  	_ =	shalt  }
0x50: {  	_ =	shalt  }
0x51: {  	_ =	shalt  }
0x52: {  	_ =	shalt  }
0x53: {  	_ =	shalt  }
0x54: {  	_ =	shalt  }
0x55: {  	_ =	shalt  }
0x56: {  	_ =	shalt  }
0x57: {  	_ =	shalt  }
0x58: {  	_ =	shalt  }
0x59: {  	_ =	shalt  }
0x5a: {  	_ =	shalt  }
0x5b: {  	_ =	shalt  }
0x5c: {  	_ =	shalt  }
0x5d: {  	_ =	shalt  }
0x5e: {  	_ =	shalt  }
0x5f: {  	_ =	shalt  }
0x60: {  	_ =	shalt  }
0x61: {  	_ =	shalt  }
0x62: {  	_ =	shalt  }
0x63: {  	_ =	shalt  }
0x64: {  	_ =	shalt  }
0x65: {  	_ =	shalt  }
0x66: {  	_ =	shalt  }
0x67: {  	_ =	shalt  }
0x68: {  	_ =	shalt  }
0x69: {  	_ =	shalt  }
0x6a: {  	_ =	shalt  }
0x6b: {  	_ =	shalt  }
0x6c: {  	_ =	shalt  }
0x6d: {  	_ =	shalt  }
0x6e: {  	_ =	shalt  }
0x6f: {  	_ =	shalt  }
0x70: {  	_ =	shalt  }
0x71: {  	_ =	shalt  }
0x72: {  	_ =	shalt  }
0x73: {  	_ =	shalt  }
0x74: {  	_ =	shalt  }
0x75: {  	_ =	shalt  }
0x76: {  	_ =	shalt  }
0x77: {  	_ =	shalt  }
0x78: {  	_ =	shalt  }
0x79: {  	_ =	shalt  }
0x7a: {  	_ =	shalt  }
0x7b: {  	_ =	shalt  }
0x7c: {  	_ =	shalt  }
0x7d: {  	_ =	shalt  }
0x7e: {  	_ =	shalt  }
0x7f: {  	_ =	shalt  }
0x80: {  	_ =	shalt  }
0x81: {  	_ =	shalt  }
0x82: {  	_ =	shalt  }
0x83: {  	_ =	shalt  }
0x84: {  	_ =	shalt  }
0x85: {  	_ =	shalt  }
0x86: {  	_ =	shalt  }
0x87: {  	_ =	shalt  }
.Lfunc_end0:
.L_simem_size_0:
called_computation_lowered:
.L_overlay_start_0:
0x88: {  	s2 =	sld [smem:$0x3FD9]  }
0x89: {  	s3 =	sld [smem:$0x3FFE];
	_ =	sdelay $0x1  }
0x8a: {  	s1 =	srdreg.scid  }
0x8b: {  	s0 =	sand.u32 $0x1, s1  }
0x8c: {  	s17 =	sshll.u32 s0, $0xA;
	s2 =	sadd.s32 s3, s2  }
0x8d: {  	s2 =	sadd.s32 s2, s17  }
0x8e: {  	[smem:$0x3FC1] =	sst s2  }
0x8f: {  	_ = 	snop  }
0x90: {  	s2 =	sld [smem:$0x3FD0];
	(tm) =	ssettm $0x1  }
0x91: {  	s18 =	sld [smem:$0x3FFB];
	_ =	sdelay $0x3  }
0x92: {  	_ =	strace s18  }
0x93: {  	s3 =	sld [smem:$0x3FFC];
	_ =	sdelay $0x3  }
0x94: {  	_ =	strace s3  }
0x95: {  	s3 =	sld [smem:$0x3FFD];
	_ =	sdelay $0x3  }
0x96: {  	_ =	strace s3  }
0x97: {  	_ =	strace $0x8FFFFFFF  }
0x98: {  	s19 =	sld [smem:$0x3FDB];
	_ =	sdelay $0x1  }
0x99: {  	s4 =	simm.s32 $_scs_section_size  }
0x9a: {  	s5 =	simm.s32 $_size__tile_overlayer_lowered;
	s6 =	simm.s32 $_tile_overlayer_lowered  }
0x9b: {  	s22 =	simm.s32 $0x1BFF;
	s21 =	sshll.u32 s6, $0x1;
	s3 =	sadd.s32 s4, s19  }
0x9c: {  	s7 =	simm.s32 $0x0;
	s20 =	sshll.u32 s5, $0x1;
	s5 =	sadd.s32 s21, s3  }
0x9d: {  	[timem:s7], [sflag:s22] =	dma.local [hbm:s5], s20  }
0x9e: {  	_ =	swait.ge [sflag:s22], s20  }
0x9f: {  	s4 =	ssub.s32 $0x0, s20;
	[sflag:s22] =	ssyncset.done $0x0  }
0xa0: {  	[sflag:s22] =	ssyncadd.s32 s4;
	_ =	sdelay $0x1  }
0xa1: {  	s23 =	simm.s32 $0x1B8B  }
0xa2: {  	_ =	swait.ge [sflag:s23], $0x1  }
0xa3: {  	[sflag:s23] =	ssyncset.done $0x0  }
0xa4: {  	s25 =	simm.s32 $0x1B8E;
	s24 =	sld [smem:$0x3FFE];
	[sflag:s23] =	ssyncadd.s32 $0xFFFFFFFF  }
0xa5: {  	s26 =	simm.s32 $execute0_lowered;
	[smem:$0x3FD2] =	sst s25  }
0xa6: {  	s5 =	sshll.u32 s26, $0x1;
	_ =	strace $0x80000046;
	[dreg:$0x1] =	wrdreg $0xFFFFFFFF  }
0xa7: {  	s28 =	simm.s32 $_size_execute0_lowered;
	s3 =	sadd.s32 s3, s5;
	[dreg:$0x0] =	wrdreg $0x0  }
0xa8: {  	s5 =	sshll.u32 s28, $0x1;
	[dreg:$0x2] =	wrdreg s3  }
0xa9: {  	[dreg:$0x3] =	wrdreg s5  }
0xaa: {  	[dreg:$0x4] =	wrdreg $0xC0  }
0xab: {  	_ =	task [dreg:s7], $0x5FFFF  }
0xac: {  	[dreg:$0x1] =	wrdreg $0xFFFFFFFF  }
0xad: {  	[dreg:$0x0] =	wrdreg $0x60  }
0xae: {  	[dreg:$0x2] =	wrdreg s24  }
0xaf: {  	[dreg:$0x3] =	wrdreg s2  }
0xb0: {  	[dreg:$0x4] =	wrdreg $0xB7800  }
0xb1: {  	[dreg:$0x5] =	wrdreg $0xB2800  }
0xb2: {  	[dreg:$0x6] =	wrdreg $0x9  }
0xb3: {  	_ =	task.clear_ibuf [dreg:s7], $0x7FFFF;
	_ =	strace $0x90000046  }
0xb4: {  	s29 =	simm.s32 $0x9;
	_ =	strace $0x80000048  }
0xb5: {  	_ =	swait.ge [sflag:s29], $0x1  }
0xb6: {  	[sflag:s29] =	ssyncadd.s32 $0xFFFFFFFF  }
0xb7: {  	_ =	strace $0x90000048  }
0xb8: {  	_ =	sfence  }
0xb9: {  	s30 =	sld [smem:$0x0];
	_ =	sdelay $0x2  }
0xba: {  	s31 =	sshll.u32 s1, $0xD;
	s1 =	sshrl.u32 s1, $0x2  }
0xbb: {  	s3 =	sand.u32 $0x4000, s31;
	s1 =	sadd.s32 s1, s30  }
0xbc: {  	s0 =	sor.u32 s3, s0;
	s1 =	sshll.u32 s1, $0x11  }
0xbd: {  	s0 =	sor.u32 s1, s0  }
0xbe: {  	s0 =	sadd.s32 $0x8F2B, s0  }
0xbf: {  	[sflag:s0] =	ssyncadd.remote.s32 $0x1  }
0xc0: {  	_ =	sfence.sel $0xFFFF  }
0xc1: {  	[dreg:$0x0] =	wrdreg $0xFFFFFFFF;
	(pc) =	sbr.abs _section_cstart, $3  }
0xc2: {  	[dreg:$0x1] =	wrdreg $0xFFFFFFFF  }
0xc3: {  	_ =	task.clear_ibuf [dreg:s7], $0x2FFFF;
	_ =	strace $0x9FFFFFFF  }
0xc4: {  	(tm) =	ssettm $0x7FFFFFFF  }
0xc5: {  	_ =	shalt  }
tec
execute0_lowered:
.L_overlay_start_1:
0x0: {  	(tag) =	ssettag $0x1  }
0x1: {  	s1 =	rddreg [dreg:$0x0]  }
0x2: {  	s9 =	stileid.u32;
	s4 =	rddreg [dreg:$0x2]  }
0x3: {  	s5 =	rddreg [dreg:$0x3];
	s6 =	simm.s32 $0x0;
	s3 =	smul.u32 $0xA000, s9  }
0x4: {  	[smem:$0x7FF] =	sst s6  }
0x5: {  	s7 =	sadd.s32 $0x2400, s1;
	[smem:$0x7D4] =	sst s3  }
0x6: {  	s15 =	simm.s32 $0x80;
	_ =	strace $0x80000047;
	[smem:$0x7D5] =	sst s7  }
0x7: {  	s16 =	simm.s32 $0x100;
	[dreg:$0x7] =	wrdreg s15  }
0x8: {  	s17 =	simm.s32 $0x180;
	[dreg:$0x8] =	wrdreg s16  }
0x9: {  	s18 =	simm.s32 $0x200;
	[dreg:$0x9] =	wrdreg s17  }
0xa: {  	s19 =	simm.s32 $0x1080;
	[dreg:$0xa] =	wrdreg s18  }
0xb: {  	s20 =	simm.s32 $0x280;
	[dreg:$0xb] =	wrdreg s19  }
0xc: {  	s21 =	simm.s32 $0x1100;
	[dreg:$0xc] =	wrdreg s20  }
0xd: {  	s22 =	simm.s32 $0x300;
	[dreg:$0xd] =	wrdreg s21  }
0xe: {  	s23 =	simm.s32 $0x1180;
	[dreg:$0xe] =	wrdreg s22  }
0xf: {  	s24 =	simm.s32 $0x380;
	[dreg:$0xf] =	wrdreg s23  }
0x10: {  	s25 =	simm.s32 $0x1200;
	[dreg:$0x10] =	wrdreg s24  }
0x11: {  	s26 =	simm.s32 $0x400;
	[dreg:$0x11] =	wrdreg s25  }
0x12: {  	s8 =	simm.s32 $0x1300;
	[dreg:$0x12] =	wrdreg s26  }
0x13: {  	s10 =	simm.s32 $0x500;
	[dreg:$0x15] =	wrdreg s8  }
0x14: {  	s11 =	simm.s32 $0x1380;
	[dreg:$0x16] =	wrdreg s10  }
0x15: {  	s12 =	simm.s32 $0x580;
	[dreg:$0x17] =	wrdreg s11  }
0x16: {  	s13 =	simm.s32 $0x1400;
	[dreg:$0x18] =	wrdreg s12  }
0x17: {  	[dreg:$0x19] =	wrdreg s13;
	s15 =	simm.s32 $0x1480  }
0x18: {  	s16 =	simm.s32 $0x680;
	[dreg:$0x1b] =	wrdreg s15  }
0x19: {  	s18 =	sadd.s32 $0x52400, s1;
	[dreg:$0x1c] =	wrdreg s16  }
0x1a: {  	s17 =	simm.s32 $0x1500;
	[smem:$0x7D6] =	sst s18  }
0x1b: {  	s19 =	simm.s32 $0x700;
	[dreg:$0x1d] =	wrdreg s17  }
0x1c: {  	s20 =	simm.s32 $0x1580;
	[dreg:$0x1e] =	wrdreg s19  }
0x1d: {  	s22 =	simm.s32 $0x780;
	[dreg:$0x1f] =	wrdreg s20  }
0x1e: {  	s23 =	simm.s32 $0x1600;
	[smem:$0x7D7] =	sst s22  }
0x1f: {  	s24 =	simm.s32 $0x800;
	[smem:$0x7D9] =	sst s23  }
0x20: {  	s0 =	srdreg.scid;
	s26 =	simm.s32 $0x1680;
	[smem:$0x7DA] =	sst s24  }
0x21: {  	s0 =	sand.u32 $0x1, s0;
	s8 =	simm.s32 $0x880;
	[smem:$0x7DB] =	sst s26  }
0x22: {  	s21 =	smul.u32 $0x2800, s0;
	s13 =	simm.s32 $0x1700;
	[smem:$0x7DC] =	sst s8  }
0x23: {  	[smem:$0x7DD] =	sst s13  }
0x24: {  	s15 =	simm.s32 $0x1780;
	[smem:$0x7D8] =	sst s21  }
0x25: {  	s10 =	smul.u32 $0x280, s9;
	s16 =	simm.s32 $0x980;
	[smem:$0x7DF] =	sst s15  }
0x26: {  	[smem:$0x7E0] =	sst s16  }
0x27: {  	s30 =	simm.s32 $0x3;
	s17 =	simm.s32 $0x1800;
	[smem:$0x7E1] =	sst s10  }
0x28: {  	s31 =	simm.s32 $0x3280;
	s18 =	simm.s32 $0xA00;
	[smem:$0x7E2] =	sst s17  }
0x29: {  	s28 =	simm.s32 $0xE00;
	s20 =	simm.s32 $0x1880;
	[smem:$0x7E3] =	sst s18  }
0x2a: {  	s2 =	smul.u32 $0xA0000, s0;
	s22 =	simm.s32 $0xA80;
	[smem:$0x7E6] =	sst s20  }
0x2b: {  	s29 =	simm.s32 $0xE80;
	s23 =	simm.s32 $0x1900;
	[smem:$0x7E7] =	sst s22  }
0x2c: {  	s2 =	sadd.s32 s3, s2;
	s24 =	simm.s32 $0xB00;
	[smem:$0x7E8] =	sst s23  }
0x2d: {  	s2 =	sshrl.u32 s2, $0x3;
	s26 =	simm.s32 $0x1980;
	[smem:$0x7EA] =	sst s24  }
0x2e: {  	s14 =	sadd.s32 s2, s1;
	s2 =	sadd.s32 s2, s7;
	[smem:$0x7EC] =	sst s26  }
0x2f: {  	s12 =	ssub.s32 $0x2, s0;
	s7 =	simm.s32 $0x480;
	[dreg:$0x6] =	wrdreg s2  }
0x30: {  	s0 =	sshll.u32 s0, $0x4;
	s16 =	simm.s32 $0xC00;
	[dreg:$0x14] =	wrdreg s7  }
0x31: {  	s8 =	sshrl.u32 s12, $0x1;
	s18 =	simm.s32 $0x1A80;
	[smem:$0x7F2] =	sst s16  }
0x32: {  	s0 =	sor.u32 s9, s0;
	s20 =	simm.s32 $0xC80;
	[smem:$0x7F4] =	sst s18  }
0x33: {  	s19 =	smul.u32 $0x50000, s9;
	s3 =	sadd.s32 $0x2A400, s14;
	[smem:$0x7F5] =	sst s20  }
0x34: {  	s0 =	smul.u32 $0xA000, s0;
	s14 =	simm.s32 $0x600;
	[dreg:$0x5] =	wrdreg s3  }
0x35: {  	s7 =	ssub.s32 s12, s8;
	s12 =	simm.s32 $0xB80;
	[dreg:$0x1a] =	wrdreg s14  }
0x36: {  	s11 =	sadd.s32 $0x7A400, s1;
	s9 =	simm.s32 $0x1F00;
	[smem:$0x7EE] =	sst s12  }
0x37: {  	s8 =	sshrl.u32 s19, $0x2;
	s3 =	simm.s32 $0x1280;
	[smem:$0x7F7] =	sst s0  }
0x38: {  	s18 =	simm.s32 $0x7280;
	s14 =	simm.s32 $0x900;
	[dreg:$0x13] =	wrdreg s3  }
0x39: {  	s16 =	simm.s32 $0x1F80;
	s24 =	smax.u32 s7, $0x1;
	[smem:$0x7DE] =	sst s14  }
0x3a: {  	s8 =	sadd.s32 s8, s4;
	s0 =	simm.s32 $0x40;
	[smem:$0x7FA] =	sst s24  }
0x3b: {  	s3 =	sadd.s32 s10, s21;
	s10 =	sadd.s32 s10, s5;
	[smem:$0x7FC] =	sst s8  }
0x3c: {  	s12 =	simm.s32 $0x1C80;
	s13 =	sadd.s32 $0x6000, s8;
	[smem:$0x7E4] =	sst s10  }
0x3d: {  	s7 =	simm.s32 $0x1E00;
	s15 =	sadd.s32 $0x8000, s8;
	[smem:$0x7ED] =	sst s13  }
0x3e: {  	s14 =	simm.s32 $0x1A00;
	s17 =	sadd.s32 $0xA000, s8;
	[smem:$0x7EF] =	sst s15  }
0x3f: {  	s19 =	sadd.s32 $0xC000, s8;
	s26 =	sadd.s32 $0x12000, s8;
	[smem:$0x7F0] =	sst s14  }
0x40: {  	s24 =	simm.s32 $0x1B80;
	s25 =	sshll.u32 s3, $0x4;
	[smem:$0x7F1] =	sst s17  }
0x41: {  	s21 =	sadd.s32 $0x2800, s10;
	s10 =	sadd.s32 $0x4000, s8;
	[smem:$0x7F3] =	sst s19  }
0x42: {  	s22 =	sadd.s32 s3, s5;
	[smem:$0x7FD] =	sst s26;
	s13 =	simm.s32 $0x2  }
0x43: {  	s15 =	simm.s32 $0x1;
	s17 =	simm.s32 $0x5280;
	[smem:$0x7E5] =	sst s21  }
0x44: {  	s19 =	simm.s32 $0x9280;
	s26 =	simm.s32 $0x1C00;
	[smem:$0x7EB] =	sst s10  }
0x45: {  	s1 =	sadd.s32 s25, s1;
	s25 =	sadd.s32 $0x2000, s8;
	[smem:$0x7F8] =	sst s22  }
0x46: {  	s14 =	simm.s32 $0x1D00;
	s21 =	sadd.s32 $0xE000, s8;
	[smem:$0x7E9] =	sst s25  }
0x47: {  	[smem:$0x7F6] =	sst s21;
	s23 =	sadd.s32 $0xCA400, s1;
	s25 =	sadd.s32 $0x10000, s8  }
0x48: {  	s1 =	simm.s32 $0x0;
	s8 =	simm.s32 $0x1E80;
	[smem:$0x7F9] =	sst s23  }
0x49: {  	v0 =	vimm.f32 $0.0e+00;
	[smem:$0x7FB] =	sst s25;
	s23 =	simm.s32 $0xD00;
	s25 =	simm.s32 $0xD80  }
.LBB2_1:
0x4a: {  	[tilespmem:$0x3000] =	vst v0  }
0x4b: {  	[tilespmem:$0x3010] =	vst v0  }
0x4c: {  	[tilespmem:$0x3020] =	vst v0  }
0x4d: {  	[tilespmem:$0x3030] =	vst v0  }
0x4e: {  	[tilespmem:$0x3040] =	vst v0  }
0x4f: {  	[tilespmem:$0x3050] =	vst v0  }
0x50: {  	[tilespmem:$0x3060] =	vst v0  }
0x51: {  	[tilespmem:$0x3070] =	vst v0  }
0x52: {  	[tilespmem:$0x3080] =	vst v0  }
0x53: {  	[tilespmem:$0x3090] =	vst v0  }
0x54: {  	[tilespmem:$0x30A0] =	vst v0  }
0x55: {  	[tilespmem:$0x30B0] =	vst v0  }
0x56: {  	[tilespmem:$0x30C0] =	vst v0  }
0x57: {  	[tilespmem:$0x30D0] =	vst v0  }
0x58: {  	[tilespmem:$0x30E0] =	vst v0  }
0x59: {  	[tilespmem:$0x30F0] =	vst v0  }
0x5a: {  	[tilespmem:$0x3100] =	vst v0  }
0x5b: {  	[tilespmem:$0x3110] =	vst v0  }
0x5c: {  	[tilespmem:$0x3120] =	vst v0  }
0x5d: {  	[tilespmem:$0x3130] =	vst v0  }
0x5e: {  	[tilespmem:$0x3140] =	vst v0  }
0x5f: {  	[tilespmem:$0x3150] =	vst v0  }
0x60: {  	[tilespmem:$0x3160] =	vst v0  }
0x61: {  	[tilespmem:$0x3170] =	vst v0  }
0x62: {  	[tilespmem:$0x3180] =	vst v0  }
0x63: {  	[tilespmem:$0x3190] =	vst v0  }
0x64: {  	[tilespmem:$0x31A0] =	vst v0  }
0x65: {  	[tilespmem:$0x31B0] =	vst v0  }
0x66: {  	[tilespmem:$0x31C0] =	vst v0  }
0x67: {  	[tilespmem:$0x31D0] =	vst v0  }
0x68: {  	[tilespmem:$0x31E0] =	vst v0  }
0x69: {  	[tilespmem:$0x31F0] =	vst v0  }
0x6a: {  	[tilespmem:$0x3200] =	vst v0  }
0x6b: {  	[tilespmem:$0x3210] =	vst v0  }
0x6c: {  	[tilespmem:$0x3220] =	vst v0  }
0x6d: {  	[tilespmem:$0x3230] =	vst v0  }
0x6e: {  	[tilespmem:$0x3240] =	vst v0  }
0x6f: {  	[tilespmem:$0x3250] =	vst v0;
	s10 =	sld [smem:$0x7E4]  }
0x70: {  	[tilespmem:$0x3260] =	vst v0  }
0x71: {  	[tilespmem:$0x3270] =	vst v0;
	s20 =	simm.s32 $0x3000  }
0x72: {  	[spmem:s10] =	stream.linear.scatter [tilespmem:s20], [sflag:$0x3], $0x280, $0x38;
	[tilespmem:$0x1F780] =	vst v63  }
0x73: {  	_ =	swait.ge [sflag:s30], $0x280  }
0x74: {  	s3 =	sld [smem:$0x7E5]  }
0x75: {  	[sflag:s30] =	ssyncset.done $0x0  }
0x76: {  	[sflag:s30] =	ssyncadd.s32 $0xFFFFFD80  }
0x77: {  	[spmem:s3] =	stream.linear.scatter [tilespmem:s20], [sflag:$0x3], $0x280, $0x38;
	[tilespmem:$0x1F780] =	vst v63  }
0x78: {  	s21 =	sand.u32 $0x7E00, s6;
	_ =	swait.ge [sflag:s30], $0x280  }
0x79: {  	s22 =	sand.u32 $0x70, s6;
	s21 =	sshrl.u32 s21, $0x2;
	[sflag:s30] =	ssyncset.done $0x0  }
0x7a: {  	s22 =	sor.u32 s22, s21;
	[sflag:s30] =	ssyncadd.s32 $0xFFFFFD80  }
0x7b: {  	s10 =	simm.s32 $0x40;
	s20 =	simm.s32 $0x0;
	[bflag:$0x0] =	sbarrier.arrive $0xFFFF  }
.LBB2_2:
0x7c: {  	p0 =	sne.s32 s10, $0x7FC0  }
0x7d: {  	[tilespmem:s22+$0x3280] =	vst v0;
	s20 =	sadd.s32 $0x10, s20;
	s21 =	smov.u32 s10;
	s10 =	sadd.s32 $0x40, s10  }
.Ltmp0:
0x7e: {  	(pc) =	sbr.rel @p0 .LBB2_2-.Ltmp0, $4  }
0x7f: {  	_ = 	snop  }
0x80: {  	s21 =	sand.u32 $0x7E00, s21  }
0x81: {  	s22 =	sand.u32 $0x70, s20;
	s21 =	sshrl.u32 s21, $0x2  }
0x82: {  	s22 =	sor.u32 s22, s21  }
0x83: {  	s10 =	sld [smem:$0x7FC];
	_ =	sdelay $0x1  }
0x84: {  	[tilespmem:s22+$0x3280] =	vst v0;
	s3 =	sld [smem:$0x7E9]  }
0x85: {  	[spmem:s10] =	stream.linear.scatter [tilespmem:s31], [sflag:$0x1], $0x2000, $0x38;
	[tilespmem:$0x1F780] =	vst v63  }
0x86: {  	s20 =	sld [smem:$0x7EB]  }
0x87: {  	[spmem:s3] =	stream.linear.scatter [tilespmem:s31], [sflag:$0x1], $0x2000, $0x38;
	[tilespmem:$0x1F780] =	vst v63  }
0x88: {  	s21 =	sld [smem:$0x7ED]  }
0x89: {  	[spmem:s20] =	stream.linear.scatter [tilespmem:s31], [sflag:$0x1], $0x2000, $0x38;
	[tilespmem:$0x1F780] =	vst v63  }
0x8a: {  	s22 =	sld [smem:$0x7EF]  }
0x8b: {  	[spmem:s21] =	stream.linear.scatter [tilespmem:s31], [sflag:$0x1], $0x2000, $0x38;
	[tilespmem:$0x1F780] =	vst v63  }
0x8c: {  	s2 =	sld [smem:$0x7F1]  }
0x8d: {  	[spmem:s22] =	stream.linear.scatter [tilespmem:s31], [sflag:$0x1], $0x2000, $0x38;
	[tilespmem:$0x1F780] =	vst v63  }
0x8e: {  	s3 =	sld [smem:$0x7F3]  }
0x8f: {  	[spmem:s2] =	stream.linear.scatter [tilespmem:s31], [sflag:$0x1], $0x2000, $0x38;
	[tilespmem:$0x1F780] =	vst v63  }
0x90: {  	s20 =	sld [smem:$0x7F6]  }
0x91: {  	[spmem:s3] =	stream.linear.scatter [tilespmem:s31], [sflag:$0x1], $0x2000, $0x38;
	[tilespmem:$0x1F780] =	vst v63  }
0x92: {  	s21 =	sld [smem:$0x7FB]  }
0x93: {  	[spmem:s20] =	stream.linear.scatter [tilespmem:s31], [sflag:$0x1], $0x2000, $0x38;
	[tilespmem:$0x1F780] =	vst v63  }
0x94: {  	s22 =	sld [smem:$0x7FD]  }
0x95: {  	[spmem:s21] =	stream.linear.scatter [tilespmem:s31], [sflag:$0x1], $0x2000, $0x38;
	[tilespmem:$0x1F780] =	vst v63  }
0x96: {  	s2 =	simm.s32 $0x0;
	s20 =	simm.s32 $0x0  }
0x97: {  	[spmem:s22] =	stream.linear.scatter [tilespmem:s31], [sflag:$0x1], $0x2000, $0x38;
	[tilespmem:$0x1F780] =	vst v63  }
.LBB2_4:
0x98: {  	s21 =	sld [smem:$0x7F7];
	_ =	sdelay $0x1  }
0x99: {  	s10 =	sshll.u32 s20, $0xC;
	s22 =	sld [smem:$0x7D5]  }
0x9a: {  	s21 =	sadd.s32 s21, s10  }
0x9b: {  	s21 =	sshrl.u32 s21, $0x3  }
0x9c: {  	s21 =	sadd.s32 s22, s21  }
0x9d: {  	[tilespmem:s2], [sflag:$0x3] =	stream.linear.gather [hbm4b:s21+s2], $0x1000, $0x38;
	[tilespmem:$0x1F780] =	vst v63  }
0x9e: {  	_ =	swait.ge [sflag:s30], $0x1000  }
0x9f: {  	s22 =	sld [smem:$0x7D4];
	_ =	sdelay $0x1  }
0xa0: {  	[sflag:s30] =	ssyncset.done $0x0  }
0xa1: {  	[sflag:s30] =	ssyncadd.s32 $0xFFFFF000;
	s10 =	sadd.s32 s22, s10  }
0xa2: {  	s3 =	rddreg [dreg:$0x1];
	s10 =	sshrl.u32 s10, $0x3  }
0xa3: {  	s22 =	simm.s32 $0x2000;
	s10 =	sadd.s32 s3, s10  }
0xa4: {  	[tilespmem:s22], [sflag:$0x3] =	stream.linear.gather [hbm4b:s10+s2], $0x1000, $0x38;
	[tilespmem:$0x1F780] =	vst v63  }
0xa5: {  	_ =	swait.ge [sflag:s30], $0x1000  }
0xa6: {  	s21 =	simm.s32 $0x2000;
	[sflag:s30] =	ssyncset.done $0x0  }
0xa7: {  	s22 =	simm.s32 $0x200;
	s10 =	simm.s32 $0x0;
	[sflag:s30] =	ssyncadd.s32 $0xFFFFF000  }
.LBB2_5:
0xa8: {  	[spmem:s5] =	stream.indirect.scatter.add.f32 [tilespmem:s21], [sflag:$0x2], $0x1, s10, s0, $0xb8;
	[tilespmem:$0x1F780] =	vst v63  }
0xa9: {  	s10 =	smov.u32 s22;
	p0 =	sne.s32 s22, $0x3E00  }
.Ltmp1:
0xaa: {  	s22 =	sadd.s32 $0x200, s22;
	(pc) =	sbr.rel @p0 .LBB2_5-.Ltmp1, $3  }
0xab: {  	_ =	sdelay $0x1  }
0xac: {  	s10 =	sshra.s32 s10, $0x2  }
0xad: {  	s21 =	sadd.s32 $0x2000, s10  }
0xae: {  	[spmem:s5] =	stream.indirect.scatter.add.f32 [tilespmem:s21], [sflag:$0x2], $0x1, s10, s0, $0xb8;
	[tilespmem:$0x1F780] =	vst v63  }
0xaf: {  	_ =	swait.ge [sflag:s13], $0x40  }
0xb0: {  	[sflag:s13] =	ssyncset.done $0x0  }
0xb1: {  	[sflag:s13] =	ssyncadd.s32 $0xFFFFFFC0  }
0xb2: {  	_ =	swait.ge [sflag:s13], $0x40  }
0xb3: {  	[sflag:s13] =	ssyncset.done $0x0  }
0xb4: {  	[sflag:s13] =	ssyncadd.s32 $0xFFFFFFC0  }
0xb5: {  	_ =	swait.ge [sflag:s13], $0x40  }
0xb6: {  	[sflag:s13] =	ssyncset.done $0x0  }
0xb7: {  	[sflag:s13] =	ssyncadd.s32 $0xFFFFFFC0  }
0xb8: {  	_ =	swait.ge [sflag:s13], $0x40  }
0xb9: {  	[sflag:s13] =	ssyncset.done $0x0  }
0xba: {  	[sflag:s13] =	ssyncadd.s32 $0xFFFFFFC0  }
0xbb: {  	_ =	swait.ge [sflag:s13], $0x40  }
0xbc: {  	[sflag:s13] =	ssyncset.done $0x0  }
0xbd: {  	[sflag:s13] =	ssyncadd.s32 $0xFFFFFFC0  }
0xbe: {  	_ =	swait.ge [sflag:s13], $0x40  }
0xbf: {  	[sflag:s13] =	ssyncset.done $0x0  }
0xc0: {  	[sflag:s13] =	ssyncadd.s32 $0xFFFFFFC0  }
0xc1: {  	_ =	swait.ge [sflag:s13], $0x40  }
0xc2: {  	[sflag:s13] =	ssyncset.done $0x0  }
0xc3: {  	[sflag:s13] =	ssyncadd.s32 $0xFFFFFFC0  }
0xc4: {  	_ =	swait.ge [sflag:s13], $0x40  }
0xc5: {  	[sflag:s13] =	ssyncset.done $0x0  }
0xc6: {  	[sflag:s13] =	ssyncadd.s32 $0xFFFFFFC0  }
0xc7: {  	_ =	swait.ge [sflag:s13], $0x40  }
0xc8: {  	[sflag:s13] =	ssyncset.done $0x0  }
0xc9: {  	[sflag:s13] =	ssyncadd.s32 $0xFFFFFFC0  }
0xca: {  	_ =	swait.ge [sflag:s13], $0x40  }
0xcb: {  	[sflag:s13] =	ssyncset.done $0x0  }
0xcc: {  	[sflag:s13] =	ssyncadd.s32 $0xFFFFFFC0  }
0xcd: {  	_ =	swait.ge [sflag:s13], $0x40  }
0xce: {  	[sflag:s13] =	ssyncset.done $0x0  }
0xcf: {  	[sflag:s13] =	ssyncadd.s32 $0xFFFFFFC0  }
0xd0: {  	_ =	swait.ge [sflag:s13], $0x40  }
0xd1: {  	[sflag:s13] =	ssyncset.done $0x0  }
0xd2: {  	[sflag:s13] =	ssyncadd.s32 $0xFFFFFFC0  }
0xd3: {  	_ =	swait.ge [sflag:s13], $0x40  }
0xd4: {  	[sflag:s13] =	ssyncset.done $0x0  }
0xd5: {  	[sflag:s13] =	ssyncadd.s32 $0xFFFFFFC0  }
0xd6: {  	_ =	swait.ge [sflag:s13], $0x40  }
0xd7: {  	[sflag:s13] =	ssyncset.done $0x0  }
0xd8: {  	[sflag:s13] =	ssyncadd.s32 $0xFFFFFFC0  }
0xd9: {  	_ =	swait.ge [sflag:s13], $0x40  }
0xda: {  	[sflag:s13] =	ssyncset.done $0x0  }
0xdb: {  	[sflag:s13] =	ssyncadd.s32 $0xFFFFFFC0  }
0xdc: {  	_ =	swait.ge [sflag:s13], $0x40  }
0xdd: {  	[sflag:s13] =	ssyncset.done $0x0  }
0xde: {  	[sflag:s13] =	ssyncadd.s32 $0xFFFFFFC0  }
0xdf: {  	_ =	swait.ge [sflag:s13], $0x40  }
0xe0: {  	[sflag:s13] =	ssyncset.done $0x0  }
0xe1: {  	[sflag:s13] =	ssyncadd.s32 $0xFFFFFFC0  }
0xe2: {  	_ =	swait.ge [sflag:s13], $0x40  }
0xe3: {  	[sflag:s13] =	ssyncset.done $0x0  }
0xe4: {  	[sflag:s13] =	ssyncadd.s32 $0xFFFFFFC0  }
0xe5: {  	_ =	swait.ge [sflag:s13], $0x40  }
0xe6: {  	[sflag:s13] =	ssyncset.done $0x0  }
0xe7: {  	[sflag:s13] =	ssyncadd.s32 $0xFFFFFFC0  }
0xe8: {  	_ =	swait.ge [sflag:s13], $0x40  }
0xe9: {  	[sflag:s13] =	ssyncset.done $0x0  }
0xea: {  	[sflag:s13] =	ssyncadd.s32 $0xFFFFFFC0  }
0xeb: {  	_ =	swait.ge [sflag:s13], $0x40  }
0xec: {  	[sflag:s13] =	ssyncset.done $0x0  }
0xed: {  	[sflag:s13] =	ssyncadd.s32 $0xFFFFFFC0  }
0xee: {  	_ =	swait.ge [sflag:s13], $0x40  }
0xef: {  	[sflag:s13] =	ssyncset.done $0x0  }
0xf0: {  	[sflag:s13] =	ssyncadd.s32 $0xFFFFFFC0  }
0xf1: {  	_ =	swait.ge [sflag:s13], $0x40  }
0xf2: {  	[sflag:s13] =	ssyncset.done $0x0  }
0xf3: {  	[sflag:s13] =	ssyncadd.s32 $0xFFFFFFC0  }
0xf4: {  	_ =	swait.ge [sflag:s13], $0x40  }
0xf5: {  	[sflag:s13] =	ssyncset.done $0x0  }
0xf6: {  	[sflag:s13] =	ssyncadd.s32 $0xFFFFFFC0  }
0xf7: {  	_ =	swait.ge [sflag:s13], $0x40  }
0xf8: {  	[sflag:s13] =	ssyncset.done $0x0  }
0xf9: {  	[sflag:s13] =	ssyncadd.s32 $0xFFFFFFC0  }
0xfa: {  	_ =	swait.ge [sflag:s13], $0x40  }
0xfb: {  	[sflag:s13] =	ssyncset.done $0x0  }
0xfc: {  	[sflag:s13] =	ssyncadd.s32 $0xFFFFFFC0  }
0xfd: {  	_ =	swait.ge [sflag:s13], $0x40  }
0xfe: {  	[sflag:s13] =	ssyncset.done $0x0  }
0xff: {  	[sflag:s13] =	ssyncadd.s32 $0xFFFFFFC0  }
0x100: {  	_ =	swait.ge [sflag:s13], $0x40  }
0x101: {  	[sflag:s13] =	ssyncset.done $0x0  }
0x102: {  	[sflag:s13] =	ssyncadd.s32 $0xFFFFFFC0  }
0x103: {  	_ =	swait.ge [sflag:s13], $0x40  }
0x104: {  	[sflag:s13] =	ssyncset.done $0x0  }
0x105: {  	[sflag:s13] =	ssyncadd.s32 $0xFFFFFFC0  }
0x106: {  	_ =	swait.ge [sflag:s13], $0x40  }
0x107: {  	[sflag:s13] =	ssyncset.done $0x0  }
0x108: {  	s20 =	sadd.s32 $0x1, s20;
	[sflag:s13] =	ssyncadd.s32 $0xFFFFFFC0  }
0x109: {  	p0 =	sne.s32 s20, $0xA;
	_ =	swait.ge [sflag:s13], $0x40  }
.Ltmp2:
0x10a: {  	[sflag:s13] =	ssyncset.done $0x0;
	(pc) =	sbr.rel @p0 .LBB2_4-.Ltmp2, $4  }
0x10b: {  	[sflag:s13] =	ssyncadd.s32 $0xFFFFFFC0  }
0x10c: {  	_ =	swait.ge [sflag:s13], $0x40  }
0x10d: {  	[sflag:s13] =	ssyncset.done $0x0  }
0x10e: {  	[sflag:s13] =	ssyncadd.s32 $0xFFFFFFC0  }
0x10f: {  	_ =	swait.ge [sflag:s15], $0x2000  }
0x110: {  	[sflag:s15] =	ssyncset.done $0x0  }
0x111: {  	[sflag:s15] =	ssyncadd.s32 $0xFFFFE000  }
0x112: {  	_ =	swait.ge [sflag:s15], $0x2000  }
0x113: {  	[sflag:s15] =	ssyncset.done $0x0  }
0x114: {  	[sflag:s15] =	ssyncadd.s32 $0xFFFFE000  }
0x115: {  	_ =	swait.ge [sflag:s15], $0x2000  }
0x116: {  	[sflag:s15] =	ssyncset.done $0x0  }
0x117: {  	[sflag:s15] =	ssyncadd.s32 $0xFFFFE000  }
0x118: {  	_ =	swait.ge [sflag:s15], $0x2000  }
0x119: {  	[sflag:s15] =	ssyncset.done $0x0  }
0x11a: {  	[sflag:s15] =	ssyncadd.s32 $0xFFFFE000  }
0x11b: {  	_ =	swait.ge [sflag:s15], $0x2000  }
0x11c: {  	[sflag:s15] =	ssyncset.done $0x0  }
0x11d: {  	[sflag:s15] =	ssyncadd.s32 $0xFFFFE000  }
0x11e: {  	_ =	swait.ge [sflag:s15], $0x2000  }
0x11f: {  	[sflag:s15] =	ssyncset.done $0x0  }
0x120: {  	[sflag:s15] =	ssyncadd.s32 $0xFFFFE000  }
0x121: {  	_ =	swait.ge [sflag:s15], $0x2000  }
0x122: {  	[sflag:s15] =	ssyncset.done $0x0  }
0x123: {  	[sflag:s15] =	ssyncadd.s32 $0xFFFFE000  }
0x124: {  	_ =	swait.ge [sflag:s15], $0x2000  }
0x125: {  	[sflag:s15] =	ssyncset.done $0x0  }
0x126: {  	[sflag:s15] =	ssyncadd.s32 $0xFFFFE000  }
0x127: {  	_ =	swait.ge [sflag:s15], $0x2000  }
0x128: {  	[sflag:s15] =	ssyncset.done $0x0  }
0x129: {  	[sflag:s15] =	ssyncadd.s32 $0xFFFFE000  }
0x12a: {  	_ =	swait.ge [sflag:s15], $0x2000  }
0x12b: {  	[sflag:s15] =	ssyncset.done $0x0  }
0x12c: {  	[sflag:s15] =	ssyncadd.s32 $0xFFFFE000  }
0x12d: {  	[bflag:$0x0] =	sbarrier.arrive $0xFFFF  }
0x12e: {  	s10 =	sld [smem:$0x7F8];
	_ =	sdelay $0x1  }
0x12f: {  	s20 =	simm.s32 $0x3000  }
0x130: {  	[tilespmem:s20], [sflag:$0x3] =	stream.linear.gather [spmem:s10], $0x280, $0x38;
	[tilespmem:$0x1F780] =	vst v63  }
0x131: {  	_ =	swait.ge [sflag:s30], $0x280  }
0x132: {  	s2 =	simm.s32 $0x0;
	[sflag:s30] =	ssyncset.done $0x0  }
0x133: {  	s22 =	simm.s32 $0x0;
	s21 =	sld [smem:$0x7D6];
	[sflag:s30] =	ssyncadd.s32 $0xFFFFFD80  }
.LBB2_8:
0x134: {  	s20 =	sld [smem:$0x7E1];
	_ =	sdelay $0x1  }
0x135: {  	s10 =	sshll.u32 s22, $0x6  }
0x136: {  	s3 =	sadd.s32 s20, s10  }
0x137: {  	s20 =	sshll.u32 s3, $0x4  }
0x138: {  	s10 =	sadd.s32 $0x3000, s10;
	s20 =	sadd.s32 s21, s20  }
0x139: {  	[tilespmem:s31], [sflag:$0x3] =	stream.linear.gather [hbm4b:s20+s2], $0x2000, $0x38;
	[tilespmem:$0x1F780] =	vst v63  }
0x13a: {  	v1 =	vmov s10;
	_ =	swait.ge [sflag:s30], $0x2000  }
0x13b: {  	[sflag:s30] =	ssyncset.done $0x0  }
0x13c: {  	s10 =	simm.s32 $0x0;
	[sflag:s30] =	ssyncadd.s32 $0xFFFFE000  }
.LBB2_9:
0x13d: {  	s20 =	sshll.u32 s10, $0x4  }
0x13e: {  	s20 =	sand.u32 $0x3FFFFFF0, s20  }
0x13f: {  	v2 =	vld.idx.msk [tilespmem:v1+s20+$0x0 ss:$0x1], $0xffff;
	_ =	sdelay $0x4  }
0x140: {  	(erf) = vrcp.f32 v2;
	_ =	sdelay $0x5  }
0x141: {  	s20 =	sshll.u32 s10, $0xB  }
0x142: {  	s20 =	sand.u32 $0x3FFFF800, s20  }
0x143: {  	v3 =	vld [tilespmem:s20+$0x3280]  }
0x144: {  	v4 =	vld [tilespmem:s20+$0x3290];
	vm0 =	veq.f32 v2, $0.0e+00;
	v2 =	vpop (erf)  }
0x145: {  	v5 =	vld [tilespmem:s20+$0x32A0];
	v2 =	vsel vm0, $0x0, v2  }
0x146: {  	v7 =	vld [tilespmem:s20+$0x32B0];
	v6 =	vbroadcast v2, $0x0  }
0x147: {  	v8 =	vld [tilespmem:s20+$0x32C0]  }
0x148: {  	v9 =	vld [tilespmem:s20+$0x32D0];
	v3 =	vmul.f32 v6, v3  }
0x149: {  	v10 =	vld [tilespmem:s20+$0x32E0];
	v4 =	vmul.f32 v6, v4  }
0x14a: {  	v24 =	vld [tilespmem:s20+$0x32F0];
	[tilespmem:s20+$0x3280] =	vst v3;
	v3 =	vmul.f32 v5, v6  }
0x14b: {  	v26 =	vld [tilespmem:s20+$0x3300];
	v25 =	vmul.f32 v7, v6;
	[tilespmem:s20+$0x3290] =	vst v4  }
0x14c: {  	v27 =	vld [tilespmem:s20+$0x3310];
	[tilespmem:s20+$0x32A0] =	vst v3;
	v3 =	vmul.f32 v8, v6  }
0x14d: {  	v29 =	vld [tilespmem:s20+$0x3320];
	v28 =	vmul.f32 v9, v6;
	[tilespmem:s20+$0x32B0] =	vst v25  }
0x14e: {  	v11 =	vld [tilespmem:s20+$0x3330];
	v30 =	vbroadcast v2, $0x1;
	[tilespmem:s20+$0x32C0] =	vst v3;
	v3 =	vmul.f32 v10, v6  }
0x14f: {  	v32 =	vld [tilespmem:s20+$0x3340];
	v31 =	vmul.f32 v24, v6;
	[tilespmem:s20+$0x32D0] =	vst v28  }
0x150: {  	v33 =	vld [tilespmem:s20+$0x3350];
	[tilespmem:s20+$0x32E0] =	vst v3;
	v3 =	vmul.f32 v26, v30  }
0x151: {  	v35 =	vld [tilespmem:s20+$0x3360];
	v34 =	vmul.f32 v27, v30;
	[tilespmem:s20+$0x32F0] =	vst v31  }
0x152: {  	v36 =	vld [tilespmem:s20+$0x3370];
	[tilespmem:s20+$0x3300] =	vst v3;
	v3 =	vmul.f32 v29, v30  }
0x153: {  	v38 =	vld [tilespmem:s20+$0x3380];
	v37 =	vmul.f32 v11, v30;
	[tilespmem:s20+$0x3310] =	vst v34  }
0x154: {  	v39 =	vld [tilespmem:s20+$0x3390];
	[tilespmem:s20+$0x3320] =	vst v3;
	v3 =	vmul.f32 v32, v30  }
0x155: {  	v41 =	vld [tilespmem:s20+$0x33A0];
	v40 =	vmul.f32 v33, v30;
	[tilespmem:s20+$0x3330] =	vst v37  }
0x156: {  	v43 =	vld [tilespmem:s20+$0x33B0];
	v42 =	vbroadcast v2, $0x2;
	[tilespmem:s20+$0x3340] =	vst v3;
	v3 =	vmul.f32 v35, v30  }
0x157: {  	v45 =	vld [tilespmem:s20+$0x33C0];
	v44 =	vmul.f32 v36, v30;
	[tilespmem:s20+$0x3350] =	vst v40  }
0x158: {  	v46 =	vld [tilespmem:s20+$0x33D0];
	[tilespmem:s20+$0x3360] =	vst v3;
	v3 =	vmul.f32 v38, v42  }
0x159: {  	v48 =	vld [tilespmem:s20+$0x33E0];
	v47 =	vmul.f32 v39, v42;
	[tilespmem:s20+$0x3370] =	vst v44  }
0x15a: {  	v49 =	vld [tilespmem:s20+$0x33F0];
	[tilespmem:s20+$0x3380] =	vst v3;
	v3 =	vmul.f32 v41, v42  }
0x15b: {  	v51 =	vld [tilespmem:s20+$0x3400];
	v50 =	vmul.f32 v43, v42;
	[tilespmem:s20+$0x3390] =	vst v47  }
0x15c: {  	v52 =	vld [tilespmem:s20+$0x3410];
	[tilespmem:s20+$0x33A0] =	vst v3;
	v3 =	vmul.f32 v45, v42  }
0x15d: {  	v54 =	vld [tilespmem:s20+$0x3420];
	v53 =	vmul.f32 v46, v42;
	[tilespmem:s20+$0x33B0] =	vst v50  }
0x15e: {  	v56 =	vld [tilespmem:s20+$0x3430];
	v55 =	vbroadcast v2, $0x3;
	[tilespmem:s20+$0x33C0] =	vst v3;
	v3 =	vmul.f32 v48, v42  }
0x15f: {  	v58 =	vld [tilespmem:s20+$0x3440];
	v57 =	vmul.f32 v49, v42;
	[tilespmem:s20+$0x33D0] =	vst v53  }
0x160: {  	v59 =	vld [tilespmem:s20+$0x3450];
	[tilespmem:s20+$0x33E0] =	vst v3;
	v3 =	vmul.f32 v51, v55  }
0x161: {  	v61 =	vld [tilespmem:s20+$0x3460];
	v60 =	vmul.f32 v52, v55;
	[tilespmem:s20+$0x33F0] =	vst v57  }
0x162: {  	v62 =	vld [tilespmem:s20+$0x3470];
	[tilespmem:s20+$0x3400] =	vst v3;
	v3 =	vmul.f32 v54, v55  }
0x163: {  	v12 =	vld [tilespmem:s20+$0x3480];
	v63 =	vmul.f32 v56, v55;
	[tilespmem:s20+$0x3410] =	vst v60  }
0x164: {  	v13 =	vld [tilespmem:s20+$0x3490];
	[tilespmem:s20+$0x3420] =	vst v3;
	v3 =	vmul.f32 v58, v55  }
0x165: {  	v15 =	vld [tilespmem:s20+$0x34A0];
	v14 =	vmul.f32 v59, v55;
	[tilespmem:s20+$0x3430] =	vst v63  }
0x166: {  	v17 =	vld [tilespmem:s20+$0x34B0];
	v16 =	vbroadcast v2, $0x4;
	[tilespmem:s20+$0x3440] =	vst v3;
	v3 =	vmul.f32 v61, v55  }
0x167: {  	v19 =	vld [tilespmem:s20+$0x34C0];
	v18 =	vmul.f32 v62, v55;
	[tilespmem:s20+$0x3450] =	vst v14  }
0x168: {  	v20 =	vld [tilespmem:s20+$0x34D0];
	[tilespmem:s20+$0x3460] =	vst v3;
	v3 =	vmul.f32 v12, v16  }
0x169: {  	v22 =	vld [tilespmem:s20+$0x34E0];
	v21 =	vmul.f32 v13, v16;
	[tilespmem:s20+$0x3470] =	vst v18  }
0x16a: {  	v23 =	vld [tilespmem:s20+$0x34F0];
	[tilespmem:s20+$0x3480] =	vst v3;
	v3 =	vmul.f32 v15, v16  }
0x16b: {  	v24 =	vmul.f32 v17, v16;
	[tilespmem:s20+$0x3490] =	vst v21;
	v25 =	vld [tilespmem:s20+$0x3500]  }
0x16c: {  	v33 =	vld [tilespmem:s20+$0x3550];
	[tilespmem:s20+$0x34A0] =	vst v3;
	v3 =	vmul.f32 v19, v16  }
0x16d: {  	v27 =	vmul.f32 v20, v16;
	[tilespmem:s20+$0x34B0] =	vst v24;
	v28 =	vld [tilespmem:s20+$0x3520]  }
0x16e: {  	v36 =	vld [tilespmem:s20+$0x3570];
	v29 =	vbroadcast v2, $0x5;
	[tilespmem:s20+$0x34C0] =	vst v3;
	v3 =	vmul.f32 v22, v16  }
0x16f: {  	[tilespmem:s20+$0x34D0] =	vst v27;
	v31 =	vmul.f32 v23, v16;
	v32 =	vld [tilespmem:s20+$0x3540]  }
0x170: {  	v26 =	vld [tilespmem:s20+$0x3510];
	[tilespmem:s20+$0x34E0] =	vst v3;
	v3 =	vmul.f32 v25, v29  }
0x171: {  	[tilespmem:s20+$0x34F0] =	vst v31;
	v40 =	vmul.f32 v33, v29;
	v35 =	vld [tilespmem:s20+$0x3560]  }
0x172: {  	v30 =	vld [tilespmem:s20+$0x3530];
	[tilespmem:s20+$0x3500] =	vst v3;
	v3 =	vmul.f32 v28, v29  }
0x173: {  	v44 =	vmul.f32 v36, v29;
	[tilespmem:s20+$0x3550] =	vst v40;
	v38 =	vld [tilespmem:s20+$0x3580]  }
0x174: {  	v39 =	vld [tilespmem:s20+$0x3590];
	[tilespmem:s20+$0x3520] =	vst v3;
	v3 =	vmul.f32 v32, v29  }
0x175: {  	v34 =	vmul.f32 v26, v29;
	[tilespmem:s20+$0x3570] =	vst v44;
	v41 =	vld [tilespmem:s20+$0x35A0]  }
0x176: {  	v43 =	vld [tilespmem:s20+$0x35B0];
	v42 =	vbroadcast v2, $0x6;
	[tilespmem:s20+$0x3540] =	vst v3;
	v3 =	vmul.f32 v35, v29  }
0x177: {  	[tilespmem:s20+$0x3510] =	vst v34;
	v37 =	vmul.f32 v30, v29;
	v45 =	vld [tilespmem:s20+$0x35C0]  }
0x178: {  	v46 =	vld [tilespmem:s20+$0x35D0];
	[tilespmem:s20+$0x3560] =	vst v3;
	v3 =	vmul.f32 v38, v42  }
0x179: {  	[tilespmem:s20+$0x3530] =	vst v37;
	v48 =	vld [tilespmem:s20+$0x35E0];
	v47 =	vmul.f32 v39, v42  }
0x17a: {  	v49 =	vld [tilespmem:s20+$0x35F0];
	[tilespmem:s20+$0x3580] =	vst v3;
	v3 =	vmul.f32 v41, v42  }
0x17b: {  	v50 =	vmul.f32 v43, v42;
	v51 =	vld [tilespmem:s20+$0x3600];
	[tilespmem:s20+$0x3590] =	vst v47  }
0x17c: {  	v52 =	vld [tilespmem:s20+$0x3610];
	[tilespmem:s20+$0x35A0] =	vst v3;
	v3 =	vmul.f32 v45, v42  }
0x17d: {  	v53 =	vmul.f32 v46, v42;
	[tilespmem:s20+$0x35B0] =	vst v50;
	v54 =	vld [tilespmem:s20+$0x3620]  }
0x17e: {  	v56 =	vld [tilespmem:s20+$0x3630];
	v55 =	vbroadcast v2, $0x7;
	[tilespmem:s20+$0x35C0] =	vst v3;
	v3 =	vmul.f32 v48, v42  }
0x17f: {  	v57 =	vmul.f32 v49, v42;
	[tilespmem:s20+$0x35D0] =	vst v53;
	v58 =	vld [tilespmem:s20+$0x3640]  }
0x180: {  	v59 =	vld [tilespmem:s20+$0x3650];
	[tilespmem:s20+$0x35E0] =	vst v3;
	v3 =	vmul.f32 v51, v55  }
0x181: {  	[tilespmem:s20+$0x35F0] =	vst v57;
	v61 =	vld [tilespmem:s20+$0x3660];
	v60 =	vmul.f32 v52, v55  }
0x182: {  	v62 =	vld [tilespmem:s20+$0x3670];
	[tilespmem:s20+$0x3600] =	vst v3;
	v3 =	vmul.f32 v54, v55  }
0x183: {  	v63 =	vmul.f32 v56, v55;
	v12 =	vld [tilespmem:s20+$0x3680];
	[tilespmem:s20+$0x3610] =	vst v60  }
0x184: {  	v13 =	vld [tilespmem:s20+$0x3690];
	[tilespmem:s20+$0x3620] =	vst v3;
	v3 =	vmul.f32 v58, v55  }
0x185: {  	v14 =	vmul.f32 v59, v55;
	[tilespmem:s20+$0x3630] =	vst v63;
	v15 =	vld [tilespmem:s20+$0x36A0]  }
0x186: {  	v17 =	vld [tilespmem:s20+$0x36B0];
	v16 =	vbroadcast v2, $0x8;
	[tilespmem:s20+$0x3640] =	vst v3;
	v3 =	vmul.f32 v61, v55  }
0x187: {  	v18 =	vmul.f32 v62, v55;
	[tilespmem:s20+$0x3650] =	vst v14;
	v19 =	vld [tilespmem:s20+$0x36C0]  }
0x188: {  	v20 =	vld [tilespmem:s20+$0x36D0];
	[tilespmem:s20+$0x3660] =	vst v3;
	v3 =	vmul.f32 v12, v16  }
0x189: {  	[tilespmem:s20+$0x3670] =	vst v18;
	v22 =	vld [tilespmem:s20+$0x36E0];
	v21 =	vmul.f32 v13, v16  }
0x18a: {  	v23 =	vld [tilespmem:s20+$0x36F0];
	[tilespmem:s20+$0x3680] =	vst v3;
	v3 =	vmul.f32 v15, v16  }
0x18b: {  	v24 =	vmul.f32 v17, v16;
	v25 =	vld [tilespmem:s20+$0x3700];
	[tilespmem:s20+$0x3690] =	vst v21  }
0x18c: {  	v26 =	vld [tilespmem:s20+$0x3710];
	[tilespmem:s20+$0x36A0] =	vst v3;
	v3 =	vmul.f32 v19, v16  }
0x18d: {  	v27 =	vmul.f32 v20, v16;
	[tilespmem:s20+$0x36B0] =	vst v24;
	v28 =	vld [tilespmem:s20+$0x3720]  }
0x18e: {  	v30 =	vld [tilespmem:s20+$0x3730];
	v29 =	vbroadcast v2, $0x9;
	[tilespmem:s20+$0x36C0] =	vst v3;
	v3 =	vmul.f32 v22, v16  }
0x18f: {  	v31 =	vmul.f32 v23, v16;
	[tilespmem:s20+$0x36D0] =	vst v27;
	v32 =	vld [tilespmem:s20+$0x3740]  }
0x190: {  	v33 =	vld [tilespmem:s20+$0x3750];
	[tilespmem:s20+$0x36E0] =	vst v3;
	v3 =	vmul.f32 v25, v29  }
0x191: {  	[tilespmem:s20+$0x36F0] =	vst v31;
	v35 =	vld [tilespmem:s20+$0x3760];
	v34 =	vmul.f32 v26, v29  }
0x192: {  	v36 =	vld [tilespmem:s20+$0x3770];
	[tilespmem:s20+$0x3700] =	vst v3;
	v3 =	vmul.f32 v28, v29  }
0x193: {  	v37 =	vmul.f32 v30, v29;
	v38 =	vld [tilespmem:s20+$0x3780];
	[tilespmem:s20+$0x3710] =	vst v34  }
0x194: {  	v39 =	vld [tilespmem:s20+$0x3790];
	[tilespmem:s20+$0x3720] =	vst v3;
	v3 =	vmul.f32 v32, v29  }
0x195: {  	v40 =	vmul.f32 v33, v29;
	[tilespmem:s20+$0x3730] =	vst v37;
	v41 =	vld [tilespmem:s20+$0x37A0]  }
0x196: {  	v43 =	vld [tilespmem:s20+$0x37B0];
	v42 =	vbroadcast v2, $0xA;
	[tilespmem:s20+$0x3740] =	vst v3;
	v3 =	vmul.f32 v35, v29  }
0x197: {  	v44 =	vmul.f32 v36, v29;
	[tilespmem:s20+$0x3750] =	vst v40;
	v45 =	vld [tilespmem:s20+$0x37C0]  }
0x198: {  	v46 =	vld [tilespmem:s20+$0x37D0];
	[tilespmem:s20+$0x3760] =	vst v3;
	v3 =	vmul.f32 v38, v42  }
0x199: {  	[tilespmem:s20+$0x3770] =	vst v44;
	v48 =	vld [tilespmem:s20+$0x37E0];
	v47 =	vmul.f32 v39, v42  }
0x19a: {  	v49 =	vld [tilespmem:s20+$0x37F0];
	[tilespmem:s20+$0x3780] =	vst v3;
	v3 =	vmul.f32 v41, v42  }
0x19b: {  	v50 =	vmul.f32 v43, v42;
	v51 =	vld [tilespmem:s20+$0x3800];
	[tilespmem:s20+$0x3790] =	vst v47  }
0x19c: {  	v52 =	vld [tilespmem:s20+$0x3810];
	[tilespmem:s20+$0x37A0] =	vst v3;
	v3 =	vmul.f32 v45, v42  }
0x19d: {  	v53 =	vmul.f32 v46, v42;
	[tilespmem:s20+$0x37B0] =	vst v50;
	v54 =	vld [tilespmem:s20+$0x3820]  }
0x19e: {  	v56 =	vld [tilespmem:s20+$0x3830];
	v55 =	vbroadcast v2, $0xB;
	[tilespmem:s20+$0x37C0] =	vst v3;
	v3 =	vmul.f32 v48, v42  }
0x19f: {  	v57 =	vmul.f32 v49, v42;
	[tilespmem:s20+$0x37D0] =	vst v53;
	v58 =	vld [tilespmem:s20+$0x3840]  }
0x1a0: {  	v59 =	vld [tilespmem:s20+$0x3850];
	[tilespmem:s20+$0x37E0] =	vst v3;
	v3 =	vmul.f32 v51, v55  }
0x1a1: {  	[tilespmem:s20+$0x37F0] =	vst v57;
	v61 =	vld [tilespmem:s20+$0x3860];
	v60 =	vmul.f32 v52, v55  }
0x1a2: {  	v62 =	vld [tilespmem:s20+$0x3870];
	[tilespmem:s20+$0x3800] =	vst v3;
	v3 =	vmul.f32 v54, v55  }
0x1a3: {  	v63 =	vmul.f32 v56, v55;
	v12 =	vld [tilespmem:s20+$0x3880];
	[tilespmem:s20+$0x3810] =	vst v60  }
0x1a4: {  	v13 =	vld [tilespmem:s20+$0x3890];
	[tilespmem:s20+$0x3820] =	vst v3;
	v3 =	vmul.f32 v58, v55  }
0x1a5: {  	v14 =	vmul.f32 v59, v55;
	[tilespmem:s20+$0x3830] =	vst v63;
	v15 =	vld [tilespmem:s20+$0x38A0]  }
0x1a6: {  	v17 =	vld [tilespmem:s20+$0x38B0];
	v16 =	vbroadcast v2, $0xC;
	[tilespmem:s20+$0x3840] =	vst v3;
	v3 =	vmul.f32 v61, v55  }
0x1a7: {  	v18 =	vmul.f32 v62, v55;
	[tilespmem:s20+$0x3850] =	vst v14;
	v19 =	vld [tilespmem:s20+$0x38C0]  }
0x1a8: {  	v20 =	vld [tilespmem:s20+$0x38D0];
	[tilespmem:s20+$0x3860] =	vst v3;
	v3 =	vmul.f32 v12, v16  }
0x1a9: {  	[tilespmem:s20+$0x3870] =	vst v18;
	v22 =	vld [tilespmem:s20+$0x38E0];
	v21 =	vmul.f32 v13, v16  }
0x1aa: {  	v23 =	vld [tilespmem:s20+$0x38F0];
	[tilespmem:s20+$0x3880] =	vst v3;
	v3 =	vmul.f32 v15, v16  }
0x1ab: {  	v24 =	vmul.f32 v17, v16;
	v25 =	vld [tilespmem:s20+$0x3900];
	[tilespmem:s20+$0x3890] =	vst v21  }
0x1ac: {  	v26 =	vld [tilespmem:s20+$0x3910];
	[tilespmem:s20+$0x38A0] =	vst v3;
	v3 =	vmul.f32 v19, v16  }
0x1ad: {  	v27 =	vmul.f32 v20, v16;
	[tilespmem:s20+$0x38B0] =	vst v24;
	v28 =	vld [tilespmem:s20+$0x3920]  }
0x1ae: {  	v30 =	vld [tilespmem:s20+$0x3930];
	v29 =	vbroadcast v2, $0xD;
	[tilespmem:s20+$0x38C0] =	vst v3;
	v3 =	vmul.f32 v22, v16  }
0x1af: {  	v31 =	vmul.f32 v23, v16;
	[tilespmem:s20+$0x38D0] =	vst v27;
	v32 =	vld [tilespmem:s20+$0x3940]  }
0x1b0: {  	v33 =	vld [tilespmem:s20+$0x3950];
	[tilespmem:s20+$0x38E0] =	vst v3;
	v3 =	vmul.f32 v25, v29  }
0x1b1: {  	[tilespmem:s20+$0x38F0] =	vst v31;
	v35 =	vld [tilespmem:s20+$0x3960];
	v34 =	vmul.f32 v26, v29  }
0x1b2: {  	v36 =	vld [tilespmem:s20+$0x3970];
	[tilespmem:s20+$0x3900] =	vst v3;
	v3 =	vmul.f32 v28, v29  }
0x1b3: {  	v37 =	vmul.f32 v30, v29;
	v38 =	vld [tilespmem:s20+$0x3980];
	[tilespmem:s20+$0x3910] =	vst v34  }
0x1b4: {  	v39 =	vld [tilespmem:s20+$0x3990];
	[tilespmem:s20+$0x3920] =	vst v3;
	v3 =	vmul.f32 v32, v29  }
0x1b5: {  	v40 =	vmul.f32 v33, v29;
	[tilespmem:s20+$0x3930] =	vst v37;
	v41 =	vld [tilespmem:s20+$0x39A0]  }
0x1b6: {  	v43 =	vld [tilespmem:s20+$0x39B0];
	v42 =	vbroadcast v2, $0xE;
	[tilespmem:s20+$0x3940] =	vst v3;
	v3 =	vmul.f32 v35, v29  }
0x1b7: {  	v44 =	vmul.f32 v36, v29;
	[tilespmem:s20+$0x3950] =	vst v40;
	v45 =	vld [tilespmem:s20+$0x39C0]  }
0x1b8: {  	v46 =	vld [tilespmem:s20+$0x39D0];
	[tilespmem:s20+$0x3960] =	vst v3;
	v3 =	vmul.f32 v38, v42  }
0x1b9: {  	[tilespmem:s20+$0x3970] =	vst v44;
	v48 =	vld [tilespmem:s20+$0x39E0];
	v47 =	vmul.f32 v39, v42  }
0x1ba: {  	v49 =	vld [tilespmem:s20+$0x39F0];
	[tilespmem:s20+$0x3980] =	vst v3;
	v3 =	vmul.f32 v41, v42  }
0x1bb: {  	v50 =	vmul.f32 v43, v42;
	v51 =	vld [tilespmem:s20+$0x3A00];
	[tilespmem:s20+$0x3990] =	vst v47  }
0x1bc: {  	v52 =	vld [tilespmem:s20+$0x3A10];
	[tilespmem:s20+$0x39A0] =	vst v3;
	v3 =	vmul.f32 v45, v42  }
0x1bd: {  	v53 =	vmul.f32 v46, v42;
	[tilespmem:s20+$0x39B0] =	vst v50;
	v54 =	vld [tilespmem:s20+$0x3A20]  }
0x1be: {  	v2 =	vbroadcast v2, $0xF;
	v58 =	vld [tilespmem:s20+$0x3A50];
	[tilespmem:s20+$0x39C0] =	vst v3;
	v3 =	vmul.f32 v48, v42  }
0x1bf: {  	v57 =	vld [tilespmem:s20+$0x3A40];
	v56 =	vmul.f32 v49, v42;
	[tilespmem:s20+$0x39D0] =	vst v53  }
0x1c0: {  	v55 =	vld [tilespmem:s20+$0x3A30];
	[tilespmem:s20+$0x39E0] =	vst v3;
	v3 =	vmul.f32 v51, v2  }
0x1c1: {  	v60 =	vld [tilespmem:s20+$0x3A60];
	v59 =	vmul.f32 v52, v2;
	[tilespmem:s20+$0x39F0] =	vst v56  }
0x1c2: {  	v61 =	vld [tilespmem:s20+$0x3A70];
	[tilespmem:s20+$0x3A00] =	vst v3;
	v3 =	vmul.f32 v54, v2  }
0x1c3: {  	[tilespmem:s20+$0x3A10] =	vst v59;
	v63 =	vmul.f32 v58, v2  }
0x1c4: {  	p0 =	sne.s32 s10, $0x3;
	[tilespmem:s20+$0x3A20] =	vst v3;
	v3 =	vmul.f32 v57, v2  }
.Ltmp3:
0x1c5: {  	v62 =	vmul.f32 v55, v2;
	[tilespmem:s20+$0x3A50] =	vst v63;
	(pc) =	sbr.rel @p0 .LBB2_9-.Ltmp3, $4  }
0x1c6: {  	[tilespmem:s20+$0x3A40] =	vst v3;
	v3 =	vmul.f32 v60, v2  }
0x1c7: {  	[tilespmem:s20+$0x3A30] =	vst v62;
	v2 =	vmul.f32 v61, v2  }
0x1c8: {  	[tilespmem:s20+$0x3A60] =	vst v3  }
0x1c9: {  	s10 =	sadd.s32 $0x1, s10;
	[tilespmem:s20+$0x3A70] =	vst v2  }
0x1ca: {  	s10 =	sld [smem:$0x7D8];
	_ =	sdelay $0x2  }
0x1cb: {  	s22 =	sadd.s32 $0x1, s22;
	s10 =	sadd.s32 s10, s3  }
0x1cc: {  	p0 =	sne.s32 s22, $0xA;
	s10 =	sshll.u32 s10, $0x4  }
.Ltmp4:
0x1cd: {  	s10 =	sadd.s32 s11, s10;
	(pc) =	sbr.rel @p0 .LBB2_8-.Ltmp4, $4  }
0x1ce: {  	[hbm4b:s10+s6] =	stream.linear.scatter [tilespmem:s31], [sflag:$0x3], $0x2000, $0x38;
	[tilespmem:$0x1F780] =	vst v63  }
0x1cf: {  	_ =	swait.ge [sflag:s30], $0x2000  }
0x1d0: {  	[sflag:s30] =	ssyncset.done $0x0  }
0x1d1: {  	[sflag:s30] =	ssyncadd.s32 $0xFFFFE000  }
0x1d2: {  	[smem:$0x7D3] =	sst s1  }
0x1d3: {  	[bflag:$0x0] =	sbarrier.arrive $0xFFFF  }
0x1d4: {  	s10 =	rddreg [dreg:$0x6]  }
0x1d5: {  	s10 =	sadd.s32 $0x0, s10  }
0x1d6: {  	[tilespmem:s6], [sflag:$0x3] =	stream.linear.gather [hbm4b:s10+s6], $0x1000, $0x38;
	[tilespmem:$0x1F780] =	vst v63  }
0x1d7: {  	_ =	swait.ge [sflag:s30], $0x1000  }
0x1d8: {  	s21 =	rddreg [dreg:$0x5];
	[sflag:s30] =	ssyncset.done $0x0  }
0x1d9: {  	s1 =	simm.s32 $0x1000;
	[sflag:s30] =	ssyncadd.s32 $0xFFFFF000;
	s10 =	sadd.s32 $0x0, s21  }
0x1da: {  	[tilespmem:s1], [sflag:$0x3] =	stream.linear.gather [hbm4b:s10+s6], $0x1000, $0x38;
	[tilespmem:$0x1F780] =	vst v63  }
0x1db: {  	_ =	swait.ge [sflag:s30], $0x1000  }
0x1dc: {  	[sflag:s30] =	ssyncset.done $0x0  }
0x1dd: {  	[sflag:s30] =	ssyncadd.s32 $0xFFFFF000  }
0x1de: {  	[tilespmem:s31], [sflag:$0x1] =	stream.indirect.gather [hbm4b:s11+s0], $0x80, s6, s0, $0xb8;
	[tilespmem:$0x1F780] =	vst v63  }
0x1df: {  	s22 =	rddreg [dreg:$0x7]  }
0x1e0: {  	[tilespmem:s17], [sflag:$0x1] =	stream.indirect.gather [hbm4b:s11+s0], $0x80, s22, s0, $0xb8;
	[tilespmem:$0x1F780] =	vst v63  }
0x1e1: {  	s20 =	rddreg [dreg:$0x8]  }
0x1e2: {  	[tilespmem:s18], [sflag:$0x1] =	stream.indirect.gather [hbm4b:s11+s0], $0x80, s20, s0, $0xb8;
	[tilespmem:$0x1F780] =	vst v63  }
0x1e3: {  	s2 =	rddreg [dreg:$0x9]  }
0x1e4: {  	[tilespmem:s19], [sflag:$0x1] =	stream.indirect.gather [hbm4b:s11+s0], $0x80, s2, s0, $0xb8;
	[tilespmem:$0x1F780] =	vst v63  }
0x1e5: {  	_ =	swait.ge [sflag:s15], $0x2000  }
0x1e6: {  	[sflag:s15] =	ssyncset.done $0x0  }
0x1e7: {  	[sflag:s15] =	ssyncadd.s32 $0xFFFFE000  }
0x1e8: {  	[spmem:s4] =	stream.indirect.scatter.add.f32 [tilespmem:s31], [sflag:$0x3], $0x80, s1, s0, $0xb8;
	[tilespmem:$0x1F780] =	vst v63  }
0x1e9: {  	_ =	swait.ge [sflag:s30], $0x2000  }
0x1ea: {  	[sflag:s30] =	ssyncset.done $0x0  }
0x1eb: {  	s3 =	rddreg [dreg:$0xa];
	[sflag:s30] =	ssyncadd.s32 $0xFFFFE000  }
0x1ec: {  	[tilespmem:s31], [sflag:$0x1] =	stream.indirect.gather [hbm4b:s11+s0], $0x80, s3, s0, $0xb8;
	[tilespmem:$0x1F780] =	vst v63  }
0x1ed: {  	_ =	swait.ge [sflag:s15], $0x2000  }
0x1ee: {  	[sflag:s15] =	ssyncset.done $0x0  }
0x1ef: {  	s20 =	rddreg [dreg:$0xb];
	[sflag:s15] =	ssyncadd.s32 $0xFFFFE000  }
0x1f0: {  	[spmem:s4] =	stream.indirect.scatter.add.f32 [tilespmem:s17], [sflag:$0x3], $0x80, s20, s0, $0xb8;
	[tilespmem:$0x1F780] =	vst v63  }
0x1f1: {  	_ =	swait.ge [sflag:s30], $0x2000  }
0x1f2: {  	[sflag:s30] =	ssyncset.done $0x0  }
0x1f3: {  	s21 =	rddreg [dreg:$0xc];
	[sflag:s30] =	ssyncadd.s32 $0xFFFFE000  }
0x1f4: {  	[tilespmem:s17], [sflag:$0x1] =	stream.indirect.gather [hbm4b:s11+s0], $0x80, s21, s0, $0xb8;
	[tilespmem:$0x1F780] =	vst v63  }
0x1f5: {  	_ =	swait.ge [sflag:s15], $0x2000  }
0x1f6: {  	[sflag:s15] =	ssyncset.done $0x0  }
0x1f7: {  	s22 =	rddreg [dreg:$0xd];
	[sflag:s15] =	ssyncadd.s32 $0xFFFFE000  }
0x1f8: {  	[spmem:s4] =	stream.indirect.scatter.add.f32 [tilespmem:s18], [sflag:$0x3], $0x80, s22, s0, $0xb8;
	[tilespmem:$0x1F780] =	vst v63  }
0x1f9: {  	_ =	swait.ge [sflag:s30], $0x2000  }
0x1fa: {  	[sflag:s30] =	ssyncset.done $0x0  }
0x1fb: {  	s2 =	rddreg [dreg:$0xe];
	[sflag:s30] =	ssyncadd.s32 $0xFFFFE000  }
0x1fc: {  	[tilespmem:s18], [sflag:$0x1] =	stream.indirect.gather [hbm4b:s11+s0], $0x80, s2, s0, $0xb8;
	[tilespmem:$0x1F780] =	vst v63  }
0x1fd: {  	_ =	swait.ge [sflag:s15], $0x2000  }
0x1fe: {  	[sflag:s15] =	ssyncset.done $0x0  }
0x1ff: {  	s3 =	rddreg [dreg:$0xf];
	[sflag:s15] =	ssyncadd.s32 $0xFFFFE000  }
0x200: {  	[spmem:s4] =	stream.indirect.scatter.add.f32 [tilespmem:s19], [sflag:$0x3], $0x80, s3, s0, $0xb8;
	[tilespmem:$0x1F780] =	vst v63  }
0x201: {  	_ =	swait.ge [sflag:s30], $0x2000  }
0x202: {  	[sflag:s30] =	ssyncset.done $0x0  }
0x203: {  	s20 =	rddreg [dreg:$0x10];
	[sflag:s30] =	ssyncadd.s32 $0xFFFFE000  }
0x204: {  	[tilespmem:s19], [sflag:$0x1] =	stream.indirect.gather [hbm4b:s11+s0], $0x80, s20, s0, $0xb8;
	[tilespmem:$0x1F780] =	vst v63  }
0x205: {  	_ =	swait.ge [sflag:s15], $0x2000  }
0x206: {  	[sflag:s15] =	ssyncset.done $0x0  }
0x207: {  	s21 =	rddreg [dreg:$0x11];
	[sflag:s15] =	ssyncadd.s32 $0xFFFFE000  }
0x208: {  	[spmem:s4] =	stream.indirect.scatter.add.f32 [tilespmem:s31], [sflag:$0x3], $0x80, s21, s0, $0xb8;
	[tilespmem:$0x1F780] =	vst v63  }
0x209: {  	_ =	swait.ge [sflag:s30], $0x2000  }
0x20a: {  	[sflag:s30] =	ssyncset.done $0x0  }
0x20b: {  	s22 =	rddreg [dreg:$0x12];
	[sflag:s30] =	ssyncadd.s32 $0xFFFFE000  }
0x20c: {  	[tilespmem:s31], [sflag:$0x1] =	stream.indirect.gather [hbm4b:s11+s0], $0x80, s22, s0, $0xb8;
	[tilespmem:$0x1F780] =	vst v63  }
0x20d: {  	_ =	swait.ge [sflag:s15], $0x2000  }
0x20e: {  	[sflag:s15] =	ssyncset.done $0x0  }
0x20f: {  	s2 =	rddreg [dreg:$0x13];
	[sflag:s15] =	ssyncadd.s32 $0xFFFFE000  }
0x210: {  	[spmem:s4] =	stream.indirect.scatter.add.f32 [tilespmem:s17], [sflag:$0x3], $0x80, s2, s0, $0xb8;
	[tilespmem:$0x1F780] =	vst v63  }
0x211: {  	_ =	swait.ge [sflag:s30], $0x2000  }
0x212: {  	[sflag:s30] =	ssyncset.done $0x0  }
0x213: {  	s3 =	rddreg [dreg:$0x14];
	[sflag:s30] =	ssyncadd.s32 $0xFFFFE000  }
0x214: {  	[tilespmem:s17], [sflag:$0x1] =	stream.indirect.gather [hbm4b:s11+s0], $0x80, s3, s0, $0xb8;
	[tilespmem:$0x1F780] =	vst v63  }
0x215: {  	_ =	swait.ge [sflag:s15], $0x2000  }
0x216: {  	[sflag:s15] =	ssyncset.done $0x0  }
0x217: {  	s20 =	rddreg [dreg:$0x15];
	[sflag:s15] =	ssyncadd.s32 $0xFFFFE000  }
0x218: {  	[spmem:s4] =	stream.indirect.scatter.add.f32 [tilespmem:s18], [sflag:$0x3], $0x80, s20, s0, $0xb8;
	[tilespmem:$0x1F780] =	vst v63  }
0x219: {  	_ =	swait.ge [sflag:s30], $0x2000  }
0x21a: {  	[sflag:s30] =	ssyncset.done $0x0  }
0x21b: {  	s21 =	rddreg [dreg:$0x16];
	[sflag:s30] =	ssyncadd.s32 $0xFFFFE000  }
0x21c: {  	[tilespmem:s18], [sflag:$0x1] =	stream.indirect.gather [hbm4b:s11+s0], $0x80, s21, s0, $0xb8;
	[tilespmem:$0x1F780] =	vst v63  }
0x21d: {  	_ =	swait.ge [sflag:s15], $0x2000  }
0x21e: {  	[sflag:s15] =	ssyncset.done $0x0  }
0x21f: {  	s22 =	rddreg [dreg:$0x17];
	[sflag:s15] =	ssyncadd.s32 $0xFFFFE000  }
0x220: {  	[spmem:s4] =	stream.indirect.scatter.add.f32 [tilespmem:s19], [sflag:$0x3], $0x80, s22, s0, $0xb8;
	[tilespmem:$0x1F780] =	vst v63  }
0x221: {  	_ =	swait.ge [sflag:s30], $0x2000  }
0x222: {  	[sflag:s30] =	ssyncset.done $0x0  }
0x223: {  	s2 =	rddreg [dreg:$0x18];
	[sflag:s30] =	ssyncadd.s32 $0xFFFFE000  }
0x224: {  	[tilespmem:s19], [sflag:$0x1] =	stream.indirect.gather [hbm4b:s11+s0], $0x80, s2, s0, $0xb8;
	[tilespmem:$0x1F780] =	vst v63  }
0x225: {  	_ =	swait.ge [sflag:s15], $0x2000  }
0x226: {  	[sflag:s15] =	ssyncset.done $0x0  }
0x227: {  	s3 =	rddreg [dreg:$0x19];
	[sflag:s15] =	ssyncadd.s32 $0xFFFFE000  }
0x228: {  	[spmem:s4] =	stream.indirect.scatter.add.f32 [tilespmem:s31], [sflag:$0x3], $0x80, s3, s0, $0xb8;
	[tilespmem:$0x1F780] =	vst v63  }
0x229: {  	_ =	swait.ge [sflag:s30], $0x2000  }
0x22a: {  	[sflag:s30] =	ssyncset.done $0x0  }
0x22b: {  	s20 =	rddreg [dreg:$0x1a];
	[sflag:s30] =	ssyncadd.s32 $0xFFFFE000  }
0x22c: {  	[tilespmem:s31], [sflag:$0x1] =	stream.indirect.gather [hbm4b:s11+s0], $0x80, s20, s0, $0xb8;
	[tilespmem:$0x1F780] =	vst v63  }
0x22d: {  	_ =	swait.ge [sflag:s15], $0x2000  }
0x22e: {  	[sflag:s15] =	ssyncset.done $0x0  }
0x22f: {  	s21 =	rddreg [dreg:$0x1b];
	[sflag:s15] =	ssyncadd.s32 $0xFFFFE000  }
0x230: {  	[spmem:s4] =	stream.indirect.scatter.add.f32 [tilespmem:s17], [sflag:$0x3], $0x80, s21, s0, $0xb8;
	[tilespmem:$0x1F780] =	vst v63  }
0x231: {  	_ =	swait.ge [sflag:s30], $0x2000  }
0x232: {  	[sflag:s30] =	ssyncset.done $0x0  }
0x233: {  	s22 =	rddreg [dreg:$0x1c];
	[sflag:s30] =	ssyncadd.s32 $0xFFFFE000  }
0x234: {  	[tilespmem:s17], [sflag:$0x1] =	stream.indirect.gather [hbm4b:s11+s0], $0x80, s22, s0, $0xb8;
	[tilespmem:$0x1F780] =	vst v63  }
0x235: {  	_ =	swait.ge [sflag:s15], $0x2000  }
0x236: {  	[sflag:s15] =	ssyncset.done $0x0  }
0x237: {  	s2 =	rddreg [dreg:$0x1d];
	[sflag:s15] =	ssyncadd.s32 $0xFFFFE000  }
0x238: {  	[spmem:s4] =	stream.indirect.scatter.add.f32 [tilespmem:s18], [sflag:$0x3], $0x80, s2, s0, $0xb8;
	[tilespmem:$0x1F780] =	vst v63  }
0x239: {  	_ =	swait.ge [sflag:s30], $0x2000  }
0x23a: {  	[sflag:s30] =	ssyncset.done $0x0  }
0x23b: {  	s3 =	rddreg [dreg:$0x1e];
	[sflag:s30] =	ssyncadd.s32 $0xFFFFE000  }
0x23c: {  	[tilespmem:s18], [sflag:$0x1] =	stream.indirect.gather [hbm4b:s11+s0], $0x80, s3, s0, $0xb8;
	[tilespmem:$0x1F780] =	vst v63  }
0x23d: {  	_ =	swait.ge [sflag:s15], $0x2000  }
0x23e: {  	[sflag:s15] =	ssyncset.done $0x0  }
0x23f: {  	s20 =	rddreg [dreg:$0x1f];
	[sflag:s15] =	ssyncadd.s32 $0xFFFFE000  }
0x240: {  	[spmem:s4] =	stream.indirect.scatter.add.f32 [tilespmem:s19], [sflag:$0x3], $0x80, s20, s0, $0xb8;
	[tilespmem:$0x1F780] =	vst v63  }
0x241: {  	_ =	swait.ge [sflag:s30], $0x2000  }
0x242: {  	s21 =	sld [smem:$0x7D7]  }
0x243: {  	[sflag:s30] =	ssyncset.done $0x0  }
0x244: {  	[sflag:s30] =	ssyncadd.s32 $0xFFFFE000  }
0x245: {  	[tilespmem:s19], [sflag:$0x1] =	stream.indirect.gather [hbm4b:s11+s0], $0x80, s21, s0, $0xb8;
	[tilespmem:$0x1F780] =	vst v63  }
0x246: {  	_ =	swait.ge [sflag:s15], $0x2000  }
0x247: {  	s22 =	sld [smem:$0x7D9]  }
0x248: {  	[sflag:s15] =	ssyncset.done $0x0  }
0x249: {  	[sflag:s15] =	ssyncadd.s32 $0xFFFFE000  }
0x24a: {  	[spmem:s4] =	stream.indirect.scatter.add.f32 [tilespmem:s31], [sflag:$0x3], $0x80, s22, s0, $0xb8;
	[tilespmem:$0x1F780] =	vst v63  }
0x24b: {  	_ =	swait.ge [sflag:s30], $0x2000  }
0x24c: {  	s2 =	sld [smem:$0x7DA]  }
0x24d: {  	[sflag:s30] =	ssyncset.done $0x0  }
0x24e: {  	[sflag:s30] =	ssyncadd.s32 $0xFFFFE000  }
0x24f: {  	[tilespmem:s31], [sflag:$0x1] =	stream.indirect.gather [hbm4b:s11+s0], $0x80, s2, s0, $0xb8;
	[tilespmem:$0x1F780] =	vst v63  }
0x250: {  	_ =	swait.ge [sflag:s15], $0x2000  }
0x251: {  	s3 =	sld [smem:$0x7DB]  }
0x252: {  	[sflag:s15] =	ssyncset.done $0x0  }
0x253: {  	[sflag:s15] =	ssyncadd.s32 $0xFFFFE000  }
0x254: {  	[spmem:s4] =	stream.indirect.scatter.add.f32 [tilespmem:s17], [sflag:$0x3], $0x80, s3, s0, $0xb8;
	[tilespmem:$0x1F780] =	vst v63  }
0x255: {  	_ =	swait.ge [sflag:s30], $0x2000  }
0x256: {  	s20 =	sld [smem:$0x7DC]  }
0x257: {  	[sflag:s30] =	ssyncset.done $0x0  }
0x258: {  	[sflag:s30] =	ssyncadd.s32 $0xFFFFE000  }
0x259: {  	[tilespmem:s17], [sflag:$0x1] =	stream.indirect.gather [hbm4b:s11+s0], $0x80, s20, s0, $0xb8;
	[tilespmem:$0x1F780] =	vst v63  }
0x25a: {  	_ =	swait.ge [sflag:s15], $0x2000  }
0x25b: {  	s21 =	sld [smem:$0x7DD]  }
0x25c: {  	[sflag:s15] =	ssyncset.done $0x0  }
0x25d: {  	[sflag:s15] =	ssyncadd.s32 $0xFFFFE000  }
0x25e: {  	[spmem:s4] =	stream.indirect.scatter.add.f32 [tilespmem:s18], [sflag:$0x3], $0x80, s21, s0, $0xb8;
	[tilespmem:$0x1F780] =	vst v63  }
0x25f: {  	_ =	swait.ge [sflag:s30], $0x2000  }
0x260: {  	s22 =	sld [smem:$0x7DE]  }
0x261: {  	[sflag:s30] =	ssyncset.done $0x0  }
0x262: {  	[sflag:s30] =	ssyncadd.s32 $0xFFFFE000  }
0x263: {  	[tilespmem:s18], [sflag:$0x1] =	stream.indirect.gather [hbm4b:s11+s0], $0x80, s22, s0, $0xb8;
	[tilespmem:$0x1F780] =	vst v63  }
0x264: {  	_ =	swait.ge [sflag:s15], $0x2000  }
0x265: {  	s2 =	sld [smem:$0x7DF]  }
0x266: {  	[sflag:s15] =	ssyncset.done $0x0  }
0x267: {  	[sflag:s15] =	ssyncadd.s32 $0xFFFFE000  }
0x268: {  	[spmem:s4] =	stream.indirect.scatter.add.f32 [tilespmem:s19], [sflag:$0x3], $0x80, s2, s0, $0xb8;
	[tilespmem:$0x1F780] =	vst v63  }
0x269: {  	_ =	swait.ge [sflag:s30], $0x2000  }
0x26a: {  	s3 =	sld [smem:$0x7E0]  }
0x26b: {  	[sflag:s30] =	ssyncset.done $0x0  }
0x26c: {  	[sflag:s30] =	ssyncadd.s32 $0xFFFFE000  }
0x26d: {  	[tilespmem:s19], [sflag:$0x1] =	stream.indirect.gather [hbm4b:s11+s0], $0x80, s3, s0, $0xb8;
	[tilespmem:$0x1F780] =	vst v63  }
0x26e: {  	_ =	swait.ge [sflag:s15], $0x2000  }
0x26f: {  	s20 =	sld [smem:$0x7E2]  }
0x270: {  	[sflag:s15] =	ssyncset.done $0x0  }
0x271: {  	[sflag:s15] =	ssyncadd.s32 $0xFFFFE000  }
0x272: {  	[spmem:s4] =	stream.indirect.scatter.add.f32 [tilespmem:s31], [sflag:$0x3], $0x80, s20, s0, $0xb8;
	[tilespmem:$0x1F780] =	vst v63  }
0x273: {  	_ =	swait.ge [sflag:s30], $0x2000  }
0x274: {  	s21 =	sld [smem:$0x7E3]  }
0x275: {  	[sflag:s30] =	ssyncset.done $0x0  }
0x276: {  	[sflag:s30] =	ssyncadd.s32 $0xFFFFE000  }
0x277: {  	[tilespmem:s31], [sflag:$0x1] =	stream.indirect.gather [hbm4b:s11+s0], $0x80, s21, s0, $0xb8;
	[tilespmem:$0x1F780] =	vst v63  }
0x278: {  	_ =	swait.ge [sflag:s15], $0x2000  }
0x279: {  	s22 =	sld [smem:$0x7E6]  }
0x27a: {  	[sflag:s15] =	ssyncset.done $0x0  }
0x27b: {  	[sflag:s15] =	ssyncadd.s32 $0xFFFFE000  }
0x27c: {  	[spmem:s4] =	stream.indirect.scatter.add.f32 [tilespmem:s17], [sflag:$0x3], $0x80, s22, s0, $0xb8;
	[tilespmem:$0x1F780] =	vst v63  }
0x27d: {  	_ =	swait.ge [sflag:s30], $0x2000  }
0x27e: {  	s2 =	sld [smem:$0x7E7]  }
0x27f: {  	[sflag:s30] =	ssyncset.done $0x0  }
0x280: {  	[sflag:s30] =	ssyncadd.s32 $0xFFFFE000  }
0x281: {  	[tilespmem:s17], [sflag:$0x1] =	stream.indirect.gather [hbm4b:s11+s0], $0x80, s2, s0, $0xb8;
	[tilespmem:$0x1F780] =	vst v63  }
0x282: {  	_ =	swait.ge [sflag:s15], $0x2000  }
0x283: {  	s3 =	sld [smem:$0x7E8]  }
0x284: {  	[sflag:s15] =	ssyncset.done $0x0  }
0x285: {  	[sflag:s15] =	ssyncadd.s32 $0xFFFFE000  }
0x286: {  	[spmem:s4] =	stream.indirect.scatter.add.f32 [tilespmem:s18], [sflag:$0x3], $0x80, s3, s0, $0xb8;
	[tilespmem:$0x1F780] =	vst v63  }
0x287: {  	_ =	swait.ge [sflag:s30], $0x2000  }
0x288: {  	s20 =	sld [smem:$0x7EA]  }
0x289: {  	[sflag:s30] =	ssyncset.done $0x0  }
0x28a: {  	[sflag:s30] =	ssyncadd.s32 $0xFFFFE000  }
0x28b: {  	[tilespmem:s18], [sflag:$0x1] =	stream.indirect.gather [hbm4b:s11+s0], $0x80, s20, s0, $0xb8;
	[tilespmem:$0x1F780] =	vst v63  }
0x28c: {  	_ =	swait.ge [sflag:s15], $0x2000  }
0x28d: {  	s21 =	sld [smem:$0x7EC]  }
0x28e: {  	[sflag:s15] =	ssyncset.done $0x0  }
0x28f: {  	[sflag:s15] =	ssyncadd.s32 $0xFFFFE000  }
0x290: {  	[spmem:s4] =	stream.indirect.scatter.add.f32 [tilespmem:s19], [sflag:$0x3], $0x80, s21, s0, $0xb8;
	[tilespmem:$0x1F780] =	vst v63  }
0x291: {  	_ =	swait.ge [sflag:s30], $0x2000  }
0x292: {  	s22 =	sld [smem:$0x7EE]  }
0x293: {  	[sflag:s30] =	ssyncset.done $0x0  }
0x294: {  	[sflag:s30] =	ssyncadd.s32 $0xFFFFE000  }
0x295: {  	[tilespmem:s19], [sflag:$0x1] =	stream.indirect.gather [hbm4b:s11+s0], $0x80, s22, s0, $0xb8;
	[tilespmem:$0x1F780] =	vst v63  }
0x296: {  	_ =	swait.ge [sflag:s15], $0x2000  }
0x297: {  	s2 =	sld [smem:$0x7F0]  }
0x298: {  	[sflag:s15] =	ssyncset.done $0x0  }
0x299: {  	[sflag:s15] =	ssyncadd.s32 $0xFFFFE000  }
0x29a: {  	[spmem:s4] =	stream.indirect.scatter.add.f32 [tilespmem:s31], [sflag:$0x3], $0x80, s2, s0, $0xb8;
	[tilespmem:$0x1F780] =	vst v63  }
0x29b: {  	_ =	swait.ge [sflag:s30], $0x2000  }
0x29c: {  	s3 =	sld [smem:$0x7F2]  }
0x29d: {  	[sflag:s30] =	ssyncset.done $0x0  }
0x29e: {  	[sflag:s30] =	ssyncadd.s32 $0xFFFFE000  }
0x29f: {  	[tilespmem:s31], [sflag:$0x1] =	stream.indirect.gather [hbm4b:s11+s0], $0x80, s3, s0, $0xb8;
	[tilespmem:$0x1F780] =	vst v63  }
0x2a0: {  	_ =	swait.ge [sflag:s15], $0x2000  }
0x2a1: {  	s20 =	sld [smem:$0x7F4]  }
0x2a2: {  	[sflag:s15] =	ssyncset.done $0x0  }
0x2a3: {  	[sflag:s15] =	ssyncadd.s32 $0xFFFFE000  }
0x2a4: {  	[spmem:s4] =	stream.indirect.scatter.add.f32 [tilespmem:s17], [sflag:$0x3], $0x80, s20, s0, $0xb8;
	[tilespmem:$0x1F780] =	vst v63  }
0x2a5: {  	_ =	swait.ge [sflag:s30], $0x2000  }
0x2a6: {  	s21 =	sld [smem:$0x7F5]  }
0x2a7: {  	[sflag:s30] =	ssyncset.done $0x0  }
0x2a8: {  	[sflag:s30] =	ssyncadd.s32 $0xFFFFE000  }
0x2a9: {  	[tilespmem:s17], [sflag:$0x1] =	stream.indirect.gather [hbm4b:s11+s0], $0x80, s21, s0, $0xb8;
	[tilespmem:$0x1F780] =	vst v63  }
0x2aa: {  	_ =	swait.ge [sflag:s15], $0x2000  }
0x2ab: {  	[sflag:s15] =	ssyncset.done $0x0  }
0x2ac: {  	s22 =	simm.s32 $0x1B00;
	[sflag:s15] =	ssyncadd.s32 $0xFFFFE000  }
0x2ad: {  	[spmem:s4] =	stream.indirect.scatter.add.f32 [tilespmem:s18], [sflag:$0x3], $0x80, s22, s0, $0xb8;
	[tilespmem:$0x1F780] =	vst v63  }
0x2ae: {  	_ =	swait.ge [sflag:s30], $0x2000  }
0x2af: {  	[sflag:s30] =	ssyncset.done $0x0  }
0x2b0: {  	[sflag:s30] =	ssyncadd.s32 $0xFFFFE000  }
0x2b1: {  	[tilespmem:s18], [sflag:$0x1] =	stream.indirect.gather [hbm4b:s11+s0], $0x80, s23, s0, $0xb8;
	[tilespmem:$0x1F780] =	vst v63  }
0x2b2: {  	_ =	swait.ge [sflag:s15], $0x2000  }
0x2b3: {  	[sflag:s15] =	ssyncset.done $0x0  }
0x2b4: {  	[sflag:s15] =	ssyncadd.s32 $0xFFFFE000  }
0x2b5: {  	[spmem:s4] =	stream.indirect.scatter.add.f32 [tilespmem:s19], [sflag:$0x3], $0x80, s24, s0, $0xb8;
	[tilespmem:$0x1F780] =	vst v63  }
0x2b6: {  	_ =	swait.ge [sflag:s30], $0x2000  }
0x2b7: {  	[sflag:s30] =	ssyncset.done $0x0  }
0x2b8: {  	[sflag:s30] =	ssyncadd.s32 $0xFFFFE000  }
0x2b9: {  	[tilespmem:s19], [sflag:$0x1] =	stream.indirect.gather [hbm4b:s11+s0], $0x80, s25, s0, $0xb8;
	[tilespmem:$0x1F780] =	vst v63  }
0x2ba: {  	_ =	swait.ge [sflag:s15], $0x2000  }
0x2bb: {  	[sflag:s15] =	ssyncset.done $0x0  }
0x2bc: {  	[sflag:s15] =	ssyncadd.s32 $0xFFFFE000  }
0x2bd: {  	[spmem:s4] =	stream.indirect.scatter.add.f32 [tilespmem:s31], [sflag:$0x3], $0x80, s26, s0, $0xb8;
	[tilespmem:$0x1F780] =	vst v63  }
0x2be: {  	_ =	swait.ge [sflag:s30], $0x2000  }
0x2bf: {  	[sflag:s30] =	ssyncset.done $0x0  }
0x2c0: {  	[sflag:s30] =	ssyncadd.s32 $0xFFFFE000  }
0x2c1: {  	[tilespmem:s31], [sflag:$0x1] =	stream.indirect.gather [hbm4b:s11+s0], $0x80, s28, s0, $0xb8;
	[tilespmem:$0x1F780] =	vst v63  }
0x2c2: {  	_ =	swait.ge [sflag:s15], $0x2000  }
0x2c3: {  	[sflag:s15] =	ssyncset.done $0x0  }
0x2c4: {  	[sflag:s15] =	ssyncadd.s32 $0xFFFFE000  }
0x2c5: {  	[spmem:s4] =	stream.indirect.scatter.add.f32 [tilespmem:s17], [sflag:$0x3], $0x80, s12, s0, $0xb8;
	[tilespmem:$0x1F780] =	vst v63  }
0x2c6: {  	_ =	swait.ge [sflag:s30], $0x2000  }
0x2c7: {  	[sflag:s30] =	ssyncset.done $0x0  }
0x2c8: {  	[sflag:s30] =	ssyncadd.s32 $0xFFFFE000  }
0x2c9: {  	[tilespmem:s17], [sflag:$0x1] =	stream.indirect.gather [hbm4b:s11+s0], $0x80, s29, s0, $0xb8;
	[tilespmem:$0x1F780] =	vst v63  }
0x2ca: {  	_ =	swait.ge [sflag:s15], $0x2000  }
0x2cb: {  	[sflag:s15] =	ssyncset.done $0x0  }
0x2cc: {  	[sflag:s15] =	ssyncadd.s32 $0xFFFFE000  }
0x2cd: {  	[spmem:s4] =	stream.indirect.scatter.add.f32 [tilespmem:s18], [sflag:$0x3], $0x80, s14, s0, $0xb8;
	[tilespmem:$0x1F780] =	vst v63  }
0x2ce: {  	_ =	swait.ge [sflag:s30], $0x2000  }
0x2cf: {  	[sflag:s30] =	ssyncset.done $0x0  }
0x2d0: {  	s3 =	simm.s32 $0xF00;
	[sflag:s30] =	ssyncadd.s32 $0xFFFFE000  }
0x2d1: {  	[tilespmem:s18], [sflag:$0x1] =	stream.indirect.gather [hbm4b:s11+s0], $0x80, s3, s0, $0xb8;
	[tilespmem:$0x1F780] =	vst v63  }
0x2d2: {  	_ =	swait.ge [sflag:s15], $0x2000  }
0x2d3: {  	[sflag:s15] =	ssyncset.done $0x0  }
0x2d4: {  	s2 =	simm.s32 $0x1D80;
	[sflag:s15] =	ssyncadd.s32 $0xFFFFE000  }
0x2d5: {  	[spmem:s4] =	stream.indirect.scatter.add.f32 [tilespmem:s19], [sflag:$0x3], $0x80, s2, s0, $0xb8;
	[tilespmem:$0x1F780] =	vst v63  }
0x2d6: {  	_ =	swait.ge [sflag:s30], $0x2000  }
0x2d7: {  	[sflag:s30] =	ssyncset.done $0x0  }
0x2d8: {  	s2 =	simm.s32 $0xF80;
	[sflag:s30] =	ssyncadd.s32 $0xFFFFE000  }
0x2d9: {  	[tilespmem:s19], [sflag:$0x1] =	stream.indirect.gather [hbm4b:s11+s0], $0x80, s2, s0, $0xb8;
	[tilespmem:$0x1F780] =	vst v63  }
0x2da: {  	_ =	swait.ge [sflag:s15], $0x2000  }
0x2db: {  	[sflag:s15] =	ssyncset.done $0x0  }
0x2dc: {  	[sflag:s15] =	ssyncadd.s32 $0xFFFFE000  }
0x2dd: {  	[spmem:s4] =	stream.indirect.scatter.add.f32 [tilespmem:s31], [sflag:$0x3], $0x80, s7, s0, $0xb8;
	[tilespmem:$0x1F780] =	vst v63  }
0x2de: {  	_ =	swait.ge [sflag:s30], $0x2000  }
0x2df: {  	[sflag:s30] =	ssyncset.done $0x0  }
0x2e0: {  	[sflag:s30] =	ssyncadd.s32 $0xFFFFE000  }
0x2e1: {  	_ =	swait.ge [sflag:s15], $0x2000  }
0x2e2: {  	[sflag:s15] =	ssyncset.done $0x0  }
0x2e3: {  	[sflag:s15] =	ssyncadd.s32 $0xFFFFE000  }
0x2e4: {  	[spmem:s4] =	stream.indirect.scatter.add.f32 [tilespmem:s17], [sflag:$0x3], $0x80, s8, s0, $0xb8;
	[tilespmem:$0x1F780] =	vst v63  }
0x2e5: {  	_ =	swait.ge [sflag:s30], $0x2000  }
0x2e6: {  	[sflag:s30] =	ssyncset.done $0x0  }
0x2e7: {  	[sflag:s30] =	ssyncadd.s32 $0xFFFFE000  }
0x2e8: {  	_ =	swait.ge [sflag:s15], $0x2000  }
0x2e9: {  	[sflag:s15] =	ssyncset.done $0x0  }
0x2ea: {  	[sflag:s15] =	ssyncadd.s32 $0xFFFFE000  }
0x2eb: {  	[spmem:s4] =	stream.indirect.scatter.add.f32 [tilespmem:s18], [sflag:$0x3], $0x80, s9, s0, $0xb8;
	[tilespmem:$0x1F780] =	vst v63  }
0x2ec: {  	_ =	swait.ge [sflag:s30], $0x2000  }
0x2ed: {  	[sflag:s30] =	ssyncset.done $0x0  }
0x2ee: {  	[sflag:s30] =	ssyncadd.s32 $0xFFFFE000  }
0x2ef: {  	_ =	swait.ge [sflag:s15], $0x2000  }
0x2f0: {  	[sflag:s15] =	ssyncset.done $0x0  }
0x2f1: {  	[sflag:s15] =	ssyncadd.s32 $0xFFFFE000  }
0x2f2: {  	[spmem:s4] =	stream.indirect.scatter.add.f32 [tilespmem:s19], [sflag:$0x3], $0x80, s16, s0, $0xb8;
	[tilespmem:$0x1F780] =	vst v63  }
0x2f3: {  	s10 =	simm.s32 $0x200;
	_ =	swait.ge [sflag:s30], $0x2000  }
0x2f4: {  	s22 =	simm.s32 $0x400;
	s20 =	rddreg [dreg:$0x6];
	[sflag:s30] =	ssyncset.done $0x0  }
.LBB2_12:
0x2f5: {  	[sflag:s30] =	ssyncadd.s32 $0xFFFFE000;
	s20 =	sadd.s32 s10, s20  }
0x2f6: {  	[tilespmem:s6], [sflag:$0x3] =	stream.linear.gather [hbm4b:s20+s6], $0x1000, $0x38;
	[tilespmem:$0x1F780] =	vst v63  }
0x2f7: {  	_ =	swait.ge [sflag:s30], $0x1000  }
0x2f8: {  	s20 =	rddreg [dreg:$0x5];
	[sflag:s30] =	ssyncset.done $0x0  }
0x2f9: {  	[sflag:s30] =	ssyncadd.s32 $0xFFFFF000;
	s20 =	sadd.s32 s10, s20  }
0x2fa: {  	[tilespmem:s1], [sflag:$0x3] =	stream.linear.gather [hbm4b:s20+s6], $0x1000, $0x38;
	[tilespmem:$0x1F780] =	vst v63  }
0x2fb: {  	_ =	swait.ge [sflag:s30], $0x1000  }
0x2fc: {  	[sflag:s30] =	ssyncset.done $0x0  }
0x2fd: {  	[sflag:s30] =	ssyncadd.s32 $0xFFFFF000  }
0x2fe: {  	[tilespmem:s31], [sflag:$0x1] =	stream.indirect.gather [hbm4b:s11+s0], $0x80, s6, s0, $0xb8;
	[tilespmem:$0x1F780] =	vst v63  }
0x2ff: {  	s21 =	smov.u32 s22;
	s20 =	rddreg [dreg:$0x7]  }
0x300: {  	[tilespmem:s17], [sflag:$0x1] =	stream.indirect.gather [hbm4b:s11+s0], $0x80, s20, s0, $0xb8;
	[tilespmem:$0x1F780] =	vst v63  }
0x301: {  	s10 =	smov.u32 s21;
	s21 =	rddreg [dreg:$0x8]  }
0x302: {  	[tilespmem:s18], [sflag:$0x1] =	stream.indirect.gather [hbm4b:s11+s0], $0x80, s21, s0, $0xb8;
	[tilespmem:$0x1F780] =	vst v63  }
0x303: {  	s20 =	rddreg [dreg:$0x9]  }
0x304: {  	[tilespmem:s19], [sflag:$0x1] =	stream.indirect.gather [hbm4b:s11+s0], $0x80, s20, s0, $0xb8;
	[tilespmem:$0x1F780] =	vst v63  }
0x305: {  	_ =	swait.ge [sflag:s15], $0x2000  }
0x306: {  	[sflag:s15] =	ssyncset.done $0x0  }
0x307: {  	[sflag:s15] =	ssyncadd.s32 $0xFFFFE000  }
0x308: {  	[spmem:s4] =	stream.indirect.scatter.add.f32 [tilespmem:s31], [sflag:$0x3], $0x80, s1, s0, $0xb8;
	[tilespmem:$0x1F780] =	vst v63  }
0x309: {  	_ =	swait.ge [sflag:s30], $0x2000  }
0x30a: {  	[sflag:s30] =	ssyncset.done $0x0  }
0x30b: {  	s20 =	rddreg [dreg:$0xa];
	[sflag:s30] =	ssyncadd.s32 $0xFFFFE000  }
0x30c: {  	[tilespmem:s31], [sflag:$0x1] =	stream.indirect.gather [hbm4b:s11+s0], $0x80, s20, s0, $0xb8;
	[tilespmem:$0x1F780] =	vst v63  }
0x30d: {  	_ =	swait.ge [sflag:s15], $0x2000  }
0x30e: {  	[sflag:s15] =	ssyncset.done $0x0  }
0x30f: {  	s20 =	rddreg [dreg:$0xb];
	[sflag:s15] =	ssyncadd.s32 $0xFFFFE000  }
0x310: {  	[spmem:s4] =	stream.indirect.scatter.add.f32 [tilespmem:s17], [sflag:$0x3], $0x80, s20, s0, $0xb8;
	[tilespmem:$0x1F780] =	vst v63  }
0x311: {  	_ =	swait.ge [sflag:s30], $0x2000  }
0x312: {  	[sflag:s30] =	ssyncset.done $0x0  }
0x313: {  	s20 =	rddreg [dreg:$0xc];
	[sflag:s30] =	ssyncadd.s32 $0xFFFFE000  }
0x314: {  	[tilespmem:s17], [sflag:$0x1] =	stream.indirect.gather [hbm4b:s11+s0], $0x80, s20, s0, $0xb8;
	[tilespmem:$0x1F780] =	vst v63  }
0x315: {  	_ =	swait.ge [sflag:s15], $0x2000  }
0x316: {  	[sflag:s15] =	ssyncset.done $0x0  }
0x317: {  	s20 =	rddreg [dreg:$0xd];
	[sflag:s15] =	ssyncadd.s32 $0xFFFFE000  }
0x318: {  	[spmem:s4] =	stream.indirect.scatter.add.f32 [tilespmem:s18], [sflag:$0x3], $0x80, s20, s0, $0xb8;
	[tilespmem:$0x1F780] =	vst v63  }
0x319: {  	_ =	swait.ge [sflag:s30], $0x2000  }
0x31a: {  	[sflag:s30] =	ssyncset.done $0x0  }
0x31b: {  	s20 =	rddreg [dreg:$0xe];
	[sflag:s30] =	ssyncadd.s32 $0xFFFFE000  }
0x31c: {  	[tilespmem:s18], [sflag:$0x1] =	stream.indirect.gather [hbm4b:s11+s0], $0x80, s20, s0, $0xb8;
	[tilespmem:$0x1F780] =	vst v63  }
0x31d: {  	_ =	swait.ge [sflag:s15], $0x2000  }
0x31e: {  	[sflag:s15] =	ssyncset.done $0x0  }
0x31f: {  	s20 =	rddreg [dreg:$0xf];
	[sflag:s15] =	ssyncadd.s32 $0xFFFFE000  }
0x320: {  	[spmem:s4] =	stream.indirect.scatter.add.f32 [tilespmem:s19], [sflag:$0x3], $0x80, s20, s0, $0xb8;
	[tilespmem:$0x1F780] =	vst v63  }
0x321: {  	_ =	swait.ge [sflag:s30], $0x2000  }
0x322: {  	[sflag:s30] =	ssyncset.done $0x0  }
0x323: {  	s20 =	rddreg [dreg:$0x10];
	[sflag:s30] =	ssyncadd.s32 $0xFFFFE000  }
0x324: {  	[tilespmem:s19], [sflag:$0x1] =	stream.indirect.gather [hbm4b:s11+s0], $0x80, s20, s0, $0xb8;
	[tilespmem:$0x1F780] =	vst v63  }
0x325: {  	_ =	swait.ge [sflag:s15], $0x2000  }
0x326: {  	[sflag:s15] =	ssyncset.done $0x0  }
0x327: {  	s20 =	rddreg [dreg:$0x11];
	[sflag:s15] =	ssyncadd.s32 $0xFFFFE000  }
0x328: {  	[spmem:s4] =	stream.indirect.scatter.add.f32 [tilespmem:s31], [sflag:$0x3], $0x80, s20, s0, $0xb8;
	[tilespmem:$0x1F780] =	vst v63  }
0x329: {  	_ =	swait.ge [sflag:s30], $0x2000  }
0x32a: {  	[sflag:s30] =	ssyncset.done $0x0  }
0x32b: {  	s20 =	rddreg [dreg:$0x12];
	[sflag:s30] =	ssyncadd.s32 $0xFFFFE000  }
0x32c: {  	[tilespmem:s31], [sflag:$0x1] =	stream.indirect.gather [hbm4b:s11+s0], $0x80, s20, s0, $0xb8;
	[tilespmem:$0x1F780] =	vst v63  }
0x32d: {  	_ =	swait.ge [sflag:s15], $0x2000  }
0x32e: {  	[sflag:s15] =	ssyncset.done $0x0  }
0x32f: {  	s20 =	rddreg [dreg:$0x13];
	[sflag:s15] =	ssyncadd.s32 $0xFFFFE000  }
0x330: {  	[spmem:s4] =	stream.indirect.scatter.add.f32 [tilespmem:s17], [sflag:$0x3], $0x80, s20, s0, $0xb8;
	[tilespmem:$0x1F780] =	vst v63  }
0x331: {  	_ =	swait.ge [sflag:s30], $0x2000  }
0x332: {  	[sflag:s30] =	ssyncset.done $0x0  }
0x333: {  	s20 =	rddreg [dreg:$0x14];
	[sflag:s30] =	ssyncadd.s32 $0xFFFFE000  }
0x334: {  	[tilespmem:s17], [sflag:$0x1] =	stream.indirect.gather [hbm4b:s11+s0], $0x80, s20, s0, $0xb8;
	[tilespmem:$0x1F780] =	vst v63  }
0x335: {  	_ =	swait.ge [sflag:s15], $0x2000  }
0x336: {  	[sflag:s15] =	ssyncset.done $0x0  }
0x337: {  	s20 =	rddreg [dreg:$0x15];
	[sflag:s15] =	ssyncadd.s32 $0xFFFFE000  }
0x338: {  	[spmem:s4] =	stream.indirect.scatter.add.f32 [tilespmem:s18], [sflag:$0x3], $0x80, s20, s0, $0xb8;
	[tilespmem:$0x1F780] =	vst v63  }
0x339: {  	_ =	swait.ge [sflag:s30], $0x2000  }
0x33a: {  	[sflag:s30] =	ssyncset.done $0x0  }
0x33b: {  	s20 =	rddreg [dreg:$0x16];
	[sflag:s30] =	ssyncadd.s32 $0xFFFFE000  }
0x33c: {  	[tilespmem:s18], [sflag:$0x1] =	stream.indirect.gather [hbm4b:s11+s0], $0x80, s20, s0, $0xb8;
	[tilespmem:$0x1F780] =	vst v63  }
0x33d: {  	_ =	swait.ge [sflag:s15], $0x2000  }
0x33e: {  	[sflag:s15] =	ssyncset.done $0x0  }
0x33f: {  	s20 =	rddreg [dreg:$0x17];
	[sflag:s15] =	ssyncadd.s32 $0xFFFFE000  }
0x340: {  	[spmem:s4] =	stream.indirect.scatter.add.f32 [tilespmem:s19], [sflag:$0x3], $0x80, s20, s0, $0xb8;
	[tilespmem:$0x1F780] =	vst v63  }
0x341: {  	_ =	swait.ge [sflag:s30], $0x2000  }
0x342: {  	[sflag:s30] =	ssyncset.done $0x0  }
0x343: {  	s20 =	rddreg [dreg:$0x18];
	[sflag:s30] =	ssyncadd.s32 $0xFFFFE000  }
0x344: {  	[tilespmem:s19], [sflag:$0x1] =	stream.indirect.gather [hbm4b:s11+s0], $0x80, s20, s0, $0xb8;
	[tilespmem:$0x1F780] =	vst v63  }
0x345: {  	_ =	swait.ge [sflag:s15], $0x2000  }
0x346: {  	[sflag:s15] =	ssyncset.done $0x0  }
0x347: {  	s20 =	rddreg [dreg:$0x19];
	[sflag:s15] =	ssyncadd.s32 $0xFFFFE000  }
0x348: {  	[spmem:s4] =	stream.indirect.scatter.add.f32 [tilespmem:s31], [sflag:$0x3], $0x80, s20, s0, $0xb8;
	[tilespmem:$0x1F780] =	vst v63  }
0x349: {  	_ =	swait.ge [sflag:s30], $0x2000  }
0x34a: {  	[sflag:s30] =	ssyncset.done $0x0  }
0x34b: {  	s20 =	rddreg [dreg:$0x1a];
	[sflag:s30] =	ssyncadd.s32 $0xFFFFE000  }
0x34c: {  	[tilespmem:s31], [sflag:$0x1] =	stream.indirect.gather [hbm4b:s11+s0], $0x80, s20, s0, $0xb8;
	[tilespmem:$0x1F780] =	vst v63  }
0x34d: {  	_ =	swait.ge [sflag:s15], $0x2000  }
0x34e: {  	[sflag:s15] =	ssyncset.done $0x0  }
0x34f: {  	s20 =	rddreg [dreg:$0x1b];
	[sflag:s15] =	ssyncadd.s32 $0xFFFFE000  }
0x350: {  	[spmem:s4] =	stream.indirect.scatter.add.f32 [tilespmem:s17], [sflag:$0x3], $0x80, s20, s0, $0xb8;
	[tilespmem:$0x1F780] =	vst v63  }
0x351: {  	_ =	swait.ge [sflag:s30], $0x2000  }
0x352: {  	[sflag:s30] =	ssyncset.done $0x0  }
0x353: {  	s20 =	rddreg [dreg:$0x1c];
	[sflag:s30] =	ssyncadd.s32 $0xFFFFE000  }
0x354: {  	[tilespmem:s17], [sflag:$0x1] =	stream.indirect.gather [hbm4b:s11+s0], $0x80, s20, s0, $0xb8;
	[tilespmem:$0x1F780] =	vst v63  }
0x355: {  	_ =	swait.ge [sflag:s15], $0x2000  }
0x356: {  	[sflag:s15] =	ssyncset.done $0x0  }
0x357: {  	s20 =	rddreg [dreg:$0x1d];
	[sflag:s15] =	ssyncadd.s32 $0xFFFFE000  }
0x358: {  	[spmem:s4] =	stream.indirect.scatter.add.f32 [tilespmem:s18], [sflag:$0x3], $0x80, s20, s0, $0xb8;
	[tilespmem:$0x1F780] =	vst v63  }
0x359: {  	_ =	swait.ge [sflag:s30], $0x2000  }
0x35a: {  	[sflag:s30] =	ssyncset.done $0x0  }
0x35b: {  	s20 =	rddreg [dreg:$0x1e];
	[sflag:s30] =	ssyncadd.s32 $0xFFFFE000  }
0x35c: {  	[tilespmem:s18], [sflag:$0x1] =	stream.indirect.gather [hbm4b:s11+s0], $0x80, s20, s0, $0xb8;
	[tilespmem:$0x1F780] =	vst v63  }
0x35d: {  	_ =	swait.ge [sflag:s15], $0x2000  }
0x35e: {  	[sflag:s15] =	ssyncset.done $0x0  }
0x35f: {  	s20 =	rddreg [dreg:$0x1f];
	[sflag:s15] =	ssyncadd.s32 $0xFFFFE000  }
0x360: {  	[spmem:s4] =	stream.indirect.scatter.add.f32 [tilespmem:s19], [sflag:$0x3], $0x80, s20, s0, $0xb8;
	[tilespmem:$0x1F780] =	vst v63  }
0x361: {  	_ =	swait.ge [sflag:s30], $0x2000  }
0x362: {  	s20 =	sld [smem:$0x7D7]  }
0x363: {  	[sflag:s30] =	ssyncset.done $0x0  }
0x364: {  	[sflag:s30] =	ssyncadd.s32 $0xFFFFE000  }
0x365: {  	[tilespmem:s19], [sflag:$0x1] =	stream.indirect.gather [hbm4b:s11+s0], $0x80, s20, s0, $0xb8;
	[tilespmem:$0x1F780] =	vst v63  }
0x366: {  	_ =	swait.ge [sflag:s15], $0x2000  }
0x367: {  	s20 =	sld [smem:$0x7D9]  }
0x368: {  	[sflag:s15] =	ssyncset.done $0x0  }
0x369: {  	[sflag:s15] =	ssyncadd.s32 $0xFFFFE000  }
0x36a: {  	[spmem:s4] =	stream.indirect.scatter.add.f32 [tilespmem:s31], [sflag:$0x3], $0x80, s20, s0, $0xb8;
	[tilespmem:$0x1F780] =	vst v63  }
0x36b: {  	_ =	swait.ge [sflag:s30], $0x2000  }
0x36c: {  	s20 =	sld [smem:$0x7DA]  }
0x36d: {  	[sflag:s30] =	ssyncset.done $0x0  }
0x36e: {  	[sflag:s30] =	ssyncadd.s32 $0xFFFFE000  }
0x36f: {  	[tilespmem:s31], [sflag:$0x1] =	stream.indirect.gather [hbm4b:s11+s0], $0x80, s20, s0, $0xb8;
	[tilespmem:$0x1F780] =	vst v63  }
0x370: {  	_ =	swait.ge [sflag:s15], $0x2000  }
0x371: {  	s20 =	sld [smem:$0x7DB]  }
0x372: {  	[sflag:s15] =	ssyncset.done $0x0  }
0x373: {  	[sflag:s15] =	ssyncadd.s32 $0xFFFFE000  }
0x374: {  	[spmem:s4] =	stream.indirect.scatter.add.f32 [tilespmem:s17], [sflag:$0x3], $0x80, s20, s0, $0xb8;
	[tilespmem:$0x1F780] =	vst v63  }
0x375: {  	_ =	swait.ge [sflag:s30], $0x2000  }
0x376: {  	s20 =	sld [smem:$0x7DC]  }
0x377: {  	[sflag:s30] =	ssyncset.done $0x0  }
0x378: {  	[sflag:s30] =	ssyncadd.s32 $0xFFFFE000  }
0x379: {  	[tilespmem:s17], [sflag:$0x1] =	stream.indirect.gather [hbm4b:s11+s0], $0x80, s20, s0, $0xb8;
	[tilespmem:$0x1F780] =	vst v63  }
0x37a: {  	_ =	swait.ge [sflag:s15], $0x2000  }
0x37b: {  	s20 =	sld [smem:$0x7DD]  }
0x37c: {  	[sflag:s15] =	ssyncset.done $0x0  }
0x37d: {  	[sflag:s15] =	ssyncadd.s32 $0xFFFFE000  }
0x37e: {  	[spmem:s4] =	stream.indirect.scatter.add.f32 [tilespmem:s18], [sflag:$0x3], $0x80, s20, s0, $0xb8;
	[tilespmem:$0x1F780] =	vst v63  }
0x37f: {  	_ =	swait.ge [sflag:s30], $0x2000  }
0x380: {  	s20 =	sld [smem:$0x7DE]  }
0x381: {  	[sflag:s30] =	ssyncset.done $0x0  }
0x382: {  	[sflag:s30] =	ssyncadd.s32 $0xFFFFE000  }
0x383: {  	[tilespmem:s18], [sflag:$0x1] =	stream.indirect.gather [hbm4b:s11+s0], $0x80, s20, s0, $0xb8;
	[tilespmem:$0x1F780] =	vst v63  }
0x384: {  	_ =	swait.ge [sflag:s15], $0x2000  }
0x385: {  	s20 =	sld [smem:$0x7DF]  }
0x386: {  	[sflag:s15] =	ssyncset.done $0x0  }
0x387: {  	[sflag:s15] =	ssyncadd.s32 $0xFFFFE000  }
0x388: {  	[spmem:s4] =	stream.indirect.scatter.add.f32 [tilespmem:s19], [sflag:$0x3], $0x80, s20, s0, $0xb8;
	[tilespmem:$0x1F780] =	vst v63  }
0x389: {  	_ =	swait.ge [sflag:s30], $0x2000  }
0x38a: {  	s20 =	sld [smem:$0x7E0]  }
0x38b: {  	[sflag:s30] =	ssyncset.done $0x0  }
0x38c: {  	[sflag:s30] =	ssyncadd.s32 $0xFFFFE000  }
0x38d: {  	[tilespmem:s19], [sflag:$0x1] =	stream.indirect.gather [hbm4b:s11+s0], $0x80, s20, s0, $0xb8;
	[tilespmem:$0x1F780] =	vst v63  }
0x38e: {  	_ =	swait.ge [sflag:s15], $0x2000  }
0x38f: {  	s20 =	sld [smem:$0x7E2]  }
0x390: {  	[sflag:s15] =	ssyncset.done $0x0  }
0x391: {  	[sflag:s15] =	ssyncadd.s32 $0xFFFFE000  }
0x392: {  	[spmem:s4] =	stream.indirect.scatter.add.f32 [tilespmem:s31], [sflag:$0x3], $0x80, s20, s0, $0xb8;
	[tilespmem:$0x1F780] =	vst v63  }
0x393: {  	_ =	swait.ge [sflag:s30], $0x2000  }
0x394: {  	s20 =	sld [smem:$0x7E3]  }
0x395: {  	[sflag:s30] =	ssyncset.done $0x0  }
0x396: {  	[sflag:s30] =	ssyncadd.s32 $0xFFFFE000  }
0x397: {  	[tilespmem:s31], [sflag:$0x1] =	stream.indirect.gather [hbm4b:s11+s0], $0x80, s20, s0, $0xb8;
	[tilespmem:$0x1F780] =	vst v63  }
0x398: {  	_ =	swait.ge [sflag:s15], $0x2000  }
0x399: {  	s20 =	sld [smem:$0x7E6]  }
0x39a: {  	[sflag:s15] =	ssyncset.done $0x0  }
0x39b: {  	[sflag:s15] =	ssyncadd.s32 $0xFFFFE000  }
0x39c: {  	[spmem:s4] =	stream.indirect.scatter.add.f32 [tilespmem:s17], [sflag:$0x3], $0x80, s20, s0, $0xb8;
	[tilespmem:$0x1F780] =	vst v63  }
0x39d: {  	_ =	swait.ge [sflag:s30], $0x2000  }
0x39e: {  	s20 =	sld [smem:$0x7E7]  }
0x39f: {  	[sflag:s30] =	ssyncset.done $0x0  }
0x3a0: {  	[sflag:s30] =	ssyncadd.s32 $0xFFFFE000  }
0x3a1: {  	[tilespmem:s17], [sflag:$0x1] =	stream.indirect.gather [hbm4b:s11+s0], $0x80, s20, s0, $0xb8;
	[tilespmem:$0x1F780] =	vst v63  }
0x3a2: {  	_ =	swait.ge [sflag:s15], $0x2000  }
0x3a3: {  	s20 =	sld [smem:$0x7E8]  }
0x3a4: {  	[sflag:s15] =	ssyncset.done $0x0  }
0x3a5: {  	[sflag:s15] =	ssyncadd.s32 $0xFFFFE000  }
0x3a6: {  	[spmem:s4] =	stream.indirect.scatter.add.f32 [tilespmem:s18], [sflag:$0x3], $0x80, s20, s0, $0xb8;
	[tilespmem:$0x1F780] =	vst v63  }
0x3a7: {  	_ =	swait.ge [sflag:s30], $0x2000  }
0x3a8: {  	s20 =	sld [smem:$0x7EA]  }
0x3a9: {  	[sflag:s30] =	ssyncset.done $0x0  }
0x3aa: {  	[sflag:s30] =	ssyncadd.s32 $0xFFFFE000  }
0x3ab: {  	[tilespmem:s18], [sflag:$0x1] =	stream.indirect.gather [hbm4b:s11+s0], $0x80, s20, s0, $0xb8;
	[tilespmem:$0x1F780] =	vst v63  }
0x3ac: {  	_ =	swait.ge [sflag:s15], $0x2000  }
0x3ad: {  	s20 =	sld [smem:$0x7EC]  }
0x3ae: {  	[sflag:s15] =	ssyncset.done $0x0  }
0x3af: {  	[sflag:s15] =	ssyncadd.s32 $0xFFFFE000  }
0x3b0: {  	[spmem:s4] =	stream.indirect.scatter.add.f32 [tilespmem:s19], [sflag:$0x3], $0x80, s20, s0, $0xb8;
	[tilespmem:$0x1F780] =	vst v63  }
0x3b1: {  	_ =	swait.ge [sflag:s30], $0x2000  }
0x3b2: {  	s20 =	sld [smem:$0x7EE]  }
0x3b3: {  	[sflag:s30] =	ssyncset.done $0x0  }
0x3b4: {  	[sflag:s30] =	ssyncadd.s32 $0xFFFFE000  }
0x3b5: {  	[tilespmem:s19], [sflag:$0x1] =	stream.indirect.gather [hbm4b:s11+s0], $0x80, s20, s0, $0xb8;
	[tilespmem:$0x1F780] =	vst v63  }
0x3b6: {  	_ =	swait.ge [sflag:s15], $0x2000  }
0x3b7: {  	s20 =	sld [smem:$0x7F0]  }
0x3b8: {  	[sflag:s15] =	ssyncset.done $0x0  }
0x3b9: {  	[sflag:s15] =	ssyncadd.s32 $0xFFFFE000  }
0x3ba: {  	[spmem:s4] =	stream.indirect.scatter.add.f32 [tilespmem:s31], [sflag:$0x3], $0x80, s20, s0, $0xb8;
	[tilespmem:$0x1F780] =	vst v63  }
0x3bb: {  	_ =	swait.ge [sflag:s30], $0x2000  }
0x3bc: {  	s20 =	sld [smem:$0x7F2]  }
0x3bd: {  	[sflag:s30] =	ssyncset.done $0x0  }
0x3be: {  	[sflag:s30] =	ssyncadd.s32 $0xFFFFE000  }
0x3bf: {  	[tilespmem:s31], [sflag:$0x1] =	stream.indirect.gather [hbm4b:s11+s0], $0x80, s20, s0, $0xb8;
	[tilespmem:$0x1F780] =	vst v63  }
0x3c0: {  	_ =	swait.ge [sflag:s15], $0x2000  }
0x3c1: {  	s20 =	sld [smem:$0x7F4]  }
0x3c2: {  	[sflag:s15] =	ssyncset.done $0x0  }
0x3c3: {  	[sflag:s15] =	ssyncadd.s32 $0xFFFFE000  }
0x3c4: {  	[spmem:s4] =	stream.indirect.scatter.add.f32 [tilespmem:s17], [sflag:$0x3], $0x80, s20, s0, $0xb8;
	[tilespmem:$0x1F780] =	vst v63  }
0x3c5: {  	_ =	swait.ge [sflag:s30], $0x2000  }
0x3c6: {  	s20 =	sld [smem:$0x7F5]  }
0x3c7: {  	[sflag:s30] =	ssyncset.done $0x0  }
0x3c8: {  	[sflag:s30] =	ssyncadd.s32 $0xFFFFE000  }
0x3c9: {  	[tilespmem:s17], [sflag:$0x1] =	stream.indirect.gather [hbm4b:s11+s0], $0x80, s20, s0, $0xb8;
	[tilespmem:$0x1F780] =	vst v63  }
0x3ca: {  	_ =	swait.ge [sflag:s15], $0x2000  }
0x3cb: {  	[sflag:s15] =	ssyncset.done $0x0  }
0x3cc: {  	s21 =	simm.s32 $0x1B00;
	[sflag:s15] =	ssyncadd.s32 $0xFFFFE000  }
0x3cd: {  	[spmem:s4] =	stream.indirect.scatter.add.f32 [tilespmem:s18], [sflag:$0x3], $0x80, s21, s0, $0xb8;
	[tilespmem:$0x1F780] =	vst v63  }
0x3ce: {  	_ =	swait.ge [sflag:s30], $0x2000  }
0x3cf: {  	[sflag:s30] =	ssyncset.done $0x0  }
0x3d0: {  	[sflag:s30] =	ssyncadd.s32 $0xFFFFE000  }
0x3d1: {  	[tilespmem:s18], [sflag:$0x1] =	stream.indirect.gather [hbm4b:s11+s0], $0x80, s23, s0, $0xb8;
	[tilespmem:$0x1F780] =	vst v63  }
0x3d2: {  	_ =	swait.ge [sflag:s15], $0x2000  }
0x3d3: {  	[sflag:s15] =	ssyncset.done $0x0  }
0x3d4: {  	[sflag:s15] =	ssyncadd.s32 $0xFFFFE000  }
0x3d5: {  	[spmem:s4] =	stream.indirect.scatter.add.f32 [tilespmem:s19], [sflag:$0x3], $0x80, s24, s0, $0xb8;
	[tilespmem:$0x1F780] =	vst v63  }
0x3d6: {  	_ =	swait.ge [sflag:s30], $0x2000  }
0x3d7: {  	[sflag:s30] =	ssyncset.done $0x0  }
0x3d8: {  	[sflag:s30] =	ssyncadd.s32 $0xFFFFE000  }
0x3d9: {  	[tilespmem:s19], [sflag:$0x1] =	stream.indirect.gather [hbm4b:s11+s0], $0x80, s25, s0, $0xb8;
	[tilespmem:$0x1F780] =	vst v63  }
0x3da: {  	_ =	swait.ge [sflag:s15], $0x2000  }
0x3db: {  	[sflag:s15] =	ssyncset.done $0x0  }
0x3dc: {  	[sflag:s15] =	ssyncadd.s32 $0xFFFFE000  }
0x3dd: {  	[spmem:s4] =	stream.indirect.scatter.add.f32 [tilespmem:s31], [sflag:$0x3], $0x80, s26, s0, $0xb8;
	[tilespmem:$0x1F780] =	vst v63  }
0x3de: {  	_ =	swait.ge [sflag:s30], $0x2000  }
0x3df: {  	[sflag:s30] =	ssyncset.done $0x0  }
0x3e0: {  	[sflag:s30] =	ssyncadd.s32 $0xFFFFE000  }
0x3e1: {  	[tilespmem:s31], [sflag:$0x1] =	stream.indirect.gather [hbm4b:s11+s0], $0x80, s28, s0, $0xb8;
	[tilespmem:$0x1F780] =	vst v63  }
0x3e2: {  	_ =	swait.ge [sflag:s15], $0x2000  }
0x3e3: {  	[sflag:s15] =	ssyncset.done $0x0  }
0x3e4: {  	[sflag:s15] =	ssyncadd.s32 $0xFFFFE000  }
0x3e5: {  	[spmem:s4] =	stream.indirect.scatter.add.f32 [tilespmem:s17], [sflag:$0x3], $0x80, s12, s0, $0xb8;
	[tilespmem:$0x1F780] =	vst v63  }
0x3e6: {  	_ =	swait.ge [sflag:s30], $0x2000  }
0x3e7: {  	[sflag:s30] =	ssyncset.done $0x0  }
0x3e8: {  	[sflag:s30] =	ssyncadd.s32 $0xFFFFE000  }
0x3e9: {  	[tilespmem:s17], [sflag:$0x1] =	stream.indirect.gather [hbm4b:s11+s0], $0x80, s29, s0, $0xb8;
	[tilespmem:$0x1F780] =	vst v63  }
0x3ea: {  	_ =	swait.ge [sflag:s15], $0x2000  }
0x3eb: {  	[sflag:s15] =	ssyncset.done $0x0  }
0x3ec: {  	[sflag:s15] =	ssyncadd.s32 $0xFFFFE000  }
0x3ed: {  	[spmem:s4] =	stream.indirect.scatter.add.f32 [tilespmem:s18], [sflag:$0x3], $0x80, s14, s0, $0xb8;
	[tilespmem:$0x1F780] =	vst v63  }
0x3ee: {  	_ =	swait.ge [sflag:s30], $0x2000  }
0x3ef: {  	[sflag:s30] =	ssyncset.done $0x0  }
0x3f0: {  	[sflag:s30] =	ssyncadd.s32 $0xFFFFE000  }
0x3f1: {  	[tilespmem:s18], [sflag:$0x1] =	stream.indirect.gather [hbm4b:s11+s0], $0x80, s3, s0, $0xb8;
	[tilespmem:$0x1F780] =	vst v63  }
0x3f2: {  	_ =	swait.ge [sflag:s15], $0x2000  }
0x3f3: {  	[sflag:s15] =	ssyncset.done $0x0  }
0x3f4: {  	s20 =	simm.s32 $0x1D80;
	[sflag:s15] =	ssyncadd.s32 $0xFFFFE000  }
0x3f5: {  	[spmem:s4] =	stream.indirect.scatter.add.f32 [tilespmem:s19], [sflag:$0x3], $0x80, s20, s0, $0xb8;
	[tilespmem:$0x1F780] =	vst v63  }
0x3f6: {  	_ =	swait.ge [sflag:s30], $0x2000  }
0x3f7: {  	[sflag:s30] =	ssyncset.done $0x0  }
0x3f8: {  	[sflag:s30] =	ssyncadd.s32 $0xFFFFE000  }
0x3f9: {  	[tilespmem:s19], [sflag:$0x1] =	stream.indirect.gather [hbm4b:s11+s0], $0x80, s2, s0, $0xb8;
	[tilespmem:$0x1F780] =	vst v63  }
0x3fa: {  	_ =	swait.ge [sflag:s15], $0x2000  }
0x3fb: {  	[sflag:s15] =	ssyncset.done $0x0  }
0x3fc: {  	[sflag:s15] =	ssyncadd.s32 $0xFFFFE000  }
0x3fd: {  	[spmem:s4] =	stream.indirect.scatter.add.f32 [tilespmem:s31], [sflag:$0x3], $0x80, s7, s0, $0xb8;
	[tilespmem:$0x1F780] =	vst v63  }
0x3fe: {  	_ =	swait.ge [sflag:s30], $0x2000  }
0x3ff: {  	[sflag:s30] =	ssyncset.done $0x0  }
0x400: {  	[sflag:s30] =	ssyncadd.s32 $0xFFFFE000  }
0x401: {  	_ =	swait.ge [sflag:s15], $0x2000  }
0x402: {  	[sflag:s15] =	ssyncset.done $0x0  }
0x403: {  	[sflag:s15] =	ssyncadd.s32 $0xFFFFE000  }
0x404: {  	[spmem:s4] =	stream.indirect.scatter.add.f32 [tilespmem:s17], [sflag:$0x3], $0x80, s8, s0, $0xb8;
	[tilespmem:$0x1F780] =	vst v63  }
0x405: {  	_ =	swait.ge [sflag:s30], $0x2000  }
0x406: {  	[sflag:s30] =	ssyncset.done $0x0  }
0x407: {  	[sflag:s30] =	ssyncadd.s32 $0xFFFFE000  }
0x408: {  	_ =	swait.ge [sflag:s15], $0x2000  }
0x409: {  	[sflag:s15] =	ssyncset.done $0x0  }
0x40a: {  	[sflag:s15] =	ssyncadd.s32 $0xFFFFE000  }
0x40b: {  	[spmem:s4] =	stream.indirect.scatter.add.f32 [tilespmem:s18], [sflag:$0x3], $0x80, s9, s0, $0xb8;
	[tilespmem:$0x1F780] =	vst v63  }
0x40c: {  	_ =	swait.ge [sflag:s30], $0x2000  }
0x40d: {  	[sflag:s30] =	ssyncset.done $0x0  }
0x40e: {  	[sflag:s30] =	ssyncadd.s32 $0xFFFFE000  }
0x40f: {  	p0 =	sne.s32 s22, $0x1200;
	_ =	swait.ge [sflag:s15], $0x2000  }
.Ltmp5:
0x410: {  	[sflag:s15] =	ssyncset.done $0x0;
	(pc) =	sbr.rel @p0 .LBB2_12-.Ltmp5, $4  }
0x411: {  	[sflag:s15] =	ssyncadd.s32 $0xFFFFE000  }
0x412: {  	[spmem:s4] =	stream.indirect.scatter.add.f32 [tilespmem:s19], [sflag:$0x3], $0x80, s16, s0, $0xb8;
	[tilespmem:$0x1F780] =	vst v63  }
0x413: {  	_ =	swait.ge [sflag:s30], $0x2000  }
0x414: {  	s22 =	sadd.s32 $0x200, s22;
	s20 =	rddreg [dreg:$0x6];
	[sflag:s30] =	ssyncset.done $0x0  }
0x415: {  	[sflag:s30] =	ssyncadd.s32 $0xFFFFE000;
	s20 =	sadd.s32 s10, s20  }
0x416: {  	[tilespmem:s6], [sflag:$0x3] =	stream.linear.gather [hbm4b:s20+s6], $0x1000, $0x38;
	[tilespmem:$0x1F780] =	vst v63  }
0x417: {  	_ =	swait.ge [sflag:s30], $0x1000  }
0x418: {  	s22 =	rddreg [dreg:$0x5];
	[sflag:s30] =	ssyncset.done $0x0  }
0x419: {  	[sflag:s30] =	ssyncadd.s32 $0xFFFFF000;
	s20 =	sadd.s32 s10, s22  }
0x41a: {  	[tilespmem:s1], [sflag:$0x3] =	stream.linear.gather [hbm4b:s20+s6], $0x1000, $0x38;
	[tilespmem:$0x1F780] =	vst v63  }
0x41b: {  	_ =	swait.ge [sflag:s30], $0x1000  }
0x41c: {  	[sflag:s30] =	ssyncset.done $0x0  }
0x41d: {  	[sflag:s30] =	ssyncadd.s32 $0xFFFFF000  }
0x41e: {  	[tilespmem:s31], [sflag:$0x1] =	stream.indirect.gather [hbm4b:s11+s0], $0x80, s6, s0, $0xb8;
	[tilespmem:$0x1F780] =	vst v63  }
0x41f: {  	s22 =	rddreg [dreg:$0x7]  }
0x420: {  	[tilespmem:s17], [sflag:$0x1] =	stream.indirect.gather [hbm4b:s11+s0], $0x80, s22, s0, $0xb8;
	[tilespmem:$0x1F780] =	vst v63  }
0x421: {  	s20 =	rddreg [dreg:$0x8]  }
0x422: {  	[tilespmem:s18], [sflag:$0x1] =	stream.indirect.gather [hbm4b:s11+s0], $0x80, s20, s0, $0xb8;
	[tilespmem:$0x1F780] =	vst v63  }
0x423: {  	s22 =	rddreg [dreg:$0x9]  }
0x424: {  	[tilespmem:s19], [sflag:$0x1] =	stream.indirect.gather [hbm4b:s11+s0], $0x80, s22, s0, $0xb8;
	[tilespmem:$0x1F780] =	vst v63  }
0x425: {  	_ =	swait.ge [sflag:s15], $0x2000  }
0x426: {  	[sflag:s15] =	ssyncset.done $0x0  }
0x427: {  	[sflag:s15] =	ssyncadd.s32 $0xFFFFE000  }
0x428: {  	[spmem:s4] =	stream.indirect.scatter.add.f32 [tilespmem:s31], [sflag:$0x3], $0x80, s1, s0, $0xb8;
	[tilespmem:$0x1F780] =	vst v63  }
0x429: {  	_ =	swait.ge [sflag:s30], $0x2000  }
0x42a: {  	[sflag:s30] =	ssyncset.done $0x0  }
0x42b: {  	s20 =	rddreg [dreg:$0xa];
	[sflag:s30] =	ssyncadd.s32 $0xFFFFE000  }
0x42c: {  	[tilespmem:s31], [sflag:$0x1] =	stream.indirect.gather [hbm4b:s11+s0], $0x80, s20, s0, $0xb8;
	[tilespmem:$0x1F780] =	vst v63  }
0x42d: {  	_ =	swait.ge [sflag:s15], $0x2000  }
0x42e: {  	[sflag:s15] =	ssyncset.done $0x0  }
0x42f: {  	s22 =	rddreg [dreg:$0xb];
	[sflag:s15] =	ssyncadd.s32 $0xFFFFE000  }
0x430: {  	[spmem:s4] =	stream.indirect.scatter.add.f32 [tilespmem:s17], [sflag:$0x3], $0x80, s22, s0, $0xb8;
	[tilespmem:$0x1F780] =	vst v63  }
0x431: {  	_ =	swait.ge [sflag:s30], $0x2000  }
0x432: {  	[sflag:s30] =	ssyncset.done $0x0  }
0x433: {  	s1 =	rddreg [dreg:$0xc];
	[sflag:s30] =	ssyncadd.s32 $0xFFFFE000  }
0x434: {  	[tilespmem:s17], [sflag:$0x1] =	stream.indirect.gather [hbm4b:s11+s0], $0x80, s1, s0, $0xb8;
	[tilespmem:$0x1F780] =	vst v63  }
0x435: {  	_ =	swait.ge [sflag:s15], $0x2000  }
0x436: {  	[sflag:s15] =	ssyncset.done $0x0  }
0x437: {  	s20 =	rddreg [dreg:$0xd];
	[sflag:s15] =	ssyncadd.s32 $0xFFFFE000  }
0x438: {  	[spmem:s4] =	stream.indirect.scatter.add.f32 [tilespmem:s18], [sflag:$0x3], $0x80, s20, s0, $0xb8;
	[tilespmem:$0x1F780] =	vst v63  }
0x439: {  	_ =	swait.ge [sflag:s30], $0x2000  }
0x43a: {  	[sflag:s30] =	ssyncset.done $0x0  }
0x43b: {  	s22 =	rddreg [dreg:$0xe];
	[sflag:s30] =	ssyncadd.s32 $0xFFFFE000  }
0x43c: {  	[tilespmem:s18], [sflag:$0x1] =	stream.indirect.gather [hbm4b:s11+s0], $0x80, s22, s0, $0xb8;
	[tilespmem:$0x1F780] =	vst v63  }
0x43d: {  	_ =	swait.ge [sflag:s15], $0x2000  }
0x43e: {  	[sflag:s15] =	ssyncset.done $0x0  }
0x43f: {  	s1 =	rddreg [dreg:$0xf];
	[sflag:s15] =	ssyncadd.s32 $0xFFFFE000  }
0x440: {  	[spmem:s4] =	stream.indirect.scatter.add.f32 [tilespmem:s19], [sflag:$0x3], $0x80, s1, s0, $0xb8;
	[tilespmem:$0x1F780] =	vst v63  }
0x441: {  	_ =	swait.ge [sflag:s30], $0x2000  }
0x442: {  	[sflag:s30] =	ssyncset.done $0x0  }
0x443: {  	s20 =	rddreg [dreg:$0x10];
	[sflag:s30] =	ssyncadd.s32 $0xFFFFE000  }
0x444: {  	[tilespmem:s19], [sflag:$0x1] =	stream.indirect.gather [hbm4b:s11+s0], $0x80, s20, s0, $0xb8;
	[tilespmem:$0x1F780] =	vst v63  }
0x445: {  	_ =	swait.ge [sflag:s15], $0x2000  }
0x446: {  	[sflag:s15] =	ssyncset.done $0x0  }
0x447: {  	s22 =	rddreg [dreg:$0x11];
	[sflag:s15] =	ssyncadd.s32 $0xFFFFE000  }
0x448: {  	[spmem:s4] =	stream.indirect.scatter.add.f32 [tilespmem:s31], [sflag:$0x3], $0x80, s22, s0, $0xb8;
	[tilespmem:$0x1F780] =	vst v63  }
0x449: {  	_ =	swait.ge [sflag:s30], $0x2000  }
0x44a: {  	[sflag:s30] =	ssyncset.done $0x0  }
0x44b: {  	s1 =	rddreg [dreg:$0x12];
	[sflag:s30] =	ssyncadd.s32 $0xFFFFE000  }
0x44c: {  	[tilespmem:s31], [sflag:$0x1] =	stream.indirect.gather [hbm4b:s11+s0], $0x80, s1, s0, $0xb8;
	[tilespmem:$0x1F780] =	vst v63  }
0x44d: {  	_ =	swait.ge [sflag:s15], $0x2000  }
0x44e: {  	[sflag:s15] =	ssyncset.done $0x0  }
0x44f: {  	s20 =	rddreg [dreg:$0x13];
	[sflag:s15] =	ssyncadd.s32 $0xFFFFE000  }
0x450: {  	[spmem:s4] =	stream.indirect.scatter.add.f32 [tilespmem:s17], [sflag:$0x3], $0x80, s20, s0, $0xb8;
	[tilespmem:$0x1F780] =	vst v63  }
0x451: {  	_ =	swait.ge [sflag:s30], $0x2000  }
0x452: {  	[sflag:s30] =	ssyncset.done $0x0  }
0x453: {  	s22 =	rddreg [dreg:$0x14];
	[sflag:s30] =	ssyncadd.s32 $0xFFFFE000  }
0x454: {  	[tilespmem:s17], [sflag:$0x1] =	stream.indirect.gather [hbm4b:s11+s0], $0x80, s22, s0, $0xb8;
	[tilespmem:$0x1F780] =	vst v63  }
0x455: {  	_ =	swait.ge [sflag:s15], $0x2000  }
0x456: {  	[sflag:s15] =	ssyncset.done $0x0  }
0x457: {  	s1 =	rddreg [dreg:$0x15];
	[sflag:s15] =	ssyncadd.s32 $0xFFFFE000  }
0x458: {  	[spmem:s4] =	stream.indirect.scatter.add.f32 [tilespmem:s18], [sflag:$0x3], $0x80, s1, s0, $0xb8;
	[tilespmem:$0x1F780] =	vst v63  }
0x459: {  	_ =	swait.ge [sflag:s30], $0x2000  }
0x45a: {  	[sflag:s30] =	ssyncset.done $0x0  }
0x45b: {  	s20 =	rddreg [dreg:$0x16];
	[sflag:s30] =	ssyncadd.s32 $0xFFFFE000  }
0x45c: {  	[tilespmem:s18], [sflag:$0x1] =	stream.indirect.gather [hbm4b:s11+s0], $0x80, s20, s0, $0xb8;
	[tilespmem:$0x1F780] =	vst v63  }
0x45d: {  	_ =	swait.ge [sflag:s15], $0x2000  }
0x45e: {  	[sflag:s15] =	ssyncset.done $0x0  }
0x45f: {  	s22 =	rddreg [dreg:$0x17];
	[sflag:s15] =	ssyncadd.s32 $0xFFFFE000  }
0x460: {  	[spmem:s4] =	stream.indirect.scatter.add.f32 [tilespmem:s19], [sflag:$0x3], $0x80, s22, s0, $0xb8;
	[tilespmem:$0x1F780] =	vst v63  }
0x461: {  	_ =	swait.ge [sflag:s30], $0x2000  }
0x462: {  	[sflag:s30] =	ssyncset.done $0x0  }
0x463: {  	s1 =	rddreg [dreg:$0x18];
	[sflag:s30] =	ssyncadd.s32 $0xFFFFE000  }
0x464: {  	[tilespmem:s19], [sflag:$0x1] =	stream.indirect.gather [hbm4b:s11+s0], $0x80, s1, s0, $0xb8;
	[tilespmem:$0x1F780] =	vst v63  }
0x465: {  	_ =	swait.ge [sflag:s15], $0x2000  }
0x466: {  	[sflag:s15] =	ssyncset.done $0x0  }
0x467: {  	s20 =	rddreg [dreg:$0x19];
	[sflag:s15] =	ssyncadd.s32 $0xFFFFE000  }
0x468: {  	[spmem:s4] =	stream.indirect.scatter.add.f32 [tilespmem:s31], [sflag:$0x3], $0x80, s20, s0, $0xb8;
	[tilespmem:$0x1F780] =	vst v63  }
0x469: {  	_ =	swait.ge [sflag:s30], $0x2000  }
0x46a: {  	[sflag:s30] =	ssyncset.done $0x0  }
0x46b: {  	s22 =	rddreg [dreg:$0x1a];
	[sflag:s30] =	ssyncadd.s32 $0xFFFFE000  }
0x46c: {  	[tilespmem:s31], [sflag:$0x1] =	stream.indirect.gather [hbm4b:s11+s0], $0x80, s22, s0, $0xb8;
	[tilespmem:$0x1F780] =	vst v63  }
0x46d: {  	_ =	swait.ge [sflag:s15], $0x2000  }
0x46e: {  	[sflag:s15] =	ssyncset.done $0x0  }
0x46f: {  	s1 =	rddreg [dreg:$0x1b];
	[sflag:s15] =	ssyncadd.s32 $0xFFFFE000  }
0x470: {  	[spmem:s4] =	stream.indirect.scatter.add.f32 [tilespmem:s17], [sflag:$0x3], $0x80, s1, s0, $0xb8;
	[tilespmem:$0x1F780] =	vst v63  }
0x471: {  	_ =	swait.ge [sflag:s30], $0x2000  }
0x472: {  	[sflag:s30] =	ssyncset.done $0x0  }
0x473: {  	s20 =	rddreg [dreg:$0x1c];
	[sflag:s30] =	ssyncadd.s32 $0xFFFFE000  }
0x474: {  	[tilespmem:s17], [sflag:$0x1] =	stream.indirect.gather [hbm4b:s11+s0], $0x80, s20, s0, $0xb8;
	[tilespmem:$0x1F780] =	vst v63  }
0x475: {  	_ =	swait.ge [sflag:s15], $0x2000  }
0x476: {  	[sflag:s15] =	ssyncset.done $0x0  }
0x477: {  	s22 =	rddreg [dreg:$0x1d];
	[sflag:s15] =	ssyncadd.s32 $0xFFFFE000  }
0x478: {  	[spmem:s4] =	stream.indirect.scatter.add.f32 [tilespmem:s18], [sflag:$0x3], $0x80, s22, s0, $0xb8;
	[tilespmem:$0x1F780] =	vst v63  }
0x479: {  	_ =	swait.ge [sflag:s30], $0x2000  }
0x47a: {  	[sflag:s30] =	ssyncset.done $0x0  }
0x47b: {  	s1 =	rddreg [dreg:$0x1e];
	[sflag:s30] =	ssyncadd.s32 $0xFFFFE000  }
0x47c: {  	[tilespmem:s18], [sflag:$0x1] =	stream.indirect.gather [hbm4b:s11+s0], $0x80, s1, s0, $0xb8;
	[tilespmem:$0x1F780] =	vst v63  }
0x47d: {  	_ =	swait.ge [sflag:s15], $0x2000  }
0x47e: {  	[sflag:s15] =	ssyncset.done $0x0  }
0x47f: {  	s20 =	rddreg [dreg:$0x1f];
	[sflag:s15] =	ssyncadd.s32 $0xFFFFE000  }
0x480: {  	[spmem:s4] =	stream.indirect.scatter.add.f32 [tilespmem:s19], [sflag:$0x3], $0x80, s20, s0, $0xb8;
	[tilespmem:$0x1F780] =	vst v63  }
0x481: {  	_ =	swait.ge [sflag:s30], $0x2000  }
0x482: {  	s22 =	sld [smem:$0x7D7]  }
0x483: {  	[sflag:s30] =	ssyncset.done $0x0  }
0x484: {  	[sflag:s30] =	ssyncadd.s32 $0xFFFFE000  }
0x485: {  	[tilespmem:s19], [sflag:$0x1] =	stream.indirect.gather [hbm4b:s11+s0], $0x80, s22, s0, $0xb8;
	[tilespmem:$0x1F780] =	vst v63  }
0x486: {  	_ =	swait.ge [sflag:s15], $0x2000  }
0x487: {  	s1 =	sld [smem:$0x7D9]  }
0x488: {  	[sflag:s15] =	ssyncset.done $0x0  }
0x489: {  	[sflag:s15] =	ssyncadd.s32 $0xFFFFE000  }
0x48a: {  	[spmem:s4] =	stream.indirect.scatter.add.f32 [tilespmem:s31], [sflag:$0x3], $0x80, s1, s0, $0xb8;
	[tilespmem:$0x1F780] =	vst v63  }
0x48b: {  	_ =	swait.ge [sflag:s30], $0x2000  }
0x48c: {  	s20 =	sld [smem:$0x7DA]  }
0x48d: {  	[sflag:s30] =	ssyncset.done $0x0  }
0x48e: {  	[sflag:s30] =	ssyncadd.s32 $0xFFFFE000  }
0x48f: {  	[tilespmem:s31], [sflag:$0x1] =	stream.indirect.gather [hbm4b:s11+s0], $0x80, s20, s0, $0xb8;
	[tilespmem:$0x1F780] =	vst v63  }
0x490: {  	_ =	swait.ge [sflag:s15], $0x2000  }
0x491: {  	s22 =	sld [smem:$0x7DB]  }
0x492: {  	[sflag:s15] =	ssyncset.done $0x0  }
0x493: {  	[sflag:s15] =	ssyncadd.s32 $0xFFFFE000  }
0x494: {  	[spmem:s4] =	stream.indirect.scatter.add.f32 [tilespmem:s17], [sflag:$0x3], $0x80, s22, s0, $0xb8;
	[tilespmem:$0x1F780] =	vst v63  }
0x495: {  	_ =	swait.ge [sflag:s30], $0x2000  }
0x496: {  	s1 =	sld [smem:$0x7DC]  }
0x497: {  	[sflag:s30] =	ssyncset.done $0x0  }
0x498: {  	[sflag:s30] =	ssyncadd.s32 $0xFFFFE000  }
0x499: {  	[tilespmem:s17], [sflag:$0x1] =	stream.indirect.gather [hbm4b:s11+s0], $0x80, s1, s0, $0xb8;
	[tilespmem:$0x1F780] =	vst v63  }
0x49a: {  	_ =	swait.ge [sflag:s15], $0x2000  }
0x49b: {  	s20 =	sld [smem:$0x7DD]  }
0x49c: {  	[sflag:s15] =	ssyncset.done $0x0  }
0x49d: {  	[sflag:s15] =	ssyncadd.s32 $0xFFFFE000  }
0x49e: {  	[spmem:s4] =	stream.indirect.scatter.add.f32 [tilespmem:s18], [sflag:$0x3], $0x80, s20, s0, $0xb8;
	[tilespmem:$0x1F780] =	vst v63  }
0x49f: {  	_ =	swait.ge [sflag:s30], $0x2000  }
0x4a0: {  	s22 =	sld [smem:$0x7DE]  }
0x4a1: {  	[sflag:s30] =	ssyncset.done $0x0  }
0x4a2: {  	[sflag:s30] =	ssyncadd.s32 $0xFFFFE000  }
0x4a3: {  	[tilespmem:s18], [sflag:$0x1] =	stream.indirect.gather [hbm4b:s11+s0], $0x80, s22, s0, $0xb8;
	[tilespmem:$0x1F780] =	vst v63  }
0x4a4: {  	_ =	swait.ge [sflag:s15], $0x2000  }
0x4a5: {  	s1 =	sld [smem:$0x7DF]  }
0x4a6: {  	[sflag:s15] =	ssyncset.done $0x0  }
0x4a7: {  	[sflag:s15] =	ssyncadd.s32 $0xFFFFE000  }
0x4a8: {  	[spmem:s4] =	stream.indirect.scatter.add.f32 [tilespmem:s19], [sflag:$0x3], $0x80, s1, s0, $0xb8;
	[tilespmem:$0x1F780] =	vst v63  }
0x4a9: {  	_ =	swait.ge [sflag:s30], $0x2000  }
0x4aa: {  	s20 =	sld [smem:$0x7E0]  }
0x4ab: {  	[sflag:s30] =	ssyncset.done $0x0  }
0x4ac: {  	[sflag:s30] =	ssyncadd.s32 $0xFFFFE000  }
0x4ad: {  	[tilespmem:s19], [sflag:$0x1] =	stream.indirect.gather [hbm4b:s11+s0], $0x80, s20, s0, $0xb8;
	[tilespmem:$0x1F780] =	vst v63  }
0x4ae: {  	_ =	swait.ge [sflag:s15], $0x2000  }
0x4af: {  	s22 =	sld [smem:$0x7E2]  }
0x4b0: {  	[sflag:s15] =	ssyncset.done $0x0  }
0x4b1: {  	[sflag:s15] =	ssyncadd.s32 $0xFFFFE000  }
0x4b2: {  	[spmem:s4] =	stream.indirect.scatter.add.f32 [tilespmem:s31], [sflag:$0x3], $0x80, s22, s0, $0xb8;
	[tilespmem:$0x1F780] =	vst v63  }
0x4b3: {  	_ =	swait.ge [sflag:s30], $0x2000  }
0x4b4: {  	s1 =	sld [smem:$0x7E3]  }
0x4b5: {  	[sflag:s30] =	ssyncset.done $0x0  }
0x4b6: {  	[sflag:s30] =	ssyncadd.s32 $0xFFFFE000  }
0x4b7: {  	[tilespmem:s31], [sflag:$0x1] =	stream.indirect.gather [hbm4b:s11+s0], $0x80, s1, s0, $0xb8;
	[tilespmem:$0x1F780] =	vst v63  }
0x4b8: {  	_ =	swait.ge [sflag:s15], $0x2000  }
0x4b9: {  	s20 =	sld [smem:$0x7E6]  }
0x4ba: {  	[sflag:s15] =	ssyncset.done $0x0  }
0x4bb: {  	[sflag:s15] =	ssyncadd.s32 $0xFFFFE000  }
0x4bc: {  	[spmem:s4] =	stream.indirect.scatter.add.f32 [tilespmem:s17], [sflag:$0x3], $0x80, s20, s0, $0xb8;
	[tilespmem:$0x1F780] =	vst v63  }
0x4bd: {  	_ =	swait.ge [sflag:s30], $0x2000  }
0x4be: {  	s22 =	sld [smem:$0x7E7]  }
0x4bf: {  	[sflag:s30] =	ssyncset.done $0x0  }
0x4c0: {  	[sflag:s30] =	ssyncadd.s32 $0xFFFFE000  }
0x4c1: {  	[tilespmem:s17], [sflag:$0x1] =	stream.indirect.gather [hbm4b:s11+s0], $0x80, s22, s0, $0xb8;
	[tilespmem:$0x1F780] =	vst v63  }
0x4c2: {  	_ =	swait.ge [sflag:s15], $0x2000  }
0x4c3: {  	s1 =	sld [smem:$0x7E8]  }
0x4c4: {  	[sflag:s15] =	ssyncset.done $0x0  }
0x4c5: {  	[sflag:s15] =	ssyncadd.s32 $0xFFFFE000  }
0x4c6: {  	[spmem:s4] =	stream.indirect.scatter.add.f32 [tilespmem:s18], [sflag:$0x3], $0x80, s1, s0, $0xb8;
	[tilespmem:$0x1F780] =	vst v63  }
0x4c7: {  	_ =	swait.ge [sflag:s30], $0x2000  }
0x4c8: {  	s20 =	sld [smem:$0x7EA]  }
0x4c9: {  	[sflag:s30] =	ssyncset.done $0x0  }
0x4ca: {  	[sflag:s30] =	ssyncadd.s32 $0xFFFFE000  }
0x4cb: {  	[tilespmem:s18], [sflag:$0x1] =	stream.indirect.gather [hbm4b:s11+s0], $0x80, s20, s0, $0xb8;
	[tilespmem:$0x1F780] =	vst v63  }
0x4cc: {  	_ =	swait.ge [sflag:s15], $0x2000  }
0x4cd: {  	s22 =	sld [smem:$0x7EC]  }
0x4ce: {  	[sflag:s15] =	ssyncset.done $0x0  }
0x4cf: {  	[sflag:s15] =	ssyncadd.s32 $0xFFFFE000  }
0x4d0: {  	[spmem:s4] =	stream.indirect.scatter.add.f32 [tilespmem:s19], [sflag:$0x3], $0x80, s22, s0, $0xb8;
	[tilespmem:$0x1F780] =	vst v63  }
0x4d1: {  	_ =	swait.ge [sflag:s30], $0x2000  }
0x4d2: {  	s1 =	sld [smem:$0x7EE]  }
0x4d3: {  	[sflag:s30] =	ssyncset.done $0x0  }
0x4d4: {  	[sflag:s30] =	ssyncadd.s32 $0xFFFFE000  }
0x4d5: {  	[tilespmem:s19], [sflag:$0x1] =	stream.indirect.gather [hbm4b:s11+s0], $0x80, s1, s0, $0xb8;
	[tilespmem:$0x1F780] =	vst v63  }
0x4d6: {  	_ =	swait.ge [sflag:s15], $0x2000  }
0x4d7: {  	s20 =	sld [smem:$0x7F0]  }
0x4d8: {  	[sflag:s15] =	ssyncset.done $0x0  }
0x4d9: {  	[sflag:s15] =	ssyncadd.s32 $0xFFFFE000  }
0x4da: {  	[spmem:s4] =	stream.indirect.scatter.add.f32 [tilespmem:s31], [sflag:$0x3], $0x80, s20, s0, $0xb8;
	[tilespmem:$0x1F780] =	vst v63  }
0x4db: {  	_ =	swait.ge [sflag:s30], $0x2000  }
0x4dc: {  	s22 =	sld [smem:$0x7F2]  }
0x4dd: {  	[sflag:s30] =	ssyncset.done $0x0  }
0x4de: {  	[sflag:s30] =	ssyncadd.s32 $0xFFFFE000  }
0x4df: {  	[tilespmem:s31], [sflag:$0x1] =	stream.indirect.gather [hbm4b:s11+s0], $0x80, s22, s0, $0xb8;
	[tilespmem:$0x1F780] =	vst v63  }
0x4e0: {  	_ =	swait.ge [sflag:s15], $0x2000  }
0x4e1: {  	s1 =	sld [smem:$0x7F4]  }
0x4e2: {  	[sflag:s15] =	ssyncset.done $0x0  }
0x4e3: {  	[sflag:s15] =	ssyncadd.s32 $0xFFFFE000  }
0x4e4: {  	[spmem:s4] =	stream.indirect.scatter.add.f32 [tilespmem:s17], [sflag:$0x3], $0x80, s1, s0, $0xb8;
	[tilespmem:$0x1F780] =	vst v63  }
0x4e5: {  	_ =	swait.ge [sflag:s30], $0x2000  }
0x4e6: {  	s20 =	sld [smem:$0x7F5]  }
0x4e7: {  	[sflag:s30] =	ssyncset.done $0x0  }
0x4e8: {  	[sflag:s30] =	ssyncadd.s32 $0xFFFFE000  }
0x4e9: {  	[tilespmem:s17], [sflag:$0x1] =	stream.indirect.gather [hbm4b:s11+s0], $0x80, s20, s0, $0xb8;
	[tilespmem:$0x1F780] =	vst v63  }
0x4ea: {  	_ =	swait.ge [sflag:s15], $0x2000  }
0x4eb: {  	[sflag:s15] =	ssyncset.done $0x0  }
0x4ec: {  	[sflag:s15] =	ssyncadd.s32 $0xFFFFE000  }
0x4ed: {  	[spmem:s4] =	stream.indirect.scatter.add.f32 [tilespmem:s18], [sflag:$0x3], $0x80, s21, s0, $0xb8;
	[tilespmem:$0x1F780] =	vst v63  }
0x4ee: {  	_ =	swait.ge [sflag:s30], $0x2000  }
0x4ef: {  	[sflag:s30] =	ssyncset.done $0x0  }
0x4f0: {  	[sflag:s30] =	ssyncadd.s32 $0xFFFFE000  }
0x4f1: {  	[tilespmem:s18], [sflag:$0x1] =	stream.indirect.gather [hbm4b:s11+s0], $0x80, s23, s0, $0xb8;
	[tilespmem:$0x1F780] =	vst v63  }
0x4f2: {  	_ =	swait.ge [sflag:s15], $0x2000  }
0x4f3: {  	[sflag:s15] =	ssyncset.done $0x0  }
0x4f4: {  	[sflag:s15] =	ssyncadd.s32 $0xFFFFE000  }
0x4f5: {  	[spmem:s4] =	stream.indirect.scatter.add.f32 [tilespmem:s19], [sflag:$0x3], $0x80, s24, s0, $0xb8;
	[tilespmem:$0x1F780] =	vst v63  }
0x4f6: {  	_ =	swait.ge [sflag:s30], $0x2000  }
0x4f7: {  	[sflag:s30] =	ssyncset.done $0x0  }
0x4f8: {  	[sflag:s30] =	ssyncadd.s32 $0xFFFFE000  }
0x4f9: {  	[tilespmem:s19], [sflag:$0x1] =	stream.indirect.gather [hbm4b:s11+s0], $0x80, s25, s0, $0xb8;
	[tilespmem:$0x1F780] =	vst v63  }
0x4fa: {  	_ =	swait.ge [sflag:s15], $0x2000  }
0x4fb: {  	[sflag:s15] =	ssyncset.done $0x0  }
0x4fc: {  	[sflag:s15] =	ssyncadd.s32 $0xFFFFE000  }
0x4fd: {  	[spmem:s4] =	stream.indirect.scatter.add.f32 [tilespmem:s31], [sflag:$0x3], $0x80, s26, s0, $0xb8;
	[tilespmem:$0x1F780] =	vst v63  }
0x4fe: {  	_ =	swait.ge [sflag:s30], $0x2000  }
0x4ff: {  	[sflag:s30] =	ssyncset.done $0x0  }
0x500: {  	[sflag:s30] =	ssyncadd.s32 $0xFFFFE000  }
0x501: {  	[tilespmem:s31], [sflag:$0x1] =	stream.indirect.gather [hbm4b:s11+s0], $0x80, s28, s0, $0xb8;
	[tilespmem:$0x1F780] =	vst v63  }
0x502: {  	_ =	swait.ge [sflag:s15], $0x2000  }
0x503: {  	[sflag:s15] =	ssyncset.done $0x0  }
0x504: {  	[sflag:s15] =	ssyncadd.s32 $0xFFFFE000  }
0x505: {  	[spmem:s4] =	stream.indirect.scatter.add.f32 [tilespmem:s17], [sflag:$0x3], $0x80, s12, s0, $0xb8;
	[tilespmem:$0x1F780] =	vst v63  }
0x506: {  	_ =	swait.ge [sflag:s30], $0x2000  }
0x507: {  	[sflag:s30] =	ssyncset.done $0x0  }
0x508: {  	[sflag:s30] =	ssyncadd.s32 $0xFFFFE000  }
0x509: {  	[tilespmem:s17], [sflag:$0x1] =	stream.indirect.gather [hbm4b:s11+s0], $0x80, s29, s0, $0xb8;
	[tilespmem:$0x1F780] =	vst v63  }
0x50a: {  	_ =	swait.ge [sflag:s15], $0x2000  }
0x50b: {  	[sflag:s15] =	ssyncset.done $0x0  }
0x50c: {  	[sflag:s15] =	ssyncadd.s32 $0xFFFFE000  }
0x50d: {  	[spmem:s4] =	stream.indirect.scatter.add.f32 [tilespmem:s18], [sflag:$0x3], $0x80, s14, s0, $0xb8;
	[tilespmem:$0x1F780] =	vst v63  }
0x50e: {  	_ =	swait.ge [sflag:s30], $0x2000  }
0x50f: {  	[sflag:s30] =	ssyncset.done $0x0  }
0x510: {  	[sflag:s30] =	ssyncadd.s32 $0xFFFFE000  }
0x511: {  	[tilespmem:s18], [sflag:$0x1] =	stream.indirect.gather [hbm4b:s11+s0], $0x80, s3, s0, $0xb8;
	[tilespmem:$0x1F780] =	vst v63  }
0x512: {  	_ =	swait.ge [sflag:s15], $0x2000  }
0x513: {  	[sflag:s15] =	ssyncset.done $0x0  }
0x514: {  	s22 =	simm.s32 $0x1D80;
	[sflag:s15] =	ssyncadd.s32 $0xFFFFE000  }
0x515: {  	[spmem:s4] =	stream.indirect.scatter.add.f32 [tilespmem:s19], [sflag:$0x3], $0x80, s22, s0, $0xb8;
	[tilespmem:$0x1F780] =	vst v63  }
0x516: {  	_ =	swait.ge [sflag:s30], $0x2000  }
0x517: {  	[sflag:s30] =	ssyncset.done $0x0  }
0x518: {  	[sflag:s30] =	ssyncadd.s32 $0xFFFFE000  }
0x519: {  	[tilespmem:s19], [sflag:$0x1] =	stream.indirect.gather [hbm4b:s11+s0], $0x80, s2, s0, $0xb8;
	[tilespmem:$0x1F780] =	vst v63  }
0x51a: {  	_ =	swait.ge [sflag:s15], $0x2000  }
0x51b: {  	[sflag:s15] =	ssyncset.done $0x0  }
0x51c: {  	[sflag:s15] =	ssyncadd.s32 $0xFFFFE000  }
0x51d: {  	[spmem:s4] =	stream.indirect.scatter.add.f32 [tilespmem:s31], [sflag:$0x3], $0x80, s7, s0, $0xb8;
	[tilespmem:$0x1F780] =	vst v63  }
0x51e: {  	_ =	swait.ge [sflag:s30], $0x2000  }
0x51f: {  	[sflag:s30] =	ssyncset.done $0x0  }
0x520: {  	[sflag:s30] =	ssyncadd.s32 $0xFFFFE000  }
0x521: {  	_ =	swait.ge [sflag:s15], $0x2000  }
0x522: {  	[sflag:s15] =	ssyncset.done $0x0  }
0x523: {  	[sflag:s15] =	ssyncadd.s32 $0xFFFFE000  }
0x524: {  	[spmem:s4] =	stream.indirect.scatter.add.f32 [tilespmem:s17], [sflag:$0x3], $0x80, s8, s0, $0xb8;
	[tilespmem:$0x1F780] =	vst v63  }
0x525: {  	_ =	swait.ge [sflag:s30], $0x2000  }
0x526: {  	[sflag:s30] =	ssyncset.done $0x0  }
0x527: {  	[sflag:s30] =	ssyncadd.s32 $0xFFFFE000  }
0x528: {  	_ =	swait.ge [sflag:s15], $0x2000  }
0x529: {  	[sflag:s15] =	ssyncset.done $0x0  }
0x52a: {  	[sflag:s15] =	ssyncadd.s32 $0xFFFFE000  }
0x52b: {  	[spmem:s4] =	stream.indirect.scatter.add.f32 [tilespmem:s18], [sflag:$0x3], $0x80, s9, s0, $0xb8;
	[tilespmem:$0x1F780] =	vst v63  }
0x52c: {  	_ =	swait.ge [sflag:s30], $0x2000  }
0x52d: {  	[sflag:s30] =	ssyncset.done $0x0  }
0x52e: {  	[sflag:s30] =	ssyncadd.s32 $0xFFFFE000  }
0x52f: {  	_ =	swait.ge [sflag:s15], $0x2000  }
0x530: {  	[sflag:s15] =	ssyncset.done $0x0  }
0x531: {  	[sflag:s15] =	ssyncadd.s32 $0xFFFFE000  }
0x532: {  	[spmem:s4] =	stream.indirect.scatter.add.f32 [tilespmem:s19], [sflag:$0x3], $0x80, s16, s0, $0xb8;
	[tilespmem:$0x1F780] =	vst v63  }
0x533: {  	_ =	swait.ge [sflag:s30], $0x2000  }
0x534: {  	[sflag:s30] =	ssyncset.done $0x0  }
0x535: {  	[sflag:s30] =	ssyncadd.s32 $0xFFFFE000  }
0x536: {  	[bflag:$0x0] =	sbarrier.arrive $0xFFFF  }
0x537: {  	s2 =	sld [smem:$0x7FC]  }
0x538: {  	s1 =	stileid.u32;
	s3 =	sld [smem:$0x7F9]  }
0x539: {  	s10 =	sshll.u32 s1, $0x6  }
0x53a: {  	s10 =	sor.u32 $0x1C03, s10;
	s20 =	sshrl.u32 s2, $0x3  }
0x53b: {  	[hbm:s3], [sflag:s10] =	dma.local [spmem:s20], $0x2800  }
0x53c: {  	_ =	swait.ge [sflag:s30], $0x2800  }
0x53d: {  	s21 =	sld [smem:$0x7D3]  }
0x53e: {  	s22 =	sld [smem:$0x7FA];
	_ =	sdelay $0x1  }
0x53f: {  	s1 =	sadd.s32 $0x1, s21  }
0x540: {  	p0 =	sne.s32 s1, s22  }
.Ltmp6:
0x541: {  	_ = 	snop;
	(pc) =	sbr.rel @p0 .LBB2_1-.Ltmp6, $3  }
0x542: {  	_ =	sdelay $0x1  }
0x543: {  	[sflag:s30] =	ssyncset.done $0x0  }
0x544: {  	[sflag:s30] =	ssyncadd.s32 $0xFFFFD800  }
0x545: {  	_ =	sfence.sel $0x180000  }
0x546: {  	[bflag:$0x0] =	sbarrier.arrive $0xFFFF  }
0x547: {  	_ =	strace $0x90000047  }
0x548: {  	s0 =	stileid.u32;
	[bflag:$0x2] =	sbarrier.arrive $0xFFFF  }
0x549: {  	p0 =	sne.s32 s0, $0x0;
	s0 =	rddreg [dreg:$0x4]  }
0x54a: {  	s0 =	sadd.s32 @!p0 $0x100000, s0  }
0x54b: {  	[sflag:s0] =	ssyncadd.tile.s32 @!p0 $0x1;
	_ =	shalt  }
.Lfunc_end2:
_tile_overlayer_lowered:
.L_overlay_start_2:
0x54c: {  	(tag) =	ssettag $0x2  }
0x54d: {  	s0 =	rddreg [dreg:$0x0];
	s2 =	stileid.u32  }
0x54e: {  	s1 =	rddreg [dreg:$0x1];
	p0 =	sne.s32 s2, $0x0  }
0x54f: {  	s3 =	rddreg [dreg:$0x2];
	[bflag:$0x3] =	sbarrier.arrive $0xFFFF;
	s2 =	simm.s32 @!p0 $0x1C03  }
0x550: {  	[timem:s3], [sflag:s2] =	dma.local @!p0 [hbm:s0], s1  }
0x551: {  	s0 =	simm.s32 @!p0 $0x3  }
0x552: {  	_ =	swait.ge @!p0 [sflag:s0], s1  }
0x553: {  	s1 =	ssub.s32 @!p0 $0x0, s1;
	[sflag:s0] =	ssyncset.done @!p0 $0x0  }
0x554: {  	[sflag:s0] =	ssyncadd.s32 @!p0 s1  }
0x555: {  	[bflag:$0x3] =	sbarrier.arrive $0xFFFF  }
0x556: {  	_ =	shalt  }

</sc_bundles>
